<compile_context>
chip_gen: v7x
topology: tpu7x:2x2x1
jax: 0.10.2.dev20260603
libtpu: 0.0.44.dev20260713+nightly
codegen_flags: <defaults>
</compile_context>

<pallas_src>
import functools

import jax
import jax.numpy as jnp
from jax import lax
from jax.experimental import pallas as pl
from jax.experimental.pallas import tpu as pltpu
from jax.experimental.pallas import tpu_sc as plsc

_IDX_CHUNK = 128
_NPOW = 4


def _make_sc_gather_powers(n_turns, n_tok, vocab):
    info = plsc.get_sparse_core_info()
    nw = info.num_cores * info.num_subcores
    npw = _NPOW * n_turns
    tok_per_w = n_tok // nw
    lanes = info.num_lanes
    wpw = tok_per_w * n_turns
    n_chunks = wpw // _IDX_CHUNK
    pairs = tok_per_w // (lanes // n_turns)
    mesh = plsc.VectorSubcoreMesh(core_axis_name="c", subcore_axis_name="s")

    @functools.partial(
        pl.kernel,
        mesh=mesh,
        compiler_params=pltpu.CompilerParams(
            use_tc_tiling_on_sc=False, needs_layout_passes=False
        ),
        out_type=jax.ShapeDtypeStruct((n_tok // 4, 4 * npw), jnp.float32),
        scratch_types=[
            pltpu.VMEM((tok_per_w,), jnp.int32),
            pltpu.VMEM((wpw,), jnp.int32),
            pltpu.VMEM((wpw,), jnp.float32),
            pltpu.VMEM((tok_per_w, npw), jnp.float32),
            pltpu.SemaphoreType.DMA,
        ],
    )
    def gather_kernel(turns_hbm, ids_hbm, out_hbm, ids_v, widx_v, rows_v, pow_v, sem):
        wid = lax.axis_index("s") * info.num_cores + lax.axis_index("c")
        base = wid * tok_per_w
        pltpu.sync_copy(ids_hbm.at[pl.ds(base, tok_per_w)], ids_v)

        for t in range(n_turns):
            for i in range(tok_per_w // lanes):
                widx_v[pl.ds(t * tok_per_w + i * lanes, lanes)] = (
                    ids_v[pl.ds(i * lanes, lanes)] + t * vocab
                )
        copies = [
            pltpu.async_copy(
                turns_hbm.at[widx_v.at[pl.ds(c * _IDX_CHUNK, _IDX_CHUNK)]],
                rows_v.at[pl.ds(c * _IDX_CHUNK, _IDX_CHUNK)],
                sem,
            )
            for c in range(n_chunks)
        ]
        for cp in copies:
            cp.wait()

        lane = lax.broadcasted_iota(jnp.int32, (lanes,), 0)
        half = lane >> 3
        within = lane & (n_turns - 1)
        cols = [within + d * n_turns for d in range(_NPOW)]

        def pow_body(k, _):
            row = 2 * k + half
            x = plsc.load_gather(rows_v, [within * tok_per_w + row])
            x2 = x * x
            x3 = x2 * x
            x4 = x2 * x2
            for d, v in enumerate((x, x2, x3, x4)):
                plsc.store_scatter(pow_v, [row, cols[d]], v)
            return 0

        lax.fori_loop(0, pairs, pow_body, 0, unroll=4)
        grp = wid // (nw // 4)
        rbase = (wid % (nw // 4)) * tok_per_w
        pltpu.sync_copy(
            pow_v,
            out_hbm.at[pl.ds(rbase, tok_per_w), pl.ds(grp * npw, npw)],
        )

    return gather_kernel


def _tc_body(p_ref, pc4_ref, pc_ref, pos_ref, g_ref, b_ref, o_ref):
    p = p_ref[...]
    pc4 = pc4_ref[0]
    pc = pc_ref[...]
    c0 = jnp.sum(pc[0:8], axis=0, keepdims=True)
    emb = jnp.dot(p, pc4, preferred_element_type=jnp.float32)
    emb = emb + c0 + pos_ref[...]
    mean = jnp.mean(emb, axis=-1, keepdims=True)
    cen = emb - mean
    var = jnp.mean(cen * cen, axis=-1, keepdims=True)
    o_ref[...] = cen * lax.rsqrt(var + 1e-12) * g_ref[...] + b_ref[...]


_BS = 1024


def _tc_dense(p2d, pc4, pc, pos_table, gamma, beta, b, s):
    d = pos_table.shape[-1]
    nsb = s // _BS
    npw4 = p2d.shape[-1]
    return pl.pallas_call(
        _tc_body,
        grid=(nsb, b),
        in_specs=[
            pl.BlockSpec((_BS, npw4), lambda j, i: ((i * nsb + j) % 4, 0)),
            pl.BlockSpec((1, npw4, d), lambda j, i: ((i * nsb + j) // 4, 0, 0)),
            pl.BlockSpec((pc.shape[0], d), lambda j, i: (0, 0)),
            pl.BlockSpec((_BS, d), lambda j, i: (j, 0)),
            pl.BlockSpec((1, d), lambda j, i: (0, 0)),
            pl.BlockSpec((1, d), lambda j, i: (0, 0)),
        ],
        out_specs=pl.BlockSpec((_BS, d), lambda j, i: (i * nsb + j, 0)),
        out_shape=jax.ShapeDtypeStruct((b * s, d), jnp.float32),
        compiler_params=pltpu.CompilerParams(
            dimension_semantics=("parallel", "parallel"),
        ),
    )(p2d, pc4, pc, pos_table, gamma, beta).reshape(b, s, d)


def kernel(input_ids, turns, poly_coeffs, pos_table, ln_gamma, ln_beta):
    b, s = input_ids.shape
    vocab, n_turns = turns.shape
    n_tok = b * s
    ids = input_ids.astype(jnp.int32).reshape(n_tok)
    turns_flat = turns.T.reshape(-1)
    p2d = _make_sc_gather_powers(n_turns, n_tok, vocab)(turns_flat, ids)
    pc = jnp.transpose(poly_coeffs, (1, 0, 2)).reshape(-1, poly_coeffs.shape[-1])
    npw = _NPOW * n_turns
    pck = pc[n_turns:]
    pc4 = jnp.stack(
        [
            jnp.pad(pck, ((q * npw, (3 - q) * npw), (0, 0)))
            for q in range(4)
        ]
    )
    return _tc_dense(
        p2d,
        pc4,
        pc,
        pos_table,
        ln_gamma.reshape(1, -1),
        ln_beta.reshape(1, -1),
        b,
        s,
    )

# --- scband reference (transcript-rebuilt; emitter-appended) ---
"""Pipeline reference for scband-scaled-turn-embedding-65781719106240 (READ-ONLY COPY).

The authoritative reference and input builder live on the scoring server;
editing this copy changes nothing except your own understanding.
"""

import jax, jax.numpy as jnp
import numpy as np

VOCAB = 100000
N_TURNS = 8
OUT_DIM = 768
POLY_DEG = 4
MAX_POS = 1024
BATCH = 16
SEQ = 1024


def setup_inputs(seed: int = 0) -> dict:
    key = jax.random.key(seed)
    k1, k2, k3, k4 = jax.random.split(key, 4)
    input_ids = jax.random.randint(k1, (BATCH, SEQ), 0, VOCAB, dtype=jnp.int64 if jax.config.jax_enable_x64 else jnp.int32)
    # turns parameter: randint(-10, 11) cast to float, shape [vocab, n_turns]
    turns = jax.random.randint(k2, (VOCAB, N_TURNS), -10, 11).astype(jnp.float32)
    # poly_coeffs: randn * 0.02, shape [n_turns, poly_degree+1, output_dim]
    poly_coeffs = jax.random.normal(k3, (N_TURNS, POLY_DEG + 1, OUT_DIM), dtype=jnp.float32) * 0.02
    # position embedding table (nn.Embedding default init ~ N(0,1))
    pos_table = jax.random.normal(k4, (MAX_POS, OUT_DIM), dtype=jnp.float32)
    # LayerNorm params
    ln_gamma = jnp.ones((OUT_DIM,), dtype=jnp.float32)
    ln_beta = jnp.zeros((OUT_DIM,), dtype=jnp.float32)
    return {
        "input_ids": input_ids,
        "turns": turns,
        "poly_coeffs": poly_coeffs,
        "pos_table": pos_table,
        "ln_gamma": ln_gamma,
        "ln_beta": ln_beta,
    }


def _poly_powers(x):
    # x: [..., n_turns] -> [..., n_turns, poly_degree+1], safe for grad at x=0
    ones = jnp.ones_like(x)
    x2 = x * x
    x3 = x2 * x
    x4 = x3 * x
    return jnp.stack([ones, x, x2, x3, x4], axis=-1)


def reference(input_ids, turns, poly_coeffs, pos_table, ln_gamma, ln_beta):
    B, S = input_ids.shape
    # gather per-token turn vectors: [B, S, n_turns]
    base_turns = jnp.take(turns, input_ids, axis=0)
    # polynomial evaluation (turngpt_rust.evaluate_turns equivalent):
    # emb[b,s,:] = sum_t sum_d poly_coeffs[t,d,:] * base_turns[b,s,t]**d
    powers = _poly_powers(base_turns)  # [B, S, n_turns, poly_degree+1]
    embeddings = jnp.einsum('bstd,tdo->bso', powers, poly_coeffs)
    # position embeddings (default position_ids = arange(seq_len))
    position_ids = jnp.arange(S)
    pos_emb = jnp.take(pos_table, position_ids, axis=0)[None, :, :]
    embeddings = embeddings + pos_emb
    # LayerNorm eps=1e-12
    mean = jnp.mean(embeddings, axis=-1, keepdims=True)
    var = jnp.var(embeddings, axis=-1, keepdims=True)
    normed = (embeddings - mean) / jnp.sqrt(var + 1e-12)
    out = normed * ln_gamma + ln_beta
    # dropout is identity in eval mode
    return out

if __name__ == "__main__":
    import jax
    _d = setup_inputs()
    print(jax.jit(kernel)(*tuple(_d.values())))

</pallas_src>

<mosaic_0001>
#map = affine_map<(d0, d1) -> (0)>
#map1 = affine_map<(d0, d1) -> (0, 0)>
module attributes {stable_mosaic.version = 14 : i64} {
  func.func @gather_kernel(%arg0: i32, %arg1: i32, %arg2: memref<800000xf32, #tpu.memory_space<hbm>>, %arg3: memref<16384xi32, #tpu.memory_space<hbm>>, %arg4: memref<4096x128xf32, #tpu.memory_space<hbm>>, %arg5: memref<512xi32, #tpu.memory_space<vmem>>, %arg6: memref<4096xi32, #tpu.memory_space<vmem>>, %arg7: memref<4096xf32, #tpu.memory_space<vmem>>, %arg8: memref<512x32xf32, #tpu.memory_space<vmem>>, %arg9: memref<!tpu.dma_semaphore, #tpu.memory_space<semaphore_mem>>) attributes {dimension_semantics = [#tpu.dimension_semantics<core_parallel>, #tpu.dimension_semantics<subcore_parallel>], iteration_bounds = array<i64: 2, 16>, scalar_prefetch = 0 : i64, scratch_operands = 5 : i64, tpu.core_type = #tpu.core_type<sc_vector_subcore>, window_params = [{transform_indices = #map}, {transform_indices = #map}, {transform_indices = #map1}]} {
    %mul3A = arith.constant 2 : i32
    %mul3A_0 = arith.muli %arg1, %mul3A : i32
    %add3A = arith.addi %mul3A_0, %arg0 : i32
    %mul3A_1 = arith.constant 512 : i32
    %mul3A_2 = arith.muli %add3A, %mul3A_1 : i32
    "tpu.region"() ({
      %run_scoped3A = tpu.sem_alloc : memref<!tpu.dma_semaphore, #tpu.memory_space<semaphore_mem>>
      %dma_start3A_2232 = tpu.memref_slice %arg3[%mul3A_2] : memref<16384xi32, #tpu.memory_space<hbm>> -> memref<512xi32, #tpu.memory_space<hbm>>
      %dma_start3A_2233 = tpu.memref_slice %arg3[%mul3A_2] : memref<16384xi32, #tpu.memory_space<hbm>> -> memref<512xi32, #tpu.memory_space<hbm>>
      tpu.enqueue_dma source(%dma_start3A_2233 : memref<512xi32, #tpu.memory_space<hbm>>) target(%arg5 : memref<512xi32, #tpu.memory_space<vmem>>) target_semaphore(%run_scoped3A : memref<!tpu.dma_semaphore, #tpu.memory_space<semaphore_mem>>)
      %dma_wait3A_2234 = tpu.memref_slice %arg3[%mul3A_2] : memref<16384xi32, #tpu.memory_space<hbm>> -> memref<512xi32, #tpu.memory_space<hbm>>
      %dma_wait3A_2235 = tpu.memref_slice %arg3[%mul3A_2] : memref<16384xi32, #tpu.memory_space<hbm>> -> memref<512xi32, #tpu.memory_space<hbm>>
      tpu.wait_dma2 semaphore(%run_scoped3A : memref<!tpu.dma_semaphore, #tpu.memory_space<semaphore_mem>>) src(%dma_wait3A_2235 : memref<512xi32, #tpu.memory_space<hbm>>) dst(%arg5 : memref<512xi32, #tpu.memory_space<vmem>>)
      tpu.yield
    }) : () -> ()
    %get3A = arith.constant 0 : index
    %get3A_3 = tpu.vector_load %arg5[%get3A] {strides = array<i32>} : memref<512xi32, #tpu.memory_space<vmem>>, vector<16xi32>,
    %add3A_4 = arith.constant 0 : i32
    %add3A_5 = vector.broadcast %add3A_4 : i32 to vector<16xi32>
    %add3A_6 = arith.addi %get3A_3, %add3A_5 : vector<16xi32>
    %swap3A = arith.constant 0 : index
    %swap3A_7 = tpu.vector_load %arg6[%swap3A] {strides = array<i32>} : memref<4096xi32, #tpu.memory_space<vmem>>, vector<16xi32>,
    tpu.vector_store %arg6[%swap3A], %add3A_6 {strides = array<i32>} : memref<4096xi32, #tpu.memory_space<vmem>>, vector<16xi32>,
    %get3A_8 = arith.constant 16 : index
    %get3A_9 = tpu.vector_load %arg5[%get3A_8] {strides = array<i32>} : memref<512xi32, #tpu.memory_space<vmem>>, vector<16xi32>,
    %add3A_10 = arith.constant 0 : i32
    %add3A_11 = vector.broadcast %add3A_10 : i32 to vector<16xi32>
    %add3A_12 = arith.addi %get3A_9, %add3A_11 : vector<16xi32>
    %swap3A_13 = arith.constant 16 : index
    %swap3A_14 = tpu.vector_load %arg6[%swap3A_13] {strides = array<i32>} : memref<4096xi32, #tpu.memory_space<vmem>>, vector<16xi32>,
    tpu.vector_store %arg6[%swap3A_13], %add3A_12 {strides = array<i32>} : memref<4096xi32, #tpu.memory_space<vmem>>, vector<16xi32>,
    %get3A_15 = arith.constant 32 : index
    %get3A_16 = tpu.vector_load %arg5[%get3A_15] {strides = array<i32>} : memref<512xi32, #tpu.memory_space<vmem>>, vector<16xi32>,
    %add3A_17 = arith.constant 0 : i32
    %add3A_18 = vector.broadcast %add3A_17 : i32 to vector<16xi32>
    %add3A_19 = arith.addi %get3A_16, %add3A_18 : vector<16xi32>
    %swap3A_20 = arith.constant 32 : index
    %swap3A_21 = tpu.vector_load %arg6[%swap3A_20] {strides = array<i32>} : memref<4096xi32, #tpu.memory_space<vmem>>, vector<16xi32>,
    tpu.vector_store %arg6[%swap3A_20], %add3A_19 {strides = array<i32>} : memref<4096xi32, #tpu.memory_space<vmem>>, vector<16xi32>,
    %get3A_22 = arith.constant 48 : index
    %get3A_23 = tpu.vector_load %arg5[%get3A_22] {strides = array<i32>} : memref<512xi32, #tpu.memory_space<vmem>>, vector<16xi32>,
    %add3A_24 = arith.constant 0 : i32
    %add3A_25 = vector.broadcast %add3A_24 : i32 to vector<16xi32>
    %add3A_26 = arith.addi %get3A_23, %add3A_25 : vector<16xi32>
    %swap3A_27 = arith.constant 48 : index
    %swap3A_28 = tpu.vector_load %arg6[%swap3A_27] {strides = array<i32>} : memref<4096xi32, #tpu.memory_space<vmem>>, vector<16xi32>,
    tpu.vector_store %arg6[%swap3A_27], %add3A_26 {strides = array<i32>} : memref<4096xi32, #tpu.memory_space<vmem>>, vector<16xi32>,
    %get3A_29 = arith.constant 64 : index
    %get3A_30 = tpu.vector_load %arg5[%get3A_29] {strides = array<i32>} : memref<512xi32, #tpu.memory_space<vmem>>, vector<16xi32>,
    %add3A_31 = arith.constant 0 : i32
    %add3A_32 = vector.broadcast %add3A_31 : i32 to vector<16xi32>
    %add3A_33 = arith.addi %get3A_30, %add3A_32 : vector<16xi32>
    %swap3A_34 = arith.constant 64 : index
    %swap3A_35 = tpu.vector_load %arg6[%swap3A_34] {strides = array<i32>} : memref<4096xi32, #tpu.memory_space<vmem>>, vector<16xi32>,
    tpu.vector_store %arg6[%swap3A_34], %add3A_33 {strides = array<i32>} : memref<4096xi32, #tpu.memory_space<vmem>>, vector<16xi32>,
    %get3A_36 = arith.constant 80 : index
    %get3A_37 = tpu.vector_load %arg5[%get3A_36] {strides = array<i32>} : memref<512xi32, #tpu.memory_space<vmem>>, vector<16xi32>,
    %add3A_38 = arith.constant 0 : i32
    %add3A_39 = vector.broadcast %add3A_38 : i32 to vector<16xi32>
    %add3A_40 = arith.addi %get3A_37, %add3A_39 : vector<16xi32>
    %swap3A_41 = arith.constant 80 : index
    %swap3A_42 = tpu.vector_load %arg6[%swap3A_41] {strides = array<i32>} : memref<4096xi32, #tpu.memory_space<vmem>>, vector<16xi32>,
    tpu.vector_store %arg6[%swap3A_41], %add3A_40 {strides = array<i32>} : memref<4096xi32, #tpu.memory_space<vmem>>, vector<16xi32>,
    %get3A_43 = arith.constant 96 : index
    %get3A_44 = tpu.vector_load %arg5[%get3A_43] {strides = array<i32>} : memref<512xi32, #tpu.memory_space<vmem>>, vector<16xi32>,
    %add3A_45 = arith.constant 0 : i32
    %add3A_46 = vector.broadcast %add3A_45 : i32 to vector<16xi32>
    %add3A_47 = arith.addi %get3A_44, %add3A_46 : vector<16xi32>
    %swap3A_48 = arith.constant 96 : index
    %swap3A_49 = tpu.vector_load %arg6[%swap3A_48] {strides = array<i32>} : memref<4096xi32, #tpu.memory_space<vmem>>, vector<16xi32>,
    tpu.vector_store %arg6[%swap3A_48], %add3A_47 {strides = array<i32>} : memref<4096xi32, #tpu.memory_space<vmem>>, vector<16xi32>,
    %get3A_50 = arith.constant 112 : index
    %get3A_51 = tpu.vector_load %arg5[%get3A_50] {strides = array<i32>} : memref<512xi32, #tpu.memory_space<vmem>>, vector<16xi32>,
    %add3A_52 = arith.constant 0 : i32
    %add3A_53 = vector.broadcast %add3A_52 : i32 to vector<16xi32>
    %add3A_54 = arith.addi %get3A_51, %add3A_53 : vector<16xi32>
    %swap3A_55 = arith.constant 112 : index
    %swap3A_56 = tpu.vector_load %arg6[%swap3A_55] {strides = array<i32>} : memref<4096xi32, #tpu.memory_space<vmem>>, vector<16xi32>,
    tpu.vector_store %arg6[%swap3A_55], %add3A_54 {strides = array<i32>} : memref<4096xi32, #tpu.memory_space<vmem>>, vector<16xi32>,
    %get3A_57 = arith.constant 128 : index
    %get3A_58 = tpu.vector_load %arg5[%get3A_57] {strides = array<i32>} : memref<512xi32, #tpu.memory_space<vmem>>, vector<16xi32>,
    %add3A_59 = arith.constant 0 : i32
    %add3A_60 = vector.broadcast %add3A_59 : i32 to vector<16xi32>
    %add3A_61 = arith.addi %get3A_58, %add3A_60 : vector<16xi32>
    %swap3A_62 = arith.constant 128 : index
    %swap3A_63 = tpu.vector_load %arg6[%swap3A_62] {strides = array<i32>} : memref<4096xi32, #tpu.memory_space<vmem>>, vector<16xi32>,
    tpu.vector_store %arg6[%swap3A_62], %add3A_61 {strides = array<i32>} : memref<4096xi32, #tpu.memory_space<vmem>>, vector<16xi32>,
    %get3A_64 = arith.constant 144 : index
    %get3A_65 = tpu.vector_load %arg5[%get3A_64] {strides = array<i32>} : memref<512xi32, #tpu.memory_space<vmem>>, vector<16xi32>,
    %add3A_66 = arith.constant 0 : i32
    %add3A_67 = vector.broadcast %add3A_66 : i32 to vector<16xi32>
    %add3A_68 = arith.addi %get3A_65, %add3A_67 : vector<16xi32>
    %swap3A_69 = arith.constant 144 : index
    %swap3A_70 = tpu.vector_load %arg6[%swap3A_69] {strides = array<i32>} : memref<4096xi32, #tpu.memory_space<vmem>>, vector<16xi32>,
    tpu.vector_store %arg6[%swap3A_69], %add3A_68 {strides = array<i32>} : memref<4096xi32, #tpu.memory_space<vmem>>, vector<16xi32>,
    %get3A_71 = arith.constant 160 : index
    %get3A_72 = tpu.vector_load %arg5[%get3A_71] {strides = array<i32>} : memref<512xi32, #tpu.memory_space<vmem>>, vector<16xi32>,
    %add3A_73 = arith.constant 0 : i32
    %add3A_74 = vector.broadcast %add3A_73 : i32 to vector<16xi32>
    %add3A_75 = arith.addi %get3A_72, %add3A_74 : vector<16xi32>
    %swap3A_76 = arith.constant 160 : index
    %swap3A_77 = tpu.vector_load %arg6[%swap3A_76] {strides = array<i32>} : memref<4096xi32, #tpu.memory_space<vmem>>, vector<16xi32>,
    tpu.vector_store %arg6[%swap3A_76], %add3A_75 {strides = array<i32>} : memref<4096xi32, #tpu.memory_space<vmem>>, vector<16xi32>,
    %get3A_78 = arith.constant 176 : index
    %get3A_79 = tpu.vector_load %arg5[%get3A_78] {strides = array<i32>} : memref<512xi32, #tpu.memory_space<vmem>>, vector<16xi32>,
    %add3A_80 = arith.constant 0 : i32
    %add3A_81 = vector.broadcast %add3A_80 : i32 to vector<16xi32>
    %add3A_82 = arith.addi %get3A_79, %add3A_81 : vector<16xi32>
    %swap3A_83 = arith.constant 176 : index
    %swap3A_84 = tpu.vector_load %arg6[%swap3A_83] {strides = array<i32>} : memref<4096xi32, #tpu.memory_space<vmem>>, vector<16xi32>,
    tpu.vector_store %arg6[%swap3A_83], %add3A_82 {strides = array<i32>} : memref<4096xi32, #tpu.memory_space<vmem>>, vector<16xi32>,
    %get3A_85 = arith.constant 192 : index
    %get3A_86 = tpu.vector_load %arg5[%get3A_85] {strides = array<i32>} : memref<512xi32, #tpu.memory_space<vmem>>, vector<16xi32>,
    %add3A_87 = arith.constant 0 : i32
    %add3A_88 = vector.broadcast %add3A_87 : i32 to vector<16xi32>
    %add3A_89 = arith.addi %get3A_86, %add3A_88 : vector<16xi32>
    %swap3A_90 = arith.constant 192 : index
    %swap3A_91 = tpu.vector_load %arg6[%swap3A_90] {strides = array<i32>} : memref<4096xi32, #tpu.memory_space<vmem>>, vector<16xi32>,
    tpu.vector_store %arg6[%swap3A_90], %add3A_89 {strides = array<i32>} : memref<4096xi32, #tpu.memory_space<vmem>>, vector<16xi32>,
    %get3A_92 = arith.constant 208 : index
    %get3A_93 = tpu.vector_load %arg5[%get3A_92] {strides = array<i32>} : memref<512xi32, #tpu.memory_space<vmem>>, vector<16xi32>,
    %add3A_94 = arith.constant 0 : i32
    %add3A_95 = vector.broadcast %add3A_94 : i32 to vector<16xi32>
    %add3A_96 = arith.addi %get3A_93, %add3A_95 : vector<16xi32>
    %swap3A_97 = arith.constant 208 : index
    %swap3A_98 = tpu.vector_load %arg6[%swap3A_97] {strides = array<i32>} : memref<4096xi32, #tpu.memory_space<vmem>>, vector<16xi32>,
    tpu.vector_store %arg6[%swap3A_97], %add3A_96 {strides = array<i32>} : memref<4096xi32, #tpu.memory_space<vmem>>, vector<16xi32>,
    %get3A_99 = arith.constant 224 : index
    %get3A_100 = tpu.vector_load %arg5[%get3A_99] {strides = array<i32>} : memref<512xi32, #tpu.memory_space<vmem>>, vector<16xi32>,
    %add3A_101 = arith.constant 0 : i32
    %add3A_102 = vector.broadcast %add3A_101 : i32 to vector<16xi32>
    %add3A_103 = arith.addi %get3A_100, %add3A_102 : vector<16xi32>
    %swap3A_104 = arith.constant 224 : index
    %swap3A_105 = tpu.vector_load %arg6[%swap3A_104] {strides = array<i32>} : memref<4096xi32, #tpu.memory_space<vmem>>, vector<16xi32>,
    tpu.vector_store %arg6[%swap3A_104], %add3A_103 {strides = array<i32>} : memref<4096xi32, #tpu.memory_space<vmem>>, vector<16xi32>,
    %get3A_106 = arith.constant 240 : index
    %get3A_107 = tpu.vector_load %arg5[%get3A_106] {strides = array<i32>} : memref<512xi32, #tpu.memory_space<vmem>>, vector<16xi32>,
    %add3A_108 = arith.constant 0 : i32
    %add3A_109 = vector.broadcast %add3A_108 : i32 to vector<16xi32>
    %add3A_110 = arith.addi %get3A_107, %add3A_109 : vector<16xi32>
    %swap3A_111 = arith.constant 240 : index
    %swap3A_112 = tpu.vector_load %arg6[%swap3A_111] {strides = array<i32>} : memref<4096xi32, #tpu.memory_space<vmem>>, vector<16xi32>,
    tpu.vector_store %arg6[%swap3A_111], %add3A_110 {strides = array<i32>} : memref<4096xi32, #tpu.memory_space<vmem>>, vector<16xi32>,
    %get3A_113 = arith.constant 256 : index
    %get3A_114 = tpu.vector_load %arg5[%get3A_113] {strides = array<i32>} : memref<512xi32, #tpu.memory_space<vmem>>, vector<16xi32>,
    %add3A_115 = arith.constant 0 : i32
    %add3A_116 = vector.broadcast %add3A_115 : i32 to vector<16xi32>
    %add3A_117 = arith.addi %get3A_114, %add3A_116 : vector<16xi32>
    %swap3A_118 = arith.constant 256 : index
    %swap3A_119 = tpu.vector_load %arg6[%swap3A_118] {strides = array<i32>} : memref<4096xi32, #tpu.memory_space<vmem>>, vector<16xi32>,
    tpu.vector_store %arg6[%swap3A_118], %add3A_117 {strides = array<i32>} : memref<4096xi32, #tpu.memory_space<vmem>>, vector<16xi32>,
    %get3A_120 = arith.constant 272 : index
    %get3A_121 = tpu.vector_load %arg5[%get3A_120] {strides = array<i32>} : memref<512xi32, #tpu.memory_space<vmem>>, vector<16xi32>,
    %add3A_122 = arith.constant 0 : i32
    %add3A_123 = vector.broadcast %add3A_122 : i32 to vector<16xi32>
    %add3A_124 = arith.addi %get3A_121, %add3A_123 : vector<16xi32>
    %swap3A_125 = arith.constant 272 : index
    %swap3A_126 = tpu.vector_load %arg6[%swap3A_125] {strides = array<i32>} : memref<4096xi32, #tpu.memory_space<vmem>>, vector<16xi32>,
    tpu.vector_store %arg6[%swap3A_125], %add3A_124 {strides = array<i32>} : memref<4096xi32, #tpu.memory_space<vmem>>, vector<16xi32>,
    %get3A_127 = arith.constant 288 : index
    %get3A_128 = tpu.vector_load %arg5[%get3A_127] {strides = array<i32>} : memref<512xi32, #tpu.memory_space<vmem>>, vector<16xi32>,
    %add3A_129 = arith.constant 0 : i32
    %add3A_130 = vector.broadcast %add3A_129 : i32 to vector<16xi32>
    %add3A_131 = arith.addi %get3A_128, %add3A_130 : vector<16xi32>
    %swap3A_132 = arith.constant 288 : index
    %swap3A_133 = tpu.vector_load %arg6[%swap3A_132] {strides = array<i32>} : memref<4096xi32, #tpu.memory_space<vmem>>, vector<16xi32>,
    tpu.vector_store %arg6[%swap3A_132], %add3A_131 {strides = array<i32>} : memref<4096xi32, #tpu.memory_space<vmem>>, vector<16xi32>,
    %get3A_134 = arith.constant 304 : index
    %get3A_135 = tpu.vector_load %arg5[%get3A_134] {strides = array<i32>} : memref<512xi32, #tpu.memory_space<vmem>>, vector<16xi32>,
    %add3A_136 = arith.constant 0 : i32
    %add3A_137 = vector.broadcast %add3A_136 : i32 to vector<16xi32>
    %add3A_138 = arith.addi %get3A_135, %add3A_137 : vector<16xi32>
    %swap3A_139 = arith.constant 304 : index
    %swap3A_140 = tpu.vector_load %arg6[%swap3A_139] {strides = array<i32>} : memref<4096xi32, #tpu.memory_space<vmem>>, vector<16xi32>,
    tpu.vector_store %arg6[%swap3A_139], %add3A_138 {strides = array<i32>} : memref<4096xi32, #tpu.memory_space<vmem>>, vector<16xi32>,
    %get3A_141 = arith.constant 320 : index
    %get3A_142 = tpu.vector_load %arg5[%get3A_141] {strides = array<i32>} : memref<512xi32, #tpu.memory_space<vmem>>, vector<16xi32>,
    %add3A_143 = arith.constant 0 : i32
    %add3A_144 = vector.broadcast %add3A_143 : i32 to vector<16xi32>
    %add3A_145 = arith.addi %get3A_142, %add3A_144 : vector<16xi32>
    %swap3A_146 = arith.constant 320 : index
    %swap3A_147 = tpu.vector_load %arg6[%swap3A_146] {strides = array<i32>} : memref<4096xi32, #tpu.memory_space<vmem>>, vector<16xi32>,
    tpu.vector_store %arg6[%swap3A_146], %add3A_145 {strides = array<i32>} : memref<4096xi32, #tpu.memory_space<vmem>>, vector<16xi32>,
    %get3A_148 = arith.constant 336 : index
    %get3A_149 = tpu.vector_load %arg5[%get3A_148] {strides = array<i32>} : memref<512xi32, #tpu.memory_space<vmem>>, vector<16xi32>,
    %add3A_150 = arith.constant 0 : i32
    %add3A_151 = vector.broadcast %add3A_150 : i32 to vector<16xi32>
    %add3A_152 = arith.addi %get3A_149, %add3A_151 : vector<16xi32>
    %swap3A_153 = arith.constant 336 : index
    %swap3A_154 = tpu.vector_load %arg6[%swap3A_153] {strides = array<i32>} : memref<4096xi32, #tpu.memory_space<vmem>>, vector<16xi32>,
    tpu.vector_store %arg6[%swap3A_153], %add3A_152 {strides = array<i32>} : memref<4096xi32, #tpu.memory_space<vmem>>, vector<16xi32>,
    %get3A_155 = arith.constant 352 : index
    %get3A_156 = tpu.vector_load %arg5[%get3A_155] {strides = array<i32>} : memref<512xi32, #tpu.memory_space<vmem>>, vector<16xi32>,
    %add3A_157 = arith.constant 0 : i32
    %add3A_158 = vector.broadcast %add3A_157 : i32 to vector<16xi32>
    %add3A_159 = arith.addi %get3A_156, %add3A_158 : vector<16xi32>
    %swap3A_160 = arith.constant 352 : index
    %swap3A_161 = tpu.vector_load %arg6[%swap3A_160] {strides = array<i32>} : memref<4096xi32, #tpu.memory_space<vmem>>, vector<16xi32>,
    tpu.vector_store %arg6[%swap3A_160], %add3A_159 {strides = array<i32>} : memref<4096xi32, #tpu.memory_space<vmem>>, vector<16xi32>,
    %get3A_162 = arith.constant 368 : index
    %get3A_163 = tpu.vector_load %arg5[%get3A_162] {strides = array<i32>} : memref<512xi32, #tpu.memory_space<vmem>>, vector<16xi32>,
    %add3A_164 = arith.constant 0 : i32
    %add3A_165 = vector.broadcast %add3A_164 : i32 to vector<16xi32>
    %add3A_166 = arith.addi %get3A_163, %add3A_165 : vector<16xi32>
    %swap3A_167 = arith.constant 368 : index
    %swap3A_168 = tpu.vector_load %arg6[%swap3A_167] {strides = array<i32>} : memref<4096xi32, #tpu.memory_space<vmem>>, vector<16xi32>,
    tpu.vector_store %arg6[%swap3A_167], %add3A_166 {strides = array<i32>} : memref<4096xi32, #tpu.memory_space<vmem>>, vector<16xi32>,
    %get3A_169 = arith.constant 384 : index
    %get3A_170 = tpu.vector_load %arg5[%get3A_169] {strides = array<i32>} : memref<512xi32, #tpu.memory_space<vmem>>, vector<16xi32>,
    %add3A_171 = arith.constant 0 : i32
    %add3A_172 = vector.broadcast %add3A_171 : i32 to vector<16xi32>
    %add3A_173 = arith.addi %get3A_170, %add3A_172 : vector<16xi32>
    %swap3A_174 = arith.constant 384 : index
    %swap3A_175 = tpu.vector_load %arg6[%swap3A_174] {strides = array<i32>} : memref<4096xi32, #tpu.memory_space<vmem>>, vector<16xi32>,
    tpu.vector_store %arg6[%swap3A_174], %add3A_173 {strides = array<i32>} : memref<4096xi32, #tpu.memory_space<vmem>>, vector<16xi32>,
    %get3A_176 = arith.constant 400 : index
    %get3A_177 = tpu.vector_load %arg5[%get3A_176] {strides = array<i32>} : memref<512xi32, #tpu.memory_space<vmem>>, vector<16xi32>,
    %add3A_178 = arith.constant 0 : i32
    %add3A_179 = vector.broadcast %add3A_178 : i32 to vector<16xi32>
    %add3A_180 = arith.addi %get3A_177, %add3A_179 : vector<16xi32>
    %swap3A_181 = arith.constant 400 : index
    %swap3A_182 = tpu.vector_load %arg6[%swap3A_181] {strides = array<i32>} : memref<4096xi32, #tpu.memory_space<vmem>>, vector<16xi32>,
    tpu.vector_store %arg6[%swap3A_181], %add3A_180 {strides = array<i32>} : memref<4096xi32, #tpu.memory_space<vmem>>, vector<16xi32>,
    %get3A_183 = arith.constant 416 : index
    %get3A_184 = tpu.vector_load %arg5[%get3A_183] {strides = array<i32>} : memref<512xi32, #tpu.memory_space<vmem>>, vector<16xi32>,
    %add3A_185 = arith.constant 0 : i32
    %add3A_186 = vector.broadcast %add3A_185 : i32 to vector<16xi32>
    %add3A_187 = arith.addi %get3A_184, %add3A_186 : vector<16xi32>
    %swap3A_188 = arith.constant 416 : index
    %swap3A_189 = tpu.vector_load %arg6[%swap3A_188] {strides = array<i32>} : memref<4096xi32, #tpu.memory_space<vmem>>, vector<16xi32>,
    tpu.vector_store %arg6[%swap3A_188], %add3A_187 {strides = array<i32>} : memref<4096xi32, #tpu.memory_space<vmem>>, vector<16xi32>,
    %get3A_190 = arith.constant 432 : index
    %get3A_191 = tpu.vector_load %arg5[%get3A_190] {strides = array<i32>} : memref<512xi32, #tpu.memory_space<vmem>>, vector<16xi32>,
    %add3A_192 = arith.constant 0 : i32
    %add3A_193 = vector.broadcast %add3A_192 : i32 to vector<16xi32>
    %add3A_194 = arith.addi %get3A_191, %add3A_193 : vector<16xi32>
    %swap3A_195 = arith.constant 432 : index
    %swap3A_196 = tpu.vector_load %arg6[%swap3A_195] {strides = array<i32>} : memref<4096xi32, #tpu.memory_space<vmem>>, vector<16xi32>,
    tpu.vector_store %arg6[%swap3A_195], %add3A_194 {strides = array<i32>} : memref<4096xi32, #tpu.memory_space<vmem>>, vector<16xi32>,
    %get3A_197 = arith.constant 448 : index
    %get3A_198 = tpu.vector_load %arg5[%get3A_197] {strides = array<i32>} : memref<512xi32, #tpu.memory_space<vmem>>, vector<16xi32>,
    %add3A_199 = arith.constant 0 : i32
    %add3A_200 = vector.broadcast %add3A_199 : i32 to vector<16xi32>
    %add3A_201 = arith.addi %get3A_198, %add3A_200 : vector<16xi32>
    %swap3A_202 = arith.constant 448 : index
    %swap3A_203 = tpu.vector_load %arg6[%swap3A_202] {strides = array<i32>} : memref<4096xi32, #tpu.memory_space<vmem>>, vector<16xi32>,
    tpu.vector_store %arg6[%swap3A_202], %add3A_201 {strides = array<i32>} : memref<4096xi32, #tpu.memory_space<vmem>>, vector<16xi32>,
    %get3A_204 = arith.constant 464 : index
    %get3A_205 = tpu.vector_load %arg5[%get3A_204] {strides = array<i32>} : memref<512xi32, #tpu.memory_space<vmem>>, vector<16xi32>,
    %add3A_206 = arith.constant 0 : i32
    %add3A_207 = vector.broadcast %add3A_206 : i32 to vector<16xi32>
    %add3A_208 = arith.addi %get3A_205, %add3A_207 : vector<16xi32>
    %swap3A_209 = arith.constant 464 : index
    %swap3A_210 = tpu.vector_load %arg6[%swap3A_209] {strides = array<i32>} : memref<4096xi32, #tpu.memory_space<vmem>>, vector<16xi32>,
    tpu.vector_store %arg6[%swap3A_209], %add3A_208 {strides = array<i32>} : memref<4096xi32, #tpu.memory_space<vmem>>, vector<16xi32>,
    %get3A_211 = arith.constant 480 : index
    %get3A_212 = tpu.vector_load %arg5[%get3A_211] {strides = array<i32>} : memref<512xi32, #tpu.memory_space<vmem>>, vector<16xi32>,
    %add3A_213 = arith.constant 0 : i32
    %add3A_214 = vector.broadcast %add3A_213 : i32 to vector<16xi32>
    %add3A_215 = arith.addi %get3A_212, %add3A_214 : vector<16xi32>
    %swap3A_216 = arith.constant 480 : index
    %swap3A_217 = tpu.vector_load %arg6[%swap3A_216] {strides = array<i32>} : memref<4096xi32, #tpu.memory_space<vmem>>, vector<16xi32>,
    tpu.vector_store %arg6[%swap3A_216], %add3A_215 {strides = array<i32>} : memref<4096xi32, #tpu.memory_space<vmem>>, vector<16xi32>,
    %get3A_218 = arith.constant 496 : index
    %get3A_219 = tpu.vector_load %arg5[%get3A_218] {strides = array<i32>} : memref<512xi32, #tpu.memory_space<vmem>>, vector<16xi32>,
    %add3A_220 = arith.constant 0 : i32
    %add3A_221 = vector.broadcast %add3A_220 : i32 to vector<16xi32>
    %add3A_222 = arith.addi %get3A_219, %add3A_221 : vector<16xi32>
    %swap3A_223 = arith.constant 496 : index
    %swap3A_224 = tpu.vector_load %arg6[%swap3A_223] {strides = array<i32>} : memref<4096xi32, #tpu.memory_space<vmem>>, vector<16xi32>,
    tpu.vector_store %arg6[%swap3A_223], %add3A_222 {strides = array<i32>} : memref<4096xi32, #tpu.memory_space<vmem>>, vector<16xi32>,
    %get3A_225 = arith.constant 0 : index
    %get3A_226 = tpu.vector_load %arg5[%get3A_225] {strides = array<i32>} : memref<512xi32, #tpu.memory_space<vmem>>, vector<16xi32>,
    %add3A_227 = arith.constant 100000 : i32
    %add3A_228 = vector.broadcast %add3A_227 : i32 to vector<16xi32>
    %add3A_229 = arith.addi %get3A_226, %add3A_228 : vector<16xi32>
    %swap3A_230 = arith.constant 512 : index
    %swap3A_231 = tpu.vector_load %arg6[%swap3A_230] {strides = array<i32>} : memref<4096xi32, #tpu.memory_space<vmem>>, vector<16xi32>,
    tpu.vector_store %arg6[%swap3A_230], %add3A_229 {strides = array<i32>} : memref<4096xi32, #tpu.memory_space<vmem>>, vector<16xi32>,
    %get3A_232 = arith.constant 16 : index
    %get3A_233 = tpu.vector_load %arg5[%get3A_232] {strides = array<i32>} : memref<512xi32, #tpu.memory_space<vmem>>, vector<16xi32>,
    %add3A_234 = arith.constant 100000 : i32
    %add3A_235 = vector.broadcast %add3A_234 : i32 to vector<16xi32>
    %add3A_236 = arith.addi %get3A_233, %add3A_235 : vector<16xi32>
    %swap3A_237 = arith.constant 528 : index
    %swap3A_238 = tpu.vector_load %arg6[%swap3A_237] {strides = array<i32>} : memref<4096xi32, #tpu.memory_space<vmem>>, vector<16xi32>,
    tpu.vector_store %arg6[%swap3A_237], %add3A_236 {strides = array<i32>} : memref<4096xi32, #tpu.memory_space<vmem>>, vector<16xi32>,
    %get3A_239 = arith.constant 32 : index
    %get3A_240 = tpu.vector_load %arg5[%get3A_239] {strides = array<i32>} : memref<512xi32, #tpu.memory_space<vmem>>, vector<16xi32>,
    %add3A_241 = arith.constant 100000 : i32
    %add3A_242 = vector.broadcast %add3A_241 : i32 to vector<16xi32>
    %add3A_243 = arith.addi %get3A_240, %add3A_242 : vector<16xi32>
    %swap3A_244 = arith.constant 544 : index
    %swap3A_245 = tpu.vector_load %arg6[%swap3A_244] {strides = array<i32>} : memref<4096xi32, #tpu.memory_space<vmem>>, vector<16xi32>,
    tpu.vector_store %arg6[%swap3A_244], %add3A_243 {strides = array<i32>} : memref<4096xi32, #tpu.memory_space<vmem>>, vector<16xi32>,
    %get3A_246 = arith.constant 48 : index
    %get3A_247 = tpu.vector_load %arg5[%get3A_246] {strides = array<i32>} : memref<512xi32, #tpu.memory_space<vmem>>, vector<16xi32>,
    %add3A_248 = arith.constant 100000 : i32
    %add3A_249 = vector.broadcast %add3A_248 : i32 to vector<16xi32>
    %add3A_250 = arith.addi %get3A_247, %add3A_249 : vector<16xi32>
    %swap3A_251 = arith.constant 560 : index
    %swap3A_252 = tpu.vector_load %arg6[%swap3A_251] {strides = array<i32>} : memref<4096xi32, #tpu.memory_space<vmem>>, vector<16xi32>,
    tpu.vector_store %arg6[%swap3A_251], %add3A_250 {strides = array<i32>} : memref<4096xi32, #tpu.memory_space<vmem>>, vector<16xi32>,
    %get3A_253 = arith.constant 64 : index
    %get3A_254 = tpu.vector_load %arg5[%get3A_253] {strides = array<i32>} : memref<512xi32, #tpu.memory_space<vmem>>, vector<16xi32>,
    %add3A_255 = arith.constant 100000 : i32
    %add3A_256 = vector.broadcast %add3A_255 : i32 to vector<16xi32>
    %add3A_257 = arith.addi %get3A_254, %add3A_256 : vector<16xi32>
    %swap3A_258 = arith.constant 576 : index
    %swap3A_259 = tpu.vector_load %arg6[%swap3A_258] {strides = array<i32>} : memref<4096xi32, #tpu.memory_space<vmem>>, vector<16xi32>,
    tpu.vector_store %arg6[%swap3A_258], %add3A_257 {strides = array<i32>} : memref<4096xi32, #tpu.memory_space<vmem>>, vector<16xi32>,
    %get3A_260 = arith.constant 80 : index
    %get3A_261 = tpu.vector_load %arg5[%get3A_260] {strides = array<i32>} : memref<512xi32, #tpu.memory_space<vmem>>, vector<16xi32>,
    %add3A_262 = arith.constant 100000 : i32
    %add3A_263 = vector.broadcast %add3A_262 : i32 to vector<16xi32>
    %add3A_264 = arith.addi %get3A_261, %add3A_263 : vector<16xi32>
    %swap3A_265 = arith.constant 592 : index
    %swap3A_266 = tpu.vector_load %arg6[%swap3A_265] {strides = array<i32>} : memref<4096xi32, #tpu.memory_space<vmem>>, vector<16xi32>,
    tpu.vector_store %arg6[%swap3A_265], %add3A_264 {strides = array<i32>} : memref<4096xi32, #tpu.memory_space<vmem>>, vector<16xi32>,
    %get3A_267 = arith.constant 96 : index
    %get3A_268 = tpu.vector_load %arg5[%get3A_267] {strides = array<i32>} : memref<512xi32, #tpu.memory_space<vmem>>, vector<16xi32>,
    %add3A_269 = arith.constant 100000 : i32
    %add3A_270 = vector.broadcast %add3A_269 : i32 to vector<16xi32>
    %add3A_271 = arith.addi %get3A_268, %add3A_270 : vector<16xi32>
    %swap3A_272 = arith.constant 608 : index
    %swap3A_273 = tpu.vector_load %arg6[%swap3A_272] {strides = array<i32>} : memref<4096xi32, #tpu.memory_space<vmem>>, vector<16xi32>,
    tpu.vector_store %arg6[%swap3A_272], %add3A_271 {strides = array<i32>} : memref<4096xi32, #tpu.memory_space<vmem>>, vector<16xi32>,
    %get3A_274 = arith.constant 112 : index
    %get3A_275 = tpu.vector_load %arg5[%get3A_274] {strides = array<i32>} : memref<512xi32, #tpu.memory_space<vmem>>, vector<16xi32>,
    %add3A_276 = arith.constant 100000 : i32
    %add3A_277 = vector.broadcast %add3A_276 : i32 to vector<16xi32>
    %add3A_278 = arith.addi %get3A_275, %add3A_277 : vector<16xi32>
    %swap3A_279 = arith.constant 624 : index
    %swap3A_280 = tpu.vector_load %arg6[%swap3A_279] {strides = array<i32>} : memref<4096xi32, #tpu.memory_space<vmem>>, vector<16xi32>,
    tpu.vector_store %arg6[%swap3A_279], %add3A_278 {strides = array<i32>} : memref<4096xi32, #tpu.memory_space<vmem>>, vector<16xi32>,
    %get3A_281 = arith.constant 128 : index
    %get3A_282 = tpu.vector_load %arg5[%get3A_281] {strides = array<i32>} : memref<512xi32, #tpu.memory_space<vmem>>, vector<16xi32>,
    %add3A_283 = arith.constant 100000 : i32
    %add3A_284 = vector.broadcast %add3A_283 : i32 to vector<16xi32>
    %add3A_285 = arith.addi %get3A_282, %add3A_284 : vector<16xi32>
    %swap3A_286 = arith.constant 640 : index
    %swap3A_287 = tpu.vector_load %arg6[%swap3A_286] {strides = array<i32>} : memref<4096xi32, #tpu.memory_space<vmem>>, vector<16xi32>,
    tpu.vector_store %arg6[%swap3A_286], %add3A_285 {strides = array<i32>} : memref<4096xi32, #tpu.memory_space<vmem>>, vector<16xi32>,
    %get3A_288 = arith.constant 144 : index
    %get3A_289 = tpu.vector_load %arg5[%get3A_288] {strides = array<i32>} : memref<512xi32, #tpu.memory_space<vmem>>, vector<16xi32>,
    %add3A_290 = arith.constant 100000 : i32
    %add3A_291 = vector.broadcast %add3A_290 : i32 to vector<16xi32>
    %add3A_292 = arith.addi %get3A_289, %add3A_291 : vector<16xi32>
    %swap3A_293 = arith.constant 656 : index
    %swap3A_294 = tpu.vector_load %arg6[%swap3A_293] {strides = array<i32>} : memref<4096xi32, #tpu.memory_space<vmem>>, vector<16xi32>,
    tpu.vector_store %arg6[%swap3A_293], %add3A_292 {strides = array<i32>} : memref<4096xi32, #tpu.memory_space<vmem>>, vector<16xi32>,
    %get3A_295 = arith.constant 160 : index
    %get3A_296 = tpu.vector_load %arg5[%get3A_295] {strides = array<i32>} : memref<512xi32, #tpu.memory_space<vmem>>, vector<16xi32>,
    %add3A_297 = arith.constant 100000 : i32
    %add3A_298 = vector.broadcast %add3A_297 : i32 to vector<16xi32>
    %add3A_299 = arith.addi %get3A_296, %add3A_298 : vector<16xi32>
    %swap3A_300 = arith.constant 672 : index
    %swap3A_301 = tpu.vector_load %arg6[%swap3A_300] {strides = array<i32>} : memref<4096xi32, #tpu.memory_space<vmem>>, vector<16xi32>,
    tpu.vector_store %arg6[%swap3A_300], %add3A_299 {strides = array<i32>} : memref<4096xi32, #tpu.memory_space<vmem>>, vector<16xi32>,
    %get3A_302 = arith.constant 176 : index
    %get3A_303 = tpu.vector_load %arg5[%get3A_302] {strides = array<i32>} : memref<512xi32, #tpu.memory_space<vmem>>, vector<16xi32>,
    %add3A_304 = arith.constant 100000 : i32
    %add3A_305 = vector.broadcast %add3A_304 : i32 to vector<16xi32>
    %add3A_306 = arith.addi %get3A_303, %add3A_305 : vector<16xi32>
    %swap3A_307 = arith.constant 688 : index
    %swap3A_308 = tpu.vector_load %arg6[%swap3A_307] {strides = array<i32>} : memref<4096xi32, #tpu.memory_space<vmem>>, vector<16xi32>,
    tpu.vector_store %arg6[%swap3A_307], %add3A_306 {strides = array<i32>} : memref<4096xi32, #tpu.memory_space<vmem>>, vector<16xi32>,
    %get3A_309 = arith.constant 192 : index
    %get3A_310 = tpu.vector_load %arg5[%get3A_309] {strides = array<i32>} : memref<512xi32, #tpu.memory_space<vmem>>, vector<16xi32>,
    %add3A_311 = arith.constant 100000 : i32
    %add3A_312 = vector.broadcast %add3A_311 : i32 to vector<16xi32>
    %add3A_313 = arith.addi %get3A_310, %add3A_312 : vector<16xi32>
    %swap3A_314 = arith.constant 704 : index
    %swap3A_315 = tpu.vector_load %arg6[%swap3A_314] {strides = array<i32>} : memref<4096xi32, #tpu.memory_space<vmem>>, vector<16xi32>,
    tpu.vector_store %arg6[%swap3A_314], %add3A_313 {strides = array<i32>} : memref<4096xi32, #tpu.memory_space<vmem>>, vector<16xi32>,
    %get3A_316 = arith.constant 208 : index
    %get3A_317 = tpu.vector_load %arg5[%get3A_316] {strides = array<i32>} : memref<512xi32, #tpu.memory_space<vmem>>, vector<16xi32>,
    %add3A_318 = arith.constant 100000 : i32
    %add3A_319 = vector.broadcast %add3A_318 : i32 to vector<16xi32>
    %add3A_320 = arith.addi %get3A_317, %add3A_319 : vector<16xi32>
    %swap3A_321 = arith.constant 720 : index
    %swap3A_322 = tpu.vector_load %arg6[%swap3A_321] {strides = array<i32>} : memref<4096xi32, #tpu.memory_space<vmem>>, vector<16xi32>,
    tpu.vector_store %arg6[%swap3A_321], %add3A_320 {strides = array<i32>} : memref<4096xi32, #tpu.memory_space<vmem>>, vector<16xi32>,
    %get3A_323 = arith.constant 224 : index
    %get3A_324 = tpu.vector_load %arg5[%get3A_323] {strides = array<i32>} : memref<512xi32, #tpu.memory_space<vmem>>, vector<16xi32>,
    %add3A_325 = arith.constant 100000 : i32
    %add3A_326 = vector.broadcast %add3A_325 : i32 to vector<16xi32>
    %add3A_327 = arith.addi %get3A_324, %add3A_326 : vector<16xi32>
    %swap3A_328 = arith.constant 736 : index
    %swap3A_329 = tpu.vector_load %arg6[%swap3A_328] {strides = array<i32>} : memref<4096xi32, #tpu.memory_space<vmem>>, vector<16xi32>,
    tpu.vector_store %arg6[%swap3A_328], %add3A_327 {strides = array<i32>} : memref<4096xi32, #tpu.memory_space<vmem>>, vector<16xi32>,
    %get3A_330 = arith.constant 240 : index
    %get3A_331 = tpu.vector_load %arg5[%get3A_330] {strides = array<i32>} : memref<512xi32, #tpu.memory_space<vmem>>, vector<16xi32>,
    %add3A_332 = arith.constant 100000 : i32
    %add3A_333 = vector.broadcast %add3A_332 : i32 to vector<16xi32>
    %add3A_334 = arith.addi %get3A_331, %add3A_333 : vector<16xi32>
    %swap3A_335 = arith.constant 752 : index
    %swap3A_336 = tpu.vector_load %arg6[%swap3A_335] {strides = array<i32>} : memref<4096xi32, #tpu.memory_space<vmem>>, vector<16xi32>,
    tpu.vector_store %arg6[%swap3A_335], %add3A_334 {strides = array<i32>} : memref<4096xi32, #tpu.memory_space<vmem>>, vector<16xi32>,
    %get3A_337 = arith.constant 256 : index
    %get3A_338 = tpu.vector_load %arg5[%get3A_337] {strides = array<i32>} : memref<512xi32, #tpu.memory_space<vmem>>, vector<16xi32>,
    %add3A_339 = arith.constant 100000 : i32
    %add3A_340 = vector.broadcast %add3A_339 : i32 to vector<16xi32>
    %add3A_341 = arith.addi %get3A_338, %add3A_340 : vector<16xi32>
    %swap3A_342 = arith.constant 768 : index
    %swap3A_343 = tpu.vector_load %arg6[%swap3A_342] {strides = array<i32>} : memref<4096xi32, #tpu.memory_space<vmem>>, vector<16xi32>,
    tpu.vector_store %arg6[%swap3A_342], %add3A_341 {strides = array<i32>} : memref<4096xi32, #tpu.memory_space<vmem>>, vector<16xi32>,
    %get3A_344 = arith.constant 272 : index
    %get3A_345 = tpu.vector_load %arg5[%get3A_344] {strides = array<i32>} : memref<512xi32, #tpu.memory_space<vmem>>, vector<16xi32>,
    %add3A_346 = arith.constant 100000 : i32
    %add3A_347 = vector.broadcast %add3A_346 : i32 to vector<16xi32>
    %add3A_348 = arith.addi %get3A_345, %add3A_347 : vector<16xi32>
    %swap3A_349 = arith.constant 784 : index
    %swap3A_350 = tpu.vector_load %arg6[%swap3A_349] {strides = array<i32>} : memref<4096xi32, #tpu.memory_space<vmem>>, vector<16xi32>,
    tpu.vector_store %arg6[%swap3A_349], %add3A_348 {strides = array<i32>} : memref<4096xi32, #tpu.memory_space<vmem>>, vector<16xi32>,
    %get3A_351 = arith.constant 288 : index
    %get3A_352 = tpu.vector_load %arg5[%get3A_351] {strides = array<i32>} : memref<512xi32, #tpu.memory_space<vmem>>, vector<16xi32>,
    %add3A_353 = arith.constant 100000 : i32
    %add3A_354 = vector.broadcast %add3A_353 : i32 to vector<16xi32>
    %add3A_355 = arith.addi %get3A_352, %add3A_354 : vector<16xi32>
    %swap3A_356 = arith.constant 800 : index
    %swap3A_357 = tpu.vector_load %arg6[%swap3A_356] {strides = array<i32>} : memref<4096xi32, #tpu.memory_space<vmem>>, vector<16xi32>,
    tpu.vector_store %arg6[%swap3A_356], %add3A_355 {strides = array<i32>} : memref<4096xi32, #tpu.memory_space<vmem>>, vector<16xi32>,
    %get3A_358 = arith.constant 304 : index
    %get3A_359 = tpu.vector_load %arg5[%get3A_358] {strides = array<i32>} : memref<512xi32, #tpu.memory_space<vmem>>, vector<16xi32>,
    %add3A_360 = arith.constant 100000 : i32
    %add3A_361 = vector.broadcast %add3A_360 : i32 to vector<16xi32>
    %add3A_362 = arith.addi %get3A_359, %add3A_361 : vector<16xi32>
    %swap3A_363 = arith.constant 816 : index
    %swap3A_364 = tpu.vector_load %arg6[%swap3A_363] {strides = array<i32>} : memref<4096xi32, #tpu.memory_space<vmem>>, vector<16xi32>,
    tpu.vector_store %arg6[%swap3A_363], %add3A_362 {strides = array<i32>} : memref<4096xi32, #tpu.memory_space<vmem>>, vector<16xi32>,
    %get3A_365 = arith.constant 320 : index
    %get3A_366 = tpu.vector_load %arg5[%get3A_365] {strides = array<i32>} : memref<512xi32, #tpu.memory_space<vmem>>, vector<16xi32>,
    %add3A_367 = arith.constant 100000 : i32
    %add3A_368 = vector.broadcast %add3A_367 : i32 to vector<16xi32>
    %add3A_369 = arith.addi %get3A_366, %add3A_368 : vector<16xi32>
    %swap3A_370 = arith.constant 832 : index
    %swap3A_371 = tpu.vector_load %arg6[%swap3A_370] {strides = array<i32>} : memref<4096xi32, #tpu.memory_space<vmem>>, vector<16xi32>,
    tpu.vector_store %arg6[%swap3A_370], %add3A_369 {strides = array<i32>} : memref<4096xi32, #tpu.memory_space<vmem>>, vector<16xi32>,
    %get3A_372 = arith.constant 336 : index
    %get3A_373 = tpu.vector_load %arg5[%get3A_372] {strides = array<i32>} : memref<512xi32, #tpu.memory_space<vmem>>, vector<16xi32>,
    %add3A_374 = arith.constant 100000 : i32
    %add3A_375 = vector.broadcast %add3A_374 : i32 to vector<16xi32>
    %add3A_376 = arith.addi %get3A_373, %add3A_375 : vector<16xi32>
    %swap3A_377 = arith.constant 848 : index
    %swap3A_378 = tpu.vector_load %arg6[%swap3A_377] {strides = array<i32>} : memref<4096xi32, #tpu.memory_space<vmem>>, vector<16xi32>,
    tpu.vector_store %arg6[%swap3A_377], %add3A_376 {strides = array<i32>} : memref<4096xi32, #tpu.memory_space<vmem>>, vector<16xi32>,
    %get3A_379 = arith.constant 352 : index
    %get3A_380 = tpu.vector_load %arg5[%get3A_379] {strides = array<i32>} : memref<512xi32, #tpu.memory_space<vmem>>, vector<16xi32>,
    %add3A_381 = arith.constant 100000 : i32
    %add3A_382 = vector.broadcast %add3A_381 : i32 to vector<16xi32>
    %add3A_383 = arith.addi %get3A_380, %add3A_382 : vector<16xi32>
    %swap3A_384 = arith.constant 864 : index
    %swap3A_385 = tpu.vector_load %arg6[%swap3A_384] {strides = array<i32>} : memref<4096xi32, #tpu.memory_space<vmem>>, vector<16xi32>,
    tpu.vector_store %arg6[%swap3A_384], %add3A_383 {strides = array<i32>} : memref<4096xi32, #tpu.memory_space<vmem>>, vector<16xi32>,
    %get3A_386 = arith.constant 368 : index
    %get3A_387 = tpu.vector_load %arg5[%get3A_386] {strides = array<i32>} : memref<512xi32, #tpu.memory_space<vmem>>, vector<16xi32>,
    %add3A_388 = arith.constant 100000 : i32
    %add3A_389 = vector.broadcast %add3A_388 : i32 to vector<16xi32>
    %add3A_390 = arith.addi %get3A_387, %add3A_389 : vector<16xi32>
    %swap3A_391 = arith.constant 880 : index
    %swap3A_392 = tpu.vector_load %arg6[%swap3A_391] {strides = array<i32>} : memref<4096xi32, #tpu.memory_space<vmem>>, vector<16xi32>,
    tpu.vector_store %arg6[%swap3A_391], %add3A_390 {strides = array<i32>} : memref<4096xi32, #tpu.memory_space<vmem>>, vector<16xi32>,
    %get3A_393 = arith.constant 384 : index
    %get3A_394 = tpu.vector_load %arg5[%get3A_393] {strides = array<i32>} : memref<512xi32, #tpu.memory_space<vmem>>, vector<16xi32>,
    %add3A_395 = arith.constant 100000 : i32
    %add3A_396 = vector.broadcast %add3A_395 : i32 to vector<16xi32>
    %add3A_397 = arith.addi %get3A_394, %add3A_396 : vector<16xi32>
    %swap3A_398 = arith.constant 896 : index
    %swap3A_399 = tpu.vector_load %arg6[%swap3A_398] {strides = array<i32>} : memref<4096xi32, #tpu.memory_space<vmem>>, vector<16xi32>,
    tpu.vector_store %arg6[%swap3A_398], %add3A_397 {strides = array<i32>} : memref<4096xi32, #tpu.memory_space<vmem>>, vector<16xi32>,
    %get3A_400 = arith.constant 400 : index
    %get3A_401 = tpu.vector_load %arg5[%get3A_400] {strides = array<i32>} : memref<512xi32, #tpu.memory_space<vmem>>, vector<16xi32>,
    %add3A_402 = arith.constant 100000 : i32
    %add3A_403 = vector.broadcast %add3A_402 : i32 to vector<16xi32>
    %add3A_404 = arith.addi %get3A_401, %add3A_403 : vector<16xi32>
    %swap3A_405 = arith.constant 912 : index
    %swap3A_406 = tpu.vector_load %arg6[%swap3A_405] {strides = array<i32>} : memref<4096xi32, #tpu.memory_space<vmem>>, vector<16xi32>,
    tpu.vector_store %arg6[%swap3A_405], %add3A_404 {strides = array<i32>} : memref<4096xi32, #tpu.memory_space<vmem>>, vector<16xi32>,
    %get3A_407 = arith.constant 416 : index
    %get3A_408 = tpu.vector_load %arg5[%get3A_407] {strides = array<i32>} : memref<512xi32, #tpu.memory_space<vmem>>, vector<16xi32>,
    %add3A_409 = arith.constant 100000 : i32
    %add3A_410 = vector.broadcast %add3A_409 : i32 to vector<16xi32>
    %add3A_411 = arith.addi %get3A_408, %add3A_410 : vector<16xi32>
    %swap3A_412 = arith.constant 928 : index
    %swap3A_413 = tpu.vector_load %arg6[%swap3A_412] {strides = array<i32>} : memref<4096xi32, #tpu.memory_space<vmem>>, vector<16xi32>,
    tpu.vector_store %arg6[%swap3A_412], %add3A_411 {strides = array<i32>} : memref<4096xi32, #tpu.memory_space<vmem>>, vector<16xi32>,
    %get3A_414 = arith.constant 432 : index
    %get3A_415 = tpu.vector_load %arg5[%get3A_414] {strides = array<i32>} : memref<512xi32, #tpu.memory_space<vmem>>, vector<16xi32>,
    %add3A_416 = arith.constant 100000 : i32
    %add3A_417 = vector.broadcast %add3A_416 : i32 to vector<16xi32>
    %add3A_418 = arith.addi %get3A_415, %add3A_417 : vector<16xi32>
    %swap3A_419 = arith.constant 944 : index
    %swap3A_420 = tpu.vector_load %arg6[%swap3A_419] {strides = array<i32>} : memref<4096xi32, #tpu.memory_space<vmem>>, vector<16xi32>,
    tpu.vector_store %arg6[%swap3A_419], %add3A_418 {strides = array<i32>} : memref<4096xi32, #tpu.memory_space<vmem>>, vector<16xi32>,
    %get3A_421 = arith.constant 448 : index
    %get3A_422 = tpu.vector_load %arg5[%get3A_421] {strides = array<i32>} : memref<512xi32, #tpu.memory_space<vmem>>, vector<16xi32>,
    %add3A_423 = arith.constant 100000 : i32
    %add3A_424 = vector.broadcast %add3A_423 : i32 to vector<16xi32>
    %add3A_425 = arith.addi %get3A_422, %add3A_424 : vector<16xi32>
    %swap3A_426 = arith.constant 960 : index
    %swap3A_427 = tpu.vector_load %arg6[%swap3A_426] {strides = array<i32>} : memref<4096xi32, #tpu.memory_space<vmem>>, vector<16xi32>,
    tpu.vector_store %arg6[%swap3A_426], %add3A_425 {strides = array<i32>} : memref<4096xi32, #tpu.memory_space<vmem>>, vector<16xi32>,
    %get3A_428 = arith.constant 464 : index
    %get3A_429 = tpu.vector_load %arg5[%get3A_428] {strides = array<i32>} : memref<512xi32, #tpu.memory_space<vmem>>, vector<16xi32>,
    %add3A_430 = arith.constant 100000 : i32
    %add3A_431 = vector.broadcast %add3A_430 : i32 to vector<16xi32>
    %add3A_432 = arith.addi %get3A_429, %add3A_431 : vector<16xi32>
    %swap3A_433 = arith.constant 976 : index
    %swap3A_434 = tpu.vector_load %arg6[%swap3A_433] {strides = array<i32>} : memref<4096xi32, #tpu.memory_space<vmem>>, vector<16xi32>,
    tpu.vector_store %arg6[%swap3A_433], %add3A_432 {strides = array<i32>} : memref<4096xi32, #tpu.memory_space<vmem>>, vector<16xi32>,
    %get3A_435 = arith.constant 480 : index
    %get3A_436 = tpu.vector_load %arg5[%get3A_435] {strides = array<i32>} : memref<512xi32, #tpu.memory_space<vmem>>, vector<16xi32>,
    %add3A_437 = arith.constant 100000 : i32
    %add3A_438 = vector.broadcast %add3A_437 : i32 to vector<16xi32>
    %add3A_439 = arith.addi %get3A_436, %add3A_438 : vector<16xi32>
    %swap3A_440 = arith.constant 992 : index
    %swap3A_441 = tpu.vector_load %arg6[%swap3A_440] {strides = array<i32>} : memref<4096xi32, #tpu.memory_space<vmem>>, vector<16xi32>,
    tpu.vector_store %arg6[%swap3A_440], %add3A_439 {strides = array<i32>} : memref<4096xi32, #tpu.memory_space<vmem>>, vector<16xi32>,
    %get3A_442 = arith.constant 496 : index
    %get3A_443 = tpu.vector_load %arg5[%get3A_442] {strides = array<i32>} : memref<512xi32, #tpu.memory_space<vmem>>, vector<16xi32>,
    %add3A_444 = arith.constant 100000 : i32
    %add3A_445 = vector.broadcast %add3A_444 : i32 to vector<16xi32>
    %add3A_446 = arith.addi %get3A_443, %add3A_445 : vector<16xi32>
    %swap3A_447 = arith.constant 1008 : index
    %swap3A_448 = tpu.vector_load %arg6[%swap3A_447] {strides = array<i32>} : memref<4096xi32, #tpu.memory_space<vmem>>, vector<16xi32>,
    tpu.vector_store %arg6[%swap3A_447], %add3A_446 {strides = array<i32>} : memref<4096xi32, #tpu.memory_space<vmem>>, vector<16xi32>,
    %get3A_449 = arith.constant 0 : index
    %get3A_450 = tpu.vector_load %arg5[%get3A_449] {strides = array<i32>} : memref<512xi32, #tpu.memory_space<vmem>>, vector<16xi32>,
    %add3A_451 = arith.constant 200000 : i32
    %add3A_452 = vector.broadcast %add3A_451 : i32 to vector<16xi32>
    %add3A_453 = arith.addi %get3A_450, %add3A_452 : vector<16xi32>
    %swap3A_454 = arith.constant 1024 : index
    %swap3A_455 = tpu.vector_load %arg6[%swap3A_454] {strides = array<i32>} : memref<4096xi32, #tpu.memory_space<vmem>>, vector<16xi32>,
    tpu.vector_store %arg6[%swap3A_454], %add3A_453 {strides = array<i32>} : memref<4096xi32, #tpu.memory_space<vmem>>, vector<16xi32>,
    %get3A_456 = arith.constant 16 : index
    %get3A_457 = tpu.vector_load %arg5[%get3A_456] {strides = array<i32>} : memref<512xi32, #tpu.memory_space<vmem>>, vector<16xi32>,
    %add3A_458 = arith.constant 200000 : i32
    %add3A_459 = vector.broadcast %add3A_458 : i32 to vector<16xi32>
    %add3A_460 = arith.addi %get3A_457, %add3A_459 : vector<16xi32>
    %swap3A_461 = arith.constant 1040 : index
    %swap3A_462 = tpu.vector_load %arg6[%swap3A_461] {strides = array<i32>} : memref<4096xi32, #tpu.memory_space<vmem>>, vector<16xi32>,
    tpu.vector_store %arg6[%swap3A_461], %add3A_460 {strides = array<i32>} : memref<4096xi32, #tpu.memory_space<vmem>>, vector<16xi32>,
    %get3A_463 = arith.constant 32 : index
    %get3A_464 = tpu.vector_load %arg5[%get3A_463] {strides = array<i32>} : memref<512xi32, #tpu.memory_space<vmem>>, vector<16xi32>,
    %add3A_465 = arith.constant 200000 : i32
    %add3A_466 = vector.broadcast %add3A_465 : i32 to vector<16xi32>
    %add3A_467 = arith.addi %get3A_464, %add3A_466 : vector<16xi32>
    %swap3A_468 = arith.constant 1056 : index
    %swap3A_469 = tpu.vector_load %arg6[%swap3A_468] {strides = array<i32>} : memref<4096xi32, #tpu.memory_space<vmem>>, vector<16xi32>,
    tpu.vector_store %arg6[%swap3A_468], %add3A_467 {strides = array<i32>} : memref<4096xi32, #tpu.memory_space<vmem>>, vector<16xi32>,
    %get3A_470 = arith.constant 48 : index
    %get3A_471 = tpu.vector_load %arg5[%get3A_470] {strides = array<i32>} : memref<512xi32, #tpu.memory_space<vmem>>, vector<16xi32>,
    %add3A_472 = arith.constant 200000 : i32
    %add3A_473 = vector.broadcast %add3A_472 : i32 to vector<16xi32>
    %add3A_474 = arith.addi %get3A_471, %add3A_473 : vector<16xi32>
    %swap3A_475 = arith.constant 1072 : index
    %swap3A_476 = tpu.vector_load %arg6[%swap3A_475] {strides = array<i32>} : memref<4096xi32, #tpu.memory_space<vmem>>, vector<16xi32>,
    tpu.vector_store %arg6[%swap3A_475], %add3A_474 {strides = array<i32>} : memref<4096xi32, #tpu.memory_space<vmem>>, vector<16xi32>,
    %get3A_477 = arith.constant 64 : index
    %get3A_478 = tpu.vector_load %arg5[%get3A_477] {strides = array<i32>} : memref<512xi32, #tpu.memory_space<vmem>>, vector<16xi32>,
    %add3A_479 = arith.constant 200000 : i32
    %add3A_480 = vector.broadcast %add3A_479 : i32 to vector<16xi32>
    %add3A_481 = arith.addi %get3A_478, %add3A_480 : vector<16xi32>
    %swap3A_482 = arith.constant 1088 : index
    %swap3A_483 = tpu.vector_load %arg6[%swap3A_482] {strides = array<i32>} : memref<4096xi32, #tpu.memory_space<vmem>>, vector<16xi32>,
    tpu.vector_store %arg6[%swap3A_482], %add3A_481 {strides = array<i32>} : memref<4096xi32, #tpu.memory_space<vmem>>, vector<16xi32>,
    %get3A_484 = arith.constant 80 : index
    %get3A_485 = tpu.vector_load %arg5[%get3A_484] {strides = array<i32>} : memref<512xi32, #tpu.memory_space<vmem>>, vector<16xi32>,
    %add3A_486 = arith.constant 200000 : i32
    %add3A_487 = vector.broadcast %add3A_486 : i32 to vector<16xi32>
    %add3A_488 = arith.addi %get3A_485, %add3A_487 : vector<16xi32>
    %swap3A_489 = arith.constant 1104 : index
    %swap3A_490 = tpu.vector_load %arg6[%swap3A_489] {strides = array<i32>} : memref<4096xi32, #tpu.memory_space<vmem>>, vector<16xi32>,
    tpu.vector_store %arg6[%swap3A_489], %add3A_488 {strides = array<i32>} : memref<4096xi32, #tpu.memory_space<vmem>>, vector<16xi32>,
    %get3A_491 = arith.constant 96 : index
    %get3A_492 = tpu.vector_load %arg5[%get3A_491] {strides = array<i32>} : memref<512xi32, #tpu.memory_space<vmem>>, vector<16xi32>,
    %add3A_493 = arith.constant 200000 : i32
    %add3A_494 = vector.broadcast %add3A_493 : i32 to vector<16xi32>
    %add3A_495 = arith.addi %get3A_492, %add3A_494 : vector<16xi32>
    %swap3A_496 = arith.constant 1120 : index
    %swap3A_497 = tpu.vector_load %arg6[%swap3A_496] {strides = array<i32>} : memref<4096xi32, #tpu.memory_space<vmem>>, vector<16xi32>,
    tpu.vector_store %arg6[%swap3A_496], %add3A_495 {strides = array<i32>} : memref<4096xi32, #tpu.memory_space<vmem>>, vector<16xi32>,
    %get3A_498 = arith.constant 112 : index
    %get3A_499 = tpu.vector_load %arg5[%get3A_498] {strides = array<i32>} : memref<512xi32, #tpu.memory_space<vmem>>, vector<16xi32>,
    %add3A_500 = arith.constant 200000 : i32
    %add3A_501 = vector.broadcast %add3A_500 : i32 to vector<16xi32>
    %add3A_502 = arith.addi %get3A_499, %add3A_501 : vector<16xi32>
    %swap3A_503 = arith.constant 1136 : index
    %swap3A_504 = tpu.vector_load %arg6[%swap3A_503] {strides = array<i32>} : memref<4096xi32, #tpu.memory_space<vmem>>, vector<16xi32>,
    tpu.vector_store %arg6[%swap3A_503], %add3A_502 {strides = array<i32>} : memref<4096xi32, #tpu.memory_space<vmem>>, vector<16xi32>,
    %get3A_505 = arith.constant 128 : index
    %get3A_506 = tpu.vector_load %arg5[%get3A_505] {strides = array<i32>} : memref<512xi32, #tpu.memory_space<vmem>>, vector<16xi32>,
    %add3A_507 = arith.constant 200000 : i32
    %add3A_508 = vector.broadcast %add3A_507 : i32 to vector<16xi32>
    %add3A_509 = arith.addi %get3A_506, %add3A_508 : vector<16xi32>
    %swap3A_510 = arith.constant 1152 : index
    %swap3A_511 = tpu.vector_load %arg6[%swap3A_510] {strides = array<i32>} : memref<4096xi32, #tpu.memory_space<vmem>>, vector<16xi32>,
    tpu.vector_store %arg6[%swap3A_510], %add3A_509 {strides = array<i32>} : memref<4096xi32, #tpu.memory_space<vmem>>, vector<16xi32>,
    %get3A_512 = arith.constant 144 : index
    %get3A_513 = tpu.vector_load %arg5[%get3A_512] {strides = array<i32>} : memref<512xi32, #tpu.memory_space<vmem>>, vector<16xi32>,
    %add3A_514 = arith.constant 200000 : i32
    %add3A_515 = vector.broadcast %add3A_514 : i32 to vector<16xi32>
    %add3A_516 = arith.addi %get3A_513, %add3A_515 : vector<16xi32>
    %swap3A_517 = arith.constant 1168 : index
    %swap3A_518 = tpu.vector_load %arg6[%swap3A_517] {strides = array<i32>} : memref<4096xi32, #tpu.memory_space<vmem>>, vector<16xi32>,
    tpu.vector_store %arg6[%swap3A_517], %add3A_516 {strides = array<i32>} : memref<4096xi32, #tpu.memory_space<vmem>>, vector<16xi32>,
    %get3A_519 = arith.constant 160 : index
    %get3A_520 = tpu.vector_load %arg5[%get3A_519] {strides = array<i32>} : memref<512xi32, #tpu.memory_space<vmem>>, vector<16xi32>,
    %add3A_521 = arith.constant 200000 : i32
    %add3A_522 = vector.broadcast %add3A_521 : i32 to vector<16xi32>
    %add3A_523 = arith.addi %get3A_520, %add3A_522 : vector<16xi32>
    %swap3A_524 = arith.constant 1184 : index
    %swap3A_525 = tpu.vector_load %arg6[%swap3A_524] {strides = array<i32>} : memref<4096xi32, #tpu.memory_space<vmem>>, vector<16xi32>,
    tpu.vector_store %arg6[%swap3A_524], %add3A_523 {strides = array<i32>} : memref<4096xi32, #tpu.memory_space<vmem>>, vector<16xi32>,
    %get3A_526 = arith.constant 176 : index
    %get3A_527 = tpu.vector_load %arg5[%get3A_526] {strides = array<i32>} : memref<512xi32, #tpu.memory_space<vmem>>, vector<16xi32>,
    %add3A_528 = arith.constant 200000 : i32
    %add3A_529 = vector.broadcast %add3A_528 : i32 to vector<16xi32>
    %add3A_530 = arith.addi %get3A_527, %add3A_529 : vector<16xi32>
    %swap3A_531 = arith.constant 1200 : index
    %swap3A_532 = tpu.vector_load %arg6[%swap3A_531] {strides = array<i32>} : memref<4096xi32, #tpu.memory_space<vmem>>, vector<16xi32>,
    tpu.vector_store %arg6[%swap3A_531], %add3A_530 {strides = array<i32>} : memref<4096xi32, #tpu.memory_space<vmem>>, vector<16xi32>,
    %get3A_533 = arith.constant 192 : index
    %get3A_534 = tpu.vector_load %arg5[%get3A_533] {strides = array<i32>} : memref<512xi32, #tpu.memory_space<vmem>>, vector<16xi32>,
    %add3A_535 = arith.constant 200000 : i32
    %add3A_536 = vector.broadcast %add3A_535 : i32 to vector<16xi32>
    %add3A_537 = arith.addi %get3A_534, %add3A_536 : vector<16xi32>
    %swap3A_538 = arith.constant 1216 : index
    %swap3A_539 = tpu.vector_load %arg6[%swap3A_538] {strides = array<i32>} : memref<4096xi32, #tpu.memory_space<vmem>>, vector<16xi32>,
    tpu.vector_store %arg6[%swap3A_538], %add3A_537 {strides = array<i32>} : memref<4096xi32, #tpu.memory_space<vmem>>, vector<16xi32>,
    %get3A_540 = arith.constant 208 : index
    %get3A_541 = tpu.vector_load %arg5[%get3A_540] {strides = array<i32>} : memref<512xi32, #tpu.memory_space<vmem>>, vector<16xi32>,
    %add3A_542 = arith.constant 200000 : i32
    %add3A_543 = vector.broadcast %add3A_542 : i32 to vector<16xi32>
    %add3A_544 = arith.addi %get3A_541, %add3A_543 : vector<16xi32>
    %swap3A_545 = arith.constant 1232 : index
    %swap3A_546 = tpu.vector_load %arg6[%swap3A_545] {strides = array<i32>} : memref<4096xi32, #tpu.memory_space<vmem>>, vector<16xi32>,
    tpu.vector_store %arg6[%swap3A_545], %add3A_544 {strides = array<i32>} : memref<4096xi32, #tpu.memory_space<vmem>>, vector<16xi32>,
    %get3A_547 = arith.constant 224 : index
    %get3A_548 = tpu.vector_load %arg5[%get3A_547] {strides = array<i32>} : memref<512xi32, #tpu.memory_space<vmem>>, vector<16xi32>,
    %add3A_549 = arith.constant 200000 : i32
    %add3A_550 = vector.broadcast %add3A_549 : i32 to vector<16xi32>
    %add3A_551 = arith.addi %get3A_548, %add3A_550 : vector<16xi32>
    %swap3A_552 = arith.constant 1248 : index
    %swap3A_553 = tpu.vector_load %arg6[%swap3A_552] {strides = array<i32>} : memref<4096xi32, #tpu.memory_space<vmem>>, vector<16xi32>,
    tpu.vector_store %arg6[%swap3A_552], %add3A_551 {strides = array<i32>} : memref<4096xi32, #tpu.memory_space<vmem>>, vector<16xi32>,
    %get3A_554 = arith.constant 240 : index
    %get3A_555 = tpu.vector_load %arg5[%get3A_554] {strides = array<i32>} : memref<512xi32, #tpu.memory_space<vmem>>, vector<16xi32>,
    %add3A_556 = arith.constant 200000 : i32
    %add3A_557 = vector.broadcast %add3A_556 : i32 to vector<16xi32>
    %add3A_558 = arith.addi %get3A_555, %add3A_557 : vector<16xi32>
    %swap3A_559 = arith.constant 1264 : index
    %swap3A_560 = tpu.vector_load %arg6[%swap3A_559] {strides = array<i32>} : memref<4096xi32, #tpu.memory_space<vmem>>, vector<16xi32>,
    tpu.vector_store %arg6[%swap3A_559], %add3A_558 {strides = array<i32>} : memref<4096xi32, #tpu.memory_space<vmem>>, vector<16xi32>,
    %get3A_561 = arith.constant 256 : index
    %get3A_562 = tpu.vector_load %arg5[%get3A_561] {strides = array<i32>} : memref<512xi32, #tpu.memory_space<vmem>>, vector<16xi32>,
    %add3A_563 = arith.constant 200000 : i32
    %add3A_564 = vector.broadcast %add3A_563 : i32 to vector<16xi32>
    %add3A_565 = arith.addi %get3A_562, %add3A_564 : vector<16xi32>
    %swap3A_566 = arith.constant 1280 : index
    %swap3A_567 = tpu.vector_load %arg6[%swap3A_566] {strides = array<i32>} : memref<4096xi32, #tpu.memory_space<vmem>>, vector<16xi32>,
    tpu.vector_store %arg6[%swap3A_566], %add3A_565 {strides = array<i32>} : memref<4096xi32, #tpu.memory_space<vmem>>, vector<16xi32>,
    %get3A_568 = arith.constant 272 : index
    %get3A_569 = tpu.vector_load %arg5[%get3A_568] {strides = array<i32>} : memref<512xi32, #tpu.memory_space<vmem>>, vector<16xi32>,
    %add3A_570 = arith.constant 200000 : i32
    %add3A_571 = vector.broadcast %add3A_570 : i32 to vector<16xi32>
    %add3A_572 = arith.addi %get3A_569, %add3A_571 : vector<16xi32>
    %swap3A_573 = arith.constant 1296 : index
    %swap3A_574 = tpu.vector_load %arg6[%swap3A_573] {strides = array<i32>} : memref<4096xi32, #tpu.memory_space<vmem>>, vector<16xi32>,
    tpu.vector_store %arg6[%swap3A_573], %add3A_572 {strides = array<i32>} : memref<4096xi32, #tpu.memory_space<vmem>>, vector<16xi32>,
    %get3A_575 = arith.constant 288 : index
    %get3A_576 = tpu.vector_load %arg5[%get3A_575] {strides = array<i32>} : memref<512xi32, #tpu.memory_space<vmem>>, vector<16xi32>,
    %add3A_577 = arith.constant 200000 : i32
    %add3A_578 = vector.broadcast %add3A_577 : i32 to vector<16xi32>
    %add3A_579 = arith.addi %get3A_576, %add3A_578 : vector<16xi32>
    %swap3A_580 = arith.constant 1312 : index
    %swap3A_581 = tpu.vector_load %arg6[%swap3A_580] {strides = array<i32>} : memref<4096xi32, #tpu.memory_space<vmem>>, vector<16xi32>,
    tpu.vector_store %arg6[%swap3A_580], %add3A_579 {strides = array<i32>} : memref<4096xi32, #tpu.memory_space<vmem>>, vector<16xi32>,
    %get3A_582 = arith.constant 304 : index
    %get3A_583 = tpu.vector_load %arg5[%get3A_582] {strides = array<i32>} : memref<512xi32, #tpu.memory_space<vmem>>, vector<16xi32>,
    %add3A_584 = arith.constant 200000 : i32
    %add3A_585 = vector.broadcast %add3A_584 : i32 to vector<16xi32>
    %add3A_586 = arith.addi %get3A_583, %add3A_585 : vector<16xi32>
    %swap3A_587 = arith.constant 1328 : index
    %swap3A_588 = tpu.vector_load %arg6[%swap3A_587] {strides = array<i32>} : memref<4096xi32, #tpu.memory_space<vmem>>, vector<16xi32>,
    tpu.vector_store %arg6[%swap3A_587], %add3A_586 {strides = array<i32>} : memref<4096xi32, #tpu.memory_space<vmem>>, vector<16xi32>,
    %get3A_589 = arith.constant 320 : index
    %get3A_590 = tpu.vector_load %arg5[%get3A_589] {strides = array<i32>} : memref<512xi32, #tpu.memory_space<vmem>>, vector<16xi32>,
    %add3A_591 = arith.constant 200000 : i32
    %add3A_592 = vector.broadcast %add3A_591 : i32 to vector<16xi32>
    %add3A_593 = arith.addi %get3A_590, %add3A_592 : vector<16xi32>
    %swap3A_594 = arith.constant 1344 : index
    %swap3A_595 = tpu.vector_load %arg6[%swap3A_594] {strides = array<i32>} : memref<4096xi32, #tpu.memory_space<vmem>>, vector<16xi32>,
    tpu.vector_store %arg6[%swap3A_594], %add3A_593 {strides = array<i32>} : memref<4096xi32, #tpu.memory_space<vmem>>, vector<16xi32>,
    %get3A_596 = arith.constant 336 : index
    %get3A_597 = tpu.vector_load %arg5[%get3A_596] {strides = array<i32>} : memref<512xi32, #tpu.memory_space<vmem>>, vector<16xi32>,
    %add3A_598 = arith.constant 200000 : i32
    %add3A_599 = vector.broadcast %add3A_598 : i32 to vector<16xi32>
    %add3A_600 = arith.addi %get3A_597, %add3A_599 : vector<16xi32>
    %swap3A_601 = arith.constant 1360 : index
    %swap3A_602 = tpu.vector_load %arg6[%swap3A_601] {strides = array<i32>} : memref<4096xi32, #tpu.memory_space<vmem>>, vector<16xi32>,
    tpu.vector_store %arg6[%swap3A_601], %add3A_600 {strides = array<i32>} : memref<4096xi32, #tpu.memory_space<vmem>>, vector<16xi32>,
    %get3A_603 = arith.constant 352 : index
    %get3A_604 = tpu.vector_load %arg5[%get3A_603] {strides = array<i32>} : memref<512xi32, #tpu.memory_space<vmem>>, vector<16xi32>,
    %add3A_605 = arith.constant 200000 : i32
    %add3A_606 = vector.broadcast %add3A_605 : i32 to vector<16xi32>
    %add3A_607 = arith.addi %get3A_604, %add3A_606 : vector<16xi32>
    %swap3A_608 = arith.constant 1376 : index
    %swap3A_609 = tpu.vector_load %arg6[%swap3A_608] {strides = array<i32>} : memref<4096xi32, #tpu.memory_space<vmem>>, vector<16xi32>,
    tpu.vector_store %arg6[%swap3A_608], %add3A_607 {strides = array<i32>} : memref<4096xi32, #tpu.memory_space<vmem>>, vector<16xi32>,
    %get3A_610 = arith.constant 368 : index
    %get3A_611 = tpu.vector_load %arg5[%get3A_610] {strides = array<i32>} : memref<512xi32, #tpu.memory_space<vmem>>, vector<16xi32>,
    %add3A_612 = arith.constant 200000 : i32
    %add3A_613 = vector.broadcast %add3A_612 : i32 to vector<16xi32>
    %add3A_614 = arith.addi %get3A_611, %add3A_613 : vector<16xi32>
    %swap3A_615 = arith.constant 1392 : index
    %swap3A_616 = tpu.vector_load %arg6[%swap3A_615] {strides = array<i32>} : memref<4096xi32, #tpu.memory_space<vmem>>, vector<16xi32>,
    tpu.vector_store %arg6[%swap3A_615], %add3A_614 {strides = array<i32>} : memref<4096xi32, #tpu.memory_space<vmem>>, vector<16xi32>,
    %get3A_617 = arith.constant 384 : index
    %get3A_618 = tpu.vector_load %arg5[%get3A_617] {strides = array<i32>} : memref<512xi32, #tpu.memory_space<vmem>>, vector<16xi32>,
    %add3A_619 = arith.constant 200000 : i32
    %add3A_620 = vector.broadcast %add3A_619 : i32 to vector<16xi32>
    %add3A_621 = arith.addi %get3A_618, %add3A_620 : vector<16xi32>
    %swap3A_622 = arith.constant 1408 : index
    %swap3A_623 = tpu.vector_load %arg6[%swap3A_622] {strides = array<i32>} : memref<4096xi32, #tpu.memory_space<vmem>>, vector<16xi32>,
    tpu.vector_store %arg6[%swap3A_622], %add3A_621 {strides = array<i32>} : memref<4096xi32, #tpu.memory_space<vmem>>, vector<16xi32>,
    %get3A_624 = arith.constant 400 : index
    %get3A_625 = tpu.vector_load %arg5[%get3A_624] {strides = array<i32>} : memref<512xi32, #tpu.memory_space<vmem>>, vector<16xi32>,
    %add3A_626 = arith.constant 200000 : i32
    %add3A_627 = vector.broadcast %add3A_626 : i32 to vector<16xi32>
    %add3A_628 = arith.addi %get3A_625, %add3A_627 : vector<16xi32>
    %swap3A_629 = arith.constant 1424 : index
    %swap3A_630 = tpu.vector_load %arg6[%swap3A_629] {strides = array<i32>} : memref<4096xi32, #tpu.memory_space<vmem>>, vector<16xi32>,
    tpu.vector_store %arg6[%swap3A_629], %add3A_628 {strides = array<i32>} : memref<4096xi32, #tpu.memory_space<vmem>>, vector<16xi32>,
    %get3A_631 = arith.constant 416 : index
    %get3A_632 = tpu.vector_load %arg5[%get3A_631] {strides = array<i32>} : memref<512xi32, #tpu.memory_space<vmem>>, vector<16xi32>,
    %add3A_633 = arith.constant 200000 : i32
    %add3A_634 = vector.broadcast %add3A_633 : i32 to vector<16xi32>
    %add3A_635 = arith.addi %get3A_632, %add3A_634 : vector<16xi32>
    %swap3A_636 = arith.constant 1440 : index
    %swap3A_637 = tpu.vector_load %arg6[%swap3A_636] {strides = array<i32>} : memref<4096xi32, #tpu.memory_space<vmem>>, vector<16xi32>,
    tpu.vector_store %arg6[%swap3A_636], %add3A_635 {strides = array<i32>} : memref<4096xi32, #tpu.memory_space<vmem>>, vector<16xi32>,
    %get3A_638 = arith.constant 432 : index
    %get3A_639 = tpu.vector_load %arg5[%get3A_638] {strides = array<i32>} : memref<512xi32, #tpu.memory_space<vmem>>, vector<16xi32>,
    %add3A_640 = arith.constant 200000 : i32
    %add3A_641 = vector.broadcast %add3A_640 : i32 to vector<16xi32>
    %add3A_642 = arith.addi %get3A_639, %add3A_641 : vector<16xi32>
    %swap3A_643 = arith.constant 1456 : index
    %swap3A_644 = tpu.vector_load %arg6[%swap3A_643] {strides = array<i32>} : memref<4096xi32, #tpu.memory_space<vmem>>, vector<16xi32>,
    tpu.vector_store %arg6[%swap3A_643], %add3A_642 {strides = array<i32>} : memref<4096xi32, #tpu.memory_space<vmem>>, vector<16xi32>,
    %get3A_645 = arith.constant 448 : index
    %get3A_646 = tpu.vector_load %arg5[%get3A_645] {strides = array<i32>} : memref<512xi32, #tpu.memory_space<vmem>>, vector<16xi32>,
    %add3A_647 = arith.constant 200000 : i32
    %add3A_648 = vector.broadcast %add3A_647 : i32 to vector<16xi32>
    %add3A_649 = arith.addi %get3A_646, %add3A_648 : vector<16xi32>
    %swap3A_650 = arith.constant 1472 : index
    %swap3A_651 = tpu.vector_load %arg6[%swap3A_650] {strides = array<i32>} : memref<4096xi32, #tpu.memory_space<vmem>>, vector<16xi32>,
    tpu.vector_store %arg6[%swap3A_650], %add3A_649 {strides = array<i32>} : memref<4096xi32, #tpu.memory_space<vmem>>, vector<16xi32>,
    %get3A_652 = arith.constant 464 : index
    %get3A_653 = tpu.vector_load %arg5[%get3A_652] {strides = array<i32>} : memref<512xi32, #tpu.memory_space<vmem>>, vector<16xi32>,
    %add3A_654 = arith.constant 200000 : i32
    %add3A_655 = vector.broadcast %add3A_654 : i32 to vector<16xi32>
    %add3A_656 = arith.addi %get3A_653, %add3A_655 : vector<16xi32>
    %swap3A_657 = arith.constant 1488 : index
    %swap3A_658 = tpu.vector_load %arg6[%swap3A_657] {strides = array<i32>} : memref<4096xi32, #tpu.memory_space<vmem>>, vector<16xi32>,
    tpu.vector_store %arg6[%swap3A_657], %add3A_656 {strides = array<i32>} : memref<4096xi32, #tpu.memory_space<vmem>>, vector<16xi32>,
    %get3A_659 = arith.constant 480 : index
    %get3A_660 = tpu.vector_load %arg5[%get3A_659] {strides = array<i32>} : memref<512xi32, #tpu.memory_space<vmem>>, vector<16xi32>,
    %add3A_661 = arith.constant 200000 : i32
    %add3A_662 = vector.broadcast %add3A_661 : i32 to vector<16xi32>
    %add3A_663 = arith.addi %get3A_660, %add3A_662 : vector<16xi32>
    %swap3A_664 = arith.constant 1504 : index
    %swap3A_665 = tpu.vector_load %arg6[%swap3A_664] {strides = array<i32>} : memref<4096xi32, #tpu.memory_space<vmem>>, vector<16xi32>,
    tpu.vector_store %arg6[%swap3A_664], %add3A_663 {strides = array<i32>} : memref<4096xi32, #tpu.memory_space<vmem>>, vector<16xi32>,
    %get3A_666 = arith.constant 496 : index
    %get3A_667 = tpu.vector_load %arg5[%get3A_666] {strides = array<i32>} : memref<512xi32, #tpu.memory_space<vmem>>, vector<16xi32>,
    %add3A_668 = arith.constant 200000 : i32
    %add3A_669 = vector.broadcast %add3A_668 : i32 to vector<16xi32>
    %add3A_670 = arith.addi %get3A_667, %add3A_669 : vector<16xi32>
    %swap3A_671 = arith.constant 1520 : index
    %swap3A_672 = tpu.vector_load %arg6[%swap3A_671] {strides = array<i32>} : memref<4096xi32, #tpu.memory_space<vmem>>, vector<16xi32>,
    tpu.vector_store %arg6[%swap3A_671], %add3A_670 {strides = array<i32>} : memref<4096xi32, #tpu.memory_space<vmem>>, vector<16xi32>,
    %get3A_673 = arith.constant 0 : index
    %get3A_674 = tpu.vector_load %arg5[%get3A_673] {strides = array<i32>} : memref<512xi32, #tpu.memory_space<vmem>>, vector<16xi32>,
    %add3A_675 = arith.constant 300000 : i32
    %add3A_676 = vector.broadcast %add3A_675 : i32 to vector<16xi32>
    %add3A_677 = arith.addi %get3A_674, %add3A_676 : vector<16xi32>
    %swap3A_678 = arith.constant 1536 : index
    %swap3A_679 = tpu.vector_load %arg6[%swap3A_678] {strides = array<i32>} : memref<4096xi32, #tpu.memory_space<vmem>>, vector<16xi32>,
    tpu.vector_store %arg6[%swap3A_678], %add3A_677 {strides = array<i32>} : memref<4096xi32, #tpu.memory_space<vmem>>, vector<16xi32>,
    %get3A_680 = arith.constant 16 : index
    %get3A_681 = tpu.vector_load %arg5[%get3A_680] {strides = array<i32>} : memref<512xi32, #tpu.memory_space<vmem>>, vector<16xi32>,
    %add3A_682 = arith.constant 300000 : i32
    %add3A_683 = vector.broadcast %add3A_682 : i32 to vector<16xi32>
    %add3A_684 = arith.addi %get3A_681, %add3A_683 : vector<16xi32>
    %swap3A_685 = arith.constant 1552 : index
    %swap3A_686 = tpu.vector_load %arg6[%swap3A_685] {strides = array<i32>} : memref<4096xi32, #tpu.memory_space<vmem>>, vector<16xi32>,
    tpu.vector_store %arg6[%swap3A_685], %add3A_684 {strides = array<i32>} : memref<4096xi32, #tpu.memory_space<vmem>>, vector<16xi32>,
    %get3A_687 = arith.constant 32 : index
    %get3A_688 = tpu.vector_load %arg5[%get3A_687] {strides = array<i32>} : memref<512xi32, #tpu.memory_space<vmem>>, vector<16xi32>,
    %add3A_689 = arith.constant 300000 : i32
    %add3A_690 = vector.broadcast %add3A_689 : i32 to vector<16xi32>
    %add3A_691 = arith.addi %get3A_688, %add3A_690 : vector<16xi32>
    %swap3A_692 = arith.constant 1568 : index
    %swap3A_693 = tpu.vector_load %arg6[%swap3A_692] {strides = array<i32>} : memref<4096xi32, #tpu.memory_space<vmem>>, vector<16xi32>,
    tpu.vector_store %arg6[%swap3A_692], %add3A_691 {strides = array<i32>} : memref<4096xi32, #tpu.memory_space<vmem>>, vector<16xi32>,
    %get3A_694 = arith.constant 48 : index
    %get3A_695 = tpu.vector_load %arg5[%get3A_694] {strides = array<i32>} : memref<512xi32, #tpu.memory_space<vmem>>, vector<16xi32>,
    %add3A_696 = arith.constant 300000 : i32
    %add3A_697 = vector.broadcast %add3A_696 : i32 to vector<16xi32>
    %add3A_698 = arith.addi %get3A_695, %add3A_697 : vector<16xi32>
    %swap3A_699 = arith.constant 1584 : index
    %swap3A_700 = tpu.vector_load %arg6[%swap3A_699] {strides = array<i32>} : memref<4096xi32, #tpu.memory_space<vmem>>, vector<16xi32>,
    tpu.vector_store %arg6[%swap3A_699], %add3A_698 {strides = array<i32>} : memref<4096xi32, #tpu.memory_space<vmem>>, vector<16xi32>,
    %get3A_701 = arith.constant 64 : index
    %get3A_702 = tpu.vector_load %arg5[%get3A_701] {strides = array<i32>} : memref<512xi32, #tpu.memory_space<vmem>>, vector<16xi32>,
    %add3A_703 = arith.constant 300000 : i32
    %add3A_704 = vector.broadcast %add3A_703 : i32 to vector<16xi32>
    %add3A_705 = arith.addi %get3A_702, %add3A_704 : vector<16xi32>
    %swap3A_706 = arith.constant 1600 : index
    %swap3A_707 = tpu.vector_load %arg6[%swap3A_706] {strides = array<i32>} : memref<4096xi32, #tpu.memory_space<vmem>>, vector<16xi32>,
    tpu.vector_store %arg6[%swap3A_706], %add3A_705 {strides = array<i32>} : memref<4096xi32, #tpu.memory_space<vmem>>, vector<16xi32>,
    %get3A_708 = arith.constant 80 : index
    %get3A_709 = tpu.vector_load %arg5[%get3A_708] {strides = array<i32>} : memref<512xi32, #tpu.memory_space<vmem>>, vector<16xi32>,
    %add3A_710 = arith.constant 300000 : i32
    %add3A_711 = vector.broadcast %add3A_710 : i32 to vector<16xi32>
    %add3A_712 = arith.addi %get3A_709, %add3A_711 : vector<16xi32>
    %swap3A_713 = arith.constant 1616 : index
    %swap3A_714 = tpu.vector_load %arg6[%swap3A_713] {strides = array<i32>} : memref<4096xi32, #tpu.memory_space<vmem>>, vector<16xi32>,
    tpu.vector_store %arg6[%swap3A_713], %add3A_712 {strides = array<i32>} : memref<4096xi32, #tpu.memory_space<vmem>>, vector<16xi32>,
    %get3A_715 = arith.constant 96 : index
    %get3A_716 = tpu.vector_load %arg5[%get3A_715] {strides = array<i32>} : memref<512xi32, #tpu.memory_space<vmem>>, vector<16xi32>,
    %add3A_717 = arith.constant 300000 : i32
    %add3A_718 = vector.broadcast %add3A_717 : i32 to vector<16xi32>
    %add3A_719 = arith.addi %get3A_716, %add3A_718 : vector<16xi32>
    %swap3A_720 = arith.constant 1632 : index
    %swap3A_721 = tpu.vector_load %arg6[%swap3A_720] {strides = array<i32>} : memref<4096xi32, #tpu.memory_space<vmem>>, vector<16xi32>,
    tpu.vector_store %arg6[%swap3A_720], %add3A_719 {strides = array<i32>} : memref<4096xi32, #tpu.memory_space<vmem>>, vector<16xi32>,
    %get3A_722 = arith.constant 112 : index
    %get3A_723 = tpu.vector_load %arg5[%get3A_722] {strides = array<i32>} : memref<512xi32, #tpu.memory_space<vmem>>, vector<16xi32>,
    %add3A_724 = arith.constant 300000 : i32
    %add3A_725 = vector.broadcast %add3A_724 : i32 to vector<16xi32>
    %add3A_726 = arith.addi %get3A_723, %add3A_725 : vector<16xi32>
    %swap3A_727 = arith.constant 1648 : index
    %swap3A_728 = tpu.vector_load %arg6[%swap3A_727] {strides = array<i32>} : memref<4096xi32, #tpu.memory_space<vmem>>, vector<16xi32>,
    tpu.vector_store %arg6[%swap3A_727], %add3A_726 {strides = array<i32>} : memref<4096xi32, #tpu.memory_space<vmem>>, vector<16xi32>,
    %get3A_729 = arith.constant 128 : index
    %get3A_730 = tpu.vector_load %arg5[%get3A_729] {strides = array<i32>} : memref<512xi32, #tpu.memory_space<vmem>>, vector<16xi32>,
    %add3A_731 = arith.constant 300000 : i32
    %add3A_732 = vector.broadcast %add3A_731 : i32 to vector<16xi32>
    %add3A_733 = arith.addi %get3A_730, %add3A_732 : vector<16xi32>
    %swap3A_734 = arith.constant 1664 : index
    %swap3A_735 = tpu.vector_load %arg6[%swap3A_734] {strides = array<i32>} : memref<4096xi32, #tpu.memory_space<vmem>>, vector<16xi32>,
    tpu.vector_store %arg6[%swap3A_734], %add3A_733 {strides = array<i32>} : memref<4096xi32, #tpu.memory_space<vmem>>, vector<16xi32>,
    %get3A_736 = arith.constant 144 : index
    %get3A_737 = tpu.vector_load %arg5[%get3A_736] {strides = array<i32>} : memref<512xi32, #tpu.memory_space<vmem>>, vector<16xi32>,
    %add3A_738 = arith.constant 300000 : i32
    %add3A_739 = vector.broadcast %add3A_738 : i32 to vector<16xi32>
    %add3A_740 = arith.addi %get3A_737, %add3A_739 : vector<16xi32>
    %swap3A_741 = arith.constant 1680 : index
    %swap3A_742 = tpu.vector_load %arg6[%swap3A_741] {strides = array<i32>} : memref<4096xi32, #tpu.memory_space<vmem>>, vector<16xi32>,
    tpu.vector_store %arg6[%swap3A_741], %add3A_740 {strides = array<i32>} : memref<4096xi32, #tpu.memory_space<vmem>>, vector<16xi32>,
    %get3A_743 = arith.constant 160 : index
    %get3A_744 = tpu.vector_load %arg5[%get3A_743] {strides = array<i32>} : memref<512xi32, #tpu.memory_space<vmem>>, vector<16xi32>,
    %add3A_745 = arith.constant 300000 : i32
    %add3A_746 = vector.broadcast %add3A_745 : i32 to vector<16xi32>
    %add3A_747 = arith.addi %get3A_744, %add3A_746 : vector<16xi32>
    %swap3A_748 = arith.constant 1696 : index
    %swap3A_749 = tpu.vector_load %arg6[%swap3A_748] {strides = array<i32>} : memref<4096xi32, #tpu.memory_space<vmem>>, vector<16xi32>,
    tpu.vector_store %arg6[%swap3A_748], %add3A_747 {strides = array<i32>} : memref<4096xi32, #tpu.memory_space<vmem>>, vector<16xi32>,
    %get3A_750 = arith.constant 176 : index
    %get3A_751 = tpu.vector_load %arg5[%get3A_750] {strides = array<i32>} : memref<512xi32, #tpu.memory_space<vmem>>, vector<16xi32>,
    %add3A_752 = arith.constant 300000 : i32
    %add3A_753 = vector.broadcast %add3A_752 : i32 to vector<16xi32>
    %add3A_754 = arith.addi %get3A_751, %add3A_753 : vector<16xi32>
    %swap3A_755 = arith.constant 1712 : index
    %swap3A_756 = tpu.vector_load %arg6[%swap3A_755] {strides = array<i32>} : memref<4096xi32, #tpu.memory_space<vmem>>, vector<16xi32>,
    tpu.vector_store %arg6[%swap3A_755], %add3A_754 {strides = array<i32>} : memref<4096xi32, #tpu.memory_space<vmem>>, vector<16xi32>,
    %get3A_757 = arith.constant 192 : index
    %get3A_758 = tpu.vector_load %arg5[%get3A_757] {strides = array<i32>} : memref<512xi32, #tpu.memory_space<vmem>>, vector<16xi32>,
    %add3A_759 = arith.constant 300000 : i32
    %add3A_760 = vector.broadcast %add3A_759 : i32 to vector<16xi32>
    %add3A_761 = arith.addi %get3A_758, %add3A_760 : vector<16xi32>
    %swap3A_762 = arith.constant 1728 : index
    %swap3A_763 = tpu.vector_load %arg6[%swap3A_762] {strides = array<i32>} : memref<4096xi32, #tpu.memory_space<vmem>>, vector<16xi32>,
    tpu.vector_store %arg6[%swap3A_762], %add3A_761 {strides = array<i32>} : memref<4096xi32, #tpu.memory_space<vmem>>, vector<16xi32>,
    %get3A_764 = arith.constant 208 : index
    %get3A_765 = tpu.vector_load %arg5[%get3A_764] {strides = array<i32>} : memref<512xi32, #tpu.memory_space<vmem>>, vector<16xi32>,
    %add3A_766 = arith.constant 300000 : i32
    %add3A_767 = vector.broadcast %add3A_766 : i32 to vector<16xi32>
    %add3A_768 = arith.addi %get3A_765, %add3A_767 : vector<16xi32>
    %swap3A_769 = arith.constant 1744 : index
    %swap3A_770 = tpu.vector_load %arg6[%swap3A_769] {strides = array<i32>} : memref<4096xi32, #tpu.memory_space<vmem>>, vector<16xi32>,
    tpu.vector_store %arg6[%swap3A_769], %add3A_768 {strides = array<i32>} : memref<4096xi32, #tpu.memory_space<vmem>>, vector<16xi32>,
    %get3A_771 = arith.constant 224 : index
    %get3A_772 = tpu.vector_load %arg5[%get3A_771] {strides = array<i32>} : memref<512xi32, #tpu.memory_space<vmem>>, vector<16xi32>,
    %add3A_773 = arith.constant 300000 : i32
    %add3A_774 = vector.broadcast %add3A_773 : i32 to vector<16xi32>
    %add3A_775 = arith.addi %get3A_772, %add3A_774 : vector<16xi32>
    %swap3A_776 = arith.constant 1760 : index
    %swap3A_777 = tpu.vector_load %arg6[%swap3A_776] {strides = array<i32>} : memref<4096xi32, #tpu.memory_space<vmem>>, vector<16xi32>,
    tpu.vector_store %arg6[%swap3A_776], %add3A_775 {strides = array<i32>} : memref<4096xi32, #tpu.memory_space<vmem>>, vector<16xi32>,
    %get3A_778 = arith.constant 240 : index
    %get3A_779 = tpu.vector_load %arg5[%get3A_778] {strides = array<i32>} : memref<512xi32, #tpu.memory_space<vmem>>, vector<16xi32>,
    %add3A_780 = arith.constant 300000 : i32
    %add3A_781 = vector.broadcast %add3A_780 : i32 to vector<16xi32>
    %add3A_782 = arith.addi %get3A_779, %add3A_781 : vector<16xi32>
    %swap3A_783 = arith.constant 1776 : index
    %swap3A_784 = tpu.vector_load %arg6[%swap3A_783] {strides = array<i32>} : memref<4096xi32, #tpu.memory_space<vmem>>, vector<16xi32>,
    tpu.vector_store %arg6[%swap3A_783], %add3A_782 {strides = array<i32>} : memref<4096xi32, #tpu.memory_space<vmem>>, vector<16xi32>,
    %get3A_785 = arith.constant 256 : index
    %get3A_786 = tpu.vector_load %arg5[%get3A_785] {strides = array<i32>} : memref<512xi32, #tpu.memory_space<vmem>>, vector<16xi32>,
    %add3A_787 = arith.constant 300000 : i32
    %add3A_788 = vector.broadcast %add3A_787 : i32 to vector<16xi32>
    %add3A_789 = arith.addi %get3A_786, %add3A_788 : vector<16xi32>
    %swap3A_790 = arith.constant 1792 : index
    %swap3A_791 = tpu.vector_load %arg6[%swap3A_790] {strides = array<i32>} : memref<4096xi32, #tpu.memory_space<vmem>>, vector<16xi32>,
    tpu.vector_store %arg6[%swap3A_790], %add3A_789 {strides = array<i32>} : memref<4096xi32, #tpu.memory_space<vmem>>, vector<16xi32>,
    %get3A_792 = arith.constant 272 : index
    %get3A_793 = tpu.vector_load %arg5[%get3A_792] {strides = array<i32>} : memref<512xi32, #tpu.memory_space<vmem>>, vector<16xi32>,
    %add3A_794 = arith.constant 300000 : i32
    %add3A_795 = vector.broadcast %add3A_794 : i32 to vector<16xi32>
    %add3A_796 = arith.addi %get3A_793, %add3A_795 : vector<16xi32>
    %swap3A_797 = arith.constant 1808 : index
    %swap3A_798 = tpu.vector_load %arg6[%swap3A_797] {strides = array<i32>} : memref<4096xi32, #tpu.memory_space<vmem>>, vector<16xi32>,
    tpu.vector_store %arg6[%swap3A_797], %add3A_796 {strides = array<i32>} : memref<4096xi32, #tpu.memory_space<vmem>>, vector<16xi32>,
    %get3A_799 = arith.constant 288 : index
    %get3A_800 = tpu.vector_load %arg5[%get3A_799] {strides = array<i32>} : memref<512xi32, #tpu.memory_space<vmem>>, vector<16xi32>,
    %add3A_801 = arith.constant 300000 : i32
    %add3A_802 = vector.broadcast %add3A_801 : i32 to vector<16xi32>
    %add3A_803 = arith.addi %get3A_800, %add3A_802 : vector<16xi32>
    %swap3A_804 = arith.constant 1824 : index
    %swap3A_805 = tpu.vector_load %arg6[%swap3A_804] {strides = array<i32>} : memref<4096xi32, #tpu.memory_space<vmem>>, vector<16xi32>,
    tpu.vector_store %arg6[%swap3A_804], %add3A_803 {strides = array<i32>} : memref<4096xi32, #tpu.memory_space<vmem>>, vector<16xi32>,
    %get3A_806 = arith.constant 304 : index
    %get3A_807 = tpu.vector_load %arg5[%get3A_806] {strides = array<i32>} : memref<512xi32, #tpu.memory_space<vmem>>, vector<16xi32>,
    %add3A_808 = arith.constant 300000 : i32
    %add3A_809 = vector.broadcast %add3A_808 : i32 to vector<16xi32>
    %add3A_810 = arith.addi %get3A_807, %add3A_809 : vector<16xi32>
    %swap3A_811 = arith.constant 1840 : index
    %swap3A_812 = tpu.vector_load %arg6[%swap3A_811] {strides = array<i32>} : memref<4096xi32, #tpu.memory_space<vmem>>, vector<16xi32>,
    tpu.vector_store %arg6[%swap3A_811], %add3A_810 {strides = array<i32>} : memref<4096xi32, #tpu.memory_space<vmem>>, vector<16xi32>,
    %get3A_813 = arith.constant 320 : index
    %get3A_814 = tpu.vector_load %arg5[%get3A_813] {strides = array<i32>} : memref<512xi32, #tpu.memory_space<vmem>>, vector<16xi32>,
    %add3A_815 = arith.constant 300000 : i32
    %add3A_816 = vector.broadcast %add3A_815 : i32 to vector<16xi32>
    %add3A_817 = arith.addi %get3A_814, %add3A_816 : vector<16xi32>
    %swap3A_818 = arith.constant 1856 : index
    %swap3A_819 = tpu.vector_load %arg6[%swap3A_818] {strides = array<i32>} : memref<4096xi32, #tpu.memory_space<vmem>>, vector<16xi32>,
    tpu.vector_store %arg6[%swap3A_818], %add3A_817 {strides = array<i32>} : memref<4096xi32, #tpu.memory_space<vmem>>, vector<16xi32>,
    %get3A_820 = arith.constant 336 : index
    %get3A_821 = tpu.vector_load %arg5[%get3A_820] {strides = array<i32>} : memref<512xi32, #tpu.memory_space<vmem>>, vector<16xi32>,
    %add3A_822 = arith.constant 300000 : i32
    %add3A_823 = vector.broadcast %add3A_822 : i32 to vector<16xi32>
    %add3A_824 = arith.addi %get3A_821, %add3A_823 : vector<16xi32>
    %swap3A_825 = arith.constant 1872 : index
    %swap3A_826 = tpu.vector_load %arg6[%swap3A_825] {strides = array<i32>} : memref<4096xi32, #tpu.memory_space<vmem>>, vector<16xi32>,
    tpu.vector_store %arg6[%swap3A_825], %add3A_824 {strides = array<i32>} : memref<4096xi32, #tpu.memory_space<vmem>>, vector<16xi32>,
    %get3A_827 = arith.constant 352 : index
    %get3A_828 = tpu.vector_load %arg5[%get3A_827] {strides = array<i32>} : memref<512xi32, #tpu.memory_space<vmem>>, vector<16xi32>,
    %add3A_829 = arith.constant 300000 : i32
    %add3A_830 = vector.broadcast %add3A_829 : i32 to vector<16xi32>
    %add3A_831 = arith.addi %get3A_828, %add3A_830 : vector<16xi32>
    %swap3A_832 = arith.constant 1888 : index
    %swap3A_833 = tpu.vector_load %arg6[%swap3A_832] {strides = array<i32>} : memref<4096xi32, #tpu.memory_space<vmem>>, vector<16xi32>,
    tpu.vector_store %arg6[%swap3A_832], %add3A_831 {strides = array<i32>} : memref<4096xi32, #tpu.memory_space<vmem>>, vector<16xi32>,
    %get3A_834 = arith.constant 368 : index
    %get3A_835 = tpu.vector_load %arg5[%get3A_834] {strides = array<i32>} : memref<512xi32, #tpu.memory_space<vmem>>, vector<16xi32>,
    %add3A_836 = arith.constant 300000 : i32
    %add3A_837 = vector.broadcast %add3A_836 : i32 to vector<16xi32>
    %add3A_838 = arith.addi %get3A_835, %add3A_837 : vector<16xi32>
    %swap3A_839 = arith.constant 1904 : index
    %swap3A_840 = tpu.vector_load %arg6[%swap3A_839] {strides = array<i32>} : memref<4096xi32, #tpu.memory_space<vmem>>, vector<16xi32>,
    tpu.vector_store %arg6[%swap3A_839], %add3A_838 {strides = array<i32>} : memref<4096xi32, #tpu.memory_space<vmem>>, vector<16xi32>,
    %get3A_841 = arith.constant 384 : index
    %get3A_842 = tpu.vector_load %arg5[%get3A_841] {strides = array<i32>} : memref<512xi32, #tpu.memory_space<vmem>>, vector<16xi32>,
    %add3A_843 = arith.constant 300000 : i32
    %add3A_844 = vector.broadcast %add3A_843 : i32 to vector<16xi32>
    %add3A_845 = arith.addi %get3A_842, %add3A_844 : vector<16xi32>
    %swap3A_846 = arith.constant 1920 : index
    %swap3A_847 = tpu.vector_load %arg6[%swap3A_846] {strides = array<i32>} : memref<4096xi32, #tpu.memory_space<vmem>>, vector<16xi32>,
    tpu.vector_store %arg6[%swap3A_846], %add3A_845 {strides = array<i32>} : memref<4096xi32, #tpu.memory_space<vmem>>, vector<16xi32>,
    %get3A_848 = arith.constant 400 : index
    %get3A_849 = tpu.vector_load %arg5[%get3A_848] {strides = array<i32>} : memref<512xi32, #tpu.memory_space<vmem>>, vector<16xi32>,
    %add3A_850 = arith.constant 300000 : i32
    %add3A_851 = vector.broadcast %add3A_850 : i32 to vector<16xi32>
    %add3A_852 = arith.addi %get3A_849, %add3A_851 : vector<16xi32>
    %swap3A_853 = arith.constant 1936 : index
    %swap3A_854 = tpu.vector_load %arg6[%swap3A_853] {strides = array<i32>} : memref<4096xi32, #tpu.memory_space<vmem>>, vector<16xi32>,
    tpu.vector_store %arg6[%swap3A_853], %add3A_852 {strides = array<i32>} : memref<4096xi32, #tpu.memory_space<vmem>>, vector<16xi32>,
    %get3A_855 = arith.constant 416 : index
    %get3A_856 = tpu.vector_load %arg5[%get3A_855] {strides = array<i32>} : memref<512xi32, #tpu.memory_space<vmem>>, vector<16xi32>,
    %add3A_857 = arith.constant 300000 : i32
    %add3A_858 = vector.broadcast %add3A_857 : i32 to vector<16xi32>
    %add3A_859 = arith.addi %get3A_856, %add3A_858 : vector<16xi32>
    %swap3A_860 = arith.constant 1952 : index
    %swap3A_861 = tpu.vector_load %arg6[%swap3A_860] {strides = array<i32>} : memref<4096xi32, #tpu.memory_space<vmem>>, vector<16xi32>,
    tpu.vector_store %arg6[%swap3A_860], %add3A_859 {strides = array<i32>} : memref<4096xi32, #tpu.memory_space<vmem>>, vector<16xi32>,
    %get3A_862 = arith.constant 432 : index
    %get3A_863 = tpu.vector_load %arg5[%get3A_862] {strides = array<i32>} : memref<512xi32, #tpu.memory_space<vmem>>, vector<16xi32>,
    %add3A_864 = arith.constant 300000 : i32
    %add3A_865 = vector.broadcast %add3A_864 : i32 to vector<16xi32>
    %add3A_866 = arith.addi %get3A_863, %add3A_865 : vector<16xi32>
    %swap3A_867 = arith.constant 1968 : index
    %swap3A_868 = tpu.vector_load %arg6[%swap3A_867] {strides = array<i32>} : memref<4096xi32, #tpu.memory_space<vmem>>, vector<16xi32>,
    tpu.vector_store %arg6[%swap3A_867], %add3A_866 {strides = array<i32>} : memref<4096xi32, #tpu.memory_space<vmem>>, vector<16xi32>,
    %get3A_869 = arith.constant 448 : index
    %get3A_870 = tpu.vector_load %arg5[%get3A_869] {strides = array<i32>} : memref<512xi32, #tpu.memory_space<vmem>>, vector<16xi32>,
    %add3A_871 = arith.constant 300000 : i32
    %add3A_872 = vector.broadcast %add3A_871 : i32 to vector<16xi32>
    %add3A_873 = arith.addi %get3A_870, %add3A_872 : vector<16xi32>
    %swap3A_874 = arith.constant 1984 : index
    %swap3A_875 = tpu.vector_load %arg6[%swap3A_874] {strides = array<i32>} : memref<4096xi32, #tpu.memory_space<vmem>>, vector<16xi32>,
    tpu.vector_store %arg6[%swap3A_874], %add3A_873 {strides = array<i32>} : memref<4096xi32, #tpu.memory_space<vmem>>, vector<16xi32>,
    %get3A_876 = arith.constant 464 : index
    %get3A_877 = tpu.vector_load %arg5[%get3A_876] {strides = array<i32>} : memref<512xi32, #tpu.memory_space<vmem>>, vector<16xi32>,
    %add3A_878 = arith.constant 300000 : i32
    %add3A_879 = vector.broadcast %add3A_878 : i32 to vector<16xi32>
    %add3A_880 = arith.addi %get3A_877, %add3A_879 : vector<16xi32>
    %swap3A_881 = arith.constant 2000 : index
    %swap3A_882 = tpu.vector_load %arg6[%swap3A_881] {strides = array<i32>} : memref<4096xi32, #tpu.memory_space<vmem>>, vector<16xi32>,
    tpu.vector_store %arg6[%swap3A_881], %add3A_880 {strides = array<i32>} : memref<4096xi32, #tpu.memory_space<vmem>>, vector<16xi32>,
    %get3A_883 = arith.constant 480 : index
    %get3A_884 = tpu.vector_load %arg5[%get3A_883] {strides = array<i32>} : memref<512xi32, #tpu.memory_space<vmem>>, vector<16xi32>,
    %add3A_885 = arith.constant 300000 : i32
    %add3A_886 = vector.broadcast %add3A_885 : i32 to vector<16xi32>
    %add3A_887 = arith.addi %get3A_884, %add3A_886 : vector<16xi32>
    %swap3A_888 = arith.constant 2016 : index
    %swap3A_889 = tpu.vector_load %arg6[%swap3A_888] {strides = array<i32>} : memref<4096xi32, #tpu.memory_space<vmem>>, vector<16xi32>,
    tpu.vector_store %arg6[%swap3A_888], %add3A_887 {strides = array<i32>} : memref<4096xi32, #tpu.memory_space<vmem>>, vector<16xi32>,
    %get3A_890 = arith.constant 496 : index
    %get3A_891 = tpu.vector_load %arg5[%get3A_890] {strides = array<i32>} : memref<512xi32, #tpu.memory_space<vmem>>, vector<16xi32>,
    %add3A_892 = arith.constant 300000 : i32
    %add3A_893 = vector.broadcast %add3A_892 : i32 to vector<16xi32>
    %add3A_894 = arith.addi %get3A_891, %add3A_893 : vector<16xi32>
    %swap3A_895 = arith.constant 2032 : index
    %swap3A_896 = tpu.vector_load %arg6[%swap3A_895] {strides = array<i32>} : memref<4096xi32, #tpu.memory_space<vmem>>, vector<16xi32>,
    tpu.vector_store %arg6[%swap3A_895], %add3A_894 {strides = array<i32>} : memref<4096xi32, #tpu.memory_space<vmem>>, vector<16xi32>,
    %get3A_897 = arith.constant 0 : index
    %get3A_898 = tpu.vector_load %arg5[%get3A_897] {strides = array<i32>} : memref<512xi32, #tpu.memory_space<vmem>>, vector<16xi32>,
    %add3A_899 = arith.constant 400000 : i32
    %add3A_900 = vector.broadcast %add3A_899 : i32 to vector<16xi32>
    %add3A_901 = arith.addi %get3A_898, %add3A_900 : vector<16xi32>
    %swap3A_902 = arith.constant 2048 : index
    %swap3A_903 = tpu.vector_load %arg6[%swap3A_902] {strides = array<i32>} : memref<4096xi32, #tpu.memory_space<vmem>>, vector<16xi32>,
    tpu.vector_store %arg6[%swap3A_902], %add3A_901 {strides = array<i32>} : memref<4096xi32, #tpu.memory_space<vmem>>, vector<16xi32>,
    %get3A_904 = arith.constant 16 : index
    %get3A_905 = tpu.vector_load %arg5[%get3A_904] {strides = array<i32>} : memref<512xi32, #tpu.memory_space<vmem>>, vector<16xi32>,
    %add3A_906 = arith.constant 400000 : i32
    %add3A_907 = vector.broadcast %add3A_906 : i32 to vector<16xi32>
    %add3A_908 = arith.addi %get3A_905, %add3A_907 : vector<16xi32>
    %swap3A_909 = arith.constant 2064 : index
    %swap3A_910 = tpu.vector_load %arg6[%swap3A_909] {strides = array<i32>} : memref<4096xi32, #tpu.memory_space<vmem>>, vector<16xi32>,
    tpu.vector_store %arg6[%swap3A_909], %add3A_908 {strides = array<i32>} : memref<4096xi32, #tpu.memory_space<vmem>>, vector<16xi32>,
    %get3A_911 = arith.constant 32 : index
    %get3A_912 = tpu.vector_load %arg5[%get3A_911] {strides = array<i32>} : memref<512xi32, #tpu.memory_space<vmem>>, vector<16xi32>,
    %add3A_913 = arith.constant 400000 : i32
    %add3A_914 = vector.broadcast %add3A_913 : i32 to vector<16xi32>
    %add3A_915 = arith.addi %get3A_912, %add3A_914 : vector<16xi32>
    %swap3A_916 = arith.constant 2080 : index
    %swap3A_917 = tpu.vector_load %arg6[%swap3A_916] {strides = array<i32>} : memref<4096xi32, #tpu.memory_space<vmem>>, vector<16xi32>,
    tpu.vector_store %arg6[%swap3A_916], %add3A_915 {strides = array<i32>} : memref<4096xi32, #tpu.memory_space<vmem>>, vector<16xi32>,
    %get3A_918 = arith.constant 48 : index
    %get3A_919 = tpu.vector_load %arg5[%get3A_918] {strides = array<i32>} : memref<512xi32, #tpu.memory_space<vmem>>, vector<16xi32>,
    %add3A_920 = arith.constant 400000 : i32
    %add3A_921 = vector.broadcast %add3A_920 : i32 to vector<16xi32>
    %add3A_922 = arith.addi %get3A_919, %add3A_921 : vector<16xi32>
    %swap3A_923 = arith.constant 2096 : index
    %swap3A_924 = tpu.vector_load %arg6[%swap3A_923] {strides = array<i32>} : memref<4096xi32, #tpu.memory_space<vmem>>, vector<16xi32>,
    tpu.vector_store %arg6[%swap3A_923], %add3A_922 {strides = array<i32>} : memref<4096xi32, #tpu.memory_space<vmem>>, vector<16xi32>,
    %get3A_925 = arith.constant 64 : index
    %get3A_926 = tpu.vector_load %arg5[%get3A_925] {strides = array<i32>} : memref<512xi32, #tpu.memory_space<vmem>>, vector<16xi32>,
    %add3A_927 = arith.constant 400000 : i32
    %add3A_928 = vector.broadcast %add3A_927 : i32 to vector<16xi32>
    %add3A_929 = arith.addi %get3A_926, %add3A_928 : vector<16xi32>
    %swap3A_930 = arith.constant 2112 : index
    %swap3A_931 = tpu.vector_load %arg6[%swap3A_930] {strides = array<i32>} : memref<4096xi32, #tpu.memory_space<vmem>>, vector<16xi32>,
    tpu.vector_store %arg6[%swap3A_930], %add3A_929 {strides = array<i32>} : memref<4096xi32, #tpu.memory_space<vmem>>, vector<16xi32>,
    %get3A_932 = arith.constant 80 : index
    %get3A_933 = tpu.vector_load %arg5[%get3A_932] {strides = array<i32>} : memref<512xi32, #tpu.memory_space<vmem>>, vector<16xi32>,
    %add3A_934 = arith.constant 400000 : i32
    %add3A_935 = vector.broadcast %add3A_934 : i32 to vector<16xi32>
    %add3A_936 = arith.addi %get3A_933, %add3A_935 : vector<16xi32>
    %swap3A_937 = arith.constant 2128 : index
    %swap3A_938 = tpu.vector_load %arg6[%swap3A_937] {strides = array<i32>} : memref<4096xi32, #tpu.memory_space<vmem>>, vector<16xi32>,
    tpu.vector_store %arg6[%swap3A_937], %add3A_936 {strides = array<i32>} : memref<4096xi32, #tpu.memory_space<vmem>>, vector<16xi32>,
    %get3A_939 = arith.constant 96 : index
    %get3A_940 = tpu.vector_load %arg5[%get3A_939] {strides = array<i32>} : memref<512xi32, #tpu.memory_space<vmem>>, vector<16xi32>,
    %add3A_941 = arith.constant 400000 : i32
    %add3A_942 = vector.broadcast %add3A_941 : i32 to vector<16xi32>
    %add3A_943 = arith.addi %get3A_940, %add3A_942 : vector<16xi32>
    %swap3A_944 = arith.constant 2144 : index
    %swap3A_945 = tpu.vector_load %arg6[%swap3A_944] {strides = array<i32>} : memref<4096xi32, #tpu.memory_space<vmem>>, vector<16xi32>,
    tpu.vector_store %arg6[%swap3A_944], %add3A_943 {strides = array<i32>} : memref<4096xi32, #tpu.memory_space<vmem>>, vector<16xi32>,
    %get3A_946 = arith.constant 112 : index
    %get3A_947 = tpu.vector_load %arg5[%get3A_946] {strides = array<i32>} : memref<512xi32, #tpu.memory_space<vmem>>, vector<16xi32>,
    %add3A_948 = arith.constant 400000 : i32
    %add3A_949 = vector.broadcast %add3A_948 : i32 to vector<16xi32>
    %add3A_950 = arith.addi %get3A_947, %add3A_949 : vector<16xi32>
    %swap3A_951 = arith.constant 2160 : index
    %swap3A_952 = tpu.vector_load %arg6[%swap3A_951] {strides = array<i32>} : memref<4096xi32, #tpu.memory_space<vmem>>, vector<16xi32>,
    tpu.vector_store %arg6[%swap3A_951], %add3A_950 {strides = array<i32>} : memref<4096xi32, #tpu.memory_space<vmem>>, vector<16xi32>,
    %get3A_953 = arith.constant 128 : index
    %get3A_954 = tpu.vector_load %arg5[%get3A_953] {strides = array<i32>} : memref<512xi32, #tpu.memory_space<vmem>>, vector<16xi32>,
    %add3A_955 = arith.constant 400000 : i32
    %add3A_956 = vector.broadcast %add3A_955 : i32 to vector<16xi32>
    %add3A_957 = arith.addi %get3A_954, %add3A_956 : vector<16xi32>
    %swap3A_958 = arith.constant 2176 : index
    %swap3A_959 = tpu.vector_load %arg6[%swap3A_958] {strides = array<i32>} : memref<4096xi32, #tpu.memory_space<vmem>>, vector<16xi32>,
    tpu.vector_store %arg6[%swap3A_958], %add3A_957 {strides = array<i32>} : memref<4096xi32, #tpu.memory_space<vmem>>, vector<16xi32>,
    %get3A_960 = arith.constant 144 : index
    %get3A_961 = tpu.vector_load %arg5[%get3A_960] {strides = array<i32>} : memref<512xi32, #tpu.memory_space<vmem>>, vector<16xi32>,
    %add3A_962 = arith.constant 400000 : i32
    %add3A_963 = vector.broadcast %add3A_962 : i32 to vector<16xi32>
    %add3A_964 = arith.addi %get3A_961, %add3A_963 : vector<16xi32>
    %swap3A_965 = arith.constant 2192 : index
    %swap3A_966 = tpu.vector_load %arg6[%swap3A_965] {strides = array<i32>} : memref<4096xi32, #tpu.memory_space<vmem>>, vector<16xi32>,
    tpu.vector_store %arg6[%swap3A_965], %add3A_964 {strides = array<i32>} : memref<4096xi32, #tpu.memory_space<vmem>>, vector<16xi32>,
    %get3A_967 = arith.constant 160 : index
    %get3A_968 = tpu.vector_load %arg5[%get3A_967] {strides = array<i32>} : memref<512xi32, #tpu.memory_space<vmem>>, vector<16xi32>,
    %add3A_969 = arith.constant 400000 : i32
    %add3A_970 = vector.broadcast %add3A_969 : i32 to vector<16xi32>
    %add3A_971 = arith.addi %get3A_968, %add3A_970 : vector<16xi32>
    %swap3A_972 = arith.constant 2208 : index
    %swap3A_973 = tpu.vector_load %arg6[%swap3A_972] {strides = array<i32>} : memref<4096xi32, #tpu.memory_space<vmem>>, vector<16xi32>,
    tpu.vector_store %arg6[%swap3A_972], %add3A_971 {strides = array<i32>} : memref<4096xi32, #tpu.memory_space<vmem>>, vector<16xi32>,
    %get3A_974 = arith.constant 176 : index
    %get3A_975 = tpu.vector_load %arg5[%get3A_974] {strides = array<i32>} : memref<512xi32, #tpu.memory_space<vmem>>, vector<16xi32>,
    %add3A_976 = arith.constant 400000 : i32
    %add3A_977 = vector.broadcast %add3A_976 : i32 to vector<16xi32>
    %add3A_978 = arith.addi %get3A_975, %add3A_977 : vector<16xi32>
    %swap3A_979 = arith.constant 2224 : index
    %swap3A_980 = tpu.vector_load %arg6[%swap3A_979] {strides = array<i32>} : memref<4096xi32, #tpu.memory_space<vmem>>, vector<16xi32>,
    tpu.vector_store %arg6[%swap3A_979], %add3A_978 {strides = array<i32>} : memref<4096xi32, #tpu.memory_space<vmem>>, vector<16xi32>,
    %get3A_981 = arith.constant 192 : index
    %get3A_982 = tpu.vector_load %arg5[%get3A_981] {strides = array<i32>} : memref<512xi32, #tpu.memory_space<vmem>>, vector<16xi32>,
    %add3A_983 = arith.constant 400000 : i32
    %add3A_984 = vector.broadcast %add3A_983 : i32 to vector<16xi32>
    %add3A_985 = arith.addi %get3A_982, %add3A_984 : vector<16xi32>
    %swap3A_986 = arith.constant 2240 : index
    %swap3A_987 = tpu.vector_load %arg6[%swap3A_986] {strides = array<i32>} : memref<4096xi32, #tpu.memory_space<vmem>>, vector<16xi32>,
    tpu.vector_store %arg6[%swap3A_986], %add3A_985 {strides = array<i32>} : memref<4096xi32, #tpu.memory_space<vmem>>, vector<16xi32>,
    %get3A_988 = arith.constant 208 : index
    %get3A_989 = tpu.vector_load %arg5[%get3A_988] {strides = array<i32>} : memref<512xi32, #tpu.memory_space<vmem>>, vector<16xi32>,
    %add3A_990 = arith.constant 400000 : i32
    %add3A_991 = vector.broadcast %add3A_990 : i32 to vector<16xi32>
    %add3A_992 = arith.addi %get3A_989, %add3A_991 : vector<16xi32>
    %swap3A_993 = arith.constant 2256 : index
    %swap3A_994 = tpu.vector_load %arg6[%swap3A_993] {strides = array<i32>} : memref<4096xi32, #tpu.memory_space<vmem>>, vector<16xi32>,
    tpu.vector_store %arg6[%swap3A_993], %add3A_992 {strides = array<i32>} : memref<4096xi32, #tpu.memory_space<vmem>>, vector<16xi32>,
    %get3A_995 = arith.constant 224 : index
    %get3A_996 = tpu.vector_load %arg5[%get3A_995] {strides = array<i32>} : memref<512xi32, #tpu.memory_space<vmem>>, vector<16xi32>,
    %add3A_997 = arith.constant 400000 : i32
    %add3A_998 = vector.broadcast %add3A_997 : i32 to vector<16xi32>
    %add3A_999 = arith.addi %get3A_996, %add3A_998 : vector<16xi32>
    %swap3A_1000 = arith.constant 2272 : index
    %swap3A_1001 = tpu.vector_load %arg6[%swap3A_1000] {strides = array<i32>} : memref<4096xi32, #tpu.memory_space<vmem>>, vector<16xi32>,
    tpu.vector_store %arg6[%swap3A_1000], %add3A_999 {strides = array<i32>} : memref<4096xi32, #tpu.memory_space<vmem>>, vector<16xi32>,
    %get3A_1002 = arith.constant 240 : index
    %get3A_1003 = tpu.vector_load %arg5[%get3A_1002] {strides = array<i32>} : memref<512xi32, #tpu.memory_space<vmem>>, vector<16xi32>,
    %add3A_1004 = arith.constant 400000 : i32
    %add3A_1005 = vector.broadcast %add3A_1004 : i32 to vector<16xi32>
    %add3A_1006 = arith.addi %get3A_1003, %add3A_1005 : vector<16xi32>
    %swap3A_1007 = arith.constant 2288 : index
    %swap3A_1008 = tpu.vector_load %arg6[%swap3A_1007] {strides = array<i32>} : memref<4096xi32, #tpu.memory_space<vmem>>, vector<16xi32>,
    tpu.vector_store %arg6[%swap3A_1007], %add3A_1006 {strides = array<i32>} : memref<4096xi32, #tpu.memory_space<vmem>>, vector<16xi32>,
    %get3A_1009 = arith.constant 256 : index
    %get3A_1010 = tpu.vector_load %arg5[%get3A_1009] {strides = array<i32>} : memref<512xi32, #tpu.memory_space<vmem>>, vector<16xi32>,
    %add3A_1011 = arith.constant 400000 : i32
    %add3A_1012 = vector.broadcast %add3A_1011 : i32 to vector<16xi32>
    %add3A_1013 = arith.addi %get3A_1010, %add3A_1012 : vector<16xi32>
    %swap3A_1014 = arith.constant 2304 : index
    %swap3A_1015 = tpu.vector_load %arg6[%swap3A_1014] {strides = array<i32>} : memref<4096xi32, #tpu.memory_space<vmem>>, vector<16xi32>,
    tpu.vector_store %arg6[%swap3A_1014], %add3A_1013 {strides = array<i32>} : memref<4096xi32, #tpu.memory_space<vmem>>, vector<16xi32>,
    %get3A_1016 = arith.constant 272 : index
    %get3A_1017 = tpu.vector_load %arg5[%get3A_1016] {strides = array<i32>} : memref<512xi32, #tpu.memory_space<vmem>>, vector<16xi32>,
    %add3A_1018 = arith.constant 400000 : i32
    %add3A_1019 = vector.broadcast %add3A_1018 : i32 to vector<16xi32>
    %add3A_1020 = arith.addi %get3A_1017, %add3A_1019 : vector<16xi32>
    %swap3A_1021 = arith.constant 2320 : index
    %swap3A_1022 = tpu.vector_load %arg6[%swap3A_1021] {strides = array<i32>} : memref<4096xi32, #tpu.memory_space<vmem>>, vector<16xi32>,
    tpu.vector_store %arg6[%swap3A_1021], %add3A_1020 {strides = array<i32>} : memref<4096xi32, #tpu.memory_space<vmem>>, vector<16xi32>,
    %get3A_1023 = arith.constant 288 : index
    %get3A_1024 = tpu.vector_load %arg5[%get3A_1023] {strides = array<i32>} : memref<512xi32, #tpu.memory_space<vmem>>, vector<16xi32>,
    %add3A_1025 = arith.constant 400000 : i32
    %add3A_1026 = vector.broadcast %add3A_1025 : i32 to vector<16xi32>
    %add3A_1027 = arith.addi %get3A_1024, %add3A_1026 : vector<16xi32>
    %swap3A_1028 = arith.constant 2336 : index
    %swap3A_1029 = tpu.vector_load %arg6[%swap3A_1028] {strides = array<i32>} : memref<4096xi32, #tpu.memory_space<vmem>>, vector<16xi32>,
    tpu.vector_store %arg6[%swap3A_1028], %add3A_1027 {strides = array<i32>} : memref<4096xi32, #tpu.memory_space<vmem>>, vector<16xi32>,
    %get3A_1030 = arith.constant 304 : index
    %get3A_1031 = tpu.vector_load %arg5[%get3A_1030] {strides = array<i32>} : memref<512xi32, #tpu.memory_space<vmem>>, vector<16xi32>,
    %add3A_1032 = arith.constant 400000 : i32
    %add3A_1033 = vector.broadcast %add3A_1032 : i32 to vector<16xi32>
    %add3A_1034 = arith.addi %get3A_1031, %add3A_1033 : vector<16xi32>
    %swap3A_1035 = arith.constant 2352 : index
    %swap3A_1036 = tpu.vector_load %arg6[%swap3A_1035] {strides = array<i32>} : memref<4096xi32, #tpu.memory_space<vmem>>, vector<16xi32>,
    tpu.vector_store %arg6[%swap3A_1035], %add3A_1034 {strides = array<i32>} : memref<4096xi32, #tpu.memory_space<vmem>>, vector<16xi32>,
    %get3A_1037 = arith.constant 320 : index
    %get3A_1038 = tpu.vector_load %arg5[%get3A_1037] {strides = array<i32>} : memref<512xi32, #tpu.memory_space<vmem>>, vector<16xi32>,
    %add3A_1039 = arith.constant 400000 : i32
    %add3A_1040 = vector.broadcast %add3A_1039 : i32 to vector<16xi32>
    %add3A_1041 = arith.addi %get3A_1038, %add3A_1040 : vector<16xi32>
    %swap3A_1042 = arith.constant 2368 : index
    %swap3A_1043 = tpu.vector_load %arg6[%swap3A_1042] {strides = array<i32>} : memref<4096xi32, #tpu.memory_space<vmem>>, vector<16xi32>,
    tpu.vector_store %arg6[%swap3A_1042], %add3A_1041 {strides = array<i32>} : memref<4096xi32, #tpu.memory_space<vmem>>, vector<16xi32>,
    %get3A_1044 = arith.constant 336 : index
    %get3A_1045 = tpu.vector_load %arg5[%get3A_1044] {strides = array<i32>} : memref<512xi32, #tpu.memory_space<vmem>>, vector<16xi32>,
    %add3A_1046 = arith.constant 400000 : i32
    %add3A_1047 = vector.broadcast %add3A_1046 : i32 to vector<16xi32>
    %add3A_1048 = arith.addi %get3A_1045, %add3A_1047 : vector<16xi32>
    %swap3A_1049 = arith.constant 2384 : index
    %swap3A_1050 = tpu.vector_load %arg6[%swap3A_1049] {strides = array<i32>} : memref<4096xi32, #tpu.memory_space<vmem>>, vector<16xi32>,
    tpu.vector_store %arg6[%swap3A_1049], %add3A_1048 {strides = array<i32>} : memref<4096xi32, #tpu.memory_space<vmem>>, vector<16xi32>,
    %get3A_1051 = arith.constant 352 : index
    %get3A_1052 = tpu.vector_load %arg5[%get3A_1051] {strides = array<i32>} : memref<512xi32, #tpu.memory_space<vmem>>, vector<16xi32>,
    %add3A_1053 = arith.constant 400000 : i32
    %add3A_1054 = vector.broadcast %add3A_1053 : i32 to vector<16xi32>
    %add3A_1055 = arith.addi %get3A_1052, %add3A_1054 : vector<16xi32>
    %swap3A_1056 = arith.constant 2400 : index
    %swap3A_1057 = tpu.vector_load %arg6[%swap3A_1056] {strides = array<i32>} : memref<4096xi32, #tpu.memory_space<vmem>>, vector<16xi32>,
    tpu.vector_store %arg6[%swap3A_1056], %add3A_1055 {strides = array<i32>} : memref<4096xi32, #tpu.memory_space<vmem>>, vector<16xi32>,
    %get3A_1058 = arith.constant 368 : index
    %get3A_1059 = tpu.vector_load %arg5[%get3A_1058] {strides = array<i32>} : memref<512xi32, #tpu.memory_space<vmem>>, vector<16xi32>,
    %add3A_1060 = arith.constant 400000 : i32
    %add3A_1061 = vector.broadcast %add3A_1060 : i32 to vector<16xi32>
    %add3A_1062 = arith.addi %get3A_1059, %add3A_1061 : vector<16xi32>
    %swap3A_1063 = arith.constant 2416 : index
    %swap3A_1064 = tpu.vector_load %arg6[%swap3A_1063] {strides = array<i32>} : memref<4096xi32, #tpu.memory_space<vmem>>, vector<16xi32>,
    tpu.vector_store %arg6[%swap3A_1063], %add3A_1062 {strides = array<i32>} : memref<4096xi32, #tpu.memory_space<vmem>>, vector<16xi32>,
    %get3A_1065 = arith.constant 384 : index
    %get3A_1066 = tpu.vector_load %arg5[%get3A_1065] {strides = array<i32>} : memref<512xi32, #tpu.memory_space<vmem>>, vector<16xi32>,
    %add3A_1067 = arith.constant 400000 : i32
    %add3A_1068 = vector.broadcast %add3A_1067 : i32 to vector<16xi32>
    %add3A_1069 = arith.addi %get3A_1066, %add3A_1068 : vector<16xi32>
    %swap3A_1070 = arith.constant 2432 : index
    %swap3A_1071 = tpu.vector_load %arg6[%swap3A_1070] {strides = array<i32>} : memref<4096xi32, #tpu.memory_space<vmem>>, vector<16xi32>,
    tpu.vector_store %arg6[%swap3A_1070], %add3A_1069 {strides = array<i32>} : memref<4096xi32, #tpu.memory_space<vmem>>, vector<16xi32>,
    %get3A_1072 = arith.constant 400 : index
    %get3A_1073 = tpu.vector_load %arg5[%get3A_1072] {strides = array<i32>} : memref<512xi32, #tpu.memory_space<vmem>>, vector<16xi32>,
    %add3A_1074 = arith.constant 400000 : i32
    %add3A_1075 = vector.broadcast %add3A_1074 : i32 to vector<16xi32>
    %add3A_1076 = arith.addi %get3A_1073, %add3A_1075 : vector<16xi32>
    %swap3A_1077 = arith.constant 2448 : index
    %swap3A_1078 = tpu.vector_load %arg6[%swap3A_1077] {strides = array<i32>} : memref<4096xi32, #tpu.memory_space<vmem>>, vector<16xi32>,
    tpu.vector_store %arg6[%swap3A_1077], %add3A_1076 {strides = array<i32>} : memref<4096xi32, #tpu.memory_space<vmem>>, vector<16xi32>,
    %get3A_1079 = arith.constant 416 : index
    %get3A_1080 = tpu.vector_load %arg5[%get3A_1079] {strides = array<i32>} : memref<512xi32, #tpu.memory_space<vmem>>, vector<16xi32>,
    %add3A_1081 = arith.constant 400000 : i32
    %add3A_1082 = vector.broadcast %add3A_1081 : i32 to vector<16xi32>
    %add3A_1083 = arith.addi %get3A_1080, %add3A_1082 : vector<16xi32>
    %swap3A_1084 = arith.constant 2464 : index
    %swap3A_1085 = tpu.vector_load %arg6[%swap3A_1084] {strides = array<i32>} : memref<4096xi32, #tpu.memory_space<vmem>>, vector<16xi32>,
    tpu.vector_store %arg6[%swap3A_1084], %add3A_1083 {strides = array<i32>} : memref<4096xi32, #tpu.memory_space<vmem>>, vector<16xi32>,
    %get3A_1086 = arith.constant 432 : index
    %get3A_1087 = tpu.vector_load %arg5[%get3A_1086] {strides = array<i32>} : memref<512xi32, #tpu.memory_space<vmem>>, vector<16xi32>,
    %add3A_1088 = arith.constant 400000 : i32
    %add3A_1089 = vector.broadcast %add3A_1088 : i32 to vector<16xi32>
    %add3A_1090 = arith.addi %get3A_1087, %add3A_1089 : vector<16xi32>
    %swap3A_1091 = arith.constant 2480 : index
    %swap3A_1092 = tpu.vector_load %arg6[%swap3A_1091] {strides = array<i32>} : memref<4096xi32, #tpu.memory_space<vmem>>, vector<16xi32>,
    tpu.vector_store %arg6[%swap3A_1091], %add3A_1090 {strides = array<i32>} : memref<4096xi32, #tpu.memory_space<vmem>>, vector<16xi32>,
    %get3A_1093 = arith.constant 448 : index
    %get3A_1094 = tpu.vector_load %arg5[%get3A_1093] {strides = array<i32>} : memref<512xi32, #tpu.memory_space<vmem>>, vector<16xi32>,
    %add3A_1095 = arith.constant 400000 : i32
    %add3A_1096 = vector.broadcast %add3A_1095 : i32 to vector<16xi32>
    %add3A_1097 = arith.addi %get3A_1094, %add3A_1096 : vector<16xi32>
    %swap3A_1098 = arith.constant 2496 : index
    %swap3A_1099 = tpu.vector_load %arg6[%swap3A_1098] {strides = array<i32>} : memref<4096xi32, #tpu.memory_space<vmem>>, vector<16xi32>,
    tpu.vector_store %arg6[%swap3A_1098], %add3A_1097 {strides = array<i32>} : memref<4096xi32, #tpu.memory_space<vmem>>, vector<16xi32>,
    %get3A_1100 = arith.constant 464 : index
    %get3A_1101 = tpu.vector_load %arg5[%get3A_1100] {strides = array<i32>} : memref<512xi32, #tpu.memory_space<vmem>>, vector<16xi32>,
    %add3A_1102 = arith.constant 400000 : i32
    %add3A_1103 = vector.broadcast %add3A_1102 : i32 to vector<16xi32>
    %add3A_1104 = arith.addi %get3A_1101, %add3A_1103 : vector<16xi32>
    %swap3A_1105 = arith.constant 2512 : index
    %swap3A_1106 = tpu.vector_load %arg6[%swap3A_1105] {strides = array<i32>} : memref<4096xi32, #tpu.memory_space<vmem>>, vector<16xi32>,
    tpu.vector_store %arg6[%swap3A_1105], %add3A_1104 {strides = array<i32>} : memref<4096xi32, #tpu.memory_space<vmem>>, vector<16xi32>,
    %get3A_1107 = arith.constant 480 : index
    %get3A_1108 = tpu.vector_load %arg5[%get3A_1107] {strides = array<i32>} : memref<512xi32, #tpu.memory_space<vmem>>, vector<16xi32>,
    %add3A_1109 = arith.constant 400000 : i32
    %add3A_1110 = vector.broadcast %add3A_1109 : i32 to vector<16xi32>
    %add3A_1111 = arith.addi %get3A_1108, %add3A_1110 : vector<16xi32>
    %swap3A_1112 = arith.constant 2528 : index
    %swap3A_1113 = tpu.vector_load %arg6[%swap3A_1112] {strides = array<i32>} : memref<4096xi32, #tpu.memory_space<vmem>>, vector<16xi32>,
    tpu.vector_store %arg6[%swap3A_1112], %add3A_1111 {strides = array<i32>} : memref<4096xi32, #tpu.memory_space<vmem>>, vector<16xi32>,
    %get3A_1114 = arith.constant 496 : index
    %get3A_1115 = tpu.vector_load %arg5[%get3A_1114] {strides = array<i32>} : memref<512xi32, #tpu.memory_space<vmem>>, vector<16xi32>,
    %add3A_1116 = arith.constant 400000 : i32
    %add3A_1117 = vector.broadcast %add3A_1116 : i32 to vector<16xi32>
    %add3A_1118 = arith.addi %get3A_1115, %add3A_1117 : vector<16xi32>
    %swap3A_1119 = arith.constant 2544 : index
    %swap3A_1120 = tpu.vector_load %arg6[%swap3A_1119] {strides = array<i32>} : memref<4096xi32, #tpu.memory_space<vmem>>, vector<16xi32>,
    tpu.vector_store %arg6[%swap3A_1119], %add3A_1118 {strides = array<i32>} : memref<4096xi32, #tpu.memory_space<vmem>>, vector<16xi32>,
    %get3A_1121 = arith.constant 0 : index
    %get3A_1122 = tpu.vector_load %arg5[%get3A_1121] {strides = array<i32>} : memref<512xi32, #tpu.memory_space<vmem>>, vector<16xi32>,
    %add3A_1123 = arith.constant 500000 : i32
    %add3A_1124 = vector.broadcast %add3A_1123 : i32 to vector<16xi32>
    %add3A_1125 = arith.addi %get3A_1122, %add3A_1124 : vector<16xi32>
    %swap3A_1126 = arith.constant 2560 : index
    %swap3A_1127 = tpu.vector_load %arg6[%swap3A_1126] {strides = array<i32>} : memref<4096xi32, #tpu.memory_space<vmem>>, vector<16xi32>,
    tpu.vector_store %arg6[%swap3A_1126], %add3A_1125 {strides = array<i32>} : memref<4096xi32, #tpu.memory_space<vmem>>, vector<16xi32>,
    %get3A_1128 = arith.constant 16 : index
    %get3A_1129 = tpu.vector_load %arg5[%get3A_1128] {strides = array<i32>} : memref<512xi32, #tpu.memory_space<vmem>>, vector<16xi32>,
    %add3A_1130 = arith.constant 500000 : i32
    %add3A_1131 = vector.broadcast %add3A_1130 : i32 to vector<16xi32>
    %add3A_1132 = arith.addi %get3A_1129, %add3A_1131 : vector<16xi32>
    %swap3A_1133 = arith.constant 2576 : index
    %swap3A_1134 = tpu.vector_load %arg6[%swap3A_1133] {strides = array<i32>} : memref<4096xi32, #tpu.memory_space<vmem>>, vector<16xi32>,
    tpu.vector_store %arg6[%swap3A_1133], %add3A_1132 {strides = array<i32>} : memref<4096xi32, #tpu.memory_space<vmem>>, vector<16xi32>,
    %get3A_1135 = arith.constant 32 : index
    %get3A_1136 = tpu.vector_load %arg5[%get3A_1135] {strides = array<i32>} : memref<512xi32, #tpu.memory_space<vmem>>, vector<16xi32>,
    %add3A_1137 = arith.constant 500000 : i32
    %add3A_1138 = vector.broadcast %add3A_1137 : i32 to vector<16xi32>
    %add3A_1139 = arith.addi %get3A_1136, %add3A_1138 : vector<16xi32>
    %swap3A_1140 = arith.constant 2592 : index
    %swap3A_1141 = tpu.vector_load %arg6[%swap3A_1140] {strides = array<i32>} : memref<4096xi32, #tpu.memory_space<vmem>>, vector<16xi32>,
    tpu.vector_store %arg6[%swap3A_1140], %add3A_1139 {strides = array<i32>} : memref<4096xi32, #tpu.memory_space<vmem>>, vector<16xi32>,
    %get3A_1142 = arith.constant 48 : index
    %get3A_1143 = tpu.vector_load %arg5[%get3A_1142] {strides = array<i32>} : memref<512xi32, #tpu.memory_space<vmem>>, vector<16xi32>,
    %add3A_1144 = arith.constant 500000 : i32
    %add3A_1145 = vector.broadcast %add3A_1144 : i32 to vector<16xi32>
    %add3A_1146 = arith.addi %get3A_1143, %add3A_1145 : vector<16xi32>
    %swap3A_1147 = arith.constant 2608 : index
    %swap3A_1148 = tpu.vector_load %arg6[%swap3A_1147] {strides = array<i32>} : memref<4096xi32, #tpu.memory_space<vmem>>, vector<16xi32>,
    tpu.vector_store %arg6[%swap3A_1147], %add3A_1146 {strides = array<i32>} : memref<4096xi32, #tpu.memory_space<vmem>>, vector<16xi32>,
    %get3A_1149 = arith.constant 64 : index
    %get3A_1150 = tpu.vector_load %arg5[%get3A_1149] {strides = array<i32>} : memref<512xi32, #tpu.memory_space<vmem>>, vector<16xi32>,
    %add3A_1151 = arith.constant 500000 : i32
    %add3A_1152 = vector.broadcast %add3A_1151 : i32 to vector<16xi32>
    %add3A_1153 = arith.addi %get3A_1150, %add3A_1152 : vector<16xi32>
    %swap3A_1154 = arith.constant 2624 : index
    %swap3A_1155 = tpu.vector_load %arg6[%swap3A_1154] {strides = array<i32>} : memref<4096xi32, #tpu.memory_space<vmem>>, vector<16xi32>,
    tpu.vector_store %arg6[%swap3A_1154], %add3A_1153 {strides = array<i32>} : memref<4096xi32, #tpu.memory_space<vmem>>, vector<16xi32>,
    %get3A_1156 = arith.constant 80 : index
    %get3A_1157 = tpu.vector_load %arg5[%get3A_1156] {strides = array<i32>} : memref<512xi32, #tpu.memory_space<vmem>>, vector<16xi32>,
    %add3A_1158 = arith.constant 500000 : i32
    %add3A_1159 = vector.broadcast %add3A_1158 : i32 to vector<16xi32>
    %add3A_1160 = arith.addi %get3A_1157, %add3A_1159 : vector<16xi32>
    %swap3A_1161 = arith.constant 2640 : index
    %swap3A_1162 = tpu.vector_load %arg6[%swap3A_1161] {strides = array<i32>} : memref<4096xi32, #tpu.memory_space<vmem>>, vector<16xi32>,
    tpu.vector_store %arg6[%swap3A_1161], %add3A_1160 {strides = array<i32>} : memref<4096xi32, #tpu.memory_space<vmem>>, vector<16xi32>,
    %get3A_1163 = arith.constant 96 : index
    %get3A_1164 = tpu.vector_load %arg5[%get3A_1163] {strides = array<i32>} : memref<512xi32, #tpu.memory_space<vmem>>, vector<16xi32>,
    %add3A_1165 = arith.constant 500000 : i32
    %add3A_1166 = vector.broadcast %add3A_1165 : i32 to vector<16xi32>
    %add3A_1167 = arith.addi %get3A_1164, %add3A_1166 : vector<16xi32>
    %swap3A_1168 = arith.constant 2656 : index
    %swap3A_1169 = tpu.vector_load %arg6[%swap3A_1168] {strides = array<i32>} : memref<4096xi32, #tpu.memory_space<vmem>>, vector<16xi32>,
    tpu.vector_store %arg6[%swap3A_1168], %add3A_1167 {strides = array<i32>} : memref<4096xi32, #tpu.memory_space<vmem>>, vector<16xi32>,
    %get3A_1170 = arith.constant 112 : index
    %get3A_1171 = tpu.vector_load %arg5[%get3A_1170] {strides = array<i32>} : memref<512xi32, #tpu.memory_space<vmem>>, vector<16xi32>,
    %add3A_1172 = arith.constant 500000 : i32
    %add3A_1173 = vector.broadcast %add3A_1172 : i32 to vector<16xi32>
    %add3A_1174 = arith.addi %get3A_1171, %add3A_1173 : vector<16xi32>
    %swap3A_1175 = arith.constant 2672 : index
    %swap3A_1176 = tpu.vector_load %arg6[%swap3A_1175] {strides = array<i32>} : memref<4096xi32, #tpu.memory_space<vmem>>, vector<16xi32>,
    tpu.vector_store %arg6[%swap3A_1175], %add3A_1174 {strides = array<i32>} : memref<4096xi32, #tpu.memory_space<vmem>>, vector<16xi32>,
    %get3A_1177 = arith.constant 128 : index
    %get3A_1178 = tpu.vector_load %arg5[%get3A_1177] {strides = array<i32>} : memref<512xi32, #tpu.memory_space<vmem>>, vector<16xi32>,
    %add3A_1179 = arith.constant 500000 : i32
    %add3A_1180 = vector.broadcast %add3A_1179 : i32 to vector<16xi32>
    %add3A_1181 = arith.addi %get3A_1178, %add3A_1180 : vector<16xi32>
    %swap3A_1182 = arith.constant 2688 : index
    %swap3A_1183 = tpu.vector_load %arg6[%swap3A_1182] {strides = array<i32>} : memref<4096xi32, #tpu.memory_space<vmem>>, vector<16xi32>,
    tpu.vector_store %arg6[%swap3A_1182], %add3A_1181 {strides = array<i32>} : memref<4096xi32, #tpu.memory_space<vmem>>, vector<16xi32>,
    %get3A_1184 = arith.constant 144 : index
    %get3A_1185 = tpu.vector_load %arg5[%get3A_1184] {strides = array<i32>} : memref<512xi32, #tpu.memory_space<vmem>>, vector<16xi32>,
    %add3A_1186 = arith.constant 500000 : i32
    %add3A_1187 = vector.broadcast %add3A_1186 : i32 to vector<16xi32>
    %add3A_1188 = arith.addi %get3A_1185, %add3A_1187 : vector<16xi32>
    %swap3A_1189 = arith.constant 2704 : index
    %swap3A_1190 = tpu.vector_load %arg6[%swap3A_1189] {strides = array<i32>} : memref<4096xi32, #tpu.memory_space<vmem>>, vector<16xi32>,
    tpu.vector_store %arg6[%swap3A_1189], %add3A_1188 {strides = array<i32>} : memref<4096xi32, #tpu.memory_space<vmem>>, vector<16xi32>,
    %get3A_1191 = arith.constant 160 : index
    %get3A_1192 = tpu.vector_load %arg5[%get3A_1191] {strides = array<i32>} : memref<512xi32, #tpu.memory_space<vmem>>, vector<16xi32>,
    %add3A_1193 = arith.constant 500000 : i32
    %add3A_1194 = vector.broadcast %add3A_1193 : i32 to vector<16xi32>
    %add3A_1195 = arith.addi %get3A_1192, %add3A_1194 : vector<16xi32>
    %swap3A_1196 = arith.constant 2720 : index
    %swap3A_1197 = tpu.vector_load %arg6[%swap3A_1196] {strides = array<i32>} : memref<4096xi32, #tpu.memory_space<vmem>>, vector<16xi32>,
    tpu.vector_store %arg6[%swap3A_1196], %add3A_1195 {strides = array<i32>} : memref<4096xi32, #tpu.memory_space<vmem>>, vector<16xi32>,
    %get3A_1198 = arith.constant 176 : index
    %get3A_1199 = tpu.vector_load %arg5[%get3A_1198] {strides = array<i32>} : memref<512xi32, #tpu.memory_space<vmem>>, vector<16xi32>,
    %add3A_1200 = arith.constant 500000 : i32
    %add3A_1201 = vector.broadcast %add3A_1200 : i32 to vector<16xi32>
    %add3A_1202 = arith.addi %get3A_1199, %add3A_1201 : vector<16xi32>
    %swap3A_1203 = arith.constant 2736 : index
    %swap3A_1204 = tpu.vector_load %arg6[%swap3A_1203] {strides = array<i32>} : memref<4096xi32, #tpu.memory_space<vmem>>, vector<16xi32>,
    tpu.vector_store %arg6[%swap3A_1203], %add3A_1202 {strides = array<i32>} : memref<4096xi32, #tpu.memory_space<vmem>>, vector<16xi32>,
    %get3A_1205 = arith.constant 192 : index
    %get3A_1206 = tpu.vector_load %arg5[%get3A_1205] {strides = array<i32>} : memref<512xi32, #tpu.memory_space<vmem>>, vector<16xi32>,
    %add3A_1207 = arith.constant 500000 : i32
    %add3A_1208 = vector.broadcast %add3A_1207 : i32 to vector<16xi32>
    %add3A_1209 = arith.addi %get3A_1206, %add3A_1208 : vector<16xi32>
    %swap3A_1210 = arith.constant 2752 : index
    %swap3A_1211 = tpu.vector_load %arg6[%swap3A_1210] {strides = array<i32>} : memref<4096xi32, #tpu.memory_space<vmem>>, vector<16xi32>,
    tpu.vector_store %arg6[%swap3A_1210], %add3A_1209 {strides = array<i32>} : memref<4096xi32, #tpu.memory_space<vmem>>, vector<16xi32>,
    %get3A_1212 = arith.constant 208 : index
    %get3A_1213 = tpu.vector_load %arg5[%get3A_1212] {strides = array<i32>} : memref<512xi32, #tpu.memory_space<vmem>>, vector<16xi32>,
    %add3A_1214 = arith.constant 500000 : i32
    %add3A_1215 = vector.broadcast %add3A_1214 : i32 to vector<16xi32>
    %add3A_1216 = arith.addi %get3A_1213, %add3A_1215 : vector<16xi32>
    %swap3A_1217 = arith.constant 2768 : index
    %swap3A_1218 = tpu.vector_load %arg6[%swap3A_1217] {strides = array<i32>} : memref<4096xi32, #tpu.memory_space<vmem>>, vector<16xi32>,
    tpu.vector_store %arg6[%swap3A_1217], %add3A_1216 {strides = array<i32>} : memref<4096xi32, #tpu.memory_space<vmem>>, vector<16xi32>,
    %get3A_1219 = arith.constant 224 : index
    %get3A_1220 = tpu.vector_load %arg5[%get3A_1219] {strides = array<i32>} : memref<512xi32, #tpu.memory_space<vmem>>, vector<16xi32>,
    %add3A_1221 = arith.constant 500000 : i32
    %add3A_1222 = vector.broadcast %add3A_1221 : i32 to vector<16xi32>
    %add3A_1223 = arith.addi %get3A_1220, %add3A_1222 : vector<16xi32>
    %swap3A_1224 = arith.constant 2784 : index
    %swap3A_1225 = tpu.vector_load %arg6[%swap3A_1224] {strides = array<i32>} : memref<4096xi32, #tpu.memory_space<vmem>>, vector<16xi32>,
    tpu.vector_store %arg6[%swap3A_1224], %add3A_1223 {strides = array<i32>} : memref<4096xi32, #tpu.memory_space<vmem>>, vector<16xi32>,
    %get3A_1226 = arith.constant 240 : index
    %get3A_1227 = tpu.vector_load %arg5[%get3A_1226] {strides = array<i32>} : memref<512xi32, #tpu.memory_space<vmem>>, vector<16xi32>,
    %add3A_1228 = arith.constant 500000 : i32
    %add3A_1229 = vector.broadcast %add3A_1228 : i32 to vector<16xi32>
    %add3A_1230 = arith.addi %get3A_1227, %add3A_1229 : vector<16xi32>
    %swap3A_1231 = arith.constant 2800 : index
    %swap3A_1232 = tpu.vector_load %arg6[%swap3A_1231] {strides = array<i32>} : memref<4096xi32, #tpu.memory_space<vmem>>, vector<16xi32>,
    tpu.vector_store %arg6[%swap3A_1231], %add3A_1230 {strides = array<i32>} : memref<4096xi32, #tpu.memory_space<vmem>>, vector<16xi32>,
    %get3A_1233 = arith.constant 256 : index
    %get3A_1234 = tpu.vector_load %arg5[%get3A_1233] {strides = array<i32>} : memref<512xi32, #tpu.memory_space<vmem>>, vector<16xi32>,
    %add3A_1235 = arith.constant 500000 : i32
    %add3A_1236 = vector.broadcast %add3A_1235 : i32 to vector<16xi32>
    %add3A_1237 = arith.addi %get3A_1234, %add3A_1236 : vector<16xi32>
    %swap3A_1238 = arith.constant 2816 : index
    %swap3A_1239 = tpu.vector_load %arg6[%swap3A_1238] {strides = array<i32>} : memref<4096xi32, #tpu.memory_space<vmem>>, vector<16xi32>,
    tpu.vector_store %arg6[%swap3A_1238], %add3A_1237 {strides = array<i32>} : memref<4096xi32, #tpu.memory_space<vmem>>, vector<16xi32>,
    %get3A_1240 = arith.constant 272 : index
    %get3A_1241 = tpu.vector_load %arg5[%get3A_1240] {strides = array<i32>} : memref<512xi32, #tpu.memory_space<vmem>>, vector<16xi32>,
    %add3A_1242 = arith.constant 500000 : i32
    %add3A_1243 = vector.broadcast %add3A_1242 : i32 to vector<16xi32>
    %add3A_1244 = arith.addi %get3A_1241, %add3A_1243 : vector<16xi32>
    %swap3A_1245 = arith.constant 2832 : index
    %swap3A_1246 = tpu.vector_load %arg6[%swap3A_1245] {strides = array<i32>} : memref<4096xi32, #tpu.memory_space<vmem>>, vector<16xi32>,
    tpu.vector_store %arg6[%swap3A_1245], %add3A_1244 {strides = array<i32>} : memref<4096xi32, #tpu.memory_space<vmem>>, vector<16xi32>,
    %get3A_1247 = arith.constant 288 : index
    %get3A_1248 = tpu.vector_load %arg5[%get3A_1247] {strides = array<i32>} : memref<512xi32, #tpu.memory_space<vmem>>, vector<16xi32>,
    %add3A_1249 = arith.constant 500000 : i32
    %add3A_1250 = vector.broadcast %add3A_1249 : i32 to vector<16xi32>
    %add3A_1251 = arith.addi %get3A_1248, %add3A_1250 : vector<16xi32>
    %swap3A_1252 = arith.constant 2848 : index
    %swap3A_1253 = tpu.vector_load %arg6[%swap3A_1252] {strides = array<i32>} : memref<4096xi32, #tpu.memory_space<vmem>>, vector<16xi32>,
    tpu.vector_store %arg6[%swap3A_1252], %add3A_1251 {strides = array<i32>} : memref<4096xi32, #tpu.memory_space<vmem>>, vector<16xi32>,
    %get3A_1254 = arith.constant 304 : index
    %get3A_1255 = tpu.vector_load %arg5[%get3A_1254] {strides = array<i32>} : memref<512xi32, #tpu.memory_space<vmem>>, vector<16xi32>,
    %add3A_1256 = arith.constant 500000 : i32
    %add3A_1257 = vector.broadcast %add3A_1256 : i32 to vector<16xi32>
    %add3A_1258 = arith.addi %get3A_1255, %add3A_1257 : vector<16xi32>
    %swap3A_1259 = arith.constant 2864 : index
    %swap3A_1260 = tpu.vector_load %arg6[%swap3A_1259] {strides = array<i32>} : memref<4096xi32, #tpu.memory_space<vmem>>, vector<16xi32>,
    tpu.vector_store %arg6[%swap3A_1259], %add3A_1258 {strides = array<i32>} : memref<4096xi32, #tpu.memory_space<vmem>>, vector<16xi32>,
    %get3A_1261 = arith.constant 320 : index
    %get3A_1262 = tpu.vector_load %arg5[%get3A_1261] {strides = array<i32>} : memref<512xi32, #tpu.memory_space<vmem>>, vector<16xi32>,
    %add3A_1263 = arith.constant 500000 : i32
    %add3A_1264 = vector.broadcast %add3A_1263 : i32 to vector<16xi32>
    %add3A_1265 = arith.addi %get3A_1262, %add3A_1264 : vector<16xi32>
    %swap3A_1266 = arith.constant 2880 : index
    %swap3A_1267 = tpu.vector_load %arg6[%swap3A_1266] {strides = array<i32>} : memref<4096xi32, #tpu.memory_space<vmem>>, vector<16xi32>,
    tpu.vector_store %arg6[%swap3A_1266], %add3A_1265 {strides = array<i32>} : memref<4096xi32, #tpu.memory_space<vmem>>, vector<16xi32>,
    %get3A_1268 = arith.constant 336 : index
    %get3A_1269 = tpu.vector_load %arg5[%get3A_1268] {strides = array<i32>} : memref<512xi32, #tpu.memory_space<vmem>>, vector<16xi32>,
    %add3A_1270 = arith.constant 500000 : i32
    %add3A_1271 = vector.broadcast %add3A_1270 : i32 to vector<16xi32>
    %add3A_1272 = arith.addi %get3A_1269, %add3A_1271 : vector<16xi32>
    %swap3A_1273 = arith.constant 2896 : index
    %swap3A_1274 = tpu.vector_load %arg6[%swap3A_1273] {strides = array<i32>} : memref<4096xi32, #tpu.memory_space<vmem>>, vector<16xi32>,
    tpu.vector_store %arg6[%swap3A_1273], %add3A_1272 {strides = array<i32>} : memref<4096xi32, #tpu.memory_space<vmem>>, vector<16xi32>,
    %get3A_1275 = arith.constant 352 : index
    %get3A_1276 = tpu.vector_load %arg5[%get3A_1275] {strides = array<i32>} : memref<512xi32, #tpu.memory_space<vmem>>, vector<16xi32>,
    %add3A_1277 = arith.constant 500000 : i32
    %add3A_1278 = vector.broadcast %add3A_1277 : i32 to vector<16xi32>
    %add3A_1279 = arith.addi %get3A_1276, %add3A_1278 : vector<16xi32>
    %swap3A_1280 = arith.constant 2912 : index
    %swap3A_1281 = tpu.vector_load %arg6[%swap3A_1280] {strides = array<i32>} : memref<4096xi32, #tpu.memory_space<vmem>>, vector<16xi32>,
    tpu.vector_store %arg6[%swap3A_1280], %add3A_1279 {strides = array<i32>} : memref<4096xi32, #tpu.memory_space<vmem>>, vector<16xi32>,
    %get3A_1282 = arith.constant 368 : index
    %get3A_1283 = tpu.vector_load %arg5[%get3A_1282] {strides = array<i32>} : memref<512xi32, #tpu.memory_space<vmem>>, vector<16xi32>,
    %add3A_1284 = arith.constant 500000 : i32
    %add3A_1285 = vector.broadcast %add3A_1284 : i32 to vector<16xi32>
    %add3A_1286 = arith.addi %get3A_1283, %add3A_1285 : vector<16xi32>
    %swap3A_1287 = arith.constant 2928 : index
    %swap3A_1288 = tpu.vector_load %arg6[%swap3A_1287] {strides = array<i32>} : memref<4096xi32, #tpu.memory_space<vmem>>, vector<16xi32>,
    tpu.vector_store %arg6[%swap3A_1287], %add3A_1286 {strides = array<i32>} : memref<4096xi32, #tpu.memory_space<vmem>>, vector<16xi32>,
    %get3A_1289 = arith.constant 384 : index
    %get3A_1290 = tpu.vector_load %arg5[%get3A_1289] {strides = array<i32>} : memref<512xi32, #tpu.memory_space<vmem>>, vector<16xi32>,
    %add3A_1291 = arith.constant 500000 : i32
    %add3A_1292 = vector.broadcast %add3A_1291 : i32 to vector<16xi32>
    %add3A_1293 = arith.addi %get3A_1290, %add3A_1292 : vector<16xi32>
    %swap3A_1294 = arith.constant 2944 : index
    %swap3A_1295 = tpu.vector_load %arg6[%swap3A_1294] {strides = array<i32>} : memref<4096xi32, #tpu.memory_space<vmem>>, vector<16xi32>,
    tpu.vector_store %arg6[%swap3A_1294], %add3A_1293 {strides = array<i32>} : memref<4096xi32, #tpu.memory_space<vmem>>, vector<16xi32>,
    %get3A_1296 = arith.constant 400 : index
    %get3A_1297 = tpu.vector_load %arg5[%get3A_1296] {strides = array<i32>} : memref<512xi32, #tpu.memory_space<vmem>>, vector<16xi32>,
    %add3A_1298 = arith.constant 500000 : i32
    %add3A_1299 = vector.broadcast %add3A_1298 : i32 to vector<16xi32>
    %add3A_1300 = arith.addi %get3A_1297, %add3A_1299 : vector<16xi32>
    %swap3A_1301 = arith.constant 2960 : index
    %swap3A_1302 = tpu.vector_load %arg6[%swap3A_1301] {strides = array<i32>} : memref<4096xi32, #tpu.memory_space<vmem>>, vector<16xi32>,
    tpu.vector_store %arg6[%swap3A_1301], %add3A_1300 {strides = array<i32>} : memref<4096xi32, #tpu.memory_space<vmem>>, vector<16xi32>,
    %get3A_1303 = arith.constant 416 : index
    %get3A_1304 = tpu.vector_load %arg5[%get3A_1303] {strides = array<i32>} : memref<512xi32, #tpu.memory_space<vmem>>, vector<16xi32>,
    %add3A_1305 = arith.constant 500000 : i32
    %add3A_1306 = vector.broadcast %add3A_1305 : i32 to vector<16xi32>
    %add3A_1307 = arith.addi %get3A_1304, %add3A_1306 : vector<16xi32>
    %swap3A_1308 = arith.constant 2976 : index
    %swap3A_1309 = tpu.vector_load %arg6[%swap3A_1308] {strides = array<i32>} : memref<4096xi32, #tpu.memory_space<vmem>>, vector<16xi32>,
    tpu.vector_store %arg6[%swap3A_1308], %add3A_1307 {strides = array<i32>} : memref<4096xi32, #tpu.memory_space<vmem>>, vector<16xi32>,
    %get3A_1310 = arith.constant 432 : index
    %get3A_1311 = tpu.vector_load %arg5[%get3A_1310] {strides = array<i32>} : memref<512xi32, #tpu.memory_space<vmem>>, vector<16xi32>,
    %add3A_1312 = arith.constant 500000 : i32
    %add3A_1313 = vector.broadcast %add3A_1312 : i32 to vector<16xi32>
    %add3A_1314 = arith.addi %get3A_1311, %add3A_1313 : vector<16xi32>
    %swap3A_1315 = arith.constant 2992 : index
    %swap3A_1316 = tpu.vector_load %arg6[%swap3A_1315] {strides = array<i32>} : memref<4096xi32, #tpu.memory_space<vmem>>, vector<16xi32>,
    tpu.vector_store %arg6[%swap3A_1315], %add3A_1314 {strides = array<i32>} : memref<4096xi32, #tpu.memory_space<vmem>>, vector<16xi32>,
    %get3A_1317 = arith.constant 448 : index
    %get3A_1318 = tpu.vector_load %arg5[%get3A_1317] {strides = array<i32>} : memref<512xi32, #tpu.memory_space<vmem>>, vector<16xi32>,
    %add3A_1319 = arith.constant 500000 : i32
    %add3A_1320 = vector.broadcast %add3A_1319 : i32 to vector<16xi32>
    %add3A_1321 = arith.addi %get3A_1318, %add3A_1320 : vector<16xi32>
    %swap3A_1322 = arith.constant 3008 : index
    %swap3A_1323 = tpu.vector_load %arg6[%swap3A_1322] {strides = array<i32>} : memref<4096xi32, #tpu.memory_space<vmem>>, vector<16xi32>,
    tpu.vector_store %arg6[%swap3A_1322], %add3A_1321 {strides = array<i32>} : memref<4096xi32, #tpu.memory_space<vmem>>, vector<16xi32>,
    %get3A_1324 = arith.constant 464 : index
    %get3A_1325 = tpu.vector_load %arg5[%get3A_1324] {strides = array<i32>} : memref<512xi32, #tpu.memory_space<vmem>>, vector<16xi32>,
    %add3A_1326 = arith.constant 500000 : i32
    %add3A_1327 = vector.broadcast %add3A_1326 : i32 to vector<16xi32>
    %add3A_1328 = arith.addi %get3A_1325, %add3A_1327 : vector<16xi32>
    %swap3A_1329 = arith.constant 3024 : index
    %swap3A_1330 = tpu.vector_load %arg6[%swap3A_1329] {strides = array<i32>} : memref<4096xi32, #tpu.memory_space<vmem>>, vector<16xi32>,
    tpu.vector_store %arg6[%swap3A_1329], %add3A_1328 {strides = array<i32>} : memref<4096xi32, #tpu.memory_space<vmem>>, vector<16xi32>,
    %get3A_1331 = arith.constant 480 : index
    %get3A_1332 = tpu.vector_load %arg5[%get3A_1331] {strides = array<i32>} : memref<512xi32, #tpu.memory_space<vmem>>, vector<16xi32>,
    %add3A_1333 = arith.constant 500000 : i32
    %add3A_1334 = vector.broadcast %add3A_1333 : i32 to vector<16xi32>
    %add3A_1335 = arith.addi %get3A_1332, %add3A_1334 : vector<16xi32>
    %swap3A_1336 = arith.constant 3040 : index
    %swap3A_1337 = tpu.vector_load %arg6[%swap3A_1336] {strides = array<i32>} : memref<4096xi32, #tpu.memory_space<vmem>>, vector<16xi32>,
    tpu.vector_store %arg6[%swap3A_1336], %add3A_1335 {strides = array<i32>} : memref<4096xi32, #tpu.memory_space<vmem>>, vector<16xi32>,
    %get3A_1338 = arith.constant 496 : index
    %get3A_1339 = tpu.vector_load %arg5[%get3A_1338] {strides = array<i32>} : memref<512xi32, #tpu.memory_space<vmem>>, vector<16xi32>,
    %add3A_1340 = arith.constant 500000 : i32
    %add3A_1341 = vector.broadcast %add3A_1340 : i32 to vector<16xi32>
    %add3A_1342 = arith.addi %get3A_1339, %add3A_1341 : vector<16xi32>
    %swap3A_1343 = arith.constant 3056 : index
    %swap3A_1344 = tpu.vector_load %arg6[%swap3A_1343] {strides = array<i32>} : memref<4096xi32, #tpu.memory_space<vmem>>, vector<16xi32>,
    tpu.vector_store %arg6[%swap3A_1343], %add3A_1342 {strides = array<i32>} : memref<4096xi32, #tpu.memory_space<vmem>>, vector<16xi32>,
    %get3A_1345 = arith.constant 0 : index
    %get3A_1346 = tpu.vector_load %arg5[%get3A_1345] {strides = array<i32>} : memref<512xi32, #tpu.memory_space<vmem>>, vector<16xi32>,
    %add3A_1347 = arith.constant 600000 : i32
    %add3A_1348 = vector.broadcast %add3A_1347 : i32 to vector<16xi32>
    %add3A_1349 = arith.addi %get3A_1346, %add3A_1348 : vector<16xi32>
    %swap3A_1350 = arith.constant 3072 : index
    %swap3A_1351 = tpu.vector_load %arg6[%swap3A_1350] {strides = array<i32>} : memref<4096xi32, #tpu.memory_space<vmem>>, vector<16xi32>,
    tpu.vector_store %arg6[%swap3A_1350], %add3A_1349 {strides = array<i32>} : memref<4096xi32, #tpu.memory_space<vmem>>, vector<16xi32>,
    %get3A_1352 = arith.constant 16 : index
    %get3A_1353 = tpu.vector_load %arg5[%get3A_1352] {strides = array<i32>} : memref<512xi32, #tpu.memory_space<vmem>>, vector<16xi32>,
    %add3A_1354 = arith.constant 600000 : i32
    %add3A_1355 = vector.broadcast %add3A_1354 : i32 to vector<16xi32>
    %add3A_1356 = arith.addi %get3A_1353, %add3A_1355 : vector<16xi32>
    %swap3A_1357 = arith.constant 3088 : index
    %swap3A_1358 = tpu.vector_load %arg6[%swap3A_1357] {strides = array<i32>} : memref<4096xi32, #tpu.memory_space<vmem>>, vector<16xi32>,
    tpu.vector_store %arg6[%swap3A_1357], %add3A_1356 {strides = array<i32>} : memref<4096xi32, #tpu.memory_space<vmem>>, vector<16xi32>,
    %get3A_1359 = arith.constant 32 : index
    %get3A_1360 = tpu.vector_load %arg5[%get3A_1359] {strides = array<i32>} : memref<512xi32, #tpu.memory_space<vmem>>, vector<16xi32>,
    %add3A_1361 = arith.constant 600000 : i32
    %add3A_1362 = vector.broadcast %add3A_1361 : i32 to vector<16xi32>
    %add3A_1363 = arith.addi %get3A_1360, %add3A_1362 : vector<16xi32>
    %swap3A_1364 = arith.constant 3104 : index
    %swap3A_1365 = tpu.vector_load %arg6[%swap3A_1364] {strides = array<i32>} : memref<4096xi32, #tpu.memory_space<vmem>>, vector<16xi32>,
    tpu.vector_store %arg6[%swap3A_1364], %add3A_1363 {strides = array<i32>} : memref<4096xi32, #tpu.memory_space<vmem>>, vector<16xi32>,
    %get3A_1366 = arith.constant 48 : index
    %get3A_1367 = tpu.vector_load %arg5[%get3A_1366] {strides = array<i32>} : memref<512xi32, #tpu.memory_space<vmem>>, vector<16xi32>,
    %add3A_1368 = arith.constant 600000 : i32
    %add3A_1369 = vector.broadcast %add3A_1368 : i32 to vector<16xi32>
    %add3A_1370 = arith.addi %get3A_1367, %add3A_1369 : vector<16xi32>
    %swap3A_1371 = arith.constant 3120 : index
    %swap3A_1372 = tpu.vector_load %arg6[%swap3A_1371] {strides = array<i32>} : memref<4096xi32, #tpu.memory_space<vmem>>, vector<16xi32>,
    tpu.vector_store %arg6[%swap3A_1371], %add3A_1370 {strides = array<i32>} : memref<4096xi32, #tpu.memory_space<vmem>>, vector<16xi32>,
    %get3A_1373 = arith.constant 64 : index
    %get3A_1374 = tpu.vector_load %arg5[%get3A_1373] {strides = array<i32>} : memref<512xi32, #tpu.memory_space<vmem>>, vector<16xi32>,
    %add3A_1375 = arith.constant 600000 : i32
    %add3A_1376 = vector.broadcast %add3A_1375 : i32 to vector<16xi32>
    %add3A_1377 = arith.addi %get3A_1374, %add3A_1376 : vector<16xi32>
    %swap3A_1378 = arith.constant 3136 : index
    %swap3A_1379 = tpu.vector_load %arg6[%swap3A_1378] {strides = array<i32>} : memref<4096xi32, #tpu.memory_space<vmem>>, vector<16xi32>,
    tpu.vector_store %arg6[%swap3A_1378], %add3A_1377 {strides = array<i32>} : memref<4096xi32, #tpu.memory_space<vmem>>, vector<16xi32>,
    %get3A_1380 = arith.constant 80 : index
    %get3A_1381 = tpu.vector_load %arg5[%get3A_1380] {strides = array<i32>} : memref<512xi32, #tpu.memory_space<vmem>>, vector<16xi32>,
    %add3A_1382 = arith.constant 600000 : i32
    %add3A_1383 = vector.broadcast %add3A_1382 : i32 to vector<16xi32>
    %add3A_1384 = arith.addi %get3A_1381, %add3A_1383 : vector<16xi32>
    %swap3A_1385 = arith.constant 3152 : index
    %swap3A_1386 = tpu.vector_load %arg6[%swap3A_1385] {strides = array<i32>} : memref<4096xi32, #tpu.memory_space<vmem>>, vector<16xi32>,
    tpu.vector_store %arg6[%swap3A_1385], %add3A_1384 {strides = array<i32>} : memref<4096xi32, #tpu.memory_space<vmem>>, vector<16xi32>,
    %get3A_1387 = arith.constant 96 : index
    %get3A_1388 = tpu.vector_load %arg5[%get3A_1387] {strides = array<i32>} : memref<512xi32, #tpu.memory_space<vmem>>, vector<16xi32>,
    %add3A_1389 = arith.constant 600000 : i32
    %add3A_1390 = vector.broadcast %add3A_1389 : i32 to vector<16xi32>
    %add3A_1391 = arith.addi %get3A_1388, %add3A_1390 : vector<16xi32>
    %swap3A_1392 = arith.constant 3168 : index
    %swap3A_1393 = tpu.vector_load %arg6[%swap3A_1392] {strides = array<i32>} : memref<4096xi32, #tpu.memory_space<vmem>>, vector<16xi32>,
    tpu.vector_store %arg6[%swap3A_1392], %add3A_1391 {strides = array<i32>} : memref<4096xi32, #tpu.memory_space<vmem>>, vector<16xi32>,
    %get3A_1394 = arith.constant 112 : index
    %get3A_1395 = tpu.vector_load %arg5[%get3A_1394] {strides = array<i32>} : memref<512xi32, #tpu.memory_space<vmem>>, vector<16xi32>,
    %add3A_1396 = arith.constant 600000 : i32
    %add3A_1397 = vector.broadcast %add3A_1396 : i32 to vector<16xi32>
    %add3A_1398 = arith.addi %get3A_1395, %add3A_1397 : vector<16xi32>
    %swap3A_1399 = arith.constant 3184 : index
    %swap3A_1400 = tpu.vector_load %arg6[%swap3A_1399] {strides = array<i32>} : memref<4096xi32, #tpu.memory_space<vmem>>, vector<16xi32>,
    tpu.vector_store %arg6[%swap3A_1399], %add3A_1398 {strides = array<i32>} : memref<4096xi32, #tpu.memory_space<vmem>>, vector<16xi32>,
    %get3A_1401 = arith.constant 128 : index
    %get3A_1402 = tpu.vector_load %arg5[%get3A_1401] {strides = array<i32>} : memref<512xi32, #tpu.memory_space<vmem>>, vector<16xi32>,
    %add3A_1403 = arith.constant 600000 : i32
    %add3A_1404 = vector.broadcast %add3A_1403 : i32 to vector<16xi32>
    %add3A_1405 = arith.addi %get3A_1402, %add3A_1404 : vector<16xi32>
    %swap3A_1406 = arith.constant 3200 : index
    %swap3A_1407 = tpu.vector_load %arg6[%swap3A_1406] {strides = array<i32>} : memref<4096xi32, #tpu.memory_space<vmem>>, vector<16xi32>,
    tpu.vector_store %arg6[%swap3A_1406], %add3A_1405 {strides = array<i32>} : memref<4096xi32, #tpu.memory_space<vmem>>, vector<16xi32>,
    %get3A_1408 = arith.constant 144 : index
    %get3A_1409 = tpu.vector_load %arg5[%get3A_1408] {strides = array<i32>} : memref<512xi32, #tpu.memory_space<vmem>>, vector<16xi32>,
    %add3A_1410 = arith.constant 600000 : i32
    %add3A_1411 = vector.broadcast %add3A_1410 : i32 to vector<16xi32>
    %add3A_1412 = arith.addi %get3A_1409, %add3A_1411 : vector<16xi32>
    %swap3A_1413 = arith.constant 3216 : index
    %swap3A_1414 = tpu.vector_load %arg6[%swap3A_1413] {strides = array<i32>} : memref<4096xi32, #tpu.memory_space<vmem>>, vector<16xi32>,
    tpu.vector_store %arg6[%swap3A_1413], %add3A_1412 {strides = array<i32>} : memref<4096xi32, #tpu.memory_space<vmem>>, vector<16xi32>,
    %get3A_1415 = arith.constant 160 : index
    %get3A_1416 = tpu.vector_load %arg5[%get3A_1415] {strides = array<i32>} : memref<512xi32, #tpu.memory_space<vmem>>, vector<16xi32>,
    %add3A_1417 = arith.constant 600000 : i32
    %add3A_1418 = vector.broadcast %add3A_1417 : i32 to vector<16xi32>
    %add3A_1419 = arith.addi %get3A_1416, %add3A_1418 : vector<16xi32>
    %swap3A_1420 = arith.constant 3232 : index
    %swap3A_1421 = tpu.vector_load %arg6[%swap3A_1420] {strides = array<i32>} : memref<4096xi32, #tpu.memory_space<vmem>>, vector<16xi32>,
    tpu.vector_store %arg6[%swap3A_1420], %add3A_1419 {strides = array<i32>} : memref<4096xi32, #tpu.memory_space<vmem>>, vector<16xi32>,
    %get3A_1422 = arith.constant 176 : index
    %get3A_1423 = tpu.vector_load %arg5[%get3A_1422] {strides = array<i32>} : memref<512xi32, #tpu.memory_space<vmem>>, vector<16xi32>,
    %add3A_1424 = arith.constant 600000 : i32
    %add3A_1425 = vector.broadcast %add3A_1424 : i32 to vector<16xi32>
    %add3A_1426 = arith.addi %get3A_1423, %add3A_1425 : vector<16xi32>
    %swap3A_1427 = arith.constant 3248 : index
    %swap3A_1428 = tpu.vector_load %arg6[%swap3A_1427] {strides = array<i32>} : memref<4096xi32, #tpu.memory_space<vmem>>, vector<16xi32>,
    tpu.vector_store %arg6[%swap3A_1427], %add3A_1426 {strides = array<i32>} : memref<4096xi32, #tpu.memory_space<vmem>>, vector<16xi32>,
    %get3A_1429 = arith.constant 192 : index
    %get3A_1430 = tpu.vector_load %arg5[%get3A_1429] {strides = array<i32>} : memref<512xi32, #tpu.memory_space<vmem>>, vector<16xi32>,
    %add3A_1431 = arith.constant 600000 : i32
    %add3A_1432 = vector.broadcast %add3A_1431 : i32 to vector<16xi32>
    %add3A_1433 = arith.addi %get3A_1430, %add3A_1432 : vector<16xi32>
    %swap3A_1434 = arith.constant 3264 : index
    %swap3A_1435 = tpu.vector_load %arg6[%swap3A_1434] {strides = array<i32>} : memref<4096xi32, #tpu.memory_space<vmem>>, vector<16xi32>,
    tpu.vector_store %arg6[%swap3A_1434], %add3A_1433 {strides = array<i32>} : memref<4096xi32, #tpu.memory_space<vmem>>, vector<16xi32>,
    %get3A_1436 = arith.constant 208 : index
    %get3A_1437 = tpu.vector_load %arg5[%get3A_1436] {strides = array<i32>} : memref<512xi32, #tpu.memory_space<vmem>>, vector<16xi32>,
    %add3A_1438 = arith.constant 600000 : i32
    %add3A_1439 = vector.broadcast %add3A_1438 : i32 to vector<16xi32>
    %add3A_1440 = arith.addi %get3A_1437, %add3A_1439 : vector<16xi32>
    %swap3A_1441 = arith.constant 3280 : index
    %swap3A_1442 = tpu.vector_load %arg6[%swap3A_1441] {strides = array<i32>} : memref<4096xi32, #tpu.memory_space<vmem>>, vector<16xi32>,
    tpu.vector_store %arg6[%swap3A_1441], %add3A_1440 {strides = array<i32>} : memref<4096xi32, #tpu.memory_space<vmem>>, vector<16xi32>,
    %get3A_1443 = arith.constant 224 : index
    %get3A_1444 = tpu.vector_load %arg5[%get3A_1443] {strides = array<i32>} : memref<512xi32, #tpu.memory_space<vmem>>, vector<16xi32>,
    %add3A_1445 = arith.constant 600000 : i32
    %add3A_1446 = vector.broadcast %add3A_1445 : i32 to vector<16xi32>
    %add3A_1447 = arith.addi %get3A_1444, %add3A_1446 : vector<16xi32>
    %swap3A_1448 = arith.constant 3296 : index
    %swap3A_1449 = tpu.vector_load %arg6[%swap3A_1448] {strides = array<i32>} : memref<4096xi32, #tpu.memory_space<vmem>>, vector<16xi32>,
    tpu.vector_store %arg6[%swap3A_1448], %add3A_1447 {strides = array<i32>} : memref<4096xi32, #tpu.memory_space<vmem>>, vector<16xi32>,
    %get3A_1450 = arith.constant 240 : index
    %get3A_1451 = tpu.vector_load %arg5[%get3A_1450] {strides = array<i32>} : memref<512xi32, #tpu.memory_space<vmem>>, vector<16xi32>,
    %add3A_1452 = arith.constant 600000 : i32
    %add3A_1453 = vector.broadcast %add3A_1452 : i32 to vector<16xi32>
    %add3A_1454 = arith.addi %get3A_1451, %add3A_1453 : vector<16xi32>
    %swap3A_1455 = arith.constant 3312 : index
    %swap3A_1456 = tpu.vector_load %arg6[%swap3A_1455] {strides = array<i32>} : memref<4096xi32, #tpu.memory_space<vmem>>, vector<16xi32>,
    tpu.vector_store %arg6[%swap3A_1455], %add3A_1454 {strides = array<i32>} : memref<4096xi32, #tpu.memory_space<vmem>>, vector<16xi32>,
    %get3A_1457 = arith.constant 256 : index
    %get3A_1458 = tpu.vector_load %arg5[%get3A_1457] {strides = array<i32>} : memref<512xi32, #tpu.memory_space<vmem>>, vector<16xi32>,
    %add3A_1459 = arith.constant 600000 : i32
    %add3A_1460 = vector.broadcast %add3A_1459 : i32 to vector<16xi32>
    %add3A_1461 = arith.addi %get3A_1458, %add3A_1460 : vector<16xi32>
    %swap3A_1462 = arith.constant 3328 : index
    %swap3A_1463 = tpu.vector_load %arg6[%swap3A_1462] {strides = array<i32>} : memref<4096xi32, #tpu.memory_space<vmem>>, vector<16xi32>,
    tpu.vector_store %arg6[%swap3A_1462], %add3A_1461 {strides = array<i32>} : memref<4096xi32, #tpu.memory_space<vmem>>, vector<16xi32>,
    %get3A_1464 = arith.constant 272 : index
    %get3A_1465 = tpu.vector_load %arg5[%get3A_1464] {strides = array<i32>} : memref<512xi32, #tpu.memory_space<vmem>>, vector<16xi32>,
    %add3A_1466 = arith.constant 600000 : i32
    %add3A_1467 = vector.broadcast %add3A_1466 : i32 to vector<16xi32>
    %add3A_1468 = arith.addi %get3A_1465, %add3A_1467 : vector<16xi32>
    %swap3A_1469 = arith.constant 3344 : index
    %swap3A_1470 = tpu.vector_load %arg6[%swap3A_1469] {strides = array<i32>} : memref<4096xi32, #tpu.memory_space<vmem>>, vector<16xi32>,
    tpu.vector_store %arg6[%swap3A_1469], %add3A_1468 {strides = array<i32>} : memref<4096xi32, #tpu.memory_space<vmem>>, vector<16xi32>,
    %get3A_1471 = arith.constant 288 : index
    %get3A_1472 = tpu.vector_load %arg5[%get3A_1471] {strides = array<i32>} : memref<512xi32, #tpu.memory_space<vmem>>, vector<16xi32>,
    %add3A_1473 = arith.constant 600000 : i32
    %add3A_1474 = vector.broadcast %add3A_1473 : i32 to vector<16xi32>
    %add3A_1475 = arith.addi %get3A_1472, %add3A_1474 : vector<16xi32>
    %swap3A_1476 = arith.constant 3360 : index
    %swap3A_1477 = tpu.vector_load %arg6[%swap3A_1476] {strides = array<i32>} : memref<4096xi32, #tpu.memory_space<vmem>>, vector<16xi32>,
    tpu.vector_store %arg6[%swap3A_1476], %add3A_1475 {strides = array<i32>} : memref<4096xi32, #tpu.memory_space<vmem>>, vector<16xi32>,
    %get3A_1478 = arith.constant 304 : index
    %get3A_1479 = tpu.vector_load %arg5[%get3A_1478] {strides = array<i32>} : memref<512xi32, #tpu.memory_space<vmem>>, vector<16xi32>,
    %add3A_1480 = arith.constant 600000 : i32
    %add3A_1481 = vector.broadcast %add3A_1480 : i32 to vector<16xi32>
    %add3A_1482 = arith.addi %get3A_1479, %add3A_1481 : vector<16xi32>
    %swap3A_1483 = arith.constant 3376 : index
    %swap3A_1484 = tpu.vector_load %arg6[%swap3A_1483] {strides = array<i32>} : memref<4096xi32, #tpu.memory_space<vmem>>, vector<16xi32>,
    tpu.vector_store %arg6[%swap3A_1483], %add3A_1482 {strides = array<i32>} : memref<4096xi32, #tpu.memory_space<vmem>>, vector<16xi32>,
    %get3A_1485 = arith.constant 320 : index
    %get3A_1486 = tpu.vector_load %arg5[%get3A_1485] {strides = array<i32>} : memref<512xi32, #tpu.memory_space<vmem>>, vector<16xi32>,
    %add3A_1487 = arith.constant 600000 : i32
    %add3A_1488 = vector.broadcast %add3A_1487 : i32 to vector<16xi32>
    %add3A_1489 = arith.addi %get3A_1486, %add3A_1488 : vector<16xi32>
    %swap3A_1490 = arith.constant 3392 : index
    %swap3A_1491 = tpu.vector_load %arg6[%swap3A_1490] {strides = array<i32>} : memref<4096xi32, #tpu.memory_space<vmem>>, vector<16xi32>,
    tpu.vector_store %arg6[%swap3A_1490], %add3A_1489 {strides = array<i32>} : memref<4096xi32, #tpu.memory_space<vmem>>, vector<16xi32>,
    %get3A_1492 = arith.constant 336 : index
    %get3A_1493 = tpu.vector_load %arg5[%get3A_1492] {strides = array<i32>} : memref<512xi32, #tpu.memory_space<vmem>>, vector<16xi32>,
    %add3A_1494 = arith.constant 600000 : i32
    %add3A_1495 = vector.broadcast %add3A_1494 : i32 to vector<16xi32>
    %add3A_1496 = arith.addi %get3A_1493, %add3A_1495 : vector<16xi32>
    %swap3A_1497 = arith.constant 3408 : index
    %swap3A_1498 = tpu.vector_load %arg6[%swap3A_1497] {strides = array<i32>} : memref<4096xi32, #tpu.memory_space<vmem>>, vector<16xi32>,
    tpu.vector_store %arg6[%swap3A_1497], %add3A_1496 {strides = array<i32>} : memref<4096xi32, #tpu.memory_space<vmem>>, vector<16xi32>,
    %get3A_1499 = arith.constant 352 : index
    %get3A_1500 = tpu.vector_load %arg5[%get3A_1499] {strides = array<i32>} : memref<512xi32, #tpu.memory_space<vmem>>, vector<16xi32>,
    %add3A_1501 = arith.constant 600000 : i32
    %add3A_1502 = vector.broadcast %add3A_1501 : i32 to vector<16xi32>
    %add3A_1503 = arith.addi %get3A_1500, %add3A_1502 : vector<16xi32>
    %swap3A_1504 = arith.constant 3424 : index
    %swap3A_1505 = tpu.vector_load %arg6[%swap3A_1504] {strides = array<i32>} : memref<4096xi32, #tpu.memory_space<vmem>>, vector<16xi32>,
    tpu.vector_store %arg6[%swap3A_1504], %add3A_1503 {strides = array<i32>} : memref<4096xi32, #tpu.memory_space<vmem>>, vector<16xi32>,
    %get3A_1506 = arith.constant 368 : index
    %get3A_1507 = tpu.vector_load %arg5[%get3A_1506] {strides = array<i32>} : memref<512xi32, #tpu.memory_space<vmem>>, vector<16xi32>,
    %add3A_1508 = arith.constant 600000 : i32
    %add3A_1509 = vector.broadcast %add3A_1508 : i32 to vector<16xi32>
    %add3A_1510 = arith.addi %get3A_1507, %add3A_1509 : vector<16xi32>
    %swap3A_1511 = arith.constant 3440 : index
    %swap3A_1512 = tpu.vector_load %arg6[%swap3A_1511] {strides = array<i32>} : memref<4096xi32, #tpu.memory_space<vmem>>, vector<16xi32>,
    tpu.vector_store %arg6[%swap3A_1511], %add3A_1510 {strides = array<i32>} : memref<4096xi32, #tpu.memory_space<vmem>>, vector<16xi32>,
    %get3A_1513 = arith.constant 384 : index
    %get3A_1514 = tpu.vector_load %arg5[%get3A_1513] {strides = array<i32>} : memref<512xi32, #tpu.memory_space<vmem>>, vector<16xi32>,
    %add3A_1515 = arith.constant 600000 : i32
    %add3A_1516 = vector.broadcast %add3A_1515 : i32 to vector<16xi32>
    %add3A_1517 = arith.addi %get3A_1514, %add3A_1516 : vector<16xi32>
    %swap3A_1518 = arith.constant 3456 : index
    %swap3A_1519 = tpu.vector_load %arg6[%swap3A_1518] {strides = array<i32>} : memref<4096xi32, #tpu.memory_space<vmem>>, vector<16xi32>,
    tpu.vector_store %arg6[%swap3A_1518], %add3A_1517 {strides = array<i32>} : memref<4096xi32, #tpu.memory_space<vmem>>, vector<16xi32>,
    %get3A_1520 = arith.constant 400 : index
    %get3A_1521 = tpu.vector_load %arg5[%get3A_1520] {strides = array<i32>} : memref<512xi32, #tpu.memory_space<vmem>>, vector<16xi32>,
    %add3A_1522 = arith.constant 600000 : i32
    %add3A_1523 = vector.broadcast %add3A_1522 : i32 to vector<16xi32>
    %add3A_1524 = arith.addi %get3A_1521, %add3A_1523 : vector<16xi32>
    %swap3A_1525 = arith.constant 3472 : index
    %swap3A_1526 = tpu.vector_load %arg6[%swap3A_1525] {strides = array<i32>} : memref<4096xi32, #tpu.memory_space<vmem>>, vector<16xi32>,
    tpu.vector_store %arg6[%swap3A_1525], %add3A_1524 {strides = array<i32>} : memref<4096xi32, #tpu.memory_space<vmem>>, vector<16xi32>,
    %get3A_1527 = arith.constant 416 : index
    %get3A_1528 = tpu.vector_load %arg5[%get3A_1527] {strides = array<i32>} : memref<512xi32, #tpu.memory_space<vmem>>, vector<16xi32>,
    %add3A_1529 = arith.constant 600000 : i32
    %add3A_1530 = vector.broadcast %add3A_1529 : i32 to vector<16xi32>
    %add3A_1531 = arith.addi %get3A_1528, %add3A_1530 : vector<16xi32>
    %swap3A_1532 = arith.constant 3488 : index
    %swap3A_1533 = tpu.vector_load %arg6[%swap3A_1532] {strides = array<i32>} : memref<4096xi32, #tpu.memory_space<vmem>>, vector<16xi32>,
    tpu.vector_store %arg6[%swap3A_1532], %add3A_1531 {strides = array<i32>} : memref<4096xi32, #tpu.memory_space<vmem>>, vector<16xi32>,
    %get3A_1534 = arith.constant 432 : index
    %get3A_1535 = tpu.vector_load %arg5[%get3A_1534] {strides = array<i32>} : memref<512xi32, #tpu.memory_space<vmem>>, vector<16xi32>,
    %add3A_1536 = arith.constant 600000 : i32
    %add3A_1537 = vector.broadcast %add3A_1536 : i32 to vector<16xi32>
    %add3A_1538 = arith.addi %get3A_1535, %add3A_1537 : vector<16xi32>
    %swap3A_1539 = arith.constant 3504 : index
    %swap3A_1540 = tpu.vector_load %arg6[%swap3A_1539] {strides = array<i32>} : memref<4096xi32, #tpu.memory_space<vmem>>, vector<16xi32>,
    tpu.vector_store %arg6[%swap3A_1539], %add3A_1538 {strides = array<i32>} : memref<4096xi32, #tpu.memory_space<vmem>>, vector<16xi32>,
    %get3A_1541 = arith.constant 448 : index
    %get3A_1542 = tpu.vector_load %arg5[%get3A_1541] {strides = array<i32>} : memref<512xi32, #tpu.memory_space<vmem>>, vector<16xi32>,
    %add3A_1543 = arith.constant 600000 : i32
    %add3A_1544 = vector.broadcast %add3A_1543 : i32 to vector<16xi32>
    %add3A_1545 = arith.addi %get3A_1542, %add3A_1544 : vector<16xi32>
    %swap3A_1546 = arith.constant 3520 : index
    %swap3A_1547 = tpu.vector_load %arg6[%swap3A_1546] {strides = array<i32>} : memref<4096xi32, #tpu.memory_space<vmem>>, vector<16xi32>,
    tpu.vector_store %arg6[%swap3A_1546], %add3A_1545 {strides = array<i32>} : memref<4096xi32, #tpu.memory_space<vmem>>, vector<16xi32>,
    %get3A_1548 = arith.constant 464 : index
    %get3A_1549 = tpu.vector_load %arg5[%get3A_1548] {strides = array<i32>} : memref<512xi32, #tpu.memory_space<vmem>>, vector<16xi32>,
    %add3A_1550 = arith.constant 600000 : i32
    %add3A_1551 = vector.broadcast %add3A_1550 : i32 to vector<16xi32>
    %add3A_1552 = arith.addi %get3A_1549, %add3A_1551 : vector<16xi32>
    %swap3A_1553 = arith.constant 3536 : index
    %swap3A_1554 = tpu.vector_load %arg6[%swap3A_1553] {strides = array<i32>} : memref<4096xi32, #tpu.memory_space<vmem>>, vector<16xi32>,
    tpu.vector_store %arg6[%swap3A_1553], %add3A_1552 {strides = array<i32>} : memref<4096xi32, #tpu.memory_space<vmem>>, vector<16xi32>,
    %get3A_1555 = arith.constant 480 : index
    %get3A_1556 = tpu.vector_load %arg5[%get3A_1555] {strides = array<i32>} : memref<512xi32, #tpu.memory_space<vmem>>, vector<16xi32>,
    %add3A_1557 = arith.constant 600000 : i32
    %add3A_1558 = vector.broadcast %add3A_1557 : i32 to vector<16xi32>
    %add3A_1559 = arith.addi %get3A_1556, %add3A_1558 : vector<16xi32>
    %swap3A_1560 = arith.constant 3552 : index
    %swap3A_1561 = tpu.vector_load %arg6[%swap3A_1560] {strides = array<i32>} : memref<4096xi32, #tpu.memory_space<vmem>>, vector<16xi32>,
    tpu.vector_store %arg6[%swap3A_1560], %add3A_1559 {strides = array<i32>} : memref<4096xi32, #tpu.memory_space<vmem>>, vector<16xi32>,
    %get3A_1562 = arith.constant 496 : index
    %get3A_1563 = tpu.vector_load %arg5[%get3A_1562] {strides = array<i32>} : memref<512xi32, #tpu.memory_space<vmem>>, vector<16xi32>,
    %add3A_1564 = arith.constant 600000 : i32
    %add3A_1565 = vector.broadcast %add3A_1564 : i32 to vector<16xi32>
    %add3A_1566 = arith.addi %get3A_1563, %add3A_1565 : vector<16xi32>
    %swap3A_1567 = arith.constant 3568 : index
    %swap3A_1568 = tpu.vector_load %arg6[%swap3A_1567] {strides = array<i32>} : memref<4096xi32, #tpu.memory_space<vmem>>, vector<16xi32>,
    tpu.vector_store %arg6[%swap3A_1567], %add3A_1566 {strides = array<i32>} : memref<4096xi32, #tpu.memory_space<vmem>>, vector<16xi32>,
    %get3A_1569 = arith.constant 0 : index
    %get3A_1570 = tpu.vector_load %arg5[%get3A_1569] {strides = array<i32>} : memref<512xi32, #tpu.memory_space<vmem>>, vector<16xi32>,
    %add3A_1571 = arith.constant 700000 : i32
    %add3A_1572 = vector.broadcast %add3A_1571 : i32 to vector<16xi32>
    %add3A_1573 = arith.addi %get3A_1570, %add3A_1572 : vector<16xi32>
    %swap3A_1574 = arith.constant 3584 : index
    %swap3A_1575 = tpu.vector_load %arg6[%swap3A_1574] {strides = array<i32>} : memref<4096xi32, #tpu.memory_space<vmem>>, vector<16xi32>,
    tpu.vector_store %arg6[%swap3A_1574], %add3A_1573 {strides = array<i32>} : memref<4096xi32, #tpu.memory_space<vmem>>, vector<16xi32>,
    %get3A_1576 = arith.constant 16 : index
    %get3A_1577 = tpu.vector_load %arg5[%get3A_1576] {strides = array<i32>} : memref<512xi32, #tpu.memory_space<vmem>>, vector<16xi32>,
    %add3A_1578 = arith.constant 700000 : i32
    %add3A_1579 = vector.broadcast %add3A_1578 : i32 to vector<16xi32>
    %add3A_1580 = arith.addi %get3A_1577, %add3A_1579 : vector<16xi32>
    %swap3A_1581 = arith.constant 3600 : index
    %swap3A_1582 = tpu.vector_load %arg6[%swap3A_1581] {strides = array<i32>} : memref<4096xi32, #tpu.memory_space<vmem>>, vector<16xi32>,
    tpu.vector_store %arg6[%swap3A_1581], %add3A_1580 {strides = array<i32>} : memref<4096xi32, #tpu.memory_space<vmem>>, vector<16xi32>,
    %get3A_1583 = arith.constant 32 : index
    %get3A_1584 = tpu.vector_load %arg5[%get3A_1583] {strides = array<i32>} : memref<512xi32, #tpu.memory_space<vmem>>, vector<16xi32>,
    %add3A_1585 = arith.constant 700000 : i32
    %add3A_1586 = vector.broadcast %add3A_1585 : i32 to vector<16xi32>
    %add3A_1587 = arith.addi %get3A_1584, %add3A_1586 : vector<16xi32>
    %swap3A_1588 = arith.constant 3616 : index
    %swap3A_1589 = tpu.vector_load %arg6[%swap3A_1588] {strides = array<i32>} : memref<4096xi32, #tpu.memory_space<vmem>>, vector<16xi32>,
    tpu.vector_store %arg6[%swap3A_1588], %add3A_1587 {strides = array<i32>} : memref<4096xi32, #tpu.memory_space<vmem>>, vector<16xi32>,
    %get3A_1590 = arith.constant 48 : index
    %get3A_1591 = tpu.vector_load %arg5[%get3A_1590] {strides = array<i32>} : memref<512xi32, #tpu.memory_space<vmem>>, vector<16xi32>,
    %add3A_1592 = arith.constant 700000 : i32
    %add3A_1593 = vector.broadcast %add3A_1592 : i32 to vector<16xi32>
    %add3A_1594 = arith.addi %get3A_1591, %add3A_1593 : vector<16xi32>
    %swap3A_1595 = arith.constant 3632 : index
    %swap3A_1596 = tpu.vector_load %arg6[%swap3A_1595] {strides = array<i32>} : memref<4096xi32, #tpu.memory_space<vmem>>, vector<16xi32>,
    tpu.vector_store %arg6[%swap3A_1595], %add3A_1594 {strides = array<i32>} : memref<4096xi32, #tpu.memory_space<vmem>>, vector<16xi32>,
    %get3A_1597 = arith.constant 64 : index
    %get3A_1598 = tpu.vector_load %arg5[%get3A_1597] {strides = array<i32>} : memref<512xi32, #tpu.memory_space<vmem>>, vector<16xi32>,
    %add3A_1599 = arith.constant 700000 : i32
    %add3A_1600 = vector.broadcast %add3A_1599 : i32 to vector<16xi32>
    %add3A_1601 = arith.addi %get3A_1598, %add3A_1600 : vector<16xi32>
    %swap3A_1602 = arith.constant 3648 : index
    %swap3A_1603 = tpu.vector_load %arg6[%swap3A_1602] {strides = array<i32>} : memref<4096xi32, #tpu.memory_space<vmem>>, vector<16xi32>,
    tpu.vector_store %arg6[%swap3A_1602], %add3A_1601 {strides = array<i32>} : memref<4096xi32, #tpu.memory_space<vmem>>, vector<16xi32>,
    %get3A_1604 = arith.constant 80 : index
    %get3A_1605 = tpu.vector_load %arg5[%get3A_1604] {strides = array<i32>} : memref<512xi32, #tpu.memory_space<vmem>>, vector<16xi32>,
    %add3A_1606 = arith.constant 700000 : i32
    %add3A_1607 = vector.broadcast %add3A_1606 : i32 to vector<16xi32>
    %add3A_1608 = arith.addi %get3A_1605, %add3A_1607 : vector<16xi32>
    %swap3A_1609 = arith.constant 3664 : index
    %swap3A_1610 = tpu.vector_load %arg6[%swap3A_1609] {strides = array<i32>} : memref<4096xi32, #tpu.memory_space<vmem>>, vector<16xi32>,
    tpu.vector_store %arg6[%swap3A_1609], %add3A_1608 {strides = array<i32>} : memref<4096xi32, #tpu.memory_space<vmem>>, vector<16xi32>,
    %get3A_1611 = arith.constant 96 : index
    %get3A_1612 = tpu.vector_load %arg5[%get3A_1611] {strides = array<i32>} : memref<512xi32, #tpu.memory_space<vmem>>, vector<16xi32>,
    %add3A_1613 = arith.constant 700000 : i32
    %add3A_1614 = vector.broadcast %add3A_1613 : i32 to vector<16xi32>
    %add3A_1615 = arith.addi %get3A_1612, %add3A_1614 : vector<16xi32>
    %swap3A_1616 = arith.constant 3680 : index
    %swap3A_1617 = tpu.vector_load %arg6[%swap3A_1616] {strides = array<i32>} : memref<4096xi32, #tpu.memory_space<vmem>>, vector<16xi32>,
    tpu.vector_store %arg6[%swap3A_1616], %add3A_1615 {strides = array<i32>} : memref<4096xi32, #tpu.memory_space<vmem>>, vector<16xi32>,
    %get3A_1618 = arith.constant 112 : index
    %get3A_1619 = tpu.vector_load %arg5[%get3A_1618] {strides = array<i32>} : memref<512xi32, #tpu.memory_space<vmem>>, vector<16xi32>,
    %add3A_1620 = arith.constant 700000 : i32
    %add3A_1621 = vector.broadcast %add3A_1620 : i32 to vector<16xi32>
    %add3A_1622 = arith.addi %get3A_1619, %add3A_1621 : vector<16xi32>
    %swap3A_1623 = arith.constant 3696 : index
    %swap3A_1624 = tpu.vector_load %arg6[%swap3A_1623] {strides = array<i32>} : memref<4096xi32, #tpu.memory_space<vmem>>, vector<16xi32>,
    tpu.vector_store %arg6[%swap3A_1623], %add3A_1622 {strides = array<i32>} : memref<4096xi32, #tpu.memory_space<vmem>>, vector<16xi32>,
    %get3A_1625 = arith.constant 128 : index
    %get3A_1626 = tpu.vector_load %arg5[%get3A_1625] {strides = array<i32>} : memref<512xi32, #tpu.memory_space<vmem>>, vector<16xi32>,
    %add3A_1627 = arith.constant 700000 : i32
    %add3A_1628 = vector.broadcast %add3A_1627 : i32 to vector<16xi32>
    %add3A_1629 = arith.addi %get3A_1626, %add3A_1628 : vector<16xi32>
    %swap3A_1630 = arith.constant 3712 : index
    %swap3A_1631 = tpu.vector_load %arg6[%swap3A_1630] {strides = array<i32>} : memref<4096xi32, #tpu.memory_space<vmem>>, vector<16xi32>,
    tpu.vector_store %arg6[%swap3A_1630], %add3A_1629 {strides = array<i32>} : memref<4096xi32, #tpu.memory_space<vmem>>, vector<16xi32>,
    %get3A_1632 = arith.constant 144 : index
    %get3A_1633 = tpu.vector_load %arg5[%get3A_1632] {strides = array<i32>} : memref<512xi32, #tpu.memory_space<vmem>>, vector<16xi32>,
    %add3A_1634 = arith.constant 700000 : i32
    %add3A_1635 = vector.broadcast %add3A_1634 : i32 to vector<16xi32>
    %add3A_1636 = arith.addi %get3A_1633, %add3A_1635 : vector<16xi32>
    %swap3A_1637 = arith.constant 3728 : index
    %swap3A_1638 = tpu.vector_load %arg6[%swap3A_1637] {strides = array<i32>} : memref<4096xi32, #tpu.memory_space<vmem>>, vector<16xi32>,
    tpu.vector_store %arg6[%swap3A_1637], %add3A_1636 {strides = array<i32>} : memref<4096xi32, #tpu.memory_space<vmem>>, vector<16xi32>,
    %get3A_1639 = arith.constant 160 : index
    %get3A_1640 = tpu.vector_load %arg5[%get3A_1639] {strides = array<i32>} : memref<512xi32, #tpu.memory_space<vmem>>, vector<16xi32>,
    %add3A_1641 = arith.constant 700000 : i32
    %add3A_1642 = vector.broadcast %add3A_1641 : i32 to vector<16xi32>
    %add3A_1643 = arith.addi %get3A_1640, %add3A_1642 : vector<16xi32>
    %swap3A_1644 = arith.constant 3744 : index
    %swap3A_1645 = tpu.vector_load %arg6[%swap3A_1644] {strides = array<i32>} : memref<4096xi32, #tpu.memory_space<vmem>>, vector<16xi32>,
    tpu.vector_store %arg6[%swap3A_1644], %add3A_1643 {strides = array<i32>} : memref<4096xi32, #tpu.memory_space<vmem>>, vector<16xi32>,
    %get3A_1646 = arith.constant 176 : index
    %get3A_1647 = tpu.vector_load %arg5[%get3A_1646] {strides = array<i32>} : memref<512xi32, #tpu.memory_space<vmem>>, vector<16xi32>,
    %add3A_1648 = arith.constant 700000 : i32
    %add3A_1649 = vector.broadcast %add3A_1648 : i32 to vector<16xi32>
    %add3A_1650 = arith.addi %get3A_1647, %add3A_1649 : vector<16xi32>
    %swap3A_1651 = arith.constant 3760 : index
    %swap3A_1652 = tpu.vector_load %arg6[%swap3A_1651] {strides = array<i32>} : memref<4096xi32, #tpu.memory_space<vmem>>, vector<16xi32>,
    tpu.vector_store %arg6[%swap3A_1651], %add3A_1650 {strides = array<i32>} : memref<4096xi32, #tpu.memory_space<vmem>>, vector<16xi32>,
    %get3A_1653 = arith.constant 192 : index
    %get3A_1654 = tpu.vector_load %arg5[%get3A_1653] {strides = array<i32>} : memref<512xi32, #tpu.memory_space<vmem>>, vector<16xi32>,
    %add3A_1655 = arith.constant 700000 : i32
    %add3A_1656 = vector.broadcast %add3A_1655 : i32 to vector<16xi32>
    %add3A_1657 = arith.addi %get3A_1654, %add3A_1656 : vector<16xi32>
    %swap3A_1658 = arith.constant 3776 : index
    %swap3A_1659 = tpu.vector_load %arg6[%swap3A_1658] {strides = array<i32>} : memref<4096xi32, #tpu.memory_space<vmem>>, vector<16xi32>,
    tpu.vector_store %arg6[%swap3A_1658], %add3A_1657 {strides = array<i32>} : memref<4096xi32, #tpu.memory_space<vmem>>, vector<16xi32>,
    %get3A_1660 = arith.constant 208 : index
    %get3A_1661 = tpu.vector_load %arg5[%get3A_1660] {strides = array<i32>} : memref<512xi32, #tpu.memory_space<vmem>>, vector<16xi32>,
    %add3A_1662 = arith.constant 700000 : i32
    %add3A_1663 = vector.broadcast %add3A_1662 : i32 to vector<16xi32>
    %add3A_1664 = arith.addi %get3A_1661, %add3A_1663 : vector<16xi32>
    %swap3A_1665 = arith.constant 3792 : index
    %swap3A_1666 = tpu.vector_load %arg6[%swap3A_1665] {strides = array<i32>} : memref<4096xi32, #tpu.memory_space<vmem>>, vector<16xi32>,
    tpu.vector_store %arg6[%swap3A_1665], %add3A_1664 {strides = array<i32>} : memref<4096xi32, #tpu.memory_space<vmem>>, vector<16xi32>,
    %get3A_1667 = arith.constant 224 : index
    %get3A_1668 = tpu.vector_load %arg5[%get3A_1667] {strides = array<i32>} : memref<512xi32, #tpu.memory_space<vmem>>, vector<16xi32>,
    %add3A_1669 = arith.constant 700000 : i32
    %add3A_1670 = vector.broadcast %add3A_1669 : i32 to vector<16xi32>
    %add3A_1671 = arith.addi %get3A_1668, %add3A_1670 : vector<16xi32>
    %swap3A_1672 = arith.constant 3808 : index
    %swap3A_1673 = tpu.vector_load %arg6[%swap3A_1672] {strides = array<i32>} : memref<4096xi32, #tpu.memory_space<vmem>>, vector<16xi32>,
    tpu.vector_store %arg6[%swap3A_1672], %add3A_1671 {strides = array<i32>} : memref<4096xi32, #tpu.memory_space<vmem>>, vector<16xi32>,
    %get3A_1674 = arith.constant 240 : index
    %get3A_1675 = tpu.vector_load %arg5[%get3A_1674] {strides = array<i32>} : memref<512xi32, #tpu.memory_space<vmem>>, vector<16xi32>,
    %add3A_1676 = arith.constant 700000 : i32
    %add3A_1677 = vector.broadcast %add3A_1676 : i32 to vector<16xi32>
    %add3A_1678 = arith.addi %get3A_1675, %add3A_1677 : vector<16xi32>
    %swap3A_1679 = arith.constant 3824 : index
    %swap3A_1680 = tpu.vector_load %arg6[%swap3A_1679] {strides = array<i32>} : memref<4096xi32, #tpu.memory_space<vmem>>, vector<16xi32>,
    tpu.vector_store %arg6[%swap3A_1679], %add3A_1678 {strides = array<i32>} : memref<4096xi32, #tpu.memory_space<vmem>>, vector<16xi32>,
    %get3A_1681 = arith.constant 256 : index
    %get3A_1682 = tpu.vector_load %arg5[%get3A_1681] {strides = array<i32>} : memref<512xi32, #tpu.memory_space<vmem>>, vector<16xi32>,
    %add3A_1683 = arith.constant 700000 : i32
    %add3A_1684 = vector.broadcast %add3A_1683 : i32 to vector<16xi32>
    %add3A_1685 = arith.addi %get3A_1682, %add3A_1684 : vector<16xi32>
    %swap3A_1686 = arith.constant 3840 : index
    %swap3A_1687 = tpu.vector_load %arg6[%swap3A_1686] {strides = array<i32>} : memref<4096xi32, #tpu.memory_space<vmem>>, vector<16xi32>,
    tpu.vector_store %arg6[%swap3A_1686], %add3A_1685 {strides = array<i32>} : memref<4096xi32, #tpu.memory_space<vmem>>, vector<16xi32>,
    %get3A_1688 = arith.constant 272 : index
    %get3A_1689 = tpu.vector_load %arg5[%get3A_1688] {strides = array<i32>} : memref<512xi32, #tpu.memory_space<vmem>>, vector<16xi32>,
    %add3A_1690 = arith.constant 700000 : i32
    %add3A_1691 = vector.broadcast %add3A_1690 : i32 to vector<16xi32>
    %add3A_1692 = arith.addi %get3A_1689, %add3A_1691 : vector<16xi32>
    %swap3A_1693 = arith.constant 3856 : index
    %swap3A_1694 = tpu.vector_load %arg6[%swap3A_1693] {strides = array<i32>} : memref<4096xi32, #tpu.memory_space<vmem>>, vector<16xi32>,
    tpu.vector_store %arg6[%swap3A_1693], %add3A_1692 {strides = array<i32>} : memref<4096xi32, #tpu.memory_space<vmem>>, vector<16xi32>,
    %get3A_1695 = arith.constant 288 : index
    %get3A_1696 = tpu.vector_load %arg5[%get3A_1695] {strides = array<i32>} : memref<512xi32, #tpu.memory_space<vmem>>, vector<16xi32>,
    %add3A_1697 = arith.constant 700000 : i32
    %add3A_1698 = vector.broadcast %add3A_1697 : i32 to vector<16xi32>
    %add3A_1699 = arith.addi %get3A_1696, %add3A_1698 : vector<16xi32>
    %swap3A_1700 = arith.constant 3872 : index
    %swap3A_1701 = tpu.vector_load %arg6[%swap3A_1700] {strides = array<i32>} : memref<4096xi32, #tpu.memory_space<vmem>>, vector<16xi32>,
    tpu.vector_store %arg6[%swap3A_1700], %add3A_1699 {strides = array<i32>} : memref<4096xi32, #tpu.memory_space<vmem>>, vector<16xi32>,
    %get3A_1702 = arith.constant 304 : index
    %get3A_1703 = tpu.vector_load %arg5[%get3A_1702] {strides = array<i32>} : memref<512xi32, #tpu.memory_space<vmem>>, vector<16xi32>,
    %add3A_1704 = arith.constant 700000 : i32
    %add3A_1705 = vector.broadcast %add3A_1704 : i32 to vector<16xi32>
    %add3A_1706 = arith.addi %get3A_1703, %add3A_1705 : vector<16xi32>
    %swap3A_1707 = arith.constant 3888 : index
    %swap3A_1708 = tpu.vector_load %arg6[%swap3A_1707] {strides = array<i32>} : memref<4096xi32, #tpu.memory_space<vmem>>, vector<16xi32>,
    tpu.vector_store %arg6[%swap3A_1707], %add3A_1706 {strides = array<i32>} : memref<4096xi32, #tpu.memory_space<vmem>>, vector<16xi32>,
    %get3A_1709 = arith.constant 320 : index
    %get3A_1710 = tpu.vector_load %arg5[%get3A_1709] {strides = array<i32>} : memref<512xi32, #tpu.memory_space<vmem>>, vector<16xi32>,
    %add3A_1711 = arith.constant 700000 : i32
    %add3A_1712 = vector.broadcast %add3A_1711 : i32 to vector<16xi32>
    %add3A_1713 = arith.addi %get3A_1710, %add3A_1712 : vector<16xi32>
    %swap3A_1714 = arith.constant 3904 : index
    %swap3A_1715 = tpu.vector_load %arg6[%swap3A_1714] {strides = array<i32>} : memref<4096xi32, #tpu.memory_space<vmem>>, vector<16xi32>,
    tpu.vector_store %arg6[%swap3A_1714], %add3A_1713 {strides = array<i32>} : memref<4096xi32, #tpu.memory_space<vmem>>, vector<16xi32>,
    %get3A_1716 = arith.constant 336 : index
    %get3A_1717 = tpu.vector_load %arg5[%get3A_1716] {strides = array<i32>} : memref<512xi32, #tpu.memory_space<vmem>>, vector<16xi32>,
    %add3A_1718 = arith.constant 700000 : i32
    %add3A_1719 = vector.broadcast %add3A_1718 : i32 to vector<16xi32>
    %add3A_1720 = arith.addi %get3A_1717, %add3A_1719 : vector<16xi32>
    %swap3A_1721 = arith.constant 3920 : index
    %swap3A_1722 = tpu.vector_load %arg6[%swap3A_1721] {strides = array<i32>} : memref<4096xi32, #tpu.memory_space<vmem>>, vector<16xi32>,
    tpu.vector_store %arg6[%swap3A_1721], %add3A_1720 {strides = array<i32>} : memref<4096xi32, #tpu.memory_space<vmem>>, vector<16xi32>,
    %get3A_1723 = arith.constant 352 : index
    %get3A_1724 = tpu.vector_load %arg5[%get3A_1723] {strides = array<i32>} : memref<512xi32, #tpu.memory_space<vmem>>, vector<16xi32>,
    %add3A_1725 = arith.constant 700000 : i32
    %add3A_1726 = vector.broadcast %add3A_1725 : i32 to vector<16xi32>
    %add3A_1727 = arith.addi %get3A_1724, %add3A_1726 : vector<16xi32>
    %swap3A_1728 = arith.constant 3936 : index
    %swap3A_1729 = tpu.vector_load %arg6[%swap3A_1728] {strides = array<i32>} : memref<4096xi32, #tpu.memory_space<vmem>>, vector<16xi32>,
    tpu.vector_store %arg6[%swap3A_1728], %add3A_1727 {strides = array<i32>} : memref<4096xi32, #tpu.memory_space<vmem>>, vector<16xi32>,
    %get3A_1730 = arith.constant 368 : index
    %get3A_1731 = tpu.vector_load %arg5[%get3A_1730] {strides = array<i32>} : memref<512xi32, #tpu.memory_space<vmem>>, vector<16xi32>,
    %add3A_1732 = arith.constant 700000 : i32
    %add3A_1733 = vector.broadcast %add3A_1732 : i32 to vector<16xi32>
    %add3A_1734 = arith.addi %get3A_1731, %add3A_1733 : vector<16xi32>
    %swap3A_1735 = arith.constant 3952 : index
    %swap3A_1736 = tpu.vector_load %arg6[%swap3A_1735] {strides = array<i32>} : memref<4096xi32, #tpu.memory_space<vmem>>, vector<16xi32>,
    tpu.vector_store %arg6[%swap3A_1735], %add3A_1734 {strides = array<i32>} : memref<4096xi32, #tpu.memory_space<vmem>>, vector<16xi32>,
    %get3A_1737 = arith.constant 384 : index
    %get3A_1738 = tpu.vector_load %arg5[%get3A_1737] {strides = array<i32>} : memref<512xi32, #tpu.memory_space<vmem>>, vector<16xi32>,
    %add3A_1739 = arith.constant 700000 : i32
    %add3A_1740 = vector.broadcast %add3A_1739 : i32 to vector<16xi32>
    %add3A_1741 = arith.addi %get3A_1738, %add3A_1740 : vector<16xi32>
    %swap3A_1742 = arith.constant 3968 : index
    %swap3A_1743 = tpu.vector_load %arg6[%swap3A_1742] {strides = array<i32>} : memref<4096xi32, #tpu.memory_space<vmem>>, vector<16xi32>,
    tpu.vector_store %arg6[%swap3A_1742], %add3A_1741 {strides = array<i32>} : memref<4096xi32, #tpu.memory_space<vmem>>, vector<16xi32>,
    %get3A_1744 = arith.constant 400 : index
    %get3A_1745 = tpu.vector_load %arg5[%get3A_1744] {strides = array<i32>} : memref<512xi32, #tpu.memory_space<vmem>>, vector<16xi32>,
    %add3A_1746 = arith.constant 700000 : i32
    %add3A_1747 = vector.broadcast %add3A_1746 : i32 to vector<16xi32>
    %add3A_1748 = arith.addi %get3A_1745, %add3A_1747 : vector<16xi32>
    %swap3A_1749 = arith.constant 3984 : index
    %swap3A_1750 = tpu.vector_load %arg6[%swap3A_1749] {strides = array<i32>} : memref<4096xi32, #tpu.memory_space<vmem>>, vector<16xi32>,
    tpu.vector_store %arg6[%swap3A_1749], %add3A_1748 {strides = array<i32>} : memref<4096xi32, #tpu.memory_space<vmem>>, vector<16xi32>,
    %get3A_1751 = arith.constant 416 : index
    %get3A_1752 = tpu.vector_load %arg5[%get3A_1751] {strides = array<i32>} : memref<512xi32, #tpu.memory_space<vmem>>, vector<16xi32>,
    %add3A_1753 = arith.constant 700000 : i32
    %add3A_1754 = vector.broadcast %add3A_1753 : i32 to vector<16xi32>
    %add3A_1755 = arith.addi %get3A_1752, %add3A_1754 : vector<16xi32>
    %swap3A_1756 = arith.constant 4000 : index
    %swap3A_1757 = tpu.vector_load %arg6[%swap3A_1756] {strides = array<i32>} : memref<4096xi32, #tpu.memory_space<vmem>>, vector<16xi32>,
    tpu.vector_store %arg6[%swap3A_1756], %add3A_1755 {strides = array<i32>} : memref<4096xi32, #tpu.memory_space<vmem>>, vector<16xi32>,
    %get3A_1758 = arith.constant 432 : index
    %get3A_1759 = tpu.vector_load %arg5[%get3A_1758] {strides = array<i32>} : memref<512xi32, #tpu.memory_space<vmem>>, vector<16xi32>,
    %add3A_1760 = arith.constant 700000 : i32
    %add3A_1761 = vector.broadcast %add3A_1760 : i32 to vector<16xi32>
    %add3A_1762 = arith.addi %get3A_1759, %add3A_1761 : vector<16xi32>
    %swap3A_1763 = arith.constant 4016 : index
    %swap3A_1764 = tpu.vector_load %arg6[%swap3A_1763] {strides = array<i32>} : memref<4096xi32, #tpu.memory_space<vmem>>, vector<16xi32>,
    tpu.vector_store %arg6[%swap3A_1763], %add3A_1762 {strides = array<i32>} : memref<4096xi32, #tpu.memory_space<vmem>>, vector<16xi32>,
    %get3A_1765 = arith.constant 448 : index
    %get3A_1766 = tpu.vector_load %arg5[%get3A_1765] {strides = array<i32>} : memref<512xi32, #tpu.memory_space<vmem>>, vector<16xi32>,
    %add3A_1767 = arith.constant 700000 : i32
    %add3A_1768 = vector.broadcast %add3A_1767 : i32 to vector<16xi32>
    %add3A_1769 = arith.addi %get3A_1766, %add3A_1768 : vector<16xi32>
    %swap3A_1770 = arith.constant 4032 : index
    %swap3A_1771 = tpu.vector_load %arg6[%swap3A_1770] {strides = array<i32>} : memref<4096xi32, #tpu.memory_space<vmem>>, vector<16xi32>,
    tpu.vector_store %arg6[%swap3A_1770], %add3A_1769 {strides = array<i32>} : memref<4096xi32, #tpu.memory_space<vmem>>, vector<16xi32>,
    %get3A_1772 = arith.constant 464 : index
    %get3A_1773 = tpu.vector_load %arg5[%get3A_1772] {strides = array<i32>} : memref<512xi32, #tpu.memory_space<vmem>>, vector<16xi32>,
    %add3A_1774 = arith.constant 700000 : i32
    %add3A_1775 = vector.broadcast %add3A_1774 : i32 to vector<16xi32>
    %add3A_1776 = arith.addi %get3A_1773, %add3A_1775 : vector<16xi32>
    %swap3A_1777 = arith.constant 4048 : index
    %swap3A_1778 = tpu.vector_load %arg6[%swap3A_1777] {strides = array<i32>} : memref<4096xi32, #tpu.memory_space<vmem>>, vector<16xi32>,
    tpu.vector_store %arg6[%swap3A_1777], %add3A_1776 {strides = array<i32>} : memref<4096xi32, #tpu.memory_space<vmem>>, vector<16xi32>,
    %get3A_1779 = arith.constant 480 : index
    %get3A_1780 = tpu.vector_load %arg5[%get3A_1779] {strides = array<i32>} : memref<512xi32, #tpu.memory_space<vmem>>, vector<16xi32>,
    %add3A_1781 = arith.constant 700000 : i32
    %add3A_1782 = vector.broadcast %add3A_1781 : i32 to vector<16xi32>
    %add3A_1783 = arith.addi %get3A_1780, %add3A_1782 : vector<16xi32>
    %swap3A_1784 = arith.constant 4064 : index
    %swap3A_1785 = tpu.vector_load %arg6[%swap3A_1784] {strides = array<i32>} : memref<4096xi32, #tpu.memory_space<vmem>>, vector<16xi32>,
    tpu.vector_store %arg6[%swap3A_1784], %add3A_1783 {strides = array<i32>} : memref<4096xi32, #tpu.memory_space<vmem>>, vector<16xi32>,
    %get3A_1786 = arith.constant 496 : index
    %get3A_1787 = tpu.vector_load %arg5[%get3A_1786] {strides = array<i32>} : memref<512xi32, #tpu.memory_space<vmem>>, vector<16xi32>,
    %add3A_1788 = arith.constant 700000 : i32
    %add3A_1789 = vector.broadcast %add3A_1788 : i32 to vector<16xi32>
    %add3A_1790 = arith.addi %get3A_1787, %add3A_1789 : vector<16xi32>
    %swap3A_1791 = arith.constant 4080 : index
    %swap3A_1792 = tpu.vector_load %arg6[%swap3A_1791] {strides = array<i32>} : memref<4096xi32, #tpu.memory_space<vmem>>, vector<16xi32>,
    tpu.vector_store %arg6[%swap3A_1791], %add3A_1790 {strides = array<i32>} : memref<4096xi32, #tpu.memory_space<vmem>>, vector<16xi32>,
    %dma_start3A = arith.constant 0 : i32
    %dma_start3A_1793 = tpu.memref_slice %arg7[%dma_start3A] : memref<4096xf32, #tpu.memory_space<vmem>> -> memref<128xf32, #tpu.memory_space<vmem>>
    %dma_start3A_1794 = arith.constant 0 : i32
    %dma_start3A_1795 = tpu.memref_slice %arg6[%dma_start3A_1794] : memref<4096xi32, #tpu.memory_space<vmem>> -> memref<128xi32, #tpu.memory_space<vmem>>
    %dma_start3A_1796 = arith.constant 0 : i32
    %dma_start3A_1797 = tpu.memref_slice %arg2[%dma_start3A_1796] : memref<800000xf32, #tpu.memory_space<hbm>> -> memref<800000xf32, #tpu.memory_space<hbm>>
    tpu.enqueue_indirect_dma source(%dma_start3A_1797 : memref<800000xf32, #tpu.memory_space<hbm>>) target(%dma_start3A_1793 : memref<128xf32, #tpu.memory_space<vmem>>) offsets(%dma_start3A_1795 : memref<128xi32, #tpu.memory_space<vmem>>) semaphore(%arg9 : memref<!tpu.dma_semaphore, #tpu.memory_space<semaphore_mem>>)
    %dma_start3A_1798 = arith.constant 128 : i32
    %dma_start3A_1799 = tpu.memref_slice %arg7[%dma_start3A_1798] : memref<4096xf32, #tpu.memory_space<vmem>> -> memref<128xf32, #tpu.memory_space<vmem>>
    %dma_start3A_1800 = arith.constant 128 : i32
    %dma_start3A_1801 = tpu.memref_slice %arg6[%dma_start3A_1800] : memref<4096xi32, #tpu.memory_space<vmem>> -> memref<128xi32, #tpu.memory_space<vmem>>
    %dma_start3A_1802 = arith.constant 0 : i32
    %dma_start3A_1803 = tpu.memref_slice %arg2[%dma_start3A_1802] : memref<800000xf32, #tpu.memory_space<hbm>> -> memref<800000xf32, #tpu.memory_space<hbm>>
    tpu.enqueue_indirect_dma source(%dma_start3A_1803 : memref<800000xf32, #tpu.memory_space<hbm>>) target(%dma_start3A_1799 : memref<128xf32, #tpu.memory_space<vmem>>) offsets(%dma_start3A_1801 : memref<128xi32, #tpu.memory_space<vmem>>) semaphore(%arg9 : memref<!tpu.dma_semaphore, #tpu.memory_space<semaphore_mem>>)
    %dma_start3A_1804 = arith.constant 256 : i32
    %dma_start3A_1805 = tpu.memref_slice %arg7[%dma_start3A_1804] : memref<4096xf32, #tpu.memory_space<vmem>> -> memref<128xf32, #tpu.memory_space<vmem>>
    %dma_start3A_1806 = arith.constant 256 : i32
    %dma_start3A_1807 = tpu.memref_slice %arg6[%dma_start3A_1806] : memref<4096xi32, #tpu.memory_space<vmem>> -> memref<128xi32, #tpu.memory_space<vmem>>
    %dma_start3A_1808 = arith.constant 0 : i32
    %dma_start3A_1809 = tpu.memref_slice %arg2[%dma_start3A_1808] : memref<800000xf32, #tpu.memory_space<hbm>> -> memref<800000xf32, #tpu.memory_space<hbm>>
    tpu.enqueue_indirect_dma source(%dma_start3A_1809 : memref<800000xf32, #tpu.memory_space<hbm>>) target(%dma_start3A_1805 : memref<128xf32, #tpu.memory_space<vmem>>) offsets(%dma_start3A_1807 : memref<128xi32, #tpu.memory_space<vmem>>) semaphore(%arg9 : memref<!tpu.dma_semaphore, #tpu.memory_space<semaphore_mem>>)
    %dma_start3A_1810 = arith.constant 384 : i32
    %dma_start3A_1811 = tpu.memref_slice %arg7[%dma_start3A_1810] : memref<4096xf32, #tpu.memory_space<vmem>> -> memref<128xf32, #tpu.memory_space<vmem>>
    %dma_start3A_1812 = arith.constant 384 : i32
    %dma_start3A_1813 = tpu.memref_slice %arg6[%dma_start3A_1812] : memref<4096xi32, #tpu.memory_space<vmem>> -> memref<128xi32, #tpu.memory_space<vmem>>
    %dma_start3A_1814 = arith.constant 0 : i32
    %dma_start3A_1815 = tpu.memref_slice %arg2[%dma_start3A_1814] : memref<800000xf32, #tpu.memory_space<hbm>> -> memref<800000xf32, #tpu.memory_space<hbm>>
    tpu.enqueue_indirect_dma source(%dma_start3A_1815 : memref<800000xf32, #tpu.memory_space<hbm>>) target(%dma_start3A_1811 : memref<128xf32, #tpu.memory_space<vmem>>) offsets(%dma_start3A_1813 : memref<128xi32, #tpu.memory_space<vmem>>) semaphore(%arg9 : memref<!tpu.dma_semaphore, #tpu.memory_space<semaphore_mem>>)
    %dma_start3A_1816 = arith.constant 512 : i32
    %dma_start3A_1817 = tpu.memref_slice %arg7[%dma_start3A_1816] : memref<4096xf32, #tpu.memory_space<vmem>> -> memref<128xf32, #tpu.memory_space<vmem>>
    %dma_start3A_1818 = arith.constant 512 : i32
    %dma_start3A_1819 = tpu.memref_slice %arg6[%dma_start3A_1818] : memref<4096xi32, #tpu.memory_space<vmem>> -> memref<128xi32, #tpu.memory_space<vmem>>
    %dma_start3A_1820 = arith.constant 0 : i32
    %dma_start3A_1821 = tpu.memref_slice %arg2[%dma_start3A_1820] : memref<800000xf32, #tpu.memory_space<hbm>> -> memref<800000xf32, #tpu.memory_space<hbm>>
    tpu.enqueue_indirect_dma source(%dma_start3A_1821 : memref<800000xf32, #tpu.memory_space<hbm>>) target(%dma_start3A_1817 : memref<128xf32, #tpu.memory_space<vmem>>) offsets(%dma_start3A_1819 : memref<128xi32, #tpu.memory_space<vmem>>) semaphore(%arg9 : memref<!tpu.dma_semaphore, #tpu.memory_space<semaphore_mem>>)
    %dma_start3A_1822 = arith.constant 640 : i32
    %dma_start3A_1823 = tpu.memref_slice %arg7[%dma_start3A_1822] : memref<4096xf32, #tpu.memory_space<vmem>> -> memref<128xf32, #tpu.memory_space<vmem>>
    %dma_start3A_1824 = arith.constant 640 : i32
    %dma_start3A_1825 = tpu.memref_slice %arg6[%dma_start3A_1824] : memref<4096xi32, #tpu.memory_space<vmem>> -> memref<128xi32, #tpu.memory_space<vmem>>
    %dma_start3A_1826 = arith.constant 0 : i32
    %dma_start3A_1827 = tpu.memref_slice %arg2[%dma_start3A_1826] : memref<800000xf32, #tpu.memory_space<hbm>> -> memref<800000xf32, #tpu.memory_space<hbm>>
    tpu.enqueue_indirect_dma source(%dma_start3A_1827 : memref<800000xf32, #tpu.memory_space<hbm>>) target(%dma_start3A_1823 : memref<128xf32, #tpu.memory_space<vmem>>) offsets(%dma_start3A_1825 : memref<128xi32, #tpu.memory_space<vmem>>) semaphore(%arg9 : memref<!tpu.dma_semaphore, #tpu.memory_space<semaphore_mem>>)
    %dma_start3A_1828 = arith.constant 768 : i32
    %dma_start3A_1829 = tpu.memref_slice %arg7[%dma_start3A_1828] : memref<4096xf32, #tpu.memory_space<vmem>> -> memref<128xf32, #tpu.memory_space<vmem>>
    %dma_start3A_1830 = arith.constant 768 : i32
    %dma_start3A_1831 = tpu.memref_slice %arg6[%dma_start3A_1830] : memref<4096xi32, #tpu.memory_space<vmem>> -> memref<128xi32, #tpu.memory_space<vmem>>
    %dma_start3A_1832 = arith.constant 0 : i32
    %dma_start3A_1833 = tpu.memref_slice %arg2[%dma_start3A_1832] : memref<800000xf32, #tpu.memory_space<hbm>> -> memref<800000xf32, #tpu.memory_space<hbm>>
    tpu.enqueue_indirect_dma source(%dma_start3A_1833 : memref<800000xf32, #tpu.memory_space<hbm>>) target(%dma_start3A_1829 : memref<128xf32, #tpu.memory_space<vmem>>) offsets(%dma_start3A_1831 : memref<128xi32, #tpu.memory_space<vmem>>) semaphore(%arg9 : memref<!tpu.dma_semaphore, #tpu.memory_space<semaphore_mem>>)
    %dma_start3A_1834 = arith.constant 896 : i32
    %dma_start3A_1835 = tpu.memref_slice %arg7[%dma_start3A_1834] : memref<4096xf32, #tpu.memory_space<vmem>> -> memref<128xf32, #tpu.memory_space<vmem>>
    %dma_start3A_1836 = arith.constant 896 : i32
    %dma_start3A_1837 = tpu.memref_slice %arg6[%dma_start3A_1836] : memref<4096xi32, #tpu.memory_space<vmem>> -> memref<128xi32, #tpu.memory_space<vmem>>
    %dma_start3A_1838 = arith.constant 0 : i32
    %dma_start3A_1839 = tpu.memref_slice %arg2[%dma_start3A_1838] : memref<800000xf32, #tpu.memory_space<hbm>> -> memref<800000xf32, #tpu.memory_space<hbm>>
    tpu.enqueue_indirect_dma source(%dma_start3A_1839 : memref<800000xf32, #tpu.memory_space<hbm>>) target(%dma_start3A_1835 : memref<128xf32, #tpu.memory_space<vmem>>) offsets(%dma_start3A_1837 : memref<128xi32, #tpu.memory_space<vmem>>) semaphore(%arg9 : memref<!tpu.dma_semaphore, #tpu.memory_space<semaphore_mem>>)
    %dma_start3A_1840 = arith.constant 1024 : i32
    %dma_start3A_1841 = tpu.memref_slice %arg7[%dma_start3A_1840] : memref<4096xf32, #tpu.memory_space<vmem>> -> memref<128xf32, #tpu.memory_space<vmem>>
    %dma_start3A_1842 = arith.constant 1024 : i32
    %dma_start3A_1843 = tpu.memref_slice %arg6[%dma_start3A_1842] : memref<4096xi32, #tpu.memory_space<vmem>> -> memref<128xi32, #tpu.memory_space<vmem>>
    %dma_start3A_1844 = arith.constant 0 : i32
    %dma_start3A_1845 = tpu.memref_slice %arg2[%dma_start3A_1844] : memref<800000xf32, #tpu.memory_space<hbm>> -> memref<800000xf32, #tpu.memory_space<hbm>>
    tpu.enqueue_indirect_dma source(%dma_start3A_1845 : memref<800000xf32, #tpu.memory_space<hbm>>) target(%dma_start3A_1841 : memref<128xf32, #tpu.memory_space<vmem>>) offsets(%dma_start3A_1843 : memref<128xi32, #tpu.memory_space<vmem>>) semaphore(%arg9 : memref<!tpu.dma_semaphore, #tpu.memory_space<semaphore_mem>>)
    %dma_start3A_1846 = arith.constant 1152 : i32
    %dma_start3A_1847 = tpu.memref_slice %arg7[%dma_start3A_1846] : memref<4096xf32, #tpu.memory_space<vmem>> -> memref<128xf32, #tpu.memory_space<vmem>>
    %dma_start3A_1848 = arith.constant 1152 : i32
    %dma_start3A_1849 = tpu.memref_slice %arg6[%dma_start3A_1848] : memref<4096xi32, #tpu.memory_space<vmem>> -> memref<128xi32, #tpu.memory_space<vmem>>
    %dma_start3A_1850 = arith.constant 0 : i32
    %dma_start3A_1851 = tpu.memref_slice %arg2[%dma_start3A_1850] : memref<800000xf32, #tpu.memory_space<hbm>> -> memref<800000xf32, #tpu.memory_space<hbm>>
    tpu.enqueue_indirect_dma source(%dma_start3A_1851 : memref<800000xf32, #tpu.memory_space<hbm>>) target(%dma_start3A_1847 : memref<128xf32, #tpu.memory_space<vmem>>) offsets(%dma_start3A_1849 : memref<128xi32, #tpu.memory_space<vmem>>) semaphore(%arg9 : memref<!tpu.dma_semaphore, #tpu.memory_space<semaphore_mem>>)
    %dma_start3A_1852 = arith.constant 1280 : i32
    %dma_start3A_1853 = tpu.memref_slice %arg7[%dma_start3A_1852] : memref<4096xf32, #tpu.memory_space<vmem>> -> memref<128xf32, #tpu.memory_space<vmem>>
    %dma_start3A_1854 = arith.constant 1280 : i32
    %dma_start3A_1855 = tpu.memref_slice %arg6[%dma_start3A_1854] : memref<4096xi32, #tpu.memory_space<vmem>> -> memref<128xi32, #tpu.memory_space<vmem>>
    %dma_start3A_1856 = arith.constant 0 : i32
    %dma_start3A_1857 = tpu.memref_slice %arg2[%dma_start3A_1856] : memref<800000xf32, #tpu.memory_space<hbm>> -> memref<800000xf32, #tpu.memory_space<hbm>>
    tpu.enqueue_indirect_dma source(%dma_start3A_1857 : memref<800000xf32, #tpu.memory_space<hbm>>) target(%dma_start3A_1853 : memref<128xf32, #tpu.memory_space<vmem>>) offsets(%dma_start3A_1855 : memref<128xi32, #tpu.memory_space<vmem>>) semaphore(%arg9 : memref<!tpu.dma_semaphore, #tpu.memory_space<semaphore_mem>>)
    %dma_start3A_1858 = arith.constant 1408 : i32
    %dma_start3A_1859 = tpu.memref_slice %arg7[%dma_start3A_1858] : memref<4096xf32, #tpu.memory_space<vmem>> -> memref<128xf32, #tpu.memory_space<vmem>>
    %dma_start3A_1860 = arith.constant 1408 : i32
    %dma_start3A_1861 = tpu.memref_slice %arg6[%dma_start3A_1860] : memref<4096xi32, #tpu.memory_space<vmem>> -> memref<128xi32, #tpu.memory_space<vmem>>
    %dma_start3A_1862 = arith.constant 0 : i32
    %dma_start3A_1863 = tpu.memref_slice %arg2[%dma_start3A_1862] : memref<800000xf32, #tpu.memory_space<hbm>> -> memref<800000xf32, #tpu.memory_space<hbm>>
    tpu.enqueue_indirect_dma source(%dma_start3A_1863 : memref<800000xf32, #tpu.memory_space<hbm>>) target(%dma_start3A_1859 : memref<128xf32, #tpu.memory_space<vmem>>) offsets(%dma_start3A_1861 : memref<128xi32, #tpu.memory_space<vmem>>) semaphore(%arg9 : memref<!tpu.dma_semaphore, #tpu.memory_space<semaphore_mem>>)
    %dma_start3A_1864 = arith.constant 1536 : i32
    %dma_start3A_1865 = tpu.memref_slice %arg7[%dma_start3A_1864] : memref<4096xf32, #tpu.memory_space<vmem>> -> memref<128xf32, #tpu.memory_space<vmem>>
    %dma_start3A_1866 = arith.constant 1536 : i32
    %dma_start3A_1867 = tpu.memref_slice %arg6[%dma_start3A_1866] : memref<4096xi32, #tpu.memory_space<vmem>> -> memref<128xi32, #tpu.memory_space<vmem>>
    %dma_start3A_1868 = arith.constant 0 : i32
    %dma_start3A_1869 = tpu.memref_slice %arg2[%dma_start3A_1868] : memref<800000xf32, #tpu.memory_space<hbm>> -> memref<800000xf32, #tpu.memory_space<hbm>>
    tpu.enqueue_indirect_dma source(%dma_start3A_1869 : memref<800000xf32, #tpu.memory_space<hbm>>) target(%dma_start3A_1865 : memref<128xf32, #tpu.memory_space<vmem>>) offsets(%dma_start3A_1867 : memref<128xi32, #tpu.memory_space<vmem>>) semaphore(%arg9 : memref<!tpu.dma_semaphore, #tpu.memory_space<semaphore_mem>>)
    %dma_start3A_1870 = arith.constant 1664 : i32
    %dma_start3A_1871 = tpu.memref_slice %arg7[%dma_start3A_1870] : memref<4096xf32, #tpu.memory_space<vmem>> -> memref<128xf32, #tpu.memory_space<vmem>>
    %dma_start3A_1872 = arith.constant 1664 : i32
    %dma_start3A_1873 = tpu.memref_slice %arg6[%dma_start3A_1872] : memref<4096xi32, #tpu.memory_space<vmem>> -> memref<128xi32, #tpu.memory_space<vmem>>
    %dma_start3A_1874 = arith.constant 0 : i32
    %dma_start3A_1875 = tpu.memref_slice %arg2[%dma_start3A_1874] : memref<800000xf32, #tpu.memory_space<hbm>> -> memref<800000xf32, #tpu.memory_space<hbm>>
    tpu.enqueue_indirect_dma source(%dma_start3A_1875 : memref<800000xf32, #tpu.memory_space<hbm>>) target(%dma_start3A_1871 : memref<128xf32, #tpu.memory_space<vmem>>) offsets(%dma_start3A_1873 : memref<128xi32, #tpu.memory_space<vmem>>) semaphore(%arg9 : memref<!tpu.dma_semaphore, #tpu.memory_space<semaphore_mem>>)
    %dma_start3A_1876 = arith.constant 1792 : i32
    %dma_start3A_1877 = tpu.memref_slice %arg7[%dma_start3A_1876] : memref<4096xf32, #tpu.memory_space<vmem>> -> memref<128xf32, #tpu.memory_space<vmem>>
    %dma_start3A_1878 = arith.constant 1792 : i32
    %dma_start3A_1879 = tpu.memref_slice %arg6[%dma_start3A_1878] : memref<4096xi32, #tpu.memory_space<vmem>> -> memref<128xi32, #tpu.memory_space<vmem>>
    %dma_start3A_1880 = arith.constant 0 : i32
    %dma_start3A_1881 = tpu.memref_slice %arg2[%dma_start3A_1880] : memref<800000xf32, #tpu.memory_space<hbm>> -> memref<800000xf32, #tpu.memory_space<hbm>>
    tpu.enqueue_indirect_dma source(%dma_start3A_1881 : memref<800000xf32, #tpu.memory_space<hbm>>) target(%dma_start3A_1877 : memref<128xf32, #tpu.memory_space<vmem>>) offsets(%dma_start3A_1879 : memref<128xi32, #tpu.memory_space<vmem>>) semaphore(%arg9 : memref<!tpu.dma_semaphore, #tpu.memory_space<semaphore_mem>>)
    %dma_start3A_1882 = arith.constant 1920 : i32
    %dma_start3A_1883 = tpu.memref_slice %arg7[%dma_start3A_1882] : memref<4096xf32, #tpu.memory_space<vmem>> -> memref<128xf32, #tpu.memory_space<vmem>>
    %dma_start3A_1884 = arith.constant 1920 : i32
    %dma_start3A_1885 = tpu.memref_slice %arg6[%dma_start3A_1884] : memref<4096xi32, #tpu.memory_space<vmem>> -> memref<128xi32, #tpu.memory_space<vmem>>
    %dma_start3A_1886 = arith.constant 0 : i32
    %dma_start3A_1887 = tpu.memref_slice %arg2[%dma_start3A_1886] : memref<800000xf32, #tpu.memory_space<hbm>> -> memref<800000xf32, #tpu.memory_space<hbm>>
    tpu.enqueue_indirect_dma source(%dma_start3A_1887 : memref<800000xf32, #tpu.memory_space<hbm>>) target(%dma_start3A_1883 : memref<128xf32, #tpu.memory_space<vmem>>) offsets(%dma_start3A_1885 : memref<128xi32, #tpu.memory_space<vmem>>) semaphore(%arg9 : memref<!tpu.dma_semaphore, #tpu.memory_space<semaphore_mem>>)
    %dma_start3A_1888 = arith.constant 2048 : i32
    %dma_start3A_1889 = tpu.memref_slice %arg7[%dma_start3A_1888] : memref<4096xf32, #tpu.memory_space<vmem>> -> memref<128xf32, #tpu.memory_space<vmem>>
    %dma_start3A_1890 = arith.constant 2048 : i32
    %dma_start3A_1891 = tpu.memref_slice %arg6[%dma_start3A_1890] : memref<4096xi32, #tpu.memory_space<vmem>> -> memref<128xi32, #tpu.memory_space<vmem>>
    %dma_start3A_1892 = arith.constant 0 : i32
    %dma_start3A_1893 = tpu.memref_slice %arg2[%dma_start3A_1892] : memref<800000xf32, #tpu.memory_space<hbm>> -> memref<800000xf32, #tpu.memory_space<hbm>>
    tpu.enqueue_indirect_dma source(%dma_start3A_1893 : memref<800000xf32, #tpu.memory_space<hbm>>) target(%dma_start3A_1889 : memref<128xf32, #tpu.memory_space<vmem>>) offsets(%dma_start3A_1891 : memref<128xi32, #tpu.memory_space<vmem>>) semaphore(%arg9 : memref<!tpu.dma_semaphore, #tpu.memory_space<semaphore_mem>>)
    %dma_start3A_1894 = arith.constant 2176 : i32
    %dma_start3A_1895 = tpu.memref_slice %arg7[%dma_start3A_1894] : memref<4096xf32, #tpu.memory_space<vmem>> -> memref<128xf32, #tpu.memory_space<vmem>>
    %dma_start3A_1896 = arith.constant 2176 : i32
    %dma_start3A_1897 = tpu.memref_slice %arg6[%dma_start3A_1896] : memref<4096xi32, #tpu.memory_space<vmem>> -> memref<128xi32, #tpu.memory_space<vmem>>
    %dma_start3A_1898 = arith.constant 0 : i32
    %dma_start3A_1899 = tpu.memref_slice %arg2[%dma_start3A_1898] : memref<800000xf32, #tpu.memory_space<hbm>> -> memref<800000xf32, #tpu.memory_space<hbm>>
    tpu.enqueue_indirect_dma source(%dma_start3A_1899 : memref<800000xf32, #tpu.memory_space<hbm>>) target(%dma_start3A_1895 : memref<128xf32, #tpu.memory_space<vmem>>) offsets(%dma_start3A_1897 : memref<128xi32, #tpu.memory_space<vmem>>) semaphore(%arg9 : memref<!tpu.dma_semaphore, #tpu.memory_space<semaphore_mem>>)
    %dma_start3A_1900 = arith.constant 2304 : i32
    %dma_start3A_1901 = tpu.memref_slice %arg7[%dma_start3A_1900] : memref<4096xf32, #tpu.memory_space<vmem>> -> memref<128xf32, #tpu.memory_space<vmem>>
    %dma_start3A_1902 = arith.constant 2304 : i32
    %dma_start3A_1903 = tpu.memref_slice %arg6[%dma_start3A_1902] : memref<4096xi32, #tpu.memory_space<vmem>> -> memref<128xi32, #tpu.memory_space<vmem>>
    %dma_start3A_1904 = arith.constant 0 : i32
    %dma_start3A_1905 = tpu.memref_slice %arg2[%dma_start3A_1904] : memref<800000xf32, #tpu.memory_space<hbm>> -> memref<800000xf32, #tpu.memory_space<hbm>>
    tpu.enqueue_indirect_dma source(%dma_start3A_1905 : memref<800000xf32, #tpu.memory_space<hbm>>) target(%dma_start3A_1901 : memref<128xf32, #tpu.memory_space<vmem>>) offsets(%dma_start3A_1903 : memref<128xi32, #tpu.memory_space<vmem>>) semaphore(%arg9 : memref<!tpu.dma_semaphore, #tpu.memory_space<semaphore_mem>>)
    %dma_start3A_1906 = arith.constant 2432 : i32
    %dma_start3A_1907 = tpu.memref_slice %arg7[%dma_start3A_1906] : memref<4096xf32, #tpu.memory_space<vmem>> -> memref<128xf32, #tpu.memory_space<vmem>>
    %dma_start3A_1908 = arith.constant 2432 : i32
    %dma_start3A_1909 = tpu.memref_slice %arg6[%dma_start3A_1908] : memref<4096xi32, #tpu.memory_space<vmem>> -> memref<128xi32, #tpu.memory_space<vmem>>
    %dma_start3A_1910 = arith.constant 0 : i32
    %dma_start3A_1911 = tpu.memref_slice %arg2[%dma_start3A_1910] : memref<800000xf32, #tpu.memory_space<hbm>> -> memref<800000xf32, #tpu.memory_space<hbm>>
    tpu.enqueue_indirect_dma source(%dma_start3A_1911 : memref<800000xf32, #tpu.memory_space<hbm>>) target(%dma_start3A_1907 : memref<128xf32, #tpu.memory_space<vmem>>) offsets(%dma_start3A_1909 : memref<128xi32, #tpu.memory_space<vmem>>) semaphore(%arg9 : memref<!tpu.dma_semaphore, #tpu.memory_space<semaphore_mem>>)
    %dma_start3A_1912 = arith.constant 2560 : i32
    %dma_start3A_1913 = tpu.memref_slice %arg7[%dma_start3A_1912] : memref<4096xf32, #tpu.memory_space<vmem>> -> memref<128xf32, #tpu.memory_space<vmem>>
    %dma_start3A_1914 = arith.constant 2560 : i32
    %dma_start3A_1915 = tpu.memref_slice %arg6[%dma_start3A_1914] : memref<4096xi32, #tpu.memory_space<vmem>> -> memref<128xi32, #tpu.memory_space<vmem>>
    %dma_start3A_1916 = arith.constant 0 : i32
    %dma_start3A_1917 = tpu.memref_slice %arg2[%dma_start3A_1916] : memref<800000xf32, #tpu.memory_space<hbm>> -> memref<800000xf32, #tpu.memory_space<hbm>>
    tpu.enqueue_indirect_dma source(%dma_start3A_1917 : memref<800000xf32, #tpu.memory_space<hbm>>) target(%dma_start3A_1913 : memref<128xf32, #tpu.memory_space<vmem>>) offsets(%dma_start3A_1915 : memref<128xi32, #tpu.memory_space<vmem>>) semaphore(%arg9 : memref<!tpu.dma_semaphore, #tpu.memory_space<semaphore_mem>>)
    %dma_start3A_1918 = arith.constant 2688 : i32
    %dma_start3A_1919 = tpu.memref_slice %arg7[%dma_start3A_1918] : memref<4096xf32, #tpu.memory_space<vmem>> -> memref<128xf32, #tpu.memory_space<vmem>>
    %dma_start3A_1920 = arith.constant 2688 : i32
    %dma_start3A_1921 = tpu.memref_slice %arg6[%dma_start3A_1920] : memref<4096xi32, #tpu.memory_space<vmem>> -> memref<128xi32, #tpu.memory_space<vmem>>
    %dma_start3A_1922 = arith.constant 0 : i32
    %dma_start3A_1923 = tpu.memref_slice %arg2[%dma_start3A_1922] : memref<800000xf32, #tpu.memory_space<hbm>> -> memref<800000xf32, #tpu.memory_space<hbm>>
    tpu.enqueue_indirect_dma source(%dma_start3A_1923 : memref<800000xf32, #tpu.memory_space<hbm>>) target(%dma_start3A_1919 : memref<128xf32, #tpu.memory_space<vmem>>) offsets(%dma_start3A_1921 : memref<128xi32, #tpu.memory_space<vmem>>) semaphore(%arg9 : memref<!tpu.dma_semaphore, #tpu.memory_space<semaphore_mem>>)
    %dma_start3A_1924 = arith.constant 2816 : i32
    %dma_start3A_1925 = tpu.memref_slice %arg7[%dma_start3A_1924] : memref<4096xf32, #tpu.memory_space<vmem>> -> memref<128xf32, #tpu.memory_space<vmem>>
    %dma_start3A_1926 = arith.constant 2816 : i32
    %dma_start3A_1927 = tpu.memref_slice %arg6[%dma_start3A_1926] : memref<4096xi32, #tpu.memory_space<vmem>> -> memref<128xi32, #tpu.memory_space<vmem>>
    %dma_start3A_1928 = arith.constant 0 : i32
    %dma_start3A_1929 = tpu.memref_slice %arg2[%dma_start3A_1928] : memref<800000xf32, #tpu.memory_space<hbm>> -> memref<800000xf32, #tpu.memory_space<hbm>>
    tpu.enqueue_indirect_dma source(%dma_start3A_1929 : memref<800000xf32, #tpu.memory_space<hbm>>) target(%dma_start3A_1925 : memref<128xf32, #tpu.memory_space<vmem>>) offsets(%dma_start3A_1927 : memref<128xi32, #tpu.memory_space<vmem>>) semaphore(%arg9 : memref<!tpu.dma_semaphore, #tpu.memory_space<semaphore_mem>>)
    %dma_start3A_1930 = arith.constant 2944 : i32
    %dma_start3A_1931 = tpu.memref_slice %arg7[%dma_start3A_1930] : memref<4096xf32, #tpu.memory_space<vmem>> -> memref<128xf32, #tpu.memory_space<vmem>>
    %dma_start3A_1932 = arith.constant 2944 : i32
    %dma_start3A_1933 = tpu.memref_slice %arg6[%dma_start3A_1932] : memref<4096xi32, #tpu.memory_space<vmem>> -> memref<128xi32, #tpu.memory_space<vmem>>
    %dma_start3A_1934 = arith.constant 0 : i32
    %dma_start3A_1935 = tpu.memref_slice %arg2[%dma_start3A_1934] : memref<800000xf32, #tpu.memory_space<hbm>> -> memref<800000xf32, #tpu.memory_space<hbm>>
    tpu.enqueue_indirect_dma source(%dma_start3A_1935 : memref<800000xf32, #tpu.memory_space<hbm>>) target(%dma_start3A_1931 : memref<128xf32, #tpu.memory_space<vmem>>) offsets(%dma_start3A_1933 : memref<128xi32, #tpu.memory_space<vmem>>) semaphore(%arg9 : memref<!tpu.dma_semaphore, #tpu.memory_space<semaphore_mem>>)
    %dma_start3A_1936 = arith.constant 3072 : i32
    %dma_start3A_1937 = tpu.memref_slice %arg7[%dma_start3A_1936] : memref<4096xf32, #tpu.memory_space<vmem>> -> memref<128xf32, #tpu.memory_space<vmem>>
    %dma_start3A_1938 = arith.constant 3072 : i32
    %dma_start3A_1939 = tpu.memref_slice %arg6[%dma_start3A_1938] : memref<4096xi32, #tpu.memory_space<vmem>> -> memref<128xi32, #tpu.memory_space<vmem>>
    %dma_start3A_1940 = arith.constant 0 : i32
    %dma_start3A_1941 = tpu.memref_slice %arg2[%dma_start3A_1940] : memref<800000xf32, #tpu.memory_space<hbm>> -> memref<800000xf32, #tpu.memory_space<hbm>>
    tpu.enqueue_indirect_dma source(%dma_start3A_1941 : memref<800000xf32, #tpu.memory_space<hbm>>) target(%dma_start3A_1937 : memref<128xf32, #tpu.memory_space<vmem>>) offsets(%dma_start3A_1939 : memref<128xi32, #tpu.memory_space<vmem>>) semaphore(%arg9 : memref<!tpu.dma_semaphore, #tpu.memory_space<semaphore_mem>>)
    %dma_start3A_1942 = arith.constant 3200 : i32
    %dma_start3A_1943 = tpu.memref_slice %arg7[%dma_start3A_1942] : memref<4096xf32, #tpu.memory_space<vmem>> -> memref<128xf32, #tpu.memory_space<vmem>>
    %dma_start3A_1944 = arith.constant 3200 : i32
    %dma_start3A_1945 = tpu.memref_slice %arg6[%dma_start3A_1944] : memref<4096xi32, #tpu.memory_space<vmem>> -> memref<128xi32, #tpu.memory_space<vmem>>
    %dma_start3A_1946 = arith.constant 0 : i32
    %dma_start3A_1947 = tpu.memref_slice %arg2[%dma_start3A_1946] : memref<800000xf32, #tpu.memory_space<hbm>> -> memref<800000xf32, #tpu.memory_space<hbm>>
    tpu.enqueue_indirect_dma source(%dma_start3A_1947 : memref<800000xf32, #tpu.memory_space<hbm>>) target(%dma_start3A_1943 : memref<128xf32, #tpu.memory_space<vmem>>) offsets(%dma_start3A_1945 : memref<128xi32, #tpu.memory_space<vmem>>) semaphore(%arg9 : memref<!tpu.dma_semaphore, #tpu.memory_space<semaphore_mem>>)
    %dma_start3A_1948 = arith.constant 3328 : i32
    %dma_start3A_1949 = tpu.memref_slice %arg7[%dma_start3A_1948] : memref<4096xf32, #tpu.memory_space<vmem>> -> memref<128xf32, #tpu.memory_space<vmem>>
    %dma_start3A_1950 = arith.constant 3328 : i32
    %dma_start3A_1951 = tpu.memref_slice %arg6[%dma_start3A_1950] : memref<4096xi32, #tpu.memory_space<vmem>> -> memref<128xi32, #tpu.memory_space<vmem>>
    %dma_start3A_1952 = arith.constant 0 : i32
    %dma_start3A_1953 = tpu.memref_slice %arg2[%dma_start3A_1952] : memref<800000xf32, #tpu.memory_space<hbm>> -> memref<800000xf32, #tpu.memory_space<hbm>>
    tpu.enqueue_indirect_dma source(%dma_start3A_1953 : memref<800000xf32, #tpu.memory_space<hbm>>) target(%dma_start3A_1949 : memref<128xf32, #tpu.memory_space<vmem>>) offsets(%dma_start3A_1951 : memref<128xi32, #tpu.memory_space<vmem>>) semaphore(%arg9 : memref<!tpu.dma_semaphore, #tpu.memory_space<semaphore_mem>>)
    %dma_start3A_1954 = arith.constant 3456 : i32
    %dma_start3A_1955 = tpu.memref_slice %arg7[%dma_start3A_1954] : memref<4096xf32, #tpu.memory_space<vmem>> -> memref<128xf32, #tpu.memory_space<vmem>>
    %dma_start3A_1956 = arith.constant 3456 : i32
    %dma_start3A_1957 = tpu.memref_slice %arg6[%dma_start3A_1956] : memref<4096xi32, #tpu.memory_space<vmem>> -> memref<128xi32, #tpu.memory_space<vmem>>
    %dma_start3A_1958 = arith.constant 0 : i32
    %dma_start3A_1959 = tpu.memref_slice %arg2[%dma_start3A_1958] : memref<800000xf32, #tpu.memory_space<hbm>> -> memref<800000xf32, #tpu.memory_space<hbm>>
    tpu.enqueue_indirect_dma source(%dma_start3A_1959 : memref<800000xf32, #tpu.memory_space<hbm>>) target(%dma_start3A_1955 : memref<128xf32, #tpu.memory_space<vmem>>) offsets(%dma_start3A_1957 : memref<128xi32, #tpu.memory_space<vmem>>) semaphore(%arg9 : memref<!tpu.dma_semaphore, #tpu.memory_space<semaphore_mem>>)
    %dma_start3A_1960 = arith.constant 3584 : i32
    %dma_start3A_1961 = tpu.memref_slice %arg7[%dma_start3A_1960] : memref<4096xf32, #tpu.memory_space<vmem>> -> memref<128xf32, #tpu.memory_space<vmem>>
    %dma_start3A_1962 = arith.constant 3584 : i32
    %dma_start3A_1963 = tpu.memref_slice %arg6[%dma_start3A_1962] : memref<4096xi32, #tpu.memory_space<vmem>> -> memref<128xi32, #tpu.memory_space<vmem>>
    %dma_start3A_1964 = arith.constant 0 : i32
    %dma_start3A_1965 = tpu.memref_slice %arg2[%dma_start3A_1964] : memref<800000xf32, #tpu.memory_space<hbm>> -> memref<800000xf32, #tpu.memory_space<hbm>>
    tpu.enqueue_indirect_dma source(%dma_start3A_1965 : memref<800000xf32, #tpu.memory_space<hbm>>) target(%dma_start3A_1961 : memref<128xf32, #tpu.memory_space<vmem>>) offsets(%dma_start3A_1963 : memref<128xi32, #tpu.memory_space<vmem>>) semaphore(%arg9 : memref<!tpu.dma_semaphore, #tpu.memory_space<semaphore_mem>>)
    %dma_start3A_1966 = arith.constant 3712 : i32
    %dma_start3A_1967 = tpu.memref_slice %arg7[%dma_start3A_1966] : memref<4096xf32, #tpu.memory_space<vmem>> -> memref<128xf32, #tpu.memory_space<vmem>>
    %dma_start3A_1968 = arith.constant 3712 : i32
    %dma_start3A_1969 = tpu.memref_slice %arg6[%dma_start3A_1968] : memref<4096xi32, #tpu.memory_space<vmem>> -> memref<128xi32, #tpu.memory_space<vmem>>
    %dma_start3A_1970 = arith.constant 0 : i32
    %dma_start3A_1971 = tpu.memref_slice %arg2[%dma_start3A_1970] : memref<800000xf32, #tpu.memory_space<hbm>> -> memref<800000xf32, #tpu.memory_space<hbm>>
    tpu.enqueue_indirect_dma source(%dma_start3A_1971 : memref<800000xf32, #tpu.memory_space<hbm>>) target(%dma_start3A_1967 : memref<128xf32, #tpu.memory_space<vmem>>) offsets(%dma_start3A_1969 : memref<128xi32, #tpu.memory_space<vmem>>) semaphore(%arg9 : memref<!tpu.dma_semaphore, #tpu.memory_space<semaphore_mem>>)
    %dma_start3A_1972 = arith.constant 3840 : i32
    %dma_start3A_1973 = tpu.memref_slice %arg7[%dma_start3A_1972] : memref<4096xf32, #tpu.memory_space<vmem>> -> memref<128xf32, #tpu.memory_space<vmem>>
    %dma_start3A_1974 = arith.constant 3840 : i32
    %dma_start3A_1975 = tpu.memref_slice %arg6[%dma_start3A_1974] : memref<4096xi32, #tpu.memory_space<vmem>> -> memref<128xi32, #tpu.memory_space<vmem>>
    %dma_start3A_1976 = arith.constant 0 : i32
    %dma_start3A_1977 = tpu.memref_slice %arg2[%dma_start3A_1976] : memref<800000xf32, #tpu.memory_space<hbm>> -> memref<800000xf32, #tpu.memory_space<hbm>>
    tpu.enqueue_indirect_dma source(%dma_start3A_1977 : memref<800000xf32, #tpu.memory_space<hbm>>) target(%dma_start3A_1973 : memref<128xf32, #tpu.memory_space<vmem>>) offsets(%dma_start3A_1975 : memref<128xi32, #tpu.memory_space<vmem>>) semaphore(%arg9 : memref<!tpu.dma_semaphore, #tpu.memory_space<semaphore_mem>>)
    %dma_start3A_1978 = arith.constant 3968 : i32
    %dma_start3A_1979 = tpu.memref_slice %arg7[%dma_start3A_1978] : memref<4096xf32, #tpu.memory_space<vmem>> -> memref<128xf32, #tpu.memory_space<vmem>>
    %dma_start3A_1980 = arith.constant 3968 : i32
    %dma_start3A_1981 = tpu.memref_slice %arg6[%dma_start3A_1980] : memref<4096xi32, #tpu.memory_space<vmem>> -> memref<128xi32, #tpu.memory_space<vmem>>
    %dma_start3A_1982 = arith.constant 0 : i32
    %dma_start3A_1983 = tpu.memref_slice %arg2[%dma_start3A_1982] : memref<800000xf32, #tpu.memory_space<hbm>> -> memref<800000xf32, #tpu.memory_space<hbm>>
    tpu.enqueue_indirect_dma source(%dma_start3A_1983 : memref<800000xf32, #tpu.memory_space<hbm>>) target(%dma_start3A_1979 : memref<128xf32, #tpu.memory_space<vmem>>) offsets(%dma_start3A_1981 : memref<128xi32, #tpu.memory_space<vmem>>) semaphore(%arg9 : memref<!tpu.dma_semaphore, #tpu.memory_space<semaphore_mem>>)
    %dma_wait3A = arith.constant 0 : i32
    %dma_wait3A_1984 = tpu.memref_slice %arg7[%dma_wait3A] : memref<4096xf32, #tpu.memory_space<vmem>> -> memref<128xf32, #tpu.memory_space<vmem>>
    %dma_wait3A_1985 = arith.constant 0 : i32
    %dma_wait3A_1986 = tpu.memref_slice %arg6[%dma_wait3A_1985] : memref<4096xi32, #tpu.memory_space<vmem>> -> memref<128xi32, #tpu.memory_space<vmem>>
    %dma_wait3A_1987 = arith.constant 0 : i32
    %dma_wait3A_1988 = tpu.memref_slice %arg2[%dma_wait3A_1987] : memref<800000xf32, #tpu.memory_space<hbm>> -> memref<800000xf32, #tpu.memory_space<hbm>>
    tpu.wait_indirect_dma semaphore(%arg9 : memref<!tpu.dma_semaphore, #tpu.memory_space<semaphore_mem>>) src(%dma_wait3A_1988 : memref<800000xf32, #tpu.memory_space<hbm>>) dst(%dma_wait3A_1984 : memref<128xf32, #tpu.memory_space<vmem>>)
    %dma_wait3A_1989 = arith.constant 128 : i32
    %dma_wait3A_1990 = tpu.memref_slice %arg7[%dma_wait3A_1989] : memref<4096xf32, #tpu.memory_space<vmem>> -> memref<128xf32, #tpu.memory_space<vmem>>
    %dma_wait3A_1991 = arith.constant 128 : i32
    %dma_wait3A_1992 = tpu.memref_slice %arg6[%dma_wait3A_1991] : memref<4096xi32, #tpu.memory_space<vmem>> -> memref<128xi32, #tpu.memory_space<vmem>>
    %dma_wait3A_1993 = arith.constant 0 : i32
    %dma_wait3A_1994 = tpu.memref_slice %arg2[%dma_wait3A_1993] : memref<800000xf32, #tpu.memory_space<hbm>> -> memref<800000xf32, #tpu.memory_space<hbm>>
    tpu.wait_indirect_dma semaphore(%arg9 : memref<!tpu.dma_semaphore, #tpu.memory_space<semaphore_mem>>) src(%dma_wait3A_1994 : memref<800000xf32, #tpu.memory_space<hbm>>) dst(%dma_wait3A_1990 : memref<128xf32, #tpu.memory_space<vmem>>)
    %dma_wait3A_1995 = arith.constant 256 : i32
    %dma_wait3A_1996 = tpu.memref_slice %arg7[%dma_wait3A_1995] : memref<4096xf32, #tpu.memory_space<vmem>> -> memref<128xf32, #tpu.memory_space<vmem>>
    %dma_wait3A_1997 = arith.constant 256 : i32
    %dma_wait3A_1998 = tpu.memref_slice %arg6[%dma_wait3A_1997] : memref<4096xi32, #tpu.memory_space<vmem>> -> memref<128xi32, #tpu.memory_space<vmem>>
    %dma_wait3A_1999 = arith.constant 0 : i32
    %dma_wait3A_2000 = tpu.memref_slice %arg2[%dma_wait3A_1999] : memref<800000xf32, #tpu.memory_space<hbm>> -> memref<800000xf32, #tpu.memory_space<hbm>>
    tpu.wait_indirect_dma semaphore(%arg9 : memref<!tpu.dma_semaphore, #tpu.memory_space<semaphore_mem>>) src(%dma_wait3A_2000 : memref<800000xf32, #tpu.memory_space<hbm>>) dst(%dma_wait3A_1996 : memref<128xf32, #tpu.memory_space<vmem>>)
    %dma_wait3A_2001 = arith.constant 384 : i32
    %dma_wait3A_2002 = tpu.memref_slice %arg7[%dma_wait3A_2001] : memref<4096xf32, #tpu.memory_space<vmem>> -> memref<128xf32, #tpu.memory_space<vmem>>
    %dma_wait3A_2003 = arith.constant 384 : i32
    %dma_wait3A_2004 = tpu.memref_slice %arg6[%dma_wait3A_2003] : memref<4096xi32, #tpu.memory_space<vmem>> -> memref<128xi32, #tpu.memory_space<vmem>>
    %dma_wait3A_2005 = arith.constant 0 : i32
    %dma_wait3A_2006 = tpu.memref_slice %arg2[%dma_wait3A_2005] : memref<800000xf32, #tpu.memory_space<hbm>> -> memref<800000xf32, #tpu.memory_space<hbm>>
    tpu.wait_indirect_dma semaphore(%arg9 : memref<!tpu.dma_semaphore, #tpu.memory_space<semaphore_mem>>) src(%dma_wait3A_2006 : memref<800000xf32, #tpu.memory_space<hbm>>) dst(%dma_wait3A_2002 : memref<128xf32, #tpu.memory_space<vmem>>)
    %dma_wait3A_2007 = arith.constant 512 : i32
    %dma_wait3A_2008 = tpu.memref_slice %arg7[%dma_wait3A_2007] : memref<4096xf32, #tpu.memory_space<vmem>> -> memref<128xf32, #tpu.memory_space<vmem>>
    %dma_wait3A_2009 = arith.constant 512 : i32
    %dma_wait3A_2010 = tpu.memref_slice %arg6[%dma_wait3A_2009] : memref<4096xi32, #tpu.memory_space<vmem>> -> memref<128xi32, #tpu.memory_space<vmem>>
    %dma_wait3A_2011 = arith.constant 0 : i32
    %dma_wait3A_2012 = tpu.memref_slice %arg2[%dma_wait3A_2011] : memref<800000xf32, #tpu.memory_space<hbm>> -> memref<800000xf32, #tpu.memory_space<hbm>>
    tpu.wait_indirect_dma semaphore(%arg9 : memref<!tpu.dma_semaphore, #tpu.memory_space<semaphore_mem>>) src(%dma_wait3A_2012 : memref<800000xf32, #tpu.memory_space<hbm>>) dst(%dma_wait3A_2008 : memref<128xf32, #tpu.memory_space<vmem>>)
    %dma_wait3A_2013 = arith.constant 640 : i32
    %dma_wait3A_2014 = tpu.memref_slice %arg7[%dma_wait3A_2013] : memref<4096xf32, #tpu.memory_space<vmem>> -> memref<128xf32, #tpu.memory_space<vmem>>
    %dma_wait3A_2015 = arith.constant 640 : i32
    %dma_wait3A_2016 = tpu.memref_slice %arg6[%dma_wait3A_2015] : memref<4096xi32, #tpu.memory_space<vmem>> -> memref<128xi32, #tpu.memory_space<vmem>>
    %dma_wait3A_2017 = arith.constant 0 : i32
    %dma_wait3A_2018 = tpu.memref_slice %arg2[%dma_wait3A_2017] : memref<800000xf32, #tpu.memory_space<hbm>> -> memref<800000xf32, #tpu.memory_space<hbm>>
    tpu.wait_indirect_dma semaphore(%arg9 : memref<!tpu.dma_semaphore, #tpu.memory_space<semaphore_mem>>) src(%dma_wait3A_2018 : memref<800000xf32, #tpu.memory_space<hbm>>) dst(%dma_wait3A_2014 : memref<128xf32, #tpu.memory_space<vmem>>)
    %dma_wait3A_2019 = arith.constant 768 : i32
    %dma_wait3A_2020 = tpu.memref_slice %arg7[%dma_wait3A_2019] : memref<4096xf32, #tpu.memory_space<vmem>> -> memref<128xf32, #tpu.memory_space<vmem>>
    %dma_wait3A_2021 = arith.constant 768 : i32
    %dma_wait3A_2022 = tpu.memref_slice %arg6[%dma_wait3A_2021] : memref<4096xi32, #tpu.memory_space<vmem>> -> memref<128xi32, #tpu.memory_space<vmem>>
    %dma_wait3A_2023 = arith.constant 0 : i32
    %dma_wait3A_2024 = tpu.memref_slice %arg2[%dma_wait3A_2023] : memref<800000xf32, #tpu.memory_space<hbm>> -> memref<800000xf32, #tpu.memory_space<hbm>>
    tpu.wait_indirect_dma semaphore(%arg9 : memref<!tpu.dma_semaphore, #tpu.memory_space<semaphore_mem>>) src(%dma_wait3A_2024 : memref<800000xf32, #tpu.memory_space<hbm>>) dst(%dma_wait3A_2020 : memref<128xf32, #tpu.memory_space<vmem>>)
    %dma_wait3A_2025 = arith.constant 896 : i32
    %dma_wait3A_2026 = tpu.memref_slice %arg7[%dma_wait3A_2025] : memref<4096xf32, #tpu.memory_space<vmem>> -> memref<128xf32, #tpu.memory_space<vmem>>
    %dma_wait3A_2027 = arith.constant 896 : i32
    %dma_wait3A_2028 = tpu.memref_slice %arg6[%dma_wait3A_2027] : memref<4096xi32, #tpu.memory_space<vmem>> -> memref<128xi32, #tpu.memory_space<vmem>>
    %dma_wait3A_2029 = arith.constant 0 : i32
    %dma_wait3A_2030 = tpu.memref_slice %arg2[%dma_wait3A_2029] : memref<800000xf32, #tpu.memory_space<hbm>> -> memref<800000xf32, #tpu.memory_space<hbm>>
    tpu.wait_indirect_dma semaphore(%arg9 : memref<!tpu.dma_semaphore, #tpu.memory_space<semaphore_mem>>) src(%dma_wait3A_2030 : memref<800000xf32, #tpu.memory_space<hbm>>) dst(%dma_wait3A_2026 : memref<128xf32, #tpu.memory_space<vmem>>)
    %dma_wait3A_2031 = arith.constant 1024 : i32
    %dma_wait3A_2032 = tpu.memref_slice %arg7[%dma_wait3A_2031] : memref<4096xf32, #tpu.memory_space<vmem>> -> memref<128xf32, #tpu.memory_space<vmem>>
    %dma_wait3A_2033 = arith.constant 1024 : i32
    %dma_wait3A_2034 = tpu.memref_slice %arg6[%dma_wait3A_2033] : memref<4096xi32, #tpu.memory_space<vmem>> -> memref<128xi32, #tpu.memory_space<vmem>>
    %dma_wait3A_2035 = arith.constant 0 : i32
    %dma_wait3A_2036 = tpu.memref_slice %arg2[%dma_wait3A_2035] : memref<800000xf32, #tpu.memory_space<hbm>> -> memref<800000xf32, #tpu.memory_space<hbm>>
    tpu.wait_indirect_dma semaphore(%arg9 : memref<!tpu.dma_semaphore, #tpu.memory_space<semaphore_mem>>) src(%dma_wait3A_2036 : memref<800000xf32, #tpu.memory_space<hbm>>) dst(%dma_wait3A_2032 : memref<128xf32, #tpu.memory_space<vmem>>)
    %dma_wait3A_2037 = arith.constant 1152 : i32
    %dma_wait3A_2038 = tpu.memref_slice %arg7[%dma_wait3A_2037] : memref<4096xf32, #tpu.memory_space<vmem>> -> memref<128xf32, #tpu.memory_space<vmem>>
    %dma_wait3A_2039 = arith.constant 1152 : i32
    %dma_wait3A_2040 = tpu.memref_slice %arg6[%dma_wait3A_2039] : memref<4096xi32, #tpu.memory_space<vmem>> -> memref<128xi32, #tpu.memory_space<vmem>>
    %dma_wait3A_2041 = arith.constant 0 : i32
    %dma_wait3A_2042 = tpu.memref_slice %arg2[%dma_wait3A_2041] : memref<800000xf32, #tpu.memory_space<hbm>> -> memref<800000xf32, #tpu.memory_space<hbm>>
    tpu.wait_indirect_dma semaphore(%arg9 : memref<!tpu.dma_semaphore, #tpu.memory_space<semaphore_mem>>) src(%dma_wait3A_2042 : memref<800000xf32, #tpu.memory_space<hbm>>) dst(%dma_wait3A_2038 : memref<128xf32, #tpu.memory_space<vmem>>)
    %dma_wait3A_2043 = arith.constant 1280 : i32
    %dma_wait3A_2044 = tpu.memref_slice %arg7[%dma_wait3A_2043] : memref<4096xf32, #tpu.memory_space<vmem>> -> memref<128xf32, #tpu.memory_space<vmem>>
    %dma_wait3A_2045 = arith.constant 1280 : i32
    %dma_wait3A_2046 = tpu.memref_slice %arg6[%dma_wait3A_2045] : memref<4096xi32, #tpu.memory_space<vmem>> -> memref<128xi32, #tpu.memory_space<vmem>>
    %dma_wait3A_2047 = arith.constant 0 : i32
    %dma_wait3A_2048 = tpu.memref_slice %arg2[%dma_wait3A_2047] : memref<800000xf32, #tpu.memory_space<hbm>> -> memref<800000xf32, #tpu.memory_space<hbm>>
    tpu.wait_indirect_dma semaphore(%arg9 : memref<!tpu.dma_semaphore, #tpu.memory_space<semaphore_mem>>) src(%dma_wait3A_2048 : memref<800000xf32, #tpu.memory_space<hbm>>) dst(%dma_wait3A_2044 : memref<128xf32, #tpu.memory_space<vmem>>)
    %dma_wait3A_2049 = arith.constant 1408 : i32
    %dma_wait3A_2050 = tpu.memref_slice %arg7[%dma_wait3A_2049] : memref<4096xf32, #tpu.memory_space<vmem>> -> memref<128xf32, #tpu.memory_space<vmem>>
    %dma_wait3A_2051 = arith.constant 1408 : i32
    %dma_wait3A_2052 = tpu.memref_slice %arg6[%dma_wait3A_2051] : memref<4096xi32, #tpu.memory_space<vmem>> -> memref<128xi32, #tpu.memory_space<vmem>>
    %dma_wait3A_2053 = arith.constant 0 : i32
    %dma_wait3A_2054 = tpu.memref_slice %arg2[%dma_wait3A_2053] : memref<800000xf32, #tpu.memory_space<hbm>> -> memref<800000xf32, #tpu.memory_space<hbm>>
    tpu.wait_indirect_dma semaphore(%arg9 : memref<!tpu.dma_semaphore, #tpu.memory_space<semaphore_mem>>) src(%dma_wait3A_2054 : memref<800000xf32, #tpu.memory_space<hbm>>) dst(%dma_wait3A_2050 : memref<128xf32, #tpu.memory_space<vmem>>)
    %dma_wait3A_2055 = arith.constant 1536 : i32
    %dma_wait3A_2056 = tpu.memref_slice %arg7[%dma_wait3A_2055] : memref<4096xf32, #tpu.memory_space<vmem>> -> memref<128xf32, #tpu.memory_space<vmem>>
    %dma_wait3A_2057 = arith.constant 1536 : i32
    %dma_wait3A_2058 = tpu.memref_slice %arg6[%dma_wait3A_2057] : memref<4096xi32, #tpu.memory_space<vmem>> -> memref<128xi32, #tpu.memory_space<vmem>>
    %dma_wait3A_2059 = arith.constant 0 : i32
    %dma_wait3A_2060 = tpu.memref_slice %arg2[%dma_wait3A_2059] : memref<800000xf32, #tpu.memory_space<hbm>> -> memref<800000xf32, #tpu.memory_space<hbm>>
    tpu.wait_indirect_dma semaphore(%arg9 : memref<!tpu.dma_semaphore, #tpu.memory_space<semaphore_mem>>) src(%dma_wait3A_2060 : memref<800000xf32, #tpu.memory_space<hbm>>) dst(%dma_wait3A_2056 : memref<128xf32, #tpu.memory_space<vmem>>)
    %dma_wait3A_2061 = arith.constant 1664 : i32
    %dma_wait3A_2062 = tpu.memref_slice %arg7[%dma_wait3A_2061] : memref<4096xf32, #tpu.memory_space<vmem>> -> memref<128xf32, #tpu.memory_space<vmem>>
    %dma_wait3A_2063 = arith.constant 1664 : i32
    %dma_wait3A_2064 = tpu.memref_slice %arg6[%dma_wait3A_2063] : memref<4096xi32, #tpu.memory_space<vmem>> -> memref<128xi32, #tpu.memory_space<vmem>>
    %dma_wait3A_2065 = arith.constant 0 : i32
    %dma_wait3A_2066 = tpu.memref_slice %arg2[%dma_wait3A_2065] : memref<800000xf32, #tpu.memory_space<hbm>> -> memref<800000xf32, #tpu.memory_space<hbm>>
    tpu.wait_indirect_dma semaphore(%arg9 : memref<!tpu.dma_semaphore, #tpu.memory_space<semaphore_mem>>) src(%dma_wait3A_2066 : memref<800000xf32, #tpu.memory_space<hbm>>) dst(%dma_wait3A_2062 : memref<128xf32, #tpu.memory_space<vmem>>)
    %dma_wait3A_2067 = arith.constant 1792 : i32
    %dma_wait3A_2068 = tpu.memref_slice %arg7[%dma_wait3A_2067] : memref<4096xf32, #tpu.memory_space<vmem>> -> memref<128xf32, #tpu.memory_space<vmem>>
    %dma_wait3A_2069 = arith.constant 1792 : i32
    %dma_wait3A_2070 = tpu.memref_slice %arg6[%dma_wait3A_2069] : memref<4096xi32, #tpu.memory_space<vmem>> -> memref<128xi32, #tpu.memory_space<vmem>>
    %dma_wait3A_2071 = arith.constant 0 : i32
    %dma_wait3A_2072 = tpu.memref_slice %arg2[%dma_wait3A_2071] : memref<800000xf32, #tpu.memory_space<hbm>> -> memref<800000xf32, #tpu.memory_space<hbm>>
    tpu.wait_indirect_dma semaphore(%arg9 : memref<!tpu.dma_semaphore, #tpu.memory_space<semaphore_mem>>) src(%dma_wait3A_2072 : memref<800000xf32, #tpu.memory_space<hbm>>) dst(%dma_wait3A_2068 : memref<128xf32, #tpu.memory_space<vmem>>)
    %dma_wait3A_2073 = arith.constant 1920 : i32
    %dma_wait3A_2074 = tpu.memref_slice %arg7[%dma_wait3A_2073] : memref<4096xf32, #tpu.memory_space<vmem>> -> memref<128xf32, #tpu.memory_space<vmem>>
    %dma_wait3A_2075 = arith.constant 1920 : i32
    %dma_wait3A_2076 = tpu.memref_slice %arg6[%dma_wait3A_2075] : memref<4096xi32, #tpu.memory_space<vmem>> -> memref<128xi32, #tpu.memory_space<vmem>>
    %dma_wait3A_2077 = arith.constant 0 : i32
    %dma_wait3A_2078 = tpu.memref_slice %arg2[%dma_wait3A_2077] : memref<800000xf32, #tpu.memory_space<hbm>> -> memref<800000xf32, #tpu.memory_space<hbm>>
    tpu.wait_indirect_dma semaphore(%arg9 : memref<!tpu.dma_semaphore, #tpu.memory_space<semaphore_mem>>) src(%dma_wait3A_2078 : memref<800000xf32, #tpu.memory_space<hbm>>) dst(%dma_wait3A_2074 : memref<128xf32, #tpu.memory_space<vmem>>)
    %dma_wait3A_2079 = arith.constant 2048 : i32
    %dma_wait3A_2080 = tpu.memref_slice %arg7[%dma_wait3A_2079] : memref<4096xf32, #tpu.memory_space<vmem>> -> memref<128xf32, #tpu.memory_space<vmem>>
    %dma_wait3A_2081 = arith.constant 2048 : i32
    %dma_wait3A_2082 = tpu.memref_slice %arg6[%dma_wait3A_2081] : memref<4096xi32, #tpu.memory_space<vmem>> -> memref<128xi32, #tpu.memory_space<vmem>>
    %dma_wait3A_2083 = arith.constant 0 : i32
    %dma_wait3A_2084 = tpu.memref_slice %arg2[%dma_wait3A_2083] : memref<800000xf32, #tpu.memory_space<hbm>> -> memref<800000xf32, #tpu.memory_space<hbm>>
    tpu.wait_indirect_dma semaphore(%arg9 : memref<!tpu.dma_semaphore, #tpu.memory_space<semaphore_mem>>) src(%dma_wait3A_2084 : memref<800000xf32, #tpu.memory_space<hbm>>) dst(%dma_wait3A_2080 : memref<128xf32, #tpu.memory_space<vmem>>)
    %dma_wait3A_2085 = arith.constant 2176 : i32
    %dma_wait3A_2086 = tpu.memref_slice %arg7[%dma_wait3A_2085] : memref<4096xf32, #tpu.memory_space<vmem>> -> memref<128xf32, #tpu.memory_space<vmem>>
    %dma_wait3A_2087 = arith.constant 2176 : i32
    %dma_wait3A_2088 = tpu.memref_slice %arg6[%dma_wait3A_2087] : memref<4096xi32, #tpu.memory_space<vmem>> -> memref<128xi32, #tpu.memory_space<vmem>>
    %dma_wait3A_2089 = arith.constant 0 : i32
    %dma_wait3A_2090 = tpu.memref_slice %arg2[%dma_wait3A_2089] : memref<800000xf32, #tpu.memory_space<hbm>> -> memref<800000xf32, #tpu.memory_space<hbm>>
    tpu.wait_indirect_dma semaphore(%arg9 : memref<!tpu.dma_semaphore, #tpu.memory_space<semaphore_mem>>) src(%dma_wait3A_2090 : memref<800000xf32, #tpu.memory_space<hbm>>) dst(%dma_wait3A_2086 : memref<128xf32, #tpu.memory_space<vmem>>)
    %dma_wait3A_2091 = arith.constant 2304 : i32
    %dma_wait3A_2092 = tpu.memref_slice %arg7[%dma_wait3A_2091] : memref<4096xf32, #tpu.memory_space<vmem>> -> memref<128xf32, #tpu.memory_space<vmem>>
    %dma_wait3A_2093 = arith.constant 2304 : i32
    %dma_wait3A_2094 = tpu.memref_slice %arg6[%dma_wait3A_2093] : memref<4096xi32, #tpu.memory_space<vmem>> -> memref<128xi32, #tpu.memory_space<vmem>>
    %dma_wait3A_2095 = arith.constant 0 : i32
    %dma_wait3A_2096 = tpu.memref_slice %arg2[%dma_wait3A_2095] : memref<800000xf32, #tpu.memory_space<hbm>> -> memref<800000xf32, #tpu.memory_space<hbm>>
    tpu.wait_indirect_dma semaphore(%arg9 : memref<!tpu.dma_semaphore, #tpu.memory_space<semaphore_mem>>) src(%dma_wait3A_2096 : memref<800000xf32, #tpu.memory_space<hbm>>) dst(%dma_wait3A_2092 : memref<128xf32, #tpu.memory_space<vmem>>)
    %dma_wait3A_2097 = arith.constant 2432 : i32
    %dma_wait3A_2098 = tpu.memref_slice %arg7[%dma_wait3A_2097] : memref<4096xf32, #tpu.memory_space<vmem>> -> memref<128xf32, #tpu.memory_space<vmem>>
    %dma_wait3A_2099 = arith.constant 2432 : i32
    %dma_wait3A_2100 = tpu.memref_slice %arg6[%dma_wait3A_2099] : memref<4096xi32, #tpu.memory_space<vmem>> -> memref<128xi32, #tpu.memory_space<vmem>>
    %dma_wait3A_2101 = arith.constant 0 : i32
    %dma_wait3A_2102 = tpu.memref_slice %arg2[%dma_wait3A_2101] : memref<800000xf32, #tpu.memory_space<hbm>> -> memref<800000xf32, #tpu.memory_space<hbm>>
    tpu.wait_indirect_dma semaphore(%arg9 : memref<!tpu.dma_semaphore, #tpu.memory_space<semaphore_mem>>) src(%dma_wait3A_2102 : memref<800000xf32, #tpu.memory_space<hbm>>) dst(%dma_wait3A_2098 : memref<128xf32, #tpu.memory_space<vmem>>)
    %dma_wait3A_2103 = arith.constant 2560 : i32
    %dma_wait3A_2104 = tpu.memref_slice %arg7[%dma_wait3A_2103] : memref<4096xf32, #tpu.memory_space<vmem>> -> memref<128xf32, #tpu.memory_space<vmem>>
    %dma_wait3A_2105 = arith.constant 2560 : i32
    %dma_wait3A_2106 = tpu.memref_slice %arg6[%dma_wait3A_2105] : memref<4096xi32, #tpu.memory_space<vmem>> -> memref<128xi32, #tpu.memory_space<vmem>>
    %dma_wait3A_2107 = arith.constant 0 : i32
    %dma_wait3A_2108 = tpu.memref_slice %arg2[%dma_wait3A_2107] : memref<800000xf32, #tpu.memory_space<hbm>> -> memref<800000xf32, #tpu.memory_space<hbm>>
    tpu.wait_indirect_dma semaphore(%arg9 : memref<!tpu.dma_semaphore, #tpu.memory_space<semaphore_mem>>) src(%dma_wait3A_2108 : memref<800000xf32, #tpu.memory_space<hbm>>) dst(%dma_wait3A_2104 : memref<128xf32, #tpu.memory_space<vmem>>)
    %dma_wait3A_2109 = arith.constant 2688 : i32
    %dma_wait3A_2110 = tpu.memref_slice %arg7[%dma_wait3A_2109] : memref<4096xf32, #tpu.memory_space<vmem>> -> memref<128xf32, #tpu.memory_space<vmem>>
    %dma_wait3A_2111 = arith.constant 2688 : i32
    %dma_wait3A_2112 = tpu.memref_slice %arg6[%dma_wait3A_2111] : memref<4096xi32, #tpu.memory_space<vmem>> -> memref<128xi32, #tpu.memory_space<vmem>>
    %dma_wait3A_2113 = arith.constant 0 : i32
    %dma_wait3A_2114 = tpu.memref_slice %arg2[%dma_wait3A_2113] : memref<800000xf32, #tpu.memory_space<hbm>> -> memref<800000xf32, #tpu.memory_space<hbm>>
    tpu.wait_indirect_dma semaphore(%arg9 : memref<!tpu.dma_semaphore, #tpu.memory_space<semaphore_mem>>) src(%dma_wait3A_2114 : memref<800000xf32, #tpu.memory_space<hbm>>) dst(%dma_wait3A_2110 : memref<128xf32, #tpu.memory_space<vmem>>)
    %dma_wait3A_2115 = arith.constant 2816 : i32
    %dma_wait3A_2116 = tpu.memref_slice %arg7[%dma_wait3A_2115] : memref<4096xf32, #tpu.memory_space<vmem>> -> memref<128xf32, #tpu.memory_space<vmem>>
    %dma_wait3A_2117 = arith.constant 2816 : i32
    %dma_wait3A_2118 = tpu.memref_slice %arg6[%dma_wait3A_2117] : memref<4096xi32, #tpu.memory_space<vmem>> -> memref<128xi32, #tpu.memory_space<vmem>>
    %dma_wait3A_2119 = arith.constant 0 : i32
    %dma_wait3A_2120 = tpu.memref_slice %arg2[%dma_wait3A_2119] : memref<800000xf32, #tpu.memory_space<hbm>> -> memref<800000xf32, #tpu.memory_space<hbm>>
    tpu.wait_indirect_dma semaphore(%arg9 : memref<!tpu.dma_semaphore, #tpu.memory_space<semaphore_mem>>) src(%dma_wait3A_2120 : memref<800000xf32, #tpu.memory_space<hbm>>) dst(%dma_wait3A_2116 : memref<128xf32, #tpu.memory_space<vmem>>)
    %dma_wait3A_2121 = arith.constant 2944 : i32
    %dma_wait3A_2122 = tpu.memref_slice %arg7[%dma_wait3A_2121] : memref<4096xf32, #tpu.memory_space<vmem>> -> memref<128xf32, #tpu.memory_space<vmem>>
    %dma_wait3A_2123 = arith.constant 2944 : i32
    %dma_wait3A_2124 = tpu.memref_slice %arg6[%dma_wait3A_2123] : memref<4096xi32, #tpu.memory_space<vmem>> -> memref<128xi32, #tpu.memory_space<vmem>>
    %dma_wait3A_2125 = arith.constant 0 : i32
    %dma_wait3A_2126 = tpu.memref_slice %arg2[%dma_wait3A_2125] : memref<800000xf32, #tpu.memory_space<hbm>> -> memref<800000xf32, #tpu.memory_space<hbm>>
    tpu.wait_indirect_dma semaphore(%arg9 : memref<!tpu.dma_semaphore, #tpu.memory_space<semaphore_mem>>) src(%dma_wait3A_2126 : memref<800000xf32, #tpu.memory_space<hbm>>) dst(%dma_wait3A_2122 : memref<128xf32, #tpu.memory_space<vmem>>)
    %dma_wait3A_2127 = arith.constant 3072 : i32
    %dma_wait3A_2128 = tpu.memref_slice %arg7[%dma_wait3A_2127] : memref<4096xf32, #tpu.memory_space<vmem>> -> memref<128xf32, #tpu.memory_space<vmem>>
    %dma_wait3A_2129 = arith.constant 3072 : i32
    %dma_wait3A_2130 = tpu.memref_slice %arg6[%dma_wait3A_2129] : memref<4096xi32, #tpu.memory_space<vmem>> -> memref<128xi32, #tpu.memory_space<vmem>>
    %dma_wait3A_2131 = arith.constant 0 : i32
    %dma_wait3A_2132 = tpu.memref_slice %arg2[%dma_wait3A_2131] : memref<800000xf32, #tpu.memory_space<hbm>> -> memref<800000xf32, #tpu.memory_space<hbm>>
    tpu.wait_indirect_dma semaphore(%arg9 : memref<!tpu.dma_semaphore, #tpu.memory_space<semaphore_mem>>) src(%dma_wait3A_2132 : memref<800000xf32, #tpu.memory_space<hbm>>) dst(%dma_wait3A_2128 : memref<128xf32, #tpu.memory_space<vmem>>)
    %dma_wait3A_2133 = arith.constant 3200 : i32
    %dma_wait3A_2134 = tpu.memref_slice %arg7[%dma_wait3A_2133] : memref<4096xf32, #tpu.memory_space<vmem>> -> memref<128xf32, #tpu.memory_space<vmem>>
    %dma_wait3A_2135 = arith.constant 3200 : i32
    %dma_wait3A_2136 = tpu.memref_slice %arg6[%dma_wait3A_2135] : memref<4096xi32, #tpu.memory_space<vmem>> -> memref<128xi32, #tpu.memory_space<vmem>>
    %dma_wait3A_2137 = arith.constant 0 : i32
    %dma_wait3A_2138 = tpu.memref_slice %arg2[%dma_wait3A_2137] : memref<800000xf32, #tpu.memory_space<hbm>> -> memref<800000xf32, #tpu.memory_space<hbm>>
    tpu.wait_indirect_dma semaphore(%arg9 : memref<!tpu.dma_semaphore, #tpu.memory_space<semaphore_mem>>) src(%dma_wait3A_2138 : memref<800000xf32, #tpu.memory_space<hbm>>) dst(%dma_wait3A_2134 : memref<128xf32, #tpu.memory_space<vmem>>)
    %dma_wait3A_2139 = arith.constant 3328 : i32
    %dma_wait3A_2140 = tpu.memref_slice %arg7[%dma_wait3A_2139] : memref<4096xf32, #tpu.memory_space<vmem>> -> memref<128xf32, #tpu.memory_space<vmem>>
    %dma_wait3A_2141 = arith.constant 3328 : i32
    %dma_wait3A_2142 = tpu.memref_slice %arg6[%dma_wait3A_2141] : memref<4096xi32, #tpu.memory_space<vmem>> -> memref<128xi32, #tpu.memory_space<vmem>>
    %dma_wait3A_2143 = arith.constant 0 : i32
    %dma_wait3A_2144 = tpu.memref_slice %arg2[%dma_wait3A_2143] : memref<800000xf32, #tpu.memory_space<hbm>> -> memref<800000xf32, #tpu.memory_space<hbm>>
    tpu.wait_indirect_dma semaphore(%arg9 : memref<!tpu.dma_semaphore, #tpu.memory_space<semaphore_mem>>) src(%dma_wait3A_2144 : memref<800000xf32, #tpu.memory_space<hbm>>) dst(%dma_wait3A_2140 : memref<128xf32, #tpu.memory_space<vmem>>)
    %dma_wait3A_2145 = arith.constant 3456 : i32
    %dma_wait3A_2146 = tpu.memref_slice %arg7[%dma_wait3A_2145] : memref<4096xf32, #tpu.memory_space<vmem>> -> memref<128xf32, #tpu.memory_space<vmem>>
    %dma_wait3A_2147 = arith.constant 3456 : i32
    %dma_wait3A_2148 = tpu.memref_slice %arg6[%dma_wait3A_2147] : memref<4096xi32, #tpu.memory_space<vmem>> -> memref<128xi32, #tpu.memory_space<vmem>>
    %dma_wait3A_2149 = arith.constant 0 : i32
    %dma_wait3A_2150 = tpu.memref_slice %arg2[%dma_wait3A_2149] : memref<800000xf32, #tpu.memory_space<hbm>> -> memref<800000xf32, #tpu.memory_space<hbm>>
    tpu.wait_indirect_dma semaphore(%arg9 : memref<!tpu.dma_semaphore, #tpu.memory_space<semaphore_mem>>) src(%dma_wait3A_2150 : memref<800000xf32, #tpu.memory_space<hbm>>) dst(%dma_wait3A_2146 : memref<128xf32, #tpu.memory_space<vmem>>)
    %dma_wait3A_2151 = arith.constant 3584 : i32
    %dma_wait3A_2152 = tpu.memref_slice %arg7[%dma_wait3A_2151] : memref<4096xf32, #tpu.memory_space<vmem>> -> memref<128xf32, #tpu.memory_space<vmem>>
    %dma_wait3A_2153 = arith.constant 3584 : i32
    %dma_wait3A_2154 = tpu.memref_slice %arg6[%dma_wait3A_2153] : memref<4096xi32, #tpu.memory_space<vmem>> -> memref<128xi32, #tpu.memory_space<vmem>>
    %dma_wait3A_2155 = arith.constant 0 : i32
    %dma_wait3A_2156 = tpu.memref_slice %arg2[%dma_wait3A_2155] : memref<800000xf32, #tpu.memory_space<hbm>> -> memref<800000xf32, #tpu.memory_space<hbm>>
    tpu.wait_indirect_dma semaphore(%arg9 : memref<!tpu.dma_semaphore, #tpu.memory_space<semaphore_mem>>) src(%dma_wait3A_2156 : memref<800000xf32, #tpu.memory_space<hbm>>) dst(%dma_wait3A_2152 : memref<128xf32, #tpu.memory_space<vmem>>)
    %dma_wait3A_2157 = arith.constant 3712 : i32
    %dma_wait3A_2158 = tpu.memref_slice %arg7[%dma_wait3A_2157] : memref<4096xf32, #tpu.memory_space<vmem>> -> memref<128xf32, #tpu.memory_space<vmem>>
    %dma_wait3A_2159 = arith.constant 3712 : i32
    %dma_wait3A_2160 = tpu.memref_slice %arg6[%dma_wait3A_2159] : memref<4096xi32, #tpu.memory_space<vmem>> -> memref<128xi32, #tpu.memory_space<vmem>>
    %dma_wait3A_2161 = arith.constant 0 : i32
    %dma_wait3A_2162 = tpu.memref_slice %arg2[%dma_wait3A_2161] : memref<800000xf32, #tpu.memory_space<hbm>> -> memref<800000xf32, #tpu.memory_space<hbm>>
    tpu.wait_indirect_dma semaphore(%arg9 : memref<!tpu.dma_semaphore, #tpu.memory_space<semaphore_mem>>) src(%dma_wait3A_2162 : memref<800000xf32, #tpu.memory_space<hbm>>) dst(%dma_wait3A_2158 : memref<128xf32, #tpu.memory_space<vmem>>)
    %dma_wait3A_2163 = arith.constant 3840 : i32
    %dma_wait3A_2164 = tpu.memref_slice %arg7[%dma_wait3A_2163] : memref<4096xf32, #tpu.memory_space<vmem>> -> memref<128xf32, #tpu.memory_space<vmem>>
    %dma_wait3A_2165 = arith.constant 3840 : i32
    %dma_wait3A_2166 = tpu.memref_slice %arg6[%dma_wait3A_2165] : memref<4096xi32, #tpu.memory_space<vmem>> -> memref<128xi32, #tpu.memory_space<vmem>>
    %dma_wait3A_2167 = arith.constant 0 : i32
    %dma_wait3A_2168 = tpu.memref_slice %arg2[%dma_wait3A_2167] : memref<800000xf32, #tpu.memory_space<hbm>> -> memref<800000xf32, #tpu.memory_space<hbm>>
    tpu.wait_indirect_dma semaphore(%arg9 : memref<!tpu.dma_semaphore, #tpu.memory_space<semaphore_mem>>) src(%dma_wait3A_2168 : memref<800000xf32, #tpu.memory_space<hbm>>) dst(%dma_wait3A_2164 : memref<128xf32, #tpu.memory_space<vmem>>)
    %dma_wait3A_2169 = arith.constant 3968 : i32
    %dma_wait3A_2170 = tpu.memref_slice %arg7[%dma_wait3A_2169] : memref<4096xf32, #tpu.memory_space<vmem>> -> memref<128xf32, #tpu.memory_space<vmem>>
    %dma_wait3A_2171 = arith.constant 3968 : i32
    %dma_wait3A_2172 = tpu.memref_slice %arg6[%dma_wait3A_2171] : memref<4096xi32, #tpu.memory_space<vmem>> -> memref<128xi32, #tpu.memory_space<vmem>>
    %dma_wait3A_2173 = arith.constant 0 : i32
    %dma_wait3A_2174 = tpu.memref_slice %arg2[%dma_wait3A_2173] : memref<800000xf32, #tpu.memory_space<hbm>> -> memref<800000xf32, #tpu.memory_space<hbm>>
    tpu.wait_indirect_dma semaphore(%arg9 : memref<!tpu.dma_semaphore, #tpu.memory_space<semaphore_mem>>) src(%dma_wait3A_2174 : memref<800000xf32, #tpu.memory_space<hbm>>) dst(%dma_wait3A_2170 : memref<128xf32, #tpu.memory_space<vmem>>)
    %iota3A = tpu.iota {dimensions = array<i32: 0>} : vector<16xi32>
    %shift_right_arithmetic3A = arith.constant 3 : i32
    %shift_right_arithmetic3A_2175 = vector.broadcast %shift_right_arithmetic3A : i32 to vector<16xi32>
    %shift_right_arithmetic3A_2176 = arith.shrsi %iota3A, %shift_right_arithmetic3A_2175 : vector<16xi32>
    %and3A = arith.constant 7 : i32
    %and3A_2177 = vector.broadcast %and3A : i32 to vector<16xi32>
    %and3A_2178 = arith.andi %iota3A, %and3A_2177 : vector<16xi32>
    %add3A_2179 = arith.constant 0 : i32
    %add3A_2180 = vector.broadcast %add3A_2179 : i32 to vector<16xi32>
    %add3A_2181 = arith.addi %and3A_2178, %add3A_2180 : vector<16xi32>
    %add3A_2182 = arith.constant 8 : i32
    %add3A_2183 = vector.broadcast %add3A_2182 : i32 to vector<16xi32>
    %add3A_2184 = arith.addi %and3A_2178, %add3A_2183 : vector<16xi32>
    %add3A_2185 = arith.constant 16 : i32
    %add3A_2186 = vector.broadcast %add3A_2185 : i32 to vector<16xi32>
    %add3A_2187 = arith.addi %and3A_2178, %add3A_2186 : vector<16xi32>
    %add3A_2188 = arith.constant 24 : i32
    %add3A_2189 = vector.broadcast %add3A_2188 : i32 to vector<16xi32>
    %add3A_2190 = arith.addi %and3A_2178, %add3A_2189 : vector<16xi32>
    %scan3A = arith.constant 0 : i32
    %scan3A_2191 = arith.constant 0 : i32
    %scan3A_2192 = arith.constant 256 : i32
    %scan3A_2193 = arith.addi %scan3A_2191, %scan3A_2192 : i32
    %scan3A_2194 = arith.constant 4 : i32
    %scan3A_2195 = scf.for %scan3A_2232 = %scan3A_2191 to %scan3A_2193 step %scan3A_2194 iter_args(%scan3A_2233 = %scan3A) -> (i32)  : i32 {
      %mul3A_2234 = arith.constant 2 : i32
      %mul3A_2235 = arith.muli %mul3A_2234, %scan3A_2232 : i32
      %add3A_2236 = vector.broadcast %mul3A_2235 : i32 to vector<16xi32>
      %add3A_2237 = arith.addi %add3A_2236, %shift_right_arithmetic3A_2176 : vector<16xi32>
      %mul3A_2238 = arith.constant 512 : i32
      %mul3A_2239 = vector.broadcast %mul3A_2238 : i32 to vector<16xi32>
      %mul3A_2240 = arith.muli %and3A_2178, %mul3A_2239 : vector<16xi32>
      %add3A_2241 = arith.addi %mul3A_2240, %add3A_2237 : vector<16xi32>
      %gather3A = tpu.vector_load_idx %arg7[%add3A_2241] : memref<4096xf32, #tpu.memory_space<vmem>>[vector<16xi32>], vector<16xf32>,
      %mul3A_2242 = arith.mulf %gather3A, %gather3A : vector<16xf32>
      %mul3A_2243 = arith.mulf %mul3A_2242, %gather3A : vector<16xf32>
      %mul3A_2244 = arith.mulf %mul3A_2242, %mul3A_2242 : vector<16xf32>
      tpu.vector_store_idx %arg8[%add3A_2237, %add3A_2181], %gather3A : memref<512x32xf32, #tpu.memory_space<vmem>>[vector<16xi32>, vector<16xi32>], vector<16xf32>,
      tpu.vector_store_idx %arg8[%add3A_2237, %add3A_2184], %mul3A_2242 : memref<512x32xf32, #tpu.memory_space<vmem>>[vector<16xi32>, vector<16xi32>], vector<16xf32>,
      tpu.vector_store_idx %arg8[%add3A_2237, %add3A_2187], %mul3A_2243 : memref<512x32xf32, #tpu.memory_space<vmem>>[vector<16xi32>, vector<16xi32>], vector<16xf32>,
      tpu.vector_store_idx %arg8[%add3A_2237, %add3A_2190], %mul3A_2244 : memref<512x32xf32, #tpu.memory_space<vmem>>[vector<16xi32>, vector<16xi32>], vector<16xf32>,
      %scan3A_2245 = arith.constant 0 : i32
      %scan3A_2246 = arith.constant 1 : i32
      %scan3A_2247 = arith.addi %scan3A_2232, %scan3A_2246 : i32
      %mul3A_2248 = arith.constant 2 : i32
      %mul3A_2249 = arith.muli %mul3A_2248, %scan3A_2247 : i32
      %add3A_2250 = vector.broadcast %mul3A_2249 : i32 to vector<16xi32>
      %add3A_2251 = arith.addi %add3A_2250, %shift_right_arithmetic3A_2176 : vector<16xi32>
      %mul3A_2252 = arith.constant 512 : i32
      %mul3A_2253 = vector.broadcast %mul3A_2252 : i32 to vector<16xi32>
      %mul3A_2254 = arith.muli %and3A_2178, %mul3A_2253 : vector<16xi32>
      %add3A_2255 = arith.addi %mul3A_2254, %add3A_2251 : vector<16xi32>
      %gather3A_2256 = tpu.vector_load_idx %arg7[%add3A_2255] : memref<4096xf32, #tpu.memory_space<vmem>>[vector<16xi32>], vector<16xf32>,
      %mul3A_2257 = arith.mulf %gather3A_2256, %gather3A_2256 : vector<16xf32>
      %mul3A_2258 = arith.mulf %mul3A_2257, %gather3A_2256 : vector<16xf32>
      %mul3A_2259 = arith.mulf %mul3A_2257, %mul3A_2257 : vector<16xf32>
      tpu.vector_store_idx %arg8[%add3A_2251, %add3A_2181], %gather3A_2256 : memref<512x32xf32, #tpu.memory_space<vmem>>[vector<16xi32>, vector<16xi32>], vector<16xf32>,
      tpu.vector_store_idx %arg8[%add3A_2251, %add3A_2184], %mul3A_2257 : memref<512x32xf32, #tpu.memory_space<vmem>>[vector<16xi32>, vector<16xi32>], vector<16xf32>,
      tpu.vector_store_idx %arg8[%add3A_2251, %add3A_2187], %mul3A_2258 : memref<512x32xf32, #tpu.memory_space<vmem>>[vector<16xi32>, vector<16xi32>], vector<16xf32>,
      tpu.vector_store_idx %arg8[%add3A_2251, %add3A_2190], %mul3A_2259 : memref<512x32xf32, #tpu.memory_space<vmem>>[vector<16xi32>, vector<16xi32>], vector<16xf32>,
      %scan3A_2260 = arith.constant 0 : i32
      %scan3A_2261 = arith.constant 2 : i32
      %scan3A_2262 = arith.addi %scan3A_2232, %scan3A_2261 : i32
      %mul3A_2263 = arith.constant 2 : i32
      %mul3A_2264 = arith.muli %mul3A_2263, %scan3A_2262 : i32
      %add3A_2265 = vector.broadcast %mul3A_2264 : i32 to vector<16xi32>
      %add3A_2266 = arith.addi %add3A_2265, %shift_right_arithmetic3A_2176 : vector<16xi32>
      %mul3A_2267 = arith.constant 512 : i32
      %mul3A_2268 = vector.broadcast %mul3A_2267 : i32 to vector<16xi32>
      %mul3A_2269 = arith.muli %and3A_2178, %mul3A_2268 : vector<16xi32>
      %add3A_2270 = arith.addi %mul3A_2269, %add3A_2266 : vector<16xi32>
      %gather3A_2271 = tpu.vector_load_idx %arg7[%add3A_2270] : memref<4096xf32, #tpu.memory_space<vmem>>[vector<16xi32>], vector<16xf32>,
      %mul3A_2272 = arith.mulf %gather3A_2271, %gather3A_2271 : vector<16xf32>
      %mul3A_2273 = arith.mulf %mul3A_2272, %gather3A_2271 : vector<16xf32>
      %mul3A_2274 = arith.mulf %mul3A_2272, %mul3A_2272 : vector<16xf32>
      tpu.vector_store_idx %arg8[%add3A_2266, %add3A_2181], %gather3A_2271 : memref<512x32xf32, #tpu.memory_space<vmem>>[vector<16xi32>, vector<16xi32>], vector<16xf32>,
      tpu.vector_store_idx %arg8[%add3A_2266, %add3A_2184], %mul3A_2272 : memref<512x32xf32, #tpu.memory_space<vmem>>[vector<16xi32>, vector<16xi32>], vector<16xf32>,
      tpu.vector_store_idx %arg8[%add3A_2266, %add3A_2187], %mul3A_2273 : memref<512x32xf32, #tpu.memory_space<vmem>>[vector<16xi32>, vector<16xi32>], vector<16xf32>,
      tpu.vector_store_idx %arg8[%add3A_2266, %add3A_2190], %mul3A_2274 : memref<512x32xf32, #tpu.memory_space<vmem>>[vector<16xi32>, vector<16xi32>], vector<16xf32>,
      %scan3A_2275 = arith.constant 0 : i32
      %scan3A_2276 = arith.constant 3 : i32
      %scan3A_2277 = arith.addi %scan3A_2232, %scan3A_2276 : i32
      %mul3A_2278 = arith.constant 2 : i32
      %mul3A_2279 = arith.muli %mul3A_2278, %scan3A_2277 : i32
      %add3A_2280 = vector.broadcast %mul3A_2279 : i32 to vector<16xi32>
      %add3A_2281 = arith.addi %add3A_2280, %shift_right_arithmetic3A_2176 : vector<16xi32>
      %mul3A_2282 = arith.constant 512 : i32
      %mul3A_2283 = vector.broadcast %mul3A_2282 : i32 to vector<16xi32>
      %mul3A_2284 = arith.muli %and3A_2178, %mul3A_2283 : vector<16xi32>
      %add3A_2285 = arith.addi %mul3A_2284, %add3A_2281 : vector<16xi32>
      %gather3A_2286 = tpu.vector_load_idx %arg7[%add3A_2285] : memref<4096xf32, #tpu.memory_space<vmem>>[vector<16xi32>], vector<16xf32>,
      %mul3A_2287 = arith.mulf %gather3A_2286, %gather3A_2286 : vector<16xf32>
      %mul3A_2288 = arith.mulf %mul3A_2287, %gather3A_2286 : vector<16xf32>
      %mul3A_2289 = arith.mulf %mul3A_2287, %mul3A_2287 : vector<16xf32>
      tpu.vector_store_idx %arg8[%add3A_2281, %add3A_2181], %gather3A_2286 : memref<512x32xf32, #tpu.memory_space<vmem>>[vector<16xi32>, vector<16xi32>], vector<16xf32>,
      tpu.vector_store_idx %arg8[%add3A_2281, %add3A_2184], %mul3A_2287 : memref<512x32xf32, #tpu.memory_space<vmem>>[vector<16xi32>, vector<16xi32>], vector<16xf32>,
      tpu.vector_store_idx %arg8[%add3A_2281, %add3A_2187], %mul3A_2288 : memref<512x32xf32, #tpu.memory_space<vmem>>[vector<16xi32>, vector<16xi32>], vector<16xf32>,
      tpu.vector_store_idx %arg8[%add3A_2281, %add3A_2190], %mul3A_2289 : memref<512x32xf32, #tpu.memory_space<vmem>>[vector<16xi32>, vector<16xi32>], vector<16xf32>,
      %scan3A_2290 = arith.constant 0 : i32
      scf.yield %scan3A_2290 : i32
    }
    %scan3A_2196 = arith.constant 256 : i32
    %jit3A = arith.constant 8 : i32
    %div3A = arith.divsi %add3A, %jit3A : i32
    %sign3A = arith.constant 0 : i32
    %sign3A_2197 = arith.cmpi sgt, %add3A, %sign3A : i32
    %sign3A_2198 = arith.extui %sign3A_2197 : i1 to i32
    %sign3A_2199 = arith.constant 0 : i32
    %sign3A_2200 = arith.cmpi slt, %add3A, %sign3A_2199 : i32
    %sign3A_2201 = arith.extui %sign3A_2200 : i1 to i32
    %sign3A_2202 = arith.subi %sign3A_2198, %sign3A_2201 : i32
    %sign3A_2203 = arith.constant 0 : i32
    %sign3A_2204 = arith.cmpi sgt, %jit3A, %sign3A_2203 : i32
    %sign3A_2205 = arith.extui %sign3A_2204 : i1 to i32
    %sign3A_2206 = arith.constant 0 : i32
    %sign3A_2207 = arith.cmpi slt, %jit3A, %sign3A_2206 : i32
    %sign3A_2208 = arith.extui %sign3A_2207 : i1 to i32
    %sign3A_2209 = arith.subi %sign3A_2205, %sign3A_2208 : i32
    %ne3A = arith.cmpi ne, %sign3A_2202, %sign3A_2209 : i32
    %rem3A = arith.remsi %add3A, %jit3A : i32
    %ne3A_2210 = arith.constant 0 : i32
    %ne3A_2211 = arith.cmpi ne, %rem3A, %ne3A_2210 : i32
    %and3A_2212 = arith.andi %ne3A, %ne3A_2211 : i1
    %sub3A = arith.constant 1 : i32
    %sub3A_2213 = arith.subi %div3A, %sub3A : i32
    %select_n3A = arith.select %and3A_2212, %sub3A_2213, %div3A : i32
    %jit3A_2214 = arith.constant 8 : i32
    %eq3A = arith.constant 0 : i32
    %eq3A_2215 = arith.cmpi eq, %jit3A_2214, %eq3A : i32
    %jit3A_2216 = arith.constant 1 : i32
    %select_n3A_2217 = arith.select %eq3A_2215, %jit3A_2216, %jit3A_2214 : i32
    %rem3A_2218 = arith.remsi %add3A, %select_n3A_2217 : i32
    %ne3A_2219 = arith.constant 0 : i32
    %ne3A_2220 = arith.cmpi ne, %rem3A_2218, %ne3A_2219 : i32
    %lt3A = arith.constant 0 : i32
    %lt3A_2221 = arith.cmpi slt, %rem3A_2218, %lt3A : i32
    %lt3A_2222 = arith.constant 0 : i32
    %lt3A_2223 = arith.cmpi slt, %select_n3A_2217, %lt3A_2222 : i32
    %ne3A_2224 = arith.xori %lt3A_2221, %lt3A_2223 : i1
    %and3A_2225 = arith.andi %ne3A_2224, %ne3A_2220 : i1
    %add3A_2226 = arith.addi %rem3A_2218, %select_n3A_2217 : i32
    %select_n3A_2227 = arith.select %and3A_2225, %add3A_2226, %rem3A_2218 : i32
    %mul3A_2228 = arith.constant 512 : i32
    %mul3A_2229 = arith.muli %select_n3A_2227, %mul3A_2228 : i32
    %mul3A_2230 = arith.constant 32 : i32
    %mul3A_2231 = arith.muli %select_n3A, %mul3A_2230 : i32
    "tpu.region"() ({
      %run_scoped3A = tpu.sem_alloc : memref<!tpu.dma_semaphore, #tpu.memory_space<semaphore_mem>>
      %dma_start3A_2232 = tpu.memref_slice %arg4[%mul3A_2229, %mul3A_2231] : memref<4096x128xf32, #tpu.memory_space<hbm>> -> memref<512x32xf32, #tpu.memory_space<hbm>>
      %dma_start3A_2233 = tpu.memref_slice %arg4[%mul3A_2229, %mul3A_2231] : memref<4096x128xf32, #tpu.memory_space<hbm>> -> memref<512x32xf32, #tpu.memory_space<hbm>>
      tpu.enqueue_dma source(%arg8 : memref<512x32xf32, #tpu.memory_space<vmem>>) target(%dma_start3A_2233 : memref<512x32xf32, #tpu.memory_space<hbm>>) target_semaphore(%run_scoped3A : memref<!tpu.dma_semaphore, #tpu.memory_space<semaphore_mem>>)
      %dma_wait3A_2234 = tpu.memref_slice %arg4[%mul3A_2229, %mul3A_2231] : memref<4096x128xf32, #tpu.memory_space<hbm>> -> memref<512x32xf32, #tpu.memory_space<hbm>>
      %dma_wait3A_2235 = tpu.memref_slice %arg4[%mul3A_2229, %mul3A_2231] : memref<4096x128xf32, #tpu.memory_space<hbm>> -> memref<512x32xf32, #tpu.memory_space<hbm>>
      tpu.wait_dma2 semaphore(%run_scoped3A : memref<!tpu.dma_semaphore, #tpu.memory_space<semaphore_mem>>) src(%arg8 : memref<512x32xf32, #tpu.memory_space<vmem>>) dst(%dma_wait3A_2235 : memref<512x32xf32, #tpu.memory_space<hbm>>)
      tpu.yield
    }) : () -> ()
    return
  }
}

module attributes {stable_mosaic.version = 14 : i64} {
  func.func @_tc_body(%arg0: i32, %arg1: i32, %arg2: memref<1024x128xf32, #tpu.memory_space<vmem>>, %arg3: memref<1x128x768xf32, #tpu.memory_space<vmem>>, %arg4: memref<40x768xf32, #tpu.memory_space<vmem>>, %arg5: memref<1024x768xf32, #tpu.memory_space<vmem>>, %arg6: memref<1x768xf32, #tpu.memory_space<vmem>>, %arg7: memref<1x768xf32, #tpu.memory_space<vmem>>, %arg8: memref<1024x768xf32, #tpu.memory_space<vmem>>) attributes {dimension_semantics = [#tpu.dimension_semantics<parallel>, #tpu.dimension_semantics<parallel>], iteration_bounds = array<i64: 1, 16>, scalar_prefetch = 0 : i64, scratch_operands = 0 : i64, tpu.core_type = #tpu.core_type<tc>, window_params = [{transform_indices = @transform_0, window_bounds = array<i64: 1024, 128>}, {transform_indices = @transform_1, window_bounds = array<i64: 1, 128, 768>}, {pipeline_mode = #tpu.pipeline_mode<synchronous>, transform_indices = @transform_2, window_bounds = array<i64: 40, 768>}, {transform_indices = @transform_3, window_bounds = array<i64: 1024, 768>}, {pipeline_mode = #tpu.pipeline_mode<synchronous>, transform_indices = @transform_4, window_bounds = array<i64: 1, 768>}, {pipeline_mode = #tpu.pipeline_mode<synchronous>, transform_indices = @transform_5, window_bounds = array<i64: 1, 768>}, {transform_indices = @transform_6, window_bounds = array<i64: 1024, 768>}]} {
    %get3A = arith.constant 0 : index
    %get3A_0 = arith.constant 0 : index
    %get3A_1 = vector.load %arg2[%get3A, %get3A_0] : memref<1024x128xf32, #tpu.memory_space<vmem>>, vector<1024x128xf32>
    %get3A_2 = arith.constant 0 : index
    %get3A_3 = arith.constant 0 : index
    %get3A_4 = arith.constant 0 : index
    %get3A_5 = vector.load %arg3[%get3A_2, %get3A_3, %get3A_4] : memref<1x128x768xf32, #tpu.memory_space<vmem>>, vector<1x128x768xf32>
    %get3A_6 = vector.shape_cast %get3A_5 : vector<1x128x768xf32> to vector<128x768xf32>
    %get3A_7 = arith.constant 0 : index
    %get3A_8 = arith.constant 0 : index
    %get3A_9 = vector.load %arg4[%get3A_7, %get3A_8] : memref<40x768xf32, #tpu.memory_space<vmem>>, vector<40x768xf32>
    %slice3A = vector.extract_strided_slice %get3A_9 {offsets = [0, 0], sizes = [8, 768], strides = [1, 1]} : vector<40x768xf32> to vector<8x768xf32>
    %reduce_sum3A = arith.constant dense<0.000000e+00> : vector<768xf32>
    %reduce_sum3A_10 = vector.multi_reduction <add>, %slice3A, %reduce_sum3A [0] : vector<8x768xf32> to vector<768xf32>
    %broadcast_in_dim3A = vector.shape_cast %reduce_sum3A_10 : vector<768xf32> to vector<1x768xf32>
    %dot_general3A = arith.constant dense<0.000000e+00> : vector<1024x768xf32>
    %dot_general3A_11 = tpu.matmul %get3A_1, %get3A_6, %dot_general3A {dimension_numbers = #tpu.dot_dimension_numbers<[1], [0], [0], [1], [0, 0, 1, 1], [], []>, transpose_lhs_hint = false} : vector<1024x128xf32>, vector<128x768xf32>, vector<1024x768xf32> -> vector<1024x768xf32>
    %add3A = vector.broadcast %broadcast_in_dim3A : vector<1x768xf32> to vector<1024x768xf32>
    %add3A_12 = arith.addf %dot_general3A_11, %add3A : vector<1024x768xf32>
    %get3A_13 = arith.constant 0 : index
    %get3A_14 = arith.constant 0 : index
    %get3A_15 = vector.load %arg5[%get3A_13, %get3A_14] : memref<1024x768xf32, #tpu.memory_space<vmem>>, vector<1024x768xf32>
    %add3A_16 = arith.addf %add3A_12, %get3A_15 : vector<1024x768xf32>
    %reduce_sum3A_17 = arith.constant dense<0.000000e+00> : vector<1024xf32>
    %reduce_sum3A_18 = vector.multi_reduction <add>, %add3A_16, %reduce_sum3A_17 [1] : vector<1024x768xf32> to vector<1024xf32>
    %broadcast_in_dim3A_19 = vector.shape_cast %reduce_sum3A_18 : vector<1024xf32> to vector<1024x1xf32>
    %div3A = arith.constant 7.680000e+02 : f32
    %div3A_20 = vector.broadcast %div3A : f32 to vector<1024x1xf32>
    %div3A_21 = arith.divf %broadcast_in_dim3A_19, %div3A_20 : vector<1024x1xf32>
    %sub3A = vector.broadcast %div3A_21 : vector<1024x1xf32> to vector<1024x768xf32>
    %sub3A_22 = arith.subf %add3A_16, %sub3A : vector<1024x768xf32>
    %mul3A = arith.mulf %sub3A_22, %sub3A_22 : vector<1024x768xf32>
    %reduce_sum3A_23 = arith.constant dense<0.000000e+00> : vector<1024xf32>
    %reduce_sum3A_24 = vector.multi_reduction <add>, %mul3A, %reduce_sum3A_23 [1] : vector<1024x768xf32> to vector<1024xf32>
    %broadcast_in_dim3A_25 = vector.shape_cast %reduce_sum3A_24 : vector<1024xf32> to vector<1024x1xf32>
    %div3A_26 = arith.constant 7.680000e+02 : f32
    %div3A_27 = vector.broadcast %div3A_26 : f32 to vector<1024x1xf32>
    %div3A_28 = arith.divf %broadcast_in_dim3A_25, %div3A_27 : vector<1024x1xf32>
    %add3A_29 = arith.constant 9.99999996E-13 : f32
    %add3A_30 = vector.broadcast %add3A_29 : f32 to vector<1024x1xf32>
    %add3A_31 = arith.addf %div3A_28, %add3A_30 : vector<1024x1xf32>
    %rsqrt3A = math.rsqrt %add3A_31 : vector<1024x1xf32>
    %mul3A_32 = vector.broadcast %rsqrt3A : vector<1024x1xf32> to vector<1024x768xf32>
    %mul3A_33 = arith.mulf %sub3A_22, %mul3A_32 : vector<1024x768xf32>
    %get3A_34 = arith.constant 0 : index
    %get3A_35 = arith.constant 0 : index
    %get3A_36 = vector.load %arg6[%get3A_34, %get3A_35] : memref<1x768xf32, #tpu.memory_space<vmem>>, vector<1x768xf32>
    %mul3A_37 = vector.broadcast %get3A_36 : vector<1x768xf32> to vector<1024x768xf32>
    %mul3A_38 = arith.mulf %mul3A_33, %mul3A_37 : vector<1024x768xf32>
    %get3A_39 = arith.constant 0 : index
    %get3A_40 = arith.constant 0 : index
    %get3A_41 = vector.load %arg7[%get3A_39, %get3A_40] : memref<1x768xf32, #tpu.memory_space<vmem>>, vector<1x768xf32>
    %add3A_42 = vector.broadcast %get3A_41 : vector<1x768xf32> to vector<1024x768xf32>
    %add3A_43 = arith.addf %mul3A_38, %add3A_42 : vector<1024x768xf32>
    %swap3A = arith.constant 0 : index
    %swap3A_44 = arith.constant 0 : index
    %swap3A_45 = vector.load %arg8[%swap3A, %swap3A_44] : memref<1024x768xf32, #tpu.memory_space<vmem>>, vector<1024x768xf32>
    tpu.vector_store %arg8[%swap3A, %swap3A_44], %add3A_43 {strides = array<i32>} : memref<1024x768xf32, #tpu.memory_space<vmem>>, vector<1024x768xf32>,
    return
  }
  func.func @transform_0(%arg0: i32, %arg1: i32) -> (i32, i32) {
    %mul3A = arith.constant 1 : i32
    %mul3A_0 = arith.muli %arg1, %mul3A : i32
    %add3A = arith.addi %mul3A_0, %arg0 : i32
    %jit3A = arith.constant 4 : i32
    %eq3A = arith.constant 0 : i32
    %eq3A_1 = arith.cmpi eq, %jit3A, %eq3A : i32
    %jit3A_2 = arith.constant 1 : i32
    %select_n3A = arith.select %eq3A_1, %jit3A_2, %jit3A : i32
    %rem3A = arith.remsi %add3A, %select_n3A : i32
    %ne3A = arith.constant 0 : i32
    %ne3A_3 = arith.cmpi ne, %rem3A, %ne3A : i32
    %lt3A = arith.constant 0 : i32
    %lt3A_4 = arith.cmpi slt, %rem3A, %lt3A : i32
    %lt3A_5 = arith.constant 0 : i32
    %lt3A_6 = arith.cmpi slt, %select_n3A, %lt3A_5 : i32
    %ne3A_7 = arith.xori %lt3A_4, %lt3A_6 : i1
    %and3A = arith.andi %ne3A_7, %ne3A_3 : i1
    %add3A_8 = arith.addi %rem3A, %select_n3A : i32
    %select_n3A_9 = arith.select %and3A, %add3A_8, %rem3A : i32
    %c0_i32 = arith.constant 0 : i32
    %c0_i32_10 = arith.constant 0 : i32
    return %select_n3A_9, %c0_i32 : i32, i32
  }
  func.func @transform_1(%arg0: i32, %arg1: i32) -> (i32, i32, i32) {
    %mul3A = arith.constant 1 : i32
    %mul3A_0 = arith.muli %arg1, %mul3A : i32
    %add3A = arith.addi %mul3A_0, %arg0 : i32
    %jit3A = arith.constant 4 : i32
    %div3A = arith.divsi %add3A, %jit3A : i32
    %sign3A = arith.constant 0 : i32
    %sign3A_1 = arith.cmpi sgt, %add3A, %sign3A : i32
    %sign3A_2 = arith.extui %sign3A_1 : i1 to i32
    %sign3A_3 = arith.constant 0 : i32
    %sign3A_4 = arith.cmpi slt, %add3A, %sign3A_3 : i32
    %sign3A_5 = arith.extui %sign3A_4 : i1 to i32
    %sign3A_6 = arith.subi %sign3A_2, %sign3A_5 : i32
    %sign3A_7 = arith.constant 0 : i32
    %sign3A_8 = arith.cmpi sgt, %jit3A, %sign3A_7 : i32
    %sign3A_9 = arith.extui %sign3A_8 : i1 to i32
    %sign3A_10 = arith.constant 0 : i32
    %sign3A_11 = arith.cmpi slt, %jit3A, %sign3A_10 : i32
    %sign3A_12 = arith.extui %sign3A_11 : i1 to i32
    %sign3A_13 = arith.subi %sign3A_9, %sign3A_12 : i32
    %ne3A = arith.cmpi ne, %sign3A_6, %sign3A_13 : i32
    %rem3A = arith.remsi %add3A, %jit3A : i32
    %ne3A_14 = arith.constant 0 : i32
    %ne3A_15 = arith.cmpi ne, %rem3A, %ne3A_14 : i32
    %and3A = arith.andi %ne3A, %ne3A_15 : i1
    %sub3A = arith.constant 1 : i32
    %sub3A_16 = arith.subi %div3A, %sub3A : i32
    %select_n3A = arith.select %and3A, %sub3A_16, %div3A : i32
    %c0_i32 = arith.constant 0 : i32
    %c0_i32_17 = arith.constant 0 : i32
    %c0_i32_18 = arith.constant 0 : i32
    return %select_n3A, %c0_i32, %c0_i32_17 : i32, i32, i32
  }
  func.func @transform_2(%arg0: i32, %arg1: i32) -> (i32, i32) {
    %c0_i32 = arith.constant 0 : i32
    %c0_i32_0 = arith.constant 0 : i32
    %c0_i32_1 = arith.constant 0 : i32
    return %c0_i32, %c0_i32_0 : i32, i32
  }
  func.func @transform_3(%arg0: i32, %arg1: i32) -> (i32, i32) {
    %c0_i32 = arith.constant 0 : i32
    %c0_i32_0 = arith.constant 0 : i32
    return %arg0, %c0_i32 : i32, i32
  }
  func.func @transform_4(%arg0: i32, %arg1: i32) -> (i32, i32) {
    %c0_i32 = arith.constant 0 : i32
    %c0_i32_0 = arith.constant 0 : i32
    %c0_i32_1 = arith.constant 0 : i32
    return %c0_i32, %c0_i32_0 : i32, i32
  }
  func.func @transform_5(%arg0: i32, %arg1: i32) -> (i32, i32) {
    %c0_i32 = arith.constant 0 : i32
    %c0_i32_0 = arith.constant 0 : i32
    %c0_i32_1 = arith.constant 0 : i32
    return %c0_i32, %c0_i32_0 : i32, i32
  }
  func.func @transform_6(%arg0: i32, %arg1: i32) -> (i32, i32) {
    %mul3A = arith.constant 1 : i32
    %mul3A_0 = arith.muli %arg1, %mul3A : i32
    %add3A = arith.addi %mul3A_0, %arg0 : i32
    %c0_i32 = arith.constant 0 : i32
    %c0_i32_1 = arith.constant 0 : i32
    return %add3A, %c0_i32 : i32, i32
  }
}

</mosaic_0001>

<sc_bundles>
// kernel: kernel.4.cloned.1.call-start
scs
__scs_entry_jumppad:
0x0: {  	(pc) =	sbr.rel $0x88, $3  }
0x1: {  	(tag) =	ssettag $0x0;
	lr =	simm.s32 $0x1  }
0x2: {  	[smem:$0x3F9B] =	sst lr;
	_ =	strace $0xD0000000  }
0x3: {  	_ = 	snop  }
0x4: {  	_ = 	snop  }
0x5: {  	_ = 	snop  }
0x6: {  	_ = 	snop  }
0x7: {  	_ = 	snop  }
__scs_overlays_trampoline_lowered:
0x8: {  	[smem:$0x3FAA] =	sst s0  }
0x9: {  	[smem:$0x3FAB] =	sst s1  }
0xa: {  	[smem:$0x3FAC] =	sst s2  }
0xb: {  	[smem:$0x3FAD] =	sst s3  }
0xc: {  	[smem:$0x3FAE] =	sst s4  }
0xd: {  	[smem:$0x3FAF] =	sst s5  }
0xe: {  	[smem:$0x3FB0] =	sst s6  }
0xf: {  	[smem:$0x3FB1] =	sst s7  }
0x10: {  	[smem:$0x3FB2] =	sst s8  }
0x11: {  	[smem:$0x3FB3] =	sst s9;
	s0 =	simm.s32 @!p0 $0x0  }
0x12: {  	s1 =	sld [smem:$0x3F99];
	s0 =	simm.s32 @p0 $0x1  }
0x13: {  	[smem:$0x3FB4] =	sst s0;
	s0 =	simm.s32 @!p1 $0x0  }
0x14: {  	s2 =	sld [smem:$0x3F98];
	s0 =	simm.s32 @p1 $0x1  }
0x15: {  	[smem:$0x3FB5] =	sst s0;
	s0 =	simm.s32 @!p2 $0x0  }
0x16: {  	s3 =	sld [smem:$0x3FDB];
	s0 =	simm.s32 @p2 $0x1  }
0x17: {  	s4 =	simm.s32 $0x1BF5;
	[smem:$0x3FB7] =	sst s0  }
0x18: {  	s0 =	sld [smem:$0x3F9A];
	_ =	swait.ge [sflag:s4], $0x0  }
0x19: {  	s7 =	sld [smem:$0x3F9B]  }
0x1a: {  	s8 =	sadd.s32 $0xFFFFE003, lr  }
0x1b: {  	s9 =	sadd.s32 $0xFFFFFEF7, lr;
	s5 =	simm.s32 $0xFFFFFFFF;
	p2 =	slt.u32 s8, $0xFFFFF086  }
0x1c: {  	p1 =	slt.u32 s9, $0xF7A;
	s5 =	simm.s32 @!p2 $0x0  }
0x1d: {  	s5 =	simm.s32 @p1 $0x1;
	p0 =	seq.s32 s7, s2  }
0x1e: {  	s7 =	smul.u32 @!p0 $0xF7A, s2;
	p2 =	seq.s32 @!p0 s5, $0x0  }
0x1f: {  	s9 =	smul.u32 $0xF7A, s1;
	s8 =	simm.s32 @!p0 $0x1BF5;
	p2 =	por !p2, p0  }
0x20: {  	[sflag:s8] =	ssyncset.s32 @!p0 $0xFFFFF086;
	s6 =	sadd.s32 @!p0 s3, s7;
	s7 =	simm.s32 @!p0 $0x108  }
0x21: {  	s3 =	sadd.s32 s3, s9;
	s6 =	sadd.s32 @!p0 $0x88, s6;
	s7 =	simm.s32 @p2 $0x1082  }
0x22: {  	[simem:s7], [sflag:s8] =	dma.local @!p0 [hbm:s6], $0xF7A  }
0x23: {  	s9 =	sor.u32 $0xD0000000, s2;
	s6 =	simm.s32 $0x108;
	_ =	swait.ge @!p0 [sflag:s8], $0x0  }
0x24: {  	s3 =	sadd.s32 $0x88, s3;
	s6 =	simm.s32 @!p1 $0x1082;
	[sflag:s4] =	ssyncset.s32 $0xFFFFF086  }
0x25: {  	[simem:s6], [sflag:s4] =	dma.local [hbm:s3], $0xF7A  }
0x26: {  	[smem:$0x3F9B] =	sst s1;
	(tag) =	ssettag s2;
	_ =	strace s9  }
0x27: {  	s1 =	sld [smem:$0x3FAB]  }
0x28: {  	s2 =	sld [smem:$0x3FAC]  }
0x29: {  	s4 =	sld [smem:$0x3FAE]  }
0x2a: {  	p0 =	seq.s32 s5, $0x0;
	s5 =	sld [smem:$0x3FAF]  }
0x2b: {  	s6 =	sld [smem:$0x3FB0]  }
0x2c: {  	s7 =	sld [smem:$0x3FB1]  }
0x2d: {  	s3 =	simm.s32 $0x108;
	s8 =	sld [smem:$0x3FB2]  }
0x2e: {  	s3 =	simm.s32 @!p0 $0x1082;
	s9 =	sld [smem:$0x3FB3]  }
0x2f: {  	lr =	sadd.s32 s0, s3;
	s0 =	sld [smem:$0x3FAA]  }
0x30: {  	s3 =	sld [smem:$0x3FAD]  }
0x31: {  	[smem:$0x3FB6] =	sst s10  }
0x32: {  	s10 =	sld [smem:$0x3FB4];
	_ =	sdelay $0x3  }
0x33: {  	p0 =	seq.s32 s10, $0x1;
	s10 =	sld [smem:$0x3FB6];
	_ =	sdelay $0x3  }
0x34: {  	[smem:$0x3FB6] =	sst s10  }
0x35: {  	s10 =	sld [smem:$0x3FB5];
	_ =	sdelay $0x3  }
0x36: {  	p1 =	seq.s32 s10, $0x1;
	s10 =	sld [smem:$0x3FB6];
	_ =	sdelay $0x3  }
0x37: {  	[smem:$0x3FB6] =	sst s10  }
0x38: {  	s10 =	sld [smem:$0x3FB7]  }
0x39: {  	_ = 	snop;
	(pc) =	sbr.ind lr, $3  }
0x3a: {  	_ = 	snop  }
0x3b: {  	_ = 	snop  }
0x3c: {  	p2 =	seq.s32 s10, $0x1;
	s10 =	sld [smem:$0x3FB6]  }
0x3d: {  	_ =	shalt  }
0x3e: {  	_ =	shalt  }
0x3f: {  	_ =	shalt  }
0x40: {  	_ =	shalt  }
0x41: {  	_ =	shalt  }
0x42: {  	_ =	shalt  }
0x43: {  	_ =	shalt  }
0x44: {  	_ =	shalt  }
0x45: {  	_ =	shalt  }
0x46: {  	_ =	shalt  }
0x47: {  	_ =	shalt  }
0x48: {  	_ =	shalt  }
0x49: {  	_ =	shalt  }
0x4a: {  	_ =	shalt  }
0x4b: {  	_ =	shalt  }
0x4c: {  	_ =	shalt  }
0x4d: {  	_ =	shalt  }
0x4e: {  	_ =	shalt  }
0x4f: {  	_ =	shalt  }
0x50: {  	_ =	shalt  }
0x51: {  	_ =	shalt  }
0x52: {  	_ =	shalt  }
0x53: {  	_ =	shalt  }
0x54: {  	_ =	shalt  }
0x55: {  	_ =	shalt  }
0x56: {  	_ =	shalt  }
0x57: {  	_ =	shalt  }
0x58: {  	_ =	shalt  }
0x59: {  	_ =	shalt  }
0x5a: {  	_ =	shalt  }
0x5b: {  	_ =	shalt  }
0x5c: {  	_ =	shalt  }
0x5d: {  	_ =	shalt  }
0x5e: {  	_ =	shalt  }
0x5f: {  	_ =	shalt  }
0x60: {  	_ =	shalt  }
0x61: {  	_ =	shalt  }
0x62: {  	_ =	shalt  }
0x63: {  	_ =	shalt  }
0x64: {  	_ =	shalt  }
0x65: {  	_ =	shalt  }
0x66: {  	_ =	shalt  }
0x67: {  	_ =	shalt  }
0x68: {  	_ =	shalt  }
0x69: {  	_ =	shalt  }
0x6a: {  	_ =	shalt  }
0x6b: {  	_ =	shalt  }
0x6c: {  	_ =	shalt  }
0x6d: {  	_ =	shalt  }
0x6e: {  	_ =	shalt  }
0x6f: {  	_ =	shalt  }
0x70: {  	_ =	shalt  }
0x71: {  	_ =	shalt  }
0x72: {  	_ =	shalt  }
0x73: {  	_ =	shalt  }
0x74: {  	_ =	shalt  }
0x75: {  	_ =	shalt  }
0x76: {  	_ =	shalt  }
0x77: {  	_ =	shalt  }
0x78: {  	_ =	shalt  }
0x79: {  	_ =	shalt  }
0x7a: {  	_ =	shalt  }
0x7b: {  	_ =	shalt  }
0x7c: {  	_ =	shalt  }
0x7d: {  	_ =	shalt  }
0x7e: {  	_ =	shalt  }
0x7f: {  	_ =	shalt  }
0x80: {  	_ =	shalt  }
0x81: {  	_ =	shalt  }
0x82: {  	_ =	shalt  }
0x83: {  	_ =	shalt  }
0x84: {  	_ =	shalt  }
0x85: {  	_ =	shalt  }
0x86: {  	_ =	shalt  }
0x87: {  	_ =	shalt  }
.Lfunc_end0:
.L_simem_size_0:
called_computation_lowered:
.L_overlay_start_0:
0x88: {  	s2 =	sld [smem:$0x3FD9]  }
0x89: {  	s3 =	sld [smem:$0x3FFE];
	_ =	sdelay $0x1  }
0x8a: {  	s1 =	srdreg.scid  }
0x8b: {  	s0 =	sand.u32 $0x1, s1  }
0x8c: {  	s17 =	sshll.u32 s0, $0xA;
	s2 =	sadd.s32 s3, s2  }
0x8d: {  	s2 =	sadd.s32 s2, s17  }
0x8e: {  	[smem:$0x3FC2] =	sst s2  }
0x8f: {  	_ = 	snop  }
0x90: {  	s2 =	sld [smem:$0x3FD0];
	(tm) =	ssettm $0x1  }
0x91: {  	s18 =	sld [smem:$0x3FFB];
	_ =	sdelay $0x3  }
0x92: {  	_ =	strace s18  }
0x93: {  	s3 =	sld [smem:$0x3FFC];
	_ =	sdelay $0x3  }
0x94: {  	_ =	strace s3  }
0x95: {  	s3 =	sld [smem:$0x3FFD];
	_ =	sdelay $0x3  }
0x96: {  	_ =	strace s3  }
0x97: {  	_ =	strace $0x8FFFFFFF  }
0x98: {  	s19 =	sld [smem:$0x3FDB];
	_ =	sdelay $0x1  }
0x99: {  	s4 =	simm.s32 $_scs_section_size  }
0x9a: {  	s5 =	simm.s32 $_size__tile_overlayer_lowered;
	s6 =	simm.s32 $_tile_overlayer_lowered  }
0x9b: {  	s22 =	simm.s32 $0x1BFF;
	s21 =	sshll.u32 s6, $0x1;
	s3 =	sadd.s32 s4, s19  }
0x9c: {  	s7 =	simm.s32 $0x0;
	s20 =	sshll.u32 s5, $0x1;
	s5 =	sadd.s32 s21, s3  }
0x9d: {  	[timem:s7], [sflag:s22] =	dma.local [hbm:s5], s20  }
0x9e: {  	_ =	swait.ge [sflag:s22], s20  }
0x9f: {  	s4 =	ssub.s32 $0x0, s20;
	[sflag:s22] =	ssyncset.done $0x0  }
0xa0: {  	[sflag:s22] =	ssyncadd.s32 s4;
	_ =	sdelay $0x1  }
0xa1: {  	s23 =	simm.s32 $0x1B8B  }
0xa2: {  	_ =	swait.ge [sflag:s23], $0x1  }
0xa3: {  	[sflag:s23] =	ssyncset.done $0x0  }
0xa4: {  	s25 =	simm.s32 $0x1B8E;
	s24 =	sld [smem:$0x3FFE];
	[sflag:s23] =	ssyncadd.s32 $0xFFFFFFFF  }
0xa5: {  	s26 =	simm.s32 $execute0_lowered;
	[smem:$0x3FD2] =	sst s25  }
0xa6: {  	s5 =	sshll.u32 s26, $0x1;
	_ =	strace $0x80000046;
	[dreg:$0x1] =	wrdreg $0xFFFFFFFF  }
0xa7: {  	s28 =	simm.s32 $_size_execute0_lowered;
	s3 =	sadd.s32 s3, s5;
	[dreg:$0x0] =	wrdreg $0x0  }
0xa8: {  	s5 =	sshll.u32 s28, $0x1;
	[dreg:$0x2] =	wrdreg s3  }
0xa9: {  	[dreg:$0x3] =	wrdreg s5  }
0xaa: {  	[dreg:$0x4] =	wrdreg $0xC0  }
0xab: {  	_ =	task [dreg:s7], $0x5FFFF  }
0xac: {  	[dreg:$0x1] =	wrdreg $0xFFFFFFFF  }
0xad: {  	[dreg:$0x0] =	wrdreg $0x60  }
0xae: {  	[dreg:$0x2] =	wrdreg s2  }
0xaf: {  	[dreg:$0x3] =	wrdreg s24  }
0xb0: {  	[dreg:$0x4] =	wrdreg $0x9  }
0xb1: {  	_ =	task.clear_ibuf [dreg:s7], $0x5FFFF;
	_ =	strace $0x90000046  }
0xb2: {  	s29 =	simm.s32 $0x9;
	_ =	strace $0x80000048  }
0xb3: {  	_ =	swait.ge [sflag:s29], $0x1  }
0xb4: {  	[sflag:s29] =	ssyncadd.s32 $0xFFFFFFFF  }
0xb5: {  	_ =	strace $0x90000048  }
0xb6: {  	_ =	sfence  }
0xb7: {  	s30 =	sld [smem:$0x0];
	_ =	sdelay $0x2  }
0xb8: {  	s31 =	sshll.u32 s1, $0xD;
	s1 =	sshrl.u32 s1, $0x2  }
0xb9: {  	s3 =	sand.u32 $0x4000, s31;
	s1 =	sadd.s32 s1, s30  }
0xba: {  	s0 =	sor.u32 s3, s0;
	s1 =	sshll.u32 s1, $0x11  }
0xbb: {  	s0 =	sor.u32 s1, s0  }
0xbc: {  	s0 =	sadd.s32 $0x8F2B, s0  }
0xbd: {  	[sflag:s0] =	ssyncadd.remote.s32 $0x1  }
0xbe: {  	_ =	sfence.sel $0xFFFF  }
0xbf: {  	[dreg:$0x0] =	wrdreg $0xFFFFFFFF;
	(pc) =	sbr.abs _section_cstart, $3  }
0xc0: {  	[dreg:$0x1] =	wrdreg $0xFFFFFFFF  }
0xc1: {  	_ =	task.clear_ibuf [dreg:s7], $0x2FFFF;
	_ =	strace $0x9FFFFFFF  }
0xc2: {  	(tm) =	ssettm $0x7FFFFFFF  }
0xc3: {  	_ =	shalt  }
tec
execute0_lowered:
.L_overlay_start_1:
0x0: {  	(tag) =	ssettag $0x1  }
0x1: {  	v0 =	vimm.s32 $0xE01;
	vm0 =	vcmask $0x300  }
0x2: {  	s2 =	rddreg [dreg:$0x0];
	s0 =	srdreg.scid;
	vm14 =	vcmask $0x704;
	v0 =	vsel vm0, $0x0, v0  }
0x3: {  	s5 =	stileid.u32;
	s1 =	rddreg [dreg:$0x1];
	s4 =	simm.s32 $0x0;
	vm15 =	vcmask $0xB08;
	v0 =	vsel vm14, $0x200, v0  }
0x4: {  	s7 =	simm.s32 $0x2;
	s8 =	simm.s32 $0x80;
	s10 =	simm.s32 $0x1200;
	vm4 =	vcmask $0xF0C;
	v0 =	vsel vm15, $0x400, v0  }
0x5: {  	vm5 =	vcmask $0x1310;
	s9 =	simm.s32 $0xE00;
	s11 =	simm.s32 $0x1E00;
	s12 =	simm.s32 $0xE80;
	v0 =	vsel vm4, $0x600, v0  }
0x6: {  	vm6 =	vcmask $0x1714;
	s13 =	simm.s32 $0x1E80;
	s14 =	simm.s32 $0xF00;
	s15 =	simm.s32 $0x1F00;
	v0 =	vsel vm5, $0x800, v0  }
0x7: {  	vm7 =	vcmask $0x1B18;
	s16 =	simm.s32 $0xF80;
	s17 =	simm.s32 $0x1F80;
	s18 =	simm.s32 $0x1000;
	v0 =	vsel vm6, $0xA00, v0  }
0x8: {  	vm8 =	vcmask $0x1F1C;
	s19 =	simm.s32 $0x2000;
	s20 =	simm.s32 $0x1080;
	s21 =	simm.s32 $0x2080;
	v0 =	vsel vm7, $0xC00, v0  }
0x9: {  	vm9 =	vcmask $0x2320;
	s22 =	simm.s32 $0x1100;
	s23 =	simm.s32 $0x2100;
	s24 =	simm.s32 $0x1180;
	v0 =	vsel vm8, $0xE00, v0  }
0xa: {  	vm10 =	vcmask $0x2724;
	s25 =	simm.s32 $0x2180;
	s26 =	simm.s32 $0x2200;
	s28 =	simm.s32 $0x20;
	v0 =	vsel vm9, $0x1, v0  }
0xb: {  	vm11 =	vcmask $0x2B28;
	s29 =	simm.s32 $0x0;
	s0 =	sand.u32 $0x1, s0;
	s3 =	sshll.u32 s5, $0x1;
	v0 =	vsel vm10, $0x201, v0  }
0xc: {  	vm12 =	vcmask $0x2F2C;
	[smem:$0x7FF] =	sst s4;
	s5 =	sand.u32 $0xC, s5;
	s3 =	sor.u32 s0, s3;
	v0 =	vsel vm11, $0x401, v0  }
0xd: {  	vm13 =	vcmask $0x3330;
	v1 =	vlaneseq.u32;
	_ =	strace $0x80000047;
	s0 =	ssub.s32 $0x2, s0;
	s30 =	sshll.u32 s3, $0x6;
	v0 =	vsel vm12, $0x601, v0  }
0xe: {  	vm14 =	vcmask $0x3734;
	s3 =	sshll.u32 s3, $0xD;
	s31 =	sshrl.u32 s0, $0x1;
	vm15 =	vcmask $0x3B38;
	s4 =	sadd.s32 s30, s1;
	v0 =	vsel vm13, $0x801, v0  }
0xf: {  	s1 =	sadd.s32 s5, s1;
	s3 =	sand.u32 $0xE000, s3;
	s0 =	ssub.s32 s0, s31;
	v2 =	vsel vm14, $0xA01, v0;
	v0 =	vshrl.u32 v1, $0x3;
	v1 =	vand.u32 $0x7, v1  }
0x10: {  	s4 =	sadd.s32 $0x1000, s4;
	s1 =	sadd.s32 s3, s1;
	s6 =	smax.u32 s0, $0x1;
	v2 =	vsel vm15, $0xC01, v2;
	v3 =	vmul.u32 $0x20, v0;
	v4 =	vor.u32 $0x8, v1  }
0x11: {  	s0 =	simm.s32 $0x1D80;
	s3 =	simm.s32 $0x1;
	s5 =	sadd.s32 $0x1800, s1;
	v5 =	vor.u32 $0x10, v1;
	v6 =	vor.u32 $0x18, v1;
	v7 =	vmul.u32 $0x200, v1  }
.LBB2_1:
0x12: {  	s1 =	simm.s32 $0x0  }
0x13: {  	[tilespmem:s1], [sflag:$0x2] =	stream.linear.gather [hbm4b:s4+s1], $0x200, $0x38;
	[tilespmem:$0x6200] =	vst v63  }
0x14: {  	_ =	swait.ge [sflag:s7], $0x200  }
0x15: {  	[sflag:s7] =	ssyncset.done $0x0  }
0x16: {  	[sflag:s7] =	ssyncadd.s32 $0xFFFFFE00  }
0x17: {  	v8 =	vld [tilespmem:$0x0]  }
0x18: {  	v9 =	vld [tilespmem:$0x10]  }
0x19: {  	v10 =	vld [tilespmem:$0x20]  }
0x1a: {  	v11 =	vld [tilespmem:$0x30]  }
0x1b: {  	v12 =	vld [tilespmem:$0x40]  }
0x1c: {  	v13 =	vld [tilespmem:$0x50]  }
0x1d: {  	[tilespmem:$0x200] =	vst v8;
	v8 =	vld [tilespmem:$0x60]  }
0x1e: {  	[tilespmem:$0x210] =	vst v9;
	v9 =	vld [tilespmem:$0x70]  }
0x1f: {  	[tilespmem:$0x220] =	vst v10;
	v10 =	vld [tilespmem:$0x80]  }
0x20: {  	[tilespmem:$0x230] =	vst v11;
	v11 =	vld [tilespmem:$0x90]  }
0x21: {  	[tilespmem:$0x240] =	vst v12;
	v12 =	vld [tilespmem:$0xA0]  }
0x22: {  	[tilespmem:$0x250] =	vst v13;
	v13 =	vld [tilespmem:$0xB0]  }
0x23: {  	[tilespmem:$0x260] =	vst v8;
	v8 =	vld [tilespmem:$0xC0]  }
0x24: {  	[tilespmem:$0x270] =	vst v9;
	v9 =	vld [tilespmem:$0xD0]  }
0x25: {  	[tilespmem:$0x280] =	vst v10;
	v10 =	vld [tilespmem:$0xE0]  }
0x26: {  	[tilespmem:$0x290] =	vst v11;
	v11 =	vld [tilespmem:$0xF0]  }
0x27: {  	[tilespmem:$0x2A0] =	vst v12;
	v12 =	vld [tilespmem:$0x100]  }
0x28: {  	[tilespmem:$0x2B0] =	vst v13;
	v13 =	vld [tilespmem:$0x110]  }
0x29: {  	[tilespmem:$0x2C0] =	vst v8;
	v8 =	vld [tilespmem:$0x120]  }
0x2a: {  	[tilespmem:$0x2D0] =	vst v9;
	v9 =	vld [tilespmem:$0x130]  }
0x2b: {  	[tilespmem:$0x2E0] =	vst v10;
	v10 =	vld [tilespmem:$0x140]  }
0x2c: {  	[tilespmem:$0x2F0] =	vst v11;
	v11 =	vld [tilespmem:$0x150]  }
0x2d: {  	[tilespmem:$0x300] =	vst v12;
	v12 =	vld [tilespmem:$0x160]  }
0x2e: {  	[tilespmem:$0x310] =	vst v13;
	v13 =	vld [tilespmem:$0x170]  }
0x2f: {  	[tilespmem:$0x320] =	vst v8;
	v8 =	vld [tilespmem:$0x180]  }
0x30: {  	[tilespmem:$0x330] =	vst v9;
	v9 =	vld [tilespmem:$0x190]  }
0x31: {  	[tilespmem:$0x340] =	vst v10;
	v10 =	vld [tilespmem:$0x1A0]  }
0x32: {  	[tilespmem:$0x350] =	vst v11;
	v11 =	vld [tilespmem:$0x1B0]  }
0x33: {  	[tilespmem:$0x360] =	vst v12;
	v12 =	vld [tilespmem:$0x1C0]  }
0x34: {  	[tilespmem:$0x370] =	vst v13;
	v13 =	vld [tilespmem:$0x1D0]  }
0x35: {  	[tilespmem:$0x380] =	vst v8;
	v8 =	vld [tilespmem:$0x1E0]  }
0x36: {  	[tilespmem:$0x390] =	vst v9;
	v9 =	vld [tilespmem:$0x1F0]  }
0x37: {  	[tilespmem:$0x3A0] =	vst v10;
	v10 =	vld [tilespmem:$0x0]  }
0x38: {  	[tilespmem:$0x3B0] =	vst v11;
	v11 =	vld [tilespmem:$0x10]  }
0x39: {  	[tilespmem:$0x3C0] =	vst v12;
	v12 =	vld [tilespmem:$0x20]  }
0x3a: {  	[tilespmem:$0x3D0] =	vst v13;
	v13 =	vld [tilespmem:$0x30]  }
0x3b: {  	[tilespmem:$0x3E0] =	vst v8;
	v8 =	vld [tilespmem:$0x40]  }
0x3c: {  	[tilespmem:$0x3F0] =	vst v9;
	v9 =	vadd.s32 $0x186A0, v10;
	v10 =	vld [tilespmem:$0x50]  }
0x3d: {  	[tilespmem:$0x400] =	vst v9;
	v9 =	vadd.s32 $0x186A0, v11;
	v11 =	vld [tilespmem:$0x60]  }
0x3e: {  	[tilespmem:$0x410] =	vst v9;
	v9 =	vadd.s32 $0x186A0, v12;
	v12 =	vld [tilespmem:$0x70]  }
0x3f: {  	[tilespmem:$0x420] =	vst v9;
	v9 =	vadd.s32 $0x186A0, v13;
	v13 =	vld [tilespmem:$0x80]  }
0x40: {  	[tilespmem:$0x430] =	vst v9;
	v9 =	vld [tilespmem:$0x90];
	v8 =	vadd.s32 $0x186A0, v8  }
0x41: {  	[tilespmem:$0x440] =	vst v8;
	v8 =	vadd.s32 $0x186A0, v10;
	v10 =	vld [tilespmem:$0xA0]  }
0x42: {  	[tilespmem:$0x450] =	vst v8;
	v8 =	vadd.s32 $0x186A0, v11;
	v11 =	vld [tilespmem:$0xB0]  }
0x43: {  	[tilespmem:$0x460] =	vst v8;
	v8 =	vadd.s32 $0x186A0, v12;
	v12 =	vld [tilespmem:$0xC0]  }
0x44: {  	[tilespmem:$0x470] =	vst v8;
	v8 =	vadd.s32 $0x186A0, v13;
	v13 =	vld [tilespmem:$0xD0]  }
0x45: {  	[tilespmem:$0x480] =	vst v8;
	v8 =	vadd.s32 $0x186A0, v9;
	v9 =	vld [tilespmem:$0xE0]  }
0x46: {  	[tilespmem:$0x490] =	vst v8;
	v8 =	vadd.s32 $0x186A0, v10;
	v10 =	vld [tilespmem:$0xF0]  }
0x47: {  	[tilespmem:$0x4A0] =	vst v8;
	v8 =	vadd.s32 $0x186A0, v11;
	v11 =	vld [tilespmem:$0x100]  }
0x48: {  	[tilespmem:$0x4B0] =	vst v8;
	v8 =	vadd.s32 $0x186A0, v12;
	v12 =	vld [tilespmem:$0x110]  }
0x49: {  	[tilespmem:$0x4C0] =	vst v8;
	v8 =	vadd.s32 $0x186A0, v13;
	v13 =	vld [tilespmem:$0x120]  }
0x4a: {  	[tilespmem:$0x4D0] =	vst v8;
	v8 =	vadd.s32 $0x186A0, v9;
	v9 =	vld [tilespmem:$0x130]  }
0x4b: {  	[tilespmem:$0x4E0] =	vst v8;
	v8 =	vadd.s32 $0x186A0, v10;
	v10 =	vld [tilespmem:$0x140]  }
0x4c: {  	[tilespmem:$0x4F0] =	vst v8;
	v8 =	vadd.s32 $0x186A0, v11;
	v11 =	vld [tilespmem:$0x150]  }
0x4d: {  	[tilespmem:$0x500] =	vst v8;
	v8 =	vadd.s32 $0x186A0, v12;
	v12 =	vld [tilespmem:$0x160]  }
0x4e: {  	[tilespmem:$0x510] =	vst v8;
	v8 =	vadd.s32 $0x186A0, v13;
	v13 =	vld [tilespmem:$0x170]  }
0x4f: {  	[tilespmem:$0x520] =	vst v8;
	v8 =	vadd.s32 $0x186A0, v9;
	v9 =	vld [tilespmem:$0x180]  }
0x50: {  	[tilespmem:$0x530] =	vst v8;
	v8 =	vadd.s32 $0x186A0, v10;
	v10 =	vld [tilespmem:$0x190]  }
0x51: {  	[tilespmem:$0x540] =	vst v8;
	v8 =	vadd.s32 $0x186A0, v11;
	v11 =	vld [tilespmem:$0x1A0]  }
0x52: {  	[tilespmem:$0x550] =	vst v8;
	v8 =	vadd.s32 $0x186A0, v12;
	v12 =	vld [tilespmem:$0x1B0]  }
0x53: {  	[tilespmem:$0x560] =	vst v8;
	v8 =	vadd.s32 $0x186A0, v13;
	v13 =	vld [tilespmem:$0x1C0]  }
0x54: {  	[tilespmem:$0x570] =	vst v8;
	v8 =	vadd.s32 $0x186A0, v9;
	v9 =	vld [tilespmem:$0x1D0]  }
0x55: {  	[tilespmem:$0x580] =	vst v8;
	v8 =	vadd.s32 $0x186A0, v10;
	v10 =	vld [tilespmem:$0x1E0]  }
0x56: {  	[tilespmem:$0x590] =	vst v8;
	v8 =	vadd.s32 $0x186A0, v11  }
0x57: {  	[tilespmem:$0x5A0] =	vst v8;
	v8 =	vadd.s32 $0x186A0, v12  }
0x58: {  	[tilespmem:$0x5B0] =	vst v8;
	v8 =	vadd.s32 $0x186A0, v13  }
0x59: {  	[tilespmem:$0x5C0] =	vst v8;
	v8 =	vadd.s32 $0x186A0, v9  }
0x5a: {  	[tilespmem:$0x5D0] =	vst v8;
	v8 =	vadd.s32 $0x186A0, v10  }
0x5b: {  	[tilespmem:$0x5E0] =	vst v8  }
0x5c: {  	v8 =	vld [tilespmem:$0x1F0]  }
0x5d: {  	v9 =	vld [tilespmem:$0x0]  }
0x5e: {  	v10 =	vld [tilespmem:$0x10]  }
0x5f: {  	v11 =	vld [tilespmem:$0x20]  }
0x60: {  	v12 =	vld [tilespmem:$0x30]  }
0x61: {  	v13 =	vld [tilespmem:$0x40];
	v8 =	vadd.s32 $0x186A0, v8  }
0x62: {  	[tilespmem:$0x5F0] =	vst v8;
	v8 =	vadd.s32 $0x30D40, v9;
	v9 =	vld [tilespmem:$0x50]  }
0x63: {  	[tilespmem:$0x600] =	vst v8;
	v8 =	vadd.s32 $0x30D40, v10;
	v10 =	vld [tilespmem:$0x60]  }
0x64: {  	[tilespmem:$0x610] =	vst v8;
	v8 =	vadd.s32 $0x30D40, v11;
	v11 =	vld [tilespmem:$0x70]  }
0x65: {  	[tilespmem:$0x620] =	vst v8;
	v8 =	vadd.s32 $0x30D40, v12;
	v12 =	vld [tilespmem:$0x80]  }
0x66: {  	[tilespmem:$0x630] =	vst v8;
	v8 =	vadd.s32 $0x30D40, v13;
	v13 =	vld [tilespmem:$0x90]  }
0x67: {  	[tilespmem:$0x640] =	vst v8;
	v8 =	vadd.s32 $0x30D40, v9;
	v9 =	vld [tilespmem:$0xA0]  }
0x68: {  	[tilespmem:$0x650] =	vst v8;
	v8 =	vadd.s32 $0x30D40, v10;
	v10 =	vld [tilespmem:$0xB0]  }
0x69: {  	[tilespmem:$0x660] =	vst v8;
	v8 =	vadd.s32 $0x30D40, v11;
	v11 =	vld [tilespmem:$0xC0]  }
0x6a: {  	[tilespmem:$0x670] =	vst v8;
	v8 =	vadd.s32 $0x30D40, v12;
	v12 =	vld [tilespmem:$0xD0]  }
0x6b: {  	[tilespmem:$0x680] =	vst v8;
	v8 =	vadd.s32 $0x30D40, v13;
	v13 =	vld [tilespmem:$0xE0]  }
0x6c: {  	[tilespmem:$0x690] =	vst v8;
	v8 =	vadd.s32 $0x30D40, v9;
	v9 =	vld [tilespmem:$0xF0]  }
0x6d: {  	[tilespmem:$0x6A0] =	vst v8;
	v8 =	vadd.s32 $0x30D40, v10;
	v10 =	vld [tilespmem:$0x100]  }
0x6e: {  	[tilespmem:$0x6B0] =	vst v8;
	v8 =	vadd.s32 $0x30D40, v11;
	v11 =	vld [tilespmem:$0x110]  }
0x6f: {  	[tilespmem:$0x6C0] =	vst v8;
	v8 =	vadd.s32 $0x30D40, v12;
	v12 =	vld [tilespmem:$0x120]  }
0x70: {  	[tilespmem:$0x6D0] =	vst v8;
	v8 =	vadd.s32 $0x30D40, v13;
	v13 =	vld [tilespmem:$0x130]  }
0x71: {  	[tilespmem:$0x6E0] =	vst v8;
	v8 =	vadd.s32 $0x30D40, v9;
	v9 =	vld [tilespmem:$0x140]  }
0x72: {  	[tilespmem:$0x6F0] =	vst v8;
	v8 =	vadd.s32 $0x30D40, v10;
	v10 =	vld [tilespmem:$0x150]  }
0x73: {  	[tilespmem:$0x700] =	vst v8;
	v8 =	vadd.s32 $0x30D40, v11;
	v11 =	vld [tilespmem:$0x160]  }
0x74: {  	[tilespmem:$0x710] =	vst v8;
	v8 =	vadd.s32 $0x30D40, v12;
	v12 =	vld [tilespmem:$0x170]  }
0x75: {  	[tilespmem:$0x720] =	vst v8;
	v8 =	vadd.s32 $0x30D40, v13;
	v13 =	vld [tilespmem:$0x180]  }
0x76: {  	[tilespmem:$0x730] =	vst v8;
	v8 =	vadd.s32 $0x30D40, v9;
	v9 =	vld [tilespmem:$0x190]  }
0x77: {  	[tilespmem:$0x740] =	vst v8;
	v8 =	vadd.s32 $0x30D40, v10;
	v10 =	vld [tilespmem:$0x1A0]  }
0x78: {  	[tilespmem:$0x750] =	vst v8;
	v8 =	vadd.s32 $0x30D40, v11;
	v11 =	vld [tilespmem:$0x1B0]  }
0x79: {  	[tilespmem:$0x760] =	vst v8;
	v8 =	vadd.s32 $0x30D40, v12;
	v12 =	vld [tilespmem:$0x1C0]  }
0x7a: {  	[tilespmem:$0x770] =	vst v8;
	v8 =	vadd.s32 $0x30D40, v13;
	v13 =	vld [tilespmem:$0x1D0]  }
0x7b: {  	[tilespmem:$0x780] =	vst v8;
	v8 =	vadd.s32 $0x30D40, v9;
	v9 =	vld [tilespmem:$0x1E0]  }
0x7c: {  	[tilespmem:$0x790] =	vst v8;
	v8 =	vadd.s32 $0x30D40, v10;
	v10 =	vld [tilespmem:$0x1F0]  }
0x7d: {  	[tilespmem:$0x7A0] =	vst v8;
	v8 =	vadd.s32 $0x30D40, v11;
	v11 =	vld [tilespmem:$0x0]  }
0x7e: {  	[tilespmem:$0x7B0] =	vst v8;
	v8 =	vadd.s32 $0x30D40, v12;
	v12 =	vld [tilespmem:$0x10]  }
0x7f: {  	[tilespmem:$0x7C0] =	vst v8;
	v8 =	vadd.s32 $0x30D40, v13;
	v13 =	vld [tilespmem:$0x20]  }
0x80: {  	[tilespmem:$0x7D0] =	vst v8;
	v8 =	vadd.s32 $0x30D40, v9;
	v9 =	vld [tilespmem:$0x30]  }
0x81: {  	[tilespmem:$0x7E0] =	vst v8;
	v8 =	vadd.s32 $0x30D40, v10;
	v10 =	vld [tilespmem:$0x40]  }
0x82: {  	[tilespmem:$0x7F0] =	vst v8;
	v8 =	vadd.s32 $0x493E0, v11;
	v11 =	vld [tilespmem:$0x50]  }
0x83: {  	[tilespmem:$0x800] =	vst v8;
	v8 =	vadd.s32 $0x493E0, v12;
	v12 =	vld [tilespmem:$0x60]  }
0x84: {  	[tilespmem:$0x810] =	vst v8;
	v8 =	vadd.s32 $0x493E0, v13;
	v13 =	vld [tilespmem:$0x70]  }
0x85: {  	[tilespmem:$0x820] =	vst v8;
	v8 =	vadd.s32 $0x493E0, v9;
	v9 =	vld [tilespmem:$0x80]  }
0x86: {  	[tilespmem:$0x830] =	vst v8;
	v8 =	vadd.s32 $0x493E0, v10;
	v10 =	vld [tilespmem:$0x90]  }
0x87: {  	[tilespmem:$0x840] =	vst v8;
	v8 =	vadd.s32 $0x493E0, v11;
	v11 =	vld [tilespmem:$0xA0]  }
0x88: {  	[tilespmem:$0x850] =	vst v8;
	v8 =	vadd.s32 $0x493E0, v12;
	v12 =	vld [tilespmem:$0xB0]  }
0x89: {  	[tilespmem:$0x860] =	vst v8;
	v8 =	vadd.s32 $0x493E0, v13;
	v13 =	vld [tilespmem:$0xC0]  }
0x8a: {  	[tilespmem:$0x870] =	vst v8;
	v8 =	vadd.s32 $0x493E0, v9;
	v9 =	vld [tilespmem:$0xD0]  }
0x8b: {  	[tilespmem:$0x880] =	vst v8;
	v8 =	vadd.s32 $0x493E0, v10;
	v10 =	vld [tilespmem:$0xE0]  }
0x8c: {  	[tilespmem:$0x890] =	vst v8;
	v8 =	vadd.s32 $0x493E0, v11;
	v11 =	vld [tilespmem:$0xF0]  }
0x8d: {  	[tilespmem:$0x8A0] =	vst v8;
	v8 =	vadd.s32 $0x493E0, v12;
	v12 =	vld [tilespmem:$0x100]  }
0x8e: {  	[tilespmem:$0x8B0] =	vst v8;
	v8 =	vadd.s32 $0x493E0, v13;
	v13 =	vld [tilespmem:$0x110]  }
0x8f: {  	[tilespmem:$0x8C0] =	vst v8;
	v8 =	vadd.s32 $0x493E0, v9;
	v9 =	vld [tilespmem:$0x120]  }
0x90: {  	[tilespmem:$0x8D0] =	vst v8;
	v8 =	vadd.s32 $0x493E0, v10;
	v10 =	vld [tilespmem:$0x130]  }
0x91: {  	[tilespmem:$0x8E0] =	vst v8;
	v8 =	vadd.s32 $0x493E0, v11;
	v11 =	vld [tilespmem:$0x140]  }
0x92: {  	[tilespmem:$0x8F0] =	vst v8;
	v8 =	vadd.s32 $0x493E0, v12;
	v12 =	vld [tilespmem:$0x150]  }
0x93: {  	[tilespmem:$0x900] =	vst v8;
	v8 =	vadd.s32 $0x493E0, v13;
	v13 =	vld [tilespmem:$0x160]  }
0x94: {  	[tilespmem:$0x910] =	vst v8;
	v8 =	vadd.s32 $0x493E0, v9;
	v9 =	vld [tilespmem:$0x170]  }
0x95: {  	[tilespmem:$0x920] =	vst v8;
	v8 =	vadd.s32 $0x493E0, v10;
	v10 =	vld [tilespmem:$0x180]  }
0x96: {  	[tilespmem:$0x930] =	vst v8;
	v8 =	vadd.s32 $0x493E0, v11;
	v11 =	vld [tilespmem:$0x190]  }
0x97: {  	[tilespmem:$0x940] =	vst v8;
	v8 =	vadd.s32 $0x493E0, v12;
	v12 =	vld [tilespmem:$0x1A0]  }
0x98: {  	[tilespmem:$0x950] =	vst v8;
	v8 =	vadd.s32 $0x493E0, v13;
	v13 =	vld [tilespmem:$0x1B0]  }
0x99: {  	[tilespmem:$0x960] =	vst v8;
	v8 =	vadd.s32 $0x493E0, v9;
	v9 =	vld [tilespmem:$0x1C0]  }
0x9a: {  	[tilespmem:$0x970] =	vst v8;
	v8 =	vadd.s32 $0x493E0, v10;
	v10 =	vld [tilespmem:$0x1D0]  }
0x9b: {  	[tilespmem:$0x980] =	vst v8;
	v8 =	vadd.s32 $0x493E0, v11;
	v11 =	vld [tilespmem:$0x1E0]  }
0x9c: {  	[tilespmem:$0x990] =	vst v8;
	v8 =	vadd.s32 $0x493E0, v12;
	v12 =	vld [tilespmem:$0x1F0]  }
0x9d: {  	[tilespmem:$0x9A0] =	vst v8;
	v8 =	vadd.s32 $0x493E0, v13;
	v13 =	vld [tilespmem:$0x0]  }
0x9e: {  	[tilespmem:$0x9B0] =	vst v8;
	v8 =	vadd.s32 $0x493E0, v9;
	v9 =	vld [tilespmem:$0x10]  }
0x9f: {  	[tilespmem:$0x9C0] =	vst v8;
	v8 =	vadd.s32 $0x493E0, v10;
	v10 =	vld [tilespmem:$0x20]  }
0xa0: {  	[tilespmem:$0x9D0] =	vst v8;
	v8 =	vadd.s32 $0x493E0, v11;
	v11 =	vld [tilespmem:$0x30]  }
0xa1: {  	[tilespmem:$0x9E0] =	vst v8;
	v8 =	vadd.s32 $0x493E0, v12;
	v12 =	vld [tilespmem:$0x40]  }
0xa2: {  	[tilespmem:$0x9F0] =	vst v8;
	v8 =	vadd.s32 $0x61A80, v13;
	v13 =	vld [tilespmem:$0x50]  }
0xa3: {  	[tilespmem:$0xA00] =	vst v8;
	v8 =	vadd.s32 $0x61A80, v9;
	v9 =	vld [tilespmem:$0x60]  }
0xa4: {  	[tilespmem:$0xA10] =	vst v8;
	v8 =	vadd.s32 $0x61A80, v10;
	v10 =	vld [tilespmem:$0x70]  }
0xa5: {  	[tilespmem:$0xA20] =	vst v8;
	v8 =	vadd.s32 $0x61A80, v11;
	v11 =	vld [tilespmem:$0x80]  }
0xa6: {  	[tilespmem:$0xA30] =	vst v8;
	v8 =	vadd.s32 $0x61A80, v12;
	v12 =	vld [tilespmem:$0x90]  }
0xa7: {  	[tilespmem:$0xA40] =	vst v8;
	v8 =	vadd.s32 $0x61A80, v13;
	v13 =	vld [tilespmem:$0xA0]  }
0xa8: {  	[tilespmem:$0xA50] =	vst v8;
	v8 =	vadd.s32 $0x61A80, v9;
	v9 =	vld [tilespmem:$0xB0]  }
0xa9: {  	[tilespmem:$0xA60] =	vst v8;
	v8 =	vadd.s32 $0x61A80, v10;
	v10 =	vld [tilespmem:$0xC0]  }
0xaa: {  	[tilespmem:$0xA70] =	vst v8;
	v8 =	vadd.s32 $0x61A80, v11;
	v11 =	vld [tilespmem:$0xD0]  }
0xab: {  	[tilespmem:$0xA80] =	vst v8;
	v8 =	vadd.s32 $0x61A80, v12;
	v12 =	vld [tilespmem:$0xE0]  }
0xac: {  	[tilespmem:$0xA90] =	vst v8;
	v8 =	vadd.s32 $0x61A80, v13;
	v13 =	vld [tilespmem:$0xF0]  }
0xad: {  	[tilespmem:$0xAA0] =	vst v8;
	v8 =	vadd.s32 $0x61A80, v9;
	v9 =	vld [tilespmem:$0x100]  }
0xae: {  	[tilespmem:$0xAB0] =	vst v8;
	v8 =	vadd.s32 $0x61A80, v10;
	v10 =	vld [tilespmem:$0x110]  }
0xaf: {  	[tilespmem:$0xAC0] =	vst v8;
	v8 =	vadd.s32 $0x61A80, v11;
	v11 =	vld [tilespmem:$0x120]  }
0xb0: {  	[tilespmem:$0xAD0] =	vst v8;
	v8 =	vadd.s32 $0x61A80, v12;
	v12 =	vld [tilespmem:$0x130]  }
0xb1: {  	[tilespmem:$0xAE0] =	vst v8;
	v8 =	vadd.s32 $0x61A80, v13;
	v13 =	vld [tilespmem:$0x140]  }
0xb2: {  	[tilespmem:$0xAF0] =	vst v8;
	v8 =	vadd.s32 $0x61A80, v9;
	v9 =	vld [tilespmem:$0x150]  }
0xb3: {  	[tilespmem:$0xB00] =	vst v8;
	v8 =	vadd.s32 $0x61A80, v10;
	v10 =	vld [tilespmem:$0x160]  }
0xb4: {  	[tilespmem:$0xB10] =	vst v8;
	v8 =	vadd.s32 $0x61A80, v11;
	v11 =	vld [tilespmem:$0x170]  }
0xb5: {  	[tilespmem:$0xB20] =	vst v8;
	v8 =	vadd.s32 $0x61A80, v12;
	v12 =	vld [tilespmem:$0x180]  }
0xb6: {  	[tilespmem:$0xB30] =	vst v8;
	v8 =	vadd.s32 $0x61A80, v13;
	v13 =	vld [tilespmem:$0x190]  }
0xb7: {  	[tilespmem:$0xB40] =	vst v8;
	v8 =	vadd.s32 $0x61A80, v9;
	v9 =	vld [tilespmem:$0x1A0]  }
0xb8: {  	[tilespmem:$0xB50] =	vst v8;
	v8 =	vadd.s32 $0x61A80, v10;
	v10 =	vld [tilespmem:$0x1B0]  }
0xb9: {  	[tilespmem:$0xB60] =	vst v8;
	v8 =	vadd.s32 $0x61A80, v11;
	v11 =	vld [tilespmem:$0x1C0]  }
0xba: {  	[tilespmem:$0xB70] =	vst v8;
	v8 =	vadd.s32 $0x61A80, v12;
	v12 =	vld [tilespmem:$0x1D0]  }
0xbb: {  	[tilespmem:$0xB80] =	vst v8;
	v8 =	vadd.s32 $0x61A80, v13;
	v13 =	vld [tilespmem:$0x1E0]  }
0xbc: {  	[tilespmem:$0xB90] =	vst v8;
	v8 =	vadd.s32 $0x61A80, v9;
	v9 =	vld [tilespmem:$0x1F0]  }
0xbd: {  	[tilespmem:$0xBA0] =	vst v8;
	v8 =	vadd.s32 $0x61A80, v10;
	v10 =	vld [tilespmem:$0x0]  }
0xbe: {  	[tilespmem:$0xBB0] =	vst v8;
	v8 =	vadd.s32 $0x61A80, v11;
	v11 =	vld [tilespmem:$0x10]  }
0xbf: {  	[tilespmem:$0xBC0] =	vst v8;
	v8 =	vadd.s32 $0x61A80, v12;
	v12 =	vld [tilespmem:$0x20]  }
0xc0: {  	[tilespmem:$0xBD0] =	vst v8;
	v8 =	vadd.s32 $0x61A80, v13;
	v13 =	vld [tilespmem:$0x30]  }
0xc1: {  	[tilespmem:$0xBE0] =	vst v8;
	v8 =	vadd.s32 $0x61A80, v9;
	v9 =	vld [tilespmem:$0x40]  }
0xc2: {  	[tilespmem:$0xBF0] =	vst v8;
	v8 =	vadd.s32 $0x7A120, v10;
	v10 =	vld [tilespmem:$0x50]  }
0xc3: {  	[tilespmem:$0xC00] =	vst v8;
	v8 =	vadd.s32 $0x7A120, v11;
	v11 =	vld [tilespmem:$0x60]  }
0xc4: {  	[tilespmem:$0xC10] =	vst v8;
	v8 =	vadd.s32 $0x7A120, v12;
	v12 =	vld [tilespmem:$0x70]  }
0xc5: {  	[tilespmem:$0xC20] =	vst v8;
	v8 =	vadd.s32 $0x7A120, v13;
	v13 =	vld [tilespmem:$0x80]  }
0xc6: {  	[tilespmem:$0xC30] =	vst v8;
	v8 =	vadd.s32 $0x7A120, v9;
	v9 =	vld [tilespmem:$0x90]  }
0xc7: {  	[tilespmem:$0xC40] =	vst v8;
	v8 =	vadd.s32 $0x7A120, v10;
	v10 =	vld [tilespmem:$0xA0]  }
0xc8: {  	[tilespmem:$0xC50] =	vst v8;
	v8 =	vadd.s32 $0x7A120, v11;
	v11 =	vld [tilespmem:$0xB0]  }
0xc9: {  	[tilespmem:$0xC60] =	vst v8;
	v8 =	vadd.s32 $0x7A120, v12;
	v12 =	vld [tilespmem:$0xC0]  }
0xca: {  	[tilespmem:$0xC70] =	vst v8;
	v8 =	vadd.s32 $0x7A120, v13;
	v13 =	vld [tilespmem:$0xD0]  }
0xcb: {  	[tilespmem:$0xC80] =	vst v8;
	v8 =	vadd.s32 $0x7A120, v9;
	v9 =	vld [tilespmem:$0xE0]  }
0xcc: {  	[tilespmem:$0xC90] =	vst v8;
	v8 =	vadd.s32 $0x7A120, v10;
	v10 =	vld [tilespmem:$0xF0]  }
0xcd: {  	[tilespmem:$0xCA0] =	vst v8;
	v8 =	vadd.s32 $0x7A120, v11;
	v11 =	vld [tilespmem:$0x100]  }
0xce: {  	[tilespmem:$0xCB0] =	vst v8;
	v8 =	vadd.s32 $0x7A120, v12;
	v12 =	vld [tilespmem:$0x110]  }
0xcf: {  	[tilespmem:$0xCC0] =	vst v8;
	v8 =	vadd.s32 $0x7A120, v13;
	v13 =	vld [tilespmem:$0x120]  }
0xd0: {  	[tilespmem:$0xCD0] =	vst v8;
	v8 =	vadd.s32 $0x7A120, v9;
	v9 =	vld [tilespmem:$0x130]  }
0xd1: {  	[tilespmem:$0xCE0] =	vst v8;
	v8 =	vadd.s32 $0x7A120, v10;
	v10 =	vld [tilespmem:$0x140]  }
0xd2: {  	[tilespmem:$0xCF0] =	vst v8;
	v8 =	vadd.s32 $0x7A120, v11;
	v11 =	vld [tilespmem:$0x150]  }
0xd3: {  	[tilespmem:$0xD00] =	vst v8;
	v8 =	vadd.s32 $0x7A120, v12;
	v12 =	vld [tilespmem:$0x160]  }
0xd4: {  	[tilespmem:$0xD10] =	vst v8;
	v8 =	vadd.s32 $0x7A120, v13;
	v13 =	vld [tilespmem:$0x170]  }
0xd5: {  	[tilespmem:$0xD20] =	vst v8;
	v8 =	vadd.s32 $0x7A120, v9;
	v9 =	vld [tilespmem:$0x180]  }
0xd6: {  	[tilespmem:$0xD30] =	vst v8;
	v8 =	vadd.s32 $0x7A120, v10;
	v10 =	vld [tilespmem:$0x190]  }
0xd7: {  	[tilespmem:$0xD40] =	vst v8;
	v8 =	vadd.s32 $0x7A120, v11;
	v11 =	vld [tilespmem:$0x1A0]  }
0xd8: {  	[tilespmem:$0xD50] =	vst v8;
	v8 =	vadd.s32 $0x7A120, v12;
	v12 =	vld [tilespmem:$0x1B0]  }
0xd9: {  	[tilespmem:$0xD60] =	vst v8;
	v8 =	vadd.s32 $0x7A120, v13;
	v13 =	vld [tilespmem:$0x1C0]  }
0xda: {  	[tilespmem:$0xD70] =	vst v8;
	v8 =	vadd.s32 $0x7A120, v9;
	v9 =	vld [tilespmem:$0x1D0]  }
0xdb: {  	[tilespmem:$0xD80] =	vst v8;
	v8 =	vadd.s32 $0x7A120, v10;
	v10 =	vld [tilespmem:$0x1E0]  }
0xdc: {  	[tilespmem:$0xD90] =	vst v8;
	v8 =	vadd.s32 $0x7A120, v11;
	v11 =	vld [tilespmem:$0x1F0]  }
0xdd: {  	[tilespmem:$0xDA0] =	vst v8;
	v8 =	vadd.s32 $0x7A120, v12;
	v12 =	vld [tilespmem:$0x0]  }
0xde: {  	[tilespmem:$0xDB0] =	vst v8;
	v8 =	vadd.s32 $0x7A120, v13;
	v13 =	vld [tilespmem:$0x10]  }
0xdf: {  	[tilespmem:$0xDC0] =	vst v8;
	v8 =	vadd.s32 $0x7A120, v9;
	v9 =	vld [tilespmem:$0x20]  }
0xe0: {  	[tilespmem:$0xDD0] =	vst v8;
	v8 =	vadd.s32 $0x7A120, v10;
	v10 =	vld [tilespmem:$0x30]  }
0xe1: {  	[tilespmem:$0xDE0] =	vst v8;
	v8 =	vadd.s32 $0x7A120, v11;
	v11 =	vld [tilespmem:$0x40]  }
0xe2: {  	[tilespmem:$0xDF0] =	vst v8;
	v8 =	vadd.s32 $0x927C0, v12;
	v12 =	vld [tilespmem:$0x50]  }
0xe3: {  	[tilespmem:$0xE00] =	vst v8;
	v8 =	vadd.s32 $0x927C0, v13;
	v13 =	vld [tilespmem:$0x60]  }
0xe4: {  	[tilespmem:$0xE10] =	vst v8;
	v8 =	vadd.s32 $0x927C0, v9;
	v9 =	vld [tilespmem:$0x70]  }
0xe5: {  	[tilespmem:$0xE20] =	vst v8;
	v8 =	vadd.s32 $0x927C0, v10;
	v10 =	vld [tilespmem:$0x80]  }
0xe6: {  	[tilespmem:$0xE30] =	vst v8;
	v8 =	vadd.s32 $0x927C0, v11;
	v11 =	vld [tilespmem:$0x90]  }
0xe7: {  	[tilespmem:$0xE40] =	vst v8;
	v8 =	vadd.s32 $0x927C0, v12;
	v12 =	vld [tilespmem:$0xA0]  }
0xe8: {  	[tilespmem:$0xE50] =	vst v8;
	v8 =	vadd.s32 $0x927C0, v13;
	v13 =	vld [tilespmem:$0xB0]  }
0xe9: {  	[tilespmem:$0xE60] =	vst v8;
	v8 =	vadd.s32 $0x927C0, v9;
	v9 =	vld [tilespmem:$0xC0]  }
0xea: {  	[tilespmem:$0xE70] =	vst v8;
	v8 =	vadd.s32 $0x927C0, v10;
	v10 =	vld [tilespmem:$0xD0]  }
0xeb: {  	[tilespmem:$0xE80] =	vst v8;
	v8 =	vadd.s32 $0x927C0, v11;
	v11 =	vld [tilespmem:$0xE0]  }
0xec: {  	[tilespmem:$0xE90] =	vst v8;
	v8 =	vadd.s32 $0x927C0, v12;
	v12 =	vld [tilespmem:$0xF0]  }
0xed: {  	[tilespmem:$0xEA0] =	vst v8;
	v8 =	vadd.s32 $0x927C0, v13;
	v13 =	vld [tilespmem:$0x100]  }
0xee: {  	[tilespmem:$0xEB0] =	vst v8;
	v8 =	vadd.s32 $0x927C0, v9;
	v9 =	vld [tilespmem:$0x110]  }
0xef: {  	[tilespmem:$0xEC0] =	vst v8;
	v8 =	vadd.s32 $0x927C0, v10;
	v10 =	vld [tilespmem:$0x120]  }
0xf0: {  	[tilespmem:$0xED0] =	vst v8;
	v8 =	vadd.s32 $0x927C0, v11;
	v11 =	vld [tilespmem:$0x130]  }
0xf1: {  	[tilespmem:$0xEE0] =	vst v8;
	v8 =	vadd.s32 $0x927C0, v12;
	v12 =	vld [tilespmem:$0x140]  }
0xf2: {  	[tilespmem:$0xEF0] =	vst v8;
	v8 =	vadd.s32 $0x927C0, v13;
	v13 =	vld [tilespmem:$0x150]  }
0xf3: {  	[tilespmem:$0xF00] =	vst v8;
	v8 =	vadd.s32 $0x927C0, v9;
	v9 =	vld [tilespmem:$0x160]  }
0xf4: {  	[tilespmem:$0xF10] =	vst v8;
	v8 =	vadd.s32 $0x927C0, v10;
	v10 =	vld [tilespmem:$0x170]  }
0xf5: {  	[tilespmem:$0xF20] =	vst v8;
	v8 =	vadd.s32 $0x927C0, v11;
	v11 =	vld [tilespmem:$0x180]  }
0xf6: {  	[tilespmem:$0xF30] =	vst v8;
	v8 =	vadd.s32 $0x927C0, v12;
	v12 =	vld [tilespmem:$0x190]  }
0xf7: {  	[tilespmem:$0xF40] =	vst v8;
	v8 =	vadd.s32 $0x927C0, v13;
	v13 =	vld [tilespmem:$0x1A0]  }
0xf8: {  	[tilespmem:$0xF50] =	vst v8;
	v8 =	vadd.s32 $0x927C0, v9;
	v9 =	vld [tilespmem:$0x1B0]  }
0xf9: {  	[tilespmem:$0xF60] =	vst v8;
	v8 =	vadd.s32 $0x927C0, v10;
	v10 =	vld [tilespmem:$0x1C0]  }
0xfa: {  	[tilespmem:$0xF70] =	vst v8;
	v8 =	vadd.s32 $0x927C0, v11;
	v11 =	vld [tilespmem:$0x1D0]  }
0xfb: {  	[tilespmem:$0xF80] =	vst v8;
	v8 =	vadd.s32 $0x927C0, v12;
	v12 =	vld [tilespmem:$0x1E0]  }
0xfc: {  	[tilespmem:$0xF90] =	vst v8;
	v8 =	vadd.s32 $0x927C0, v13;
	v13 =	vld [tilespmem:$0x1F0]  }
0xfd: {  	[tilespmem:$0xFA0] =	vst v8;
	v8 =	vadd.s32 $0x927C0, v9;
	v9 =	vld [tilespmem:$0x0]  }
0xfe: {  	[tilespmem:$0xFB0] =	vst v8;
	v8 =	vadd.s32 $0x927C0, v10;
	v10 =	vld [tilespmem:$0x10]  }
0xff: {  	[tilespmem:$0xFC0] =	vst v8;
	v8 =	vadd.s32 $0x927C0, v11;
	v11 =	vld [tilespmem:$0x20]  }
0x100: {  	[tilespmem:$0xFD0] =	vst v8;
	v8 =	vadd.s32 $0x927C0, v12;
	v12 =	vld [tilespmem:$0x30]  }
0x101: {  	[tilespmem:$0xFE0] =	vst v8;
	v8 =	vadd.s32 $0x927C0, v13;
	v13 =	vld [tilespmem:$0x40]  }
0x102: {  	[tilespmem:$0xFF0] =	vst v8;
	v8 =	vadd.s32 $0xAAE60, v9;
	v9 =	vld [tilespmem:$0x50]  }
0x103: {  	[tilespmem:$0x1000] =	vst v8;
	v8 =	vadd.s32 $0xAAE60, v10;
	v10 =	vld [tilespmem:$0x60]  }
0x104: {  	[tilespmem:$0x1010] =	vst v8;
	v8 =	vadd.s32 $0xAAE60, v11;
	v11 =	vld [tilespmem:$0x70]  }
0x105: {  	[tilespmem:$0x1020] =	vst v8;
	v8 =	vadd.s32 $0xAAE60, v12;
	v12 =	vld [tilespmem:$0x80]  }
0x106: {  	[tilespmem:$0x1030] =	vst v8;
	v8 =	vadd.s32 $0xAAE60, v13;
	v13 =	vld [tilespmem:$0x90]  }
0x107: {  	[tilespmem:$0x1040] =	vst v8;
	v8 =	vadd.s32 $0xAAE60, v9;
	v9 =	vld [tilespmem:$0xA0]  }
0x108: {  	[tilespmem:$0x1050] =	vst v8;
	v8 =	vadd.s32 $0xAAE60, v10;
	v10 =	vld [tilespmem:$0xB0]  }
0x109: {  	[tilespmem:$0x1060] =	vst v8;
	v8 =	vadd.s32 $0xAAE60, v11;
	v11 =	vld [tilespmem:$0xC0]  }
0x10a: {  	[tilespmem:$0x1070] =	vst v8;
	v8 =	vadd.s32 $0xAAE60, v12;
	v12 =	vld [tilespmem:$0xD0]  }
0x10b: {  	[tilespmem:$0x1080] =	vst v8;
	v8 =	vadd.s32 $0xAAE60, v13;
	v13 =	vld [tilespmem:$0xE0]  }
0x10c: {  	[tilespmem:$0x1090] =	vst v8;
	v8 =	vadd.s32 $0xAAE60, v9;
	v9 =	vld [tilespmem:$0xF0]  }
0x10d: {  	[tilespmem:$0x10A0] =	vst v8;
	v8 =	vadd.s32 $0xAAE60, v10;
	v10 =	vld [tilespmem:$0x100]  }
0x10e: {  	[tilespmem:$0x10B0] =	vst v8;
	v8 =	vadd.s32 $0xAAE60, v11;
	v11 =	vld [tilespmem:$0x110]  }
0x10f: {  	[tilespmem:$0x10C0] =	vst v8;
	v8 =	vadd.s32 $0xAAE60, v12;
	v12 =	vld [tilespmem:$0x120]  }
0x110: {  	[tilespmem:$0x10D0] =	vst v8;
	v8 =	vadd.s32 $0xAAE60, v13;
	v13 =	vld [tilespmem:$0x130]  }
0x111: {  	[tilespmem:$0x10E0] =	vst v8;
	v8 =	vadd.s32 $0xAAE60, v9;
	v9 =	vld [tilespmem:$0x140]  }
0x112: {  	[tilespmem:$0x10F0] =	vst v8;
	v8 =	vadd.s32 $0xAAE60, v10;
	v10 =	vld [tilespmem:$0x150]  }
0x113: {  	[tilespmem:$0x1100] =	vst v8;
	v8 =	vadd.s32 $0xAAE60, v11;
	v11 =	vld [tilespmem:$0x160]  }
0x114: {  	[tilespmem:$0x1110] =	vst v8;
	v8 =	vadd.s32 $0xAAE60, v12;
	v12 =	vld [tilespmem:$0x170]  }
0x115: {  	[tilespmem:$0x1120] =	vst v8;
	v8 =	vadd.s32 $0xAAE60, v13;
	v13 =	vld [tilespmem:$0x180]  }
0x116: {  	[tilespmem:$0x1130] =	vst v8;
	v8 =	vadd.s32 $0xAAE60, v9;
	v9 =	vld [tilespmem:$0x190]  }
0x117: {  	[tilespmem:$0x1140] =	vst v8;
	v8 =	vadd.s32 $0xAAE60, v10;
	v10 =	vld [tilespmem:$0x1A0]  }
0x118: {  	[tilespmem:$0x1150] =	vst v8;
	v8 =	vadd.s32 $0xAAE60, v11;
	v11 =	vld [tilespmem:$0x1B0]  }
0x119: {  	[tilespmem:$0x1160] =	vst v8;
	v8 =	vadd.s32 $0xAAE60, v12;
	v12 =	vld [tilespmem:$0x1C0]  }
0x11a: {  	[tilespmem:$0x1170] =	vst v8;
	v8 =	vadd.s32 $0xAAE60, v13;
	v13 =	vld [tilespmem:$0x1D0]  }
0x11b: {  	[tilespmem:$0x1180] =	vst v8;
	v8 =	vadd.s32 $0xAAE60, v9;
	v9 =	vld [tilespmem:$0x1E0]  }
0x11c: {  	[tilespmem:$0x1190] =	vst v8;
	v8 =	vadd.s32 $0xAAE60, v10;
	v10 =	vld [tilespmem:$0x1F0]  }
0x11d: {  	[tilespmem:$0x11A0] =	vst v8;
	v8 =	vadd.s32 $0xAAE60, v11  }
0x11e: {  	[tilespmem:$0x11B0] =	vst v8;
	v8 =	vadd.s32 $0xAAE60, v12  }
0x11f: {  	[tilespmem:$0x11C0] =	vst v8;
	v8 =	vadd.s32 $0xAAE60, v13  }
0x120: {  	[tilespmem:$0x11D0] =	vst v8;
	v8 =	vadd.s32 $0xAAE60, v9  }
0x121: {  	[tilespmem:$0x11E0] =	vst v8;
	v8 =	vadd.s32 $0xAAE60, v10  }
0x122: {  	s1 =	simm.s32 $0x200;
	[tilespmem:$0x11F0] =	vst v8  }
0x123: {  	[tilespmem:s10], [sflag:$0x1] =	stream.indirect.gather [hbm4b:s2+s8], $0x1, s1, s8, $0xb8;
	[tilespmem:$0x6200] =	vst v63  }
0x124: {  	s30 =	simm.s32 $0x1280;
	s1 =	simm.s32 $0x280  }
0x125: {  	[tilespmem:s30], [sflag:$0x1] =	stream.indirect.gather [hbm4b:s2+s8], $0x1, s1, s8, $0xb8;
	[tilespmem:$0x6200] =	vst v63  }
0x126: {  	s1 =	simm.s32 $0x300;
	s30 =	simm.s32 $0x1300  }
0x127: {  	[tilespmem:s30], [sflag:$0x1] =	stream.indirect.gather [hbm4b:s2+s8], $0x1, s1, s8, $0xb8;
	[tilespmem:$0x6200] =	vst v63  }
0x128: {  	s1 =	simm.s32 $0x380;
	s30 =	simm.s32 $0x1380  }
0x129: {  	[tilespmem:s30], [sflag:$0x1] =	stream.indirect.gather [hbm4b:s2+s8], $0x1, s1, s8, $0xb8;
	[tilespmem:$0x6200] =	vst v63  }
0x12a: {  	s1 =	simm.s32 $0x400;
	s30 =	simm.s32 $0x1400  }
0x12b: {  	[tilespmem:s30], [sflag:$0x1] =	stream.indirect.gather [hbm4b:s2+s8], $0x1, s1, s8, $0xb8;
	[tilespmem:$0x6200] =	vst v63  }
0x12c: {  	s1 =	simm.s32 $0x480;
	s30 =	simm.s32 $0x1480  }
0x12d: {  	[tilespmem:s30], [sflag:$0x1] =	stream.indirect.gather [hbm4b:s2+s8], $0x1, s1, s8, $0xb8;
	[tilespmem:$0x6200] =	vst v63  }
0x12e: {  	s1 =	simm.s32 $0x500;
	s30 =	simm.s32 $0x1500  }
0x12f: {  	[tilespmem:s30], [sflag:$0x1] =	stream.indirect.gather [hbm4b:s2+s8], $0x1, s1, s8, $0xb8;
	[tilespmem:$0x6200] =	vst v63  }
0x130: {  	s1 =	simm.s32 $0x580;
	s30 =	simm.s32 $0x1580  }
0x131: {  	[tilespmem:s30], [sflag:$0x1] =	stream.indirect.gather [hbm4b:s2+s8], $0x1, s1, s8, $0xb8;
	[tilespmem:$0x6200] =	vst v63  }
0x132: {  	s1 =	simm.s32 $0x600;
	s30 =	simm.s32 $0x1600  }
0x133: {  	[tilespmem:s30], [sflag:$0x1] =	stream.indirect.gather [hbm4b:s2+s8], $0x1, s1, s8, $0xb8;
	[tilespmem:$0x6200] =	vst v63  }
0x134: {  	s1 =	simm.s32 $0x680;
	s30 =	simm.s32 $0x1680  }
0x135: {  	[tilespmem:s30], [sflag:$0x1] =	stream.indirect.gather [hbm4b:s2+s8], $0x1, s1, s8, $0xb8;
	[tilespmem:$0x6200] =	vst v63  }
0x136: {  	s1 =	simm.s32 $0x700;
	s30 =	simm.s32 $0x1700  }
0x137: {  	[tilespmem:s30], [sflag:$0x1] =	stream.indirect.gather [hbm4b:s2+s8], $0x1, s1, s8, $0xb8;
	[tilespmem:$0x6200] =	vst v63  }
0x138: {  	s1 =	simm.s32 $0x780;
	s30 =	simm.s32 $0x1780  }
0x139: {  	[tilespmem:s30], [sflag:$0x1] =	stream.indirect.gather [hbm4b:s2+s8], $0x1, s1, s8, $0xb8;
	[tilespmem:$0x6200] =	vst v63  }
0x13a: {  	s1 =	simm.s32 $0x800;
	s30 =	simm.s32 $0x1800  }
0x13b: {  	[tilespmem:s30], [sflag:$0x1] =	stream.indirect.gather [hbm4b:s2+s8], $0x1, s1, s8, $0xb8;
	[tilespmem:$0x6200] =	vst v63  }
0x13c: {  	s1 =	simm.s32 $0x880;
	s30 =	simm.s32 $0x1880  }
0x13d: {  	[tilespmem:s30], [sflag:$0x1] =	stream.indirect.gather [hbm4b:s2+s8], $0x1, s1, s8, $0xb8;
	[tilespmem:$0x6200] =	vst v63  }
0x13e: {  	s1 =	simm.s32 $0x900;
	s30 =	simm.s32 $0x1900  }
0x13f: {  	[tilespmem:s30], [sflag:$0x1] =	stream.indirect.gather [hbm4b:s2+s8], $0x1, s1, s8, $0xb8;
	[tilespmem:$0x6200] =	vst v63  }
0x140: {  	s1 =	simm.s32 $0x980;
	s30 =	simm.s32 $0x1980  }
0x141: {  	[tilespmem:s30], [sflag:$0x1] =	stream.indirect.gather [hbm4b:s2+s8], $0x1, s1, s8, $0xb8;
	[tilespmem:$0x6200] =	vst v63  }
0x142: {  	s1 =	simm.s32 $0xA00;
	s30 =	simm.s32 $0x1A00  }
0x143: {  	[tilespmem:s30], [sflag:$0x1] =	stream.indirect.gather [hbm4b:s2+s8], $0x1, s1, s8, $0xb8;
	[tilespmem:$0x6200] =	vst v63  }
0x144: {  	s1 =	simm.s32 $0xA80;
	s30 =	simm.s32 $0x1A80  }
0x145: {  	[tilespmem:s30], [sflag:$0x1] =	stream.indirect.gather [hbm4b:s2+s8], $0x1, s1, s8, $0xb8;
	[tilespmem:$0x6200] =	vst v63  }
0x146: {  	s1 =	simm.s32 $0xB00;
	s30 =	simm.s32 $0x1B00  }
0x147: {  	[tilespmem:s30], [sflag:$0x1] =	stream.indirect.gather [hbm4b:s2+s8], $0x1, s1, s8, $0xb8;
	[tilespmem:$0x6200] =	vst v63  }
0x148: {  	s1 =	simm.s32 $0xB80;
	s30 =	simm.s32 $0x1B80  }
0x149: {  	[tilespmem:s30], [sflag:$0x1] =	stream.indirect.gather [hbm4b:s2+s8], $0x1, s1, s8, $0xb8;
	[tilespmem:$0x6200] =	vst v63  }
0x14a: {  	s1 =	simm.s32 $0xC00;
	s30 =	simm.s32 $0x1C00  }
0x14b: {  	[tilespmem:s30], [sflag:$0x1] =	stream.indirect.gather [hbm4b:s2+s8], $0x1, s1, s8, $0xb8;
	[tilespmem:$0x6200] =	vst v63  }
0x14c: {  	s1 =	simm.s32 $0xC80;
	s30 =	simm.s32 $0x1C80  }
0x14d: {  	[tilespmem:s30], [sflag:$0x1] =	stream.indirect.gather [hbm4b:s2+s8], $0x1, s1, s8, $0xb8;
	[tilespmem:$0x6200] =	vst v63  }
0x14e: {  	s1 =	simm.s32 $0xD00;
	s30 =	simm.s32 $0x1D00  }
0x14f: {  	[tilespmem:s30], [sflag:$0x1] =	stream.indirect.gather [hbm4b:s2+s8], $0x1, s1, s8, $0xb8;
	[tilespmem:$0x6200] =	vst v63  }
0x150: {  	s1 =	simm.s32 $0xD80  }
0x151: {  	[tilespmem:s0], [sflag:$0x1] =	stream.indirect.gather [hbm4b:s2+s8], $0x1, s1, s8, $0xb8;
	[tilespmem:$0x6200] =	vst v63  }
0x152: {  	_ = 	snop  }
0x153: {  	[tilespmem:s11], [sflag:$0x1] =	stream.indirect.gather [hbm4b:s2+s8], $0x1, s9, s8, $0xb8;
	[tilespmem:$0x6200] =	vst v63  }
0x154: {  	_ = 	snop  }
0x155: {  	[tilespmem:s13], [sflag:$0x1] =	stream.indirect.gather [hbm4b:s2+s8], $0x1, s12, s8, $0xb8;
	[tilespmem:$0x6200] =	vst v63  }
0x156: {  	_ = 	snop  }
0x157: {  	[tilespmem:s15], [sflag:$0x1] =	stream.indirect.gather [hbm4b:s2+s8], $0x1, s14, s8, $0xb8;
	[tilespmem:$0x6200] =	vst v63  }
0x158: {  	_ = 	snop  }
0x159: {  	[tilespmem:s17], [sflag:$0x1] =	stream.indirect.gather [hbm4b:s2+s8], $0x1, s16, s8, $0xb8;
	[tilespmem:$0x6200] =	vst v63  }
0x15a: {  	_ = 	snop  }
0x15b: {  	[tilespmem:s19], [sflag:$0x1] =	stream.indirect.gather [hbm4b:s2+s8], $0x1, s18, s8, $0xb8;
	[tilespmem:$0x6200] =	vst v63  }
0x15c: {  	_ = 	snop  }
0x15d: {  	[tilespmem:s21], [sflag:$0x1] =	stream.indirect.gather [hbm4b:s2+s8], $0x1, s20, s8, $0xb8;
	[tilespmem:$0x6200] =	vst v63  }
0x15e: {  	_ = 	snop  }
0x15f: {  	[tilespmem:s23], [sflag:$0x1] =	stream.indirect.gather [hbm4b:s2+s8], $0x1, s22, s8, $0xb8;
	[tilespmem:$0x6200] =	vst v63  }
0x160: {  	_ = 	snop  }
0x161: {  	[tilespmem:s25], [sflag:$0x1] =	stream.indirect.gather [hbm4b:s2+s8], $0x1, s24, s8, $0xb8;
	[tilespmem:$0x6200] =	vst v63  }
0x162: {  	_ =	swait.ge [sflag:s3], $0x80  }
0x163: {  	[sflag:s3] =	ssyncset.done $0x0  }
0x164: {  	[sflag:s3] =	ssyncadd.s32 $0xFFFFFF80  }
0x165: {  	_ =	swait.ge [sflag:s3], $0x80  }
0x166: {  	[sflag:s3] =	ssyncset.done $0x0  }
0x167: {  	[sflag:s3] =	ssyncadd.s32 $0xFFFFFF80  }
0x168: {  	_ =	swait.ge [sflag:s3], $0x80  }
0x169: {  	[sflag:s3] =	ssyncset.done $0x0  }
0x16a: {  	[sflag:s3] =	ssyncadd.s32 $0xFFFFFF80  }
0x16b: {  	_ =	swait.ge [sflag:s3], $0x80  }
0x16c: {  	[sflag:s3] =	ssyncset.done $0x0  }
0x16d: {  	[sflag:s3] =	ssyncadd.s32 $0xFFFFFF80  }
0x16e: {  	_ =	swait.ge [sflag:s3], $0x80  }
0x16f: {  	[sflag:s3] =	ssyncset.done $0x0  }
0x170: {  	[sflag:s3] =	ssyncadd.s32 $0xFFFFFF80  }
0x171: {  	_ =	swait.ge [sflag:s3], $0x80  }
0x172: {  	[sflag:s3] =	ssyncset.done $0x0  }
0x173: {  	[sflag:s3] =	ssyncadd.s32 $0xFFFFFF80  }
0x174: {  	_ =	swait.ge [sflag:s3], $0x80  }
0x175: {  	[sflag:s3] =	ssyncset.done $0x0  }
0x176: {  	[sflag:s3] =	ssyncadd.s32 $0xFFFFFF80  }
0x177: {  	_ =	swait.ge [sflag:s3], $0x80  }
0x178: {  	[sflag:s3] =	ssyncset.done $0x0  }
0x179: {  	[sflag:s3] =	ssyncadd.s32 $0xFFFFFF80  }
0x17a: {  	_ =	swait.ge [sflag:s3], $0x80  }
0x17b: {  	[sflag:s3] =	ssyncset.done $0x0  }
0x17c: {  	[sflag:s3] =	ssyncadd.s32 $0xFFFFFF80  }
0x17d: {  	_ =	swait.ge [sflag:s3], $0x80  }
0x17e: {  	[sflag:s3] =	ssyncset.done $0x0  }
0x17f: {  	[sflag:s3] =	ssyncadd.s32 $0xFFFFFF80  }
0x180: {  	_ =	swait.ge [sflag:s3], $0x80  }
0x181: {  	[sflag:s3] =	ssyncset.done $0x0  }
0x182: {  	[sflag:s3] =	ssyncadd.s32 $0xFFFFFF80  }
0x183: {  	_ =	swait.ge [sflag:s3], $0x80  }
0x184: {  	[sflag:s3] =	ssyncset.done $0x0  }
0x185: {  	[sflag:s3] =	ssyncadd.s32 $0xFFFFFF80  }
0x186: {  	_ =	swait.ge [sflag:s3], $0x80  }
0x187: {  	[sflag:s3] =	ssyncset.done $0x0  }
0x188: {  	[sflag:s3] =	ssyncadd.s32 $0xFFFFFF80  }
0x189: {  	_ =	swait.ge [sflag:s3], $0x80  }
0x18a: {  	[sflag:s3] =	ssyncset.done $0x0  }
0x18b: {  	[sflag:s3] =	ssyncadd.s32 $0xFFFFFF80  }
0x18c: {  	_ =	swait.ge [sflag:s3], $0x80  }
0x18d: {  	[sflag:s3] =	ssyncset.done $0x0  }
0x18e: {  	[sflag:s3] =	ssyncadd.s32 $0xFFFFFF80  }
0x18f: {  	_ =	swait.ge [sflag:s3], $0x80  }
0x190: {  	[sflag:s3] =	ssyncset.done $0x0  }
0x191: {  	[sflag:s3] =	ssyncadd.s32 $0xFFFFFF80  }
0x192: {  	_ =	swait.ge [sflag:s3], $0x80  }
0x193: {  	[sflag:s3] =	ssyncset.done $0x0  }
0x194: {  	[sflag:s3] =	ssyncadd.s32 $0xFFFFFF80  }
0x195: {  	_ =	swait.ge [sflag:s3], $0x80  }
0x196: {  	[sflag:s3] =	ssyncset.done $0x0  }
0x197: {  	[sflag:s3] =	ssyncadd.s32 $0xFFFFFF80  }
0x198: {  	_ =	swait.ge [sflag:s3], $0x80  }
0x199: {  	[sflag:s3] =	ssyncset.done $0x0  }
0x19a: {  	[sflag:s3] =	ssyncadd.s32 $0xFFFFFF80  }
0x19b: {  	_ =	swait.ge [sflag:s3], $0x80  }
0x19c: {  	[sflag:s3] =	ssyncset.done $0x0  }
0x19d: {  	[sflag:s3] =	ssyncadd.s32 $0xFFFFFF80  }
0x19e: {  	_ =	swait.ge [sflag:s3], $0x80  }
0x19f: {  	[sflag:s3] =	ssyncset.done $0x0  }
0x1a0: {  	[sflag:s3] =	ssyncadd.s32 $0xFFFFFF80  }
0x1a1: {  	_ =	swait.ge [sflag:s3], $0x80  }
0x1a2: {  	[sflag:s3] =	ssyncset.done $0x0  }
0x1a3: {  	[sflag:s3] =	ssyncadd.s32 $0xFFFFFF80  }
0x1a4: {  	_ =	swait.ge [sflag:s3], $0x80  }
0x1a5: {  	[sflag:s3] =	ssyncset.done $0x0  }
0x1a6: {  	[sflag:s3] =	ssyncadd.s32 $0xFFFFFF80  }
0x1a7: {  	_ =	swait.ge [sflag:s3], $0x80  }
0x1a8: {  	[sflag:s3] =	ssyncset.done $0x0  }
0x1a9: {  	[sflag:s3] =	ssyncadd.s32 $0xFFFFFF80  }
0x1aa: {  	_ =	swait.ge [sflag:s3], $0x80  }
0x1ab: {  	[sflag:s3] =	ssyncset.done $0x0  }
0x1ac: {  	[sflag:s3] =	ssyncadd.s32 $0xFFFFFF80  }
0x1ad: {  	_ =	swait.ge [sflag:s3], $0x80  }
0x1ae: {  	[sflag:s3] =	ssyncset.done $0x0  }
0x1af: {  	[sflag:s3] =	ssyncadd.s32 $0xFFFFFF80  }
0x1b0: {  	_ =	swait.ge [sflag:s3], $0x80  }
0x1b1: {  	[sflag:s3] =	ssyncset.done $0x0  }
0x1b2: {  	[sflag:s3] =	ssyncadd.s32 $0xFFFFFF80  }
0x1b3: {  	_ =	swait.ge [sflag:s3], $0x80  }
0x1b4: {  	[sflag:s3] =	ssyncset.done $0x0  }
0x1b5: {  	[sflag:s3] =	ssyncadd.s32 $0xFFFFFF80  }
0x1b6: {  	_ =	swait.ge [sflag:s3], $0x80  }
0x1b7: {  	[sflag:s3] =	ssyncset.done $0x0  }
0x1b8: {  	[sflag:s3] =	ssyncadd.s32 $0xFFFFFF80  }
0x1b9: {  	_ =	swait.ge [sflag:s3], $0x80  }
0x1ba: {  	[sflag:s3] =	ssyncset.done $0x0  }
0x1bb: {  	[sflag:s3] =	ssyncadd.s32 $0xFFFFFF80  }
0x1bc: {  	s30 =	simm.s32 $0x0;
	_ =	swait.ge [sflag:s3], $0x80  }
0x1bd: {  	v8 =	vor.u32 s30, v2;
	[sflag:s3] =	ssyncset.done $0x0  }
0x1be: {  	[sflag:s3] =	ssyncadd.s32 $0xFFFFFF80  }
0x1bf: {  	_ =	swait.ge [sflag:s3], $0x80  }
0x1c0: {  	[sflag:s3] =	ssyncset.done $0x0  }
0x1c1: {  	v9 =	vmov s30;
	[sflag:s3] =	ssyncadd.s32 $0xFFFFFF80  }
0x1c2: {  	v9 =	vshll.u32 v9, $0x5;
	v8 =	vld.idx.msk [tilespmem:v8+s10+$0x0], $0xffff  }
0x1c3: {  	v9 =	vor.u32 v3, v9  }
0x1c4: {  	s30 =	simm.s32 $0x2;
	v10 =	vor.u32 v1, v9  }
0x1c5: {  	v14 =	vor.u32 s30, v7;
	v11 =	vor.u32 v4, v9  }
0x1c6: {  	v13 =	vor.u32 s30, v0;
	v14 =	vand.u32 $0xFF8, v14;
	v12 =	vor.u32 v5, v9  }
0x1c7: {  	v16 =	vand.u32 $0x3, v13;
	v9 =	vor.u32 v6, v9;
	v15 =	vmul.f32 v8, v8  }
0x1c8: {  	v14 =	vor.u32 v16, v14  }
0x1c9: {  	[tilespmem:v10+s26+$0x0] =	vst.idx.msk $0xffff, v8;
	v8 =	vmul.f32 v15, v8  }
0x1ca: {  	v10 =	vmul.f32 v15, v15;
	[tilespmem:v11+s26+$0x0] =	vst.idx.msk $0xffff, v15  }
0x1cb: {  	[tilespmem:v12+s26+$0x0] =	vst.idx.msk $0xffff, v8  }
0x1cc: {  	[tilespmem:v9+s26+$0x0] =	vst.idx.msk $0xffff, v10  }
0x1cd: {  	v8 =	vld.idx.msk [tilespmem:v14+s10+$0x0], $0xffff  }
0x1ce: {  	v9 =	vshll.u32 v13, $0x5  }
0x1cf: {  	s30 =	simm.s32 $0x4;
	v10 =	vor.u32 v1, v9  }
0x1d0: {  	v13 =	vor.u32 s30, v0;
	v11 =	vor.u32 v4, v9  }
0x1d1: {  	v12 =	vor.u32 v5, v9;
	v14 =	vor.u32 s30, v7;
	v9 =	vor.u32 v6, v9  }
0x1d2: {  	v15 =	vand.u32 $0x5, v13;
	v14 =	vand.u32 $0xFF8, v14;
	v63 =	vmul.f32 v8, v8  }
0x1d3: {  	v14 =	vor.u32 v15, v14  }
0x1d4: {  	[tilespmem:v10+s26+$0x0] =	vst.idx.msk $0xffff, v8;
	v8 =	vmul.f32 v63, v8  }
0x1d5: {  	v10 =	vmul.f32 v63, v63;
	[tilespmem:v11+s26+$0x0] =	vst.idx.msk $0xffff, v63  }
0x1d6: {  	[tilespmem:v12+s26+$0x0] =	vst.idx.msk $0xffff, v8  }
0x1d7: {  	[tilespmem:v9+s26+$0x0] =	vst.idx.msk $0xffff, v10  }
0x1d8: {  	v8 =	vld.idx.msk [tilespmem:v14+s10+$0x0], $0xffff  }
0x1d9: {  	v9 =	vshll.u32 v13, $0x5  }
0x1da: {  	s30 =	simm.s32 $0x6;
	v10 =	vor.u32 v1, v9  }
0x1db: {  	v12 =	vor.u32 s30, v0;
	v11 =	vor.u32 v4, v9  }
0x1dc: {  	v13 =	vor.u32 v5, v9;
	v14 =	vand.u32 $0x7, v12  }
0x1dd: {  	v9 =	vor.u32 v6, v9;
	v14 =	vor.u32 s30, v14;
	v15 =	vmul.f32 v8, v8  }
0x1de: {  	v14 =	vor.u32 v7, v14  }
0x1df: {  	[tilespmem:v10+s26+$0x0] =	vst.idx.msk $0xffff, v8;
	v8 =	vmul.f32 v15, v8  }
0x1e0: {  	v10 =	vmul.f32 v15, v15;
	[tilespmem:v11+s26+$0x0] =	vst.idx.msk $0xffff, v15  }
0x1e1: {  	[tilespmem:v13+s26+$0x0] =	vst.idx.msk $0xffff, v8  }
0x1e2: {  	[tilespmem:v9+s26+$0x0] =	vst.idx.msk $0xffff, v10  }
0x1e3: {  	v8 =	vshll.u32 v12, $0x5;
	v12 =	vld.idx.msk [tilespmem:v14+s10+$0x0], $0xffff  }
0x1e4: {  	v11 =	vor.u32 v1, v8;
	_ =	sdelay $0x1  }
0x1e5: {  	s30 =	simm.s32 $0x8;
	v13 =	vor.u32 v4, v8  }
0x1e6: {  	v10 =	vmov s30;
	v9 =	vor.u32 v5, v8  }
0x1e7: {  	v15 =	vshll.u32 v10, $0x5;
	v10 =	vor.u32 v6, v8;
	v14 =	vmul.f32 v12, v12  }
0x1e8: {  	[tilespmem:v11+s26+$0x0] =	vst.idx.msk $0xffff, v12;
	v11 =	vor.u32 s30, v2  }
0x1e9: {  	v12 =	vmul.f32 v14, v12  }
0x1ea: {  	s31 =	simm.s32 $0x4;
	v8 =	vor.u32 v3, v15;
	s30 =	simm.s32 $0xE;
	[tilespmem:v13+s26+$0x0] =	vst.idx.msk $0xffff, v14;
	v13 =	vmul.f32 v14, v14  }
.LBB2_2:
0x1eb: {  	s31 =	sadd.s32 $0x4, s31;
	[tilespmem:v9+s26+$0x0] =	vst.idx.msk $0xffff, v12  }
0x1ec: {  	p0 =	slt.u32 s31, $0xFC;
	[tilespmem:v10+s26+$0x0] =	vst.idx.msk $0xffff, v13  }
0x1ed: {  	v9 =	vld.idx.msk [tilespmem:v11+s10+$0x0], $0xffff;
	_ =	sdelay $0x1  }
0x1ee: {  	v10 =	vor.u32 v1, v8  }
0x1ef: {  	s1 =	sadd.s32 $0xFFFFFFFC, s30;
	v11 =	vor.u32 v4, v8  }
0x1f0: {  	v12 =	vor.u32 v5, v8;
	v13 =	vor.u32 s1, v0;
	v14 =	vor.u32 s1, v7  }
0x1f1: {  	v8 =	vor.u32 v6, v8;
	v14 =	vand.u32 $0xFF8, v14;
	v15 =	vshll.u32 v13, $0x5  }
0x1f2: {  	v13 =	vand.u32 $0x3, v13;
	v16 =	vmul.f32 v9, v9  }
0x1f3: {  	[tilespmem:v10+s26+$0x0] =	vst.idx.msk $0xffff, v9;
	v10 =	vor.u32 v13, v14  }
0x1f4: {  	v9 =	vmul.f32 v16, v9;
	v13 =	vmul.f32 v16, v16;
	[tilespmem:v11+s26+$0x0] =	vst.idx.msk $0xffff, v16;
	_ =	sdelay $0x1  }
0x1f5: {  	[tilespmem:v12+s26+$0x0] =	vst.idx.msk $0xffff, v9  }
0x1f6: {  	[tilespmem:v8+s26+$0x0] =	vst.idx.msk $0xffff, v13  }
0x1f7: {  	v8 =	vld.idx.msk [tilespmem:v10+s10+$0x0], $0xffff;
	_ =	sdelay $0x1  }
0x1f8: {  	v9 =	vor.u32 v1, v15  }
0x1f9: {  	s1 =	sadd.s32 $0xFFFFFFFE, s30;
	v10 =	vor.u32 v4, v15  }
0x1fa: {  	v11 =	vor.u32 v5, v15;
	v12 =	vor.u32 s1, v0;
	v13 =	vor.u32 s1, v7  }
0x1fb: {  	v14 =	vor.u32 v6, v15;
	v13 =	vand.u32 $0xFF8, v13;
	v15 =	vand.u32 $0x5, v12  }
0x1fc: {  	v12 =	vshll.u32 v12, $0x5;
	v13 =	vor.u32 v15, v13;
	v16 =	vmul.f32 v8, v8  }
0x1fd: {  	[tilespmem:v9+s26+$0x0] =	vst.idx.msk $0xffff, v8  }
0x1fe: {  	v8 =	vmul.f32 v16, v8;
	v9 =	vmul.f32 v16, v16;
	[tilespmem:v10+s26+$0x0] =	vst.idx.msk $0xffff, v16;
	_ =	sdelay $0x1  }
0x1ff: {  	[tilespmem:v11+s26+$0x0] =	vst.idx.msk $0xffff, v8  }
0x200: {  	[tilespmem:v14+s26+$0x0] =	vst.idx.msk $0xffff, v9  }
0x201: {  	v8 =	vld.idx.msk [tilespmem:v13+s10+$0x0], $0xffff  }
0x202: {  	v9 =	vor.u32 v1, v12;
	_ =	sdelay $0x1  }
0x203: {  	v10 =	vor.u32 v4, v12;
	v11 =	vor.u32 s30, v0  }
0x204: {  	v14 =	vand.u32 $0x7, v11;
	v11 =	vshll.u32 v11, $0x5;
	v13 =	vor.u32 v5, v12  }
0x205: {  	v12 =	vor.u32 v6, v12;
	v14 =	vor.u32 s30, v14  }
0x206: {  	v15 =	vmul.f32 v8, v8;
	[tilespmem:v9+s26+$0x0] =	vst.idx.msk $0xffff, v8;
	v9 =	vor.u32 v7, v14;
	_ =	sdelay $0x1  }
0x207: {  	v8 =	vmul.f32 v15, v8;
	v14 =	vmul.f32 v15, v15;
	[tilespmem:v10+s26+$0x0] =	vst.idx.msk $0xffff, v15;
	_ =	sdelay $0x1  }
0x208: {  	[tilespmem:v13+s26+$0x0] =	vst.idx.msk $0xffff, v8  }
0x209: {  	[tilespmem:v12+s26+$0x0] =	vst.idx.msk $0xffff, v14  }
0x20a: {  	v12 =	vld.idx.msk [tilespmem:v9+s10+$0x0], $0xffff  }
0x20b: {  	v8 =	vor.u32 v1, v11;
	_ =	sdelay $0x1  }
0x20c: {  	v13 =	vor.u32 v4, v11  }
0x20d: {  	s30 =	sadd.s32 $0x8, s30;
	v9 =	vor.u32 v5, v11  }
.Ltmp0:
0x20e: {  	s1 =	sadd.s32 $0xFFFFFFFA, s30;
	v10 =	vor.u32 v6, v11;
	(pc) =	sbr.rel @p0 .LBB2_2-.Ltmp0, $4  }
0x20f: {  	v14 =	vmov s1;
	v11 =	vor.u32 s1, v2;
	v15 =	vmul.f32 v12, v12;
	[tilespmem:v8+s26+$0x0] =	vst.idx.msk $0xffff, v12  }
0x210: {  	v8 =	vshll.u32 v14, $0x5  }
0x211: {  	v8 =	vor.u32 v3, v8;
	v12 =	vmul.f32 v15, v12;
	[tilespmem:v13+s26+$0x0] =	vst.idx.msk $0xffff, v15  }
0x212: {  	v13 =	vmul.f32 v15, v15  }
0x213: {  	_ =	sdelay $0x3  }
0x214: {  	[tilespmem:v9+s26+$0x0] =	vst.idx.msk $0xffff, v12  }
0x215: {  	[tilespmem:v10+s26+$0x0] =	vst.idx.msk $0xffff, v13  }
0x216: {  	v9 =	vld.idx.msk [tilespmem:v11+s10+$0x0], $0xffff;
	_ =	sdelay $0x1  }
0x217: {  	v38 =	vor.u32 v1, v8  }
0x218: {  	v39 =	vor.u32 v4, v8;
	s1 =	sadd.s32 $0xFFFFFFFC, s30;
	v40 =	vor.u32 v5, v8  }
0x219: {  	v8 =	vor.u32 v6, v8;
	v41 =	vor.u32 s1, v0;
	v14 =	vor.u32 s1, v7  }
0x21a: {  	v14 =	vand.u32 $0xFF8, v14;
	v16 =	vand.u32 $0x3, v41;
	v15 =	vmul.f32 v9, v9  }
0x21b: {  	v14 =	vor.u32 v16, v14  }
0x21c: {  	[tilespmem:v38+s26+$0x0] =	vst.idx.msk $0xffff, v9;
	v9 =	vmul.f32 v15, v9  }
0x21d: {  	v42 =	vmul.f32 v15, v15;
	[tilespmem:v39+s26+$0x0] =	vst.idx.msk $0xffff, v15  }
0x21e: {  	[tilespmem:v40+s26+$0x0] =	vst.idx.msk $0xffff, v9  }
0x21f: {  	[tilespmem:v8+s26+$0x0] =	vst.idx.msk $0xffff, v42  }
0x220: {  	v8 =	vld.idx.msk [tilespmem:v14+s10+$0x0], $0xffff  }
0x221: {  	v43 =	vshll.u32 v41, $0x5  }
0x222: {  	s31 =	sadd.s32 $0xFFFFFFFE, s30;
	v44 =	vor.u32 v1, v43  }
0x223: {  	v47 =	vor.u32 s31, v0;
	v45 =	vor.u32 v4, v43  }
0x224: {  	v48 =	vor.u32 s31, v7;
	v49 =	vand.u32 $0x5, v47;
	v46 =	vor.u32 v5, v43  }
0x225: {  	v9 =	vor.u32 v6, v43;
	v14 =	vand.u32 $0xFF8, v48;
	v50 =	vmul.f32 v8, v8  }
0x226: {  	v14 =	vor.u32 v49, v14  }
0x227: {  	[tilespmem:v44+s26+$0x0] =	vst.idx.msk $0xffff, v8;
	v8 =	vmul.f32 v50, v8  }
0x228: {  	v51 =	vmul.f32 v50, v50;
	[tilespmem:v45+s26+$0x0] =	vst.idx.msk $0xffff, v50  }
0x229: {  	[tilespmem:v46+s26+$0x0] =	vst.idx.msk $0xffff, v8  }
0x22a: {  	[tilespmem:v9+s26+$0x0] =	vst.idx.msk $0xffff, v51  }
0x22b: {  	v8 =	vld.idx.msk [tilespmem:v14+s10+$0x0], $0xffff  }
0x22c: {  	v52 =	vshll.u32 v47, $0x5  }
0x22d: {  	v53 =	vor.u32 v1, v52  }
0x22e: {  	v55 =	vor.u32 s30, v0;
	v54 =	vor.u32 v4, v52  }
0x22f: {  	v56 =	vand.u32 $0x7, v55;
	v13 =	vor.u32 v5, v52  }
0x230: {  	v9 =	vor.u32 v6, v52;
	v14 =	vor.u32 s30, v56;
	v57 =	vmul.f32 v8, v8  }
0x231: {  	v14 =	vor.u32 v7, v14  }
0x232: {  	[tilespmem:v53+s26+$0x0] =	vst.idx.msk $0xffff, v8;
	v8 =	vmul.f32 v57, v8  }
0x233: {  	v58 =	vmul.f32 v57, v57;
	[tilespmem:v54+s26+$0x0] =	vst.idx.msk $0xffff, v57  }
0x234: {  	[tilespmem:v13+s26+$0x0] =	vst.idx.msk $0xffff, v8  }
0x235: {  	[tilespmem:v9+s26+$0x0] =	vst.idx.msk $0xffff, v58  }
0x236: {  	v8 =	vld.idx.msk [tilespmem:v14+s10+$0x0], $0xffff  }
0x237: {  	v59 =	vshll.u32 v55, $0x5  }
0x238: {  	v60 =	vor.u32 v1, v59  }
0x239: {  	v61 =	vor.u32 v4, v59  }
0x23a: {  	v12 =	vor.u32 v5, v59  }
0x23b: {  	v9 =	vor.u32 v6, v59;
	v62 =	vmul.f32 v8, v8;
	_ =	sdelay $0x1  }
0x23c: {  	[tilespmem:v60+s26+$0x0] =	vst.idx.msk $0xffff, v8;
	v8 =	vmul.f32 v62, v8  }
0x23d: {  	s29 =	sadd.s32 $0x1, s29;
	[tilespmem:v61+s26+$0x0] =	vst.idx.msk $0xffff, v62;
	v63 =	vmul.f32 v62, v62  }
0x23e: {  	p0 =	sne.s32 s29, s6;
	[tilespmem:v12+s26+$0x0] =	vst.idx.msk $0xffff, v8  }
.Ltmp1:
0x23f: {  	[tilespmem:v9+s26+$0x0] =	vst.idx.msk $0xffff, v63;
	(pc) =	sbr.rel @p0 .LBB2_1-.Ltmp1, $4  }
0x240: {  	[hbm4b:s5+s28] =	stream.strided.scatter [tilespmem:s26], [sflag:$0x2], $0x4000, s8, s28, $0x38;
	[tilespmem:$0x6200] =	vst v63  }
0x241: {  	_ =	swait.ge [sflag:s7], $0x4000  }
0x242: {  	[sflag:s7] =	ssyncset.done $0x0  }
0x243: {  	[sflag:s7] =	ssyncadd.s32 $0xFFFFC000  }
0x244: {  	_ =	sfence.sel $0x180000  }
0x245: {  	[bflag:$0x0] =	sbarrier.arrive $0xFFFF  }
0x246: {  	_ =	strace $0x90000047  }
0x247: {  	s0 =	stileid.u32;
	[bflag:$0x2] =	sbarrier.arrive $0xFFFF  }
0x248: {  	p0 =	sne.s32 s0, $0x0;
	s0 =	rddreg [dreg:$0x2]  }
0x249: {  	s0 =	sadd.s32 @!p0 $0x100000, s0  }
0x24a: {  	[sflag:s0] =	ssyncadd.tile.s32 @!p0 $0x1;
	_ =	shalt  }
.Lfunc_end2:
_tile_overlayer_lowered:
.L_overlay_start_2:
0x24b: {  	(tag) =	ssettag $0x2  }
0x24c: {  	s0 =	rddreg [dreg:$0x0];
	s2 =	stileid.u32  }
0x24d: {  	s1 =	rddreg [dreg:$0x1];
	p0 =	sne.s32 s2, $0x0  }
0x24e: {  	s3 =	rddreg [dreg:$0x2];
	[bflag:$0x3] =	sbarrier.arrive $0xFFFF;
	s2 =	simm.s32 @!p0 $0x1C02  }
0x24f: {  	[timem:s3], [sflag:s2] =	dma.local @!p0 [hbm:s0], s1  }
0x250: {  	s0 =	simm.s32 @!p0 $0x2  }
0x251: {  	_ =	swait.ge @!p0 [sflag:s0], s1  }
0x252: {  	s1 =	ssub.s32 @!p0 $0x0, s1;
	[sflag:s0] =	ssyncset.done @!p0 $0x0  }
0x253: {  	[sflag:s0] =	ssyncadd.s32 @!p0 s1  }
0x254: {  	[bflag:$0x3] =	sbarrier.arrive $0xFFFF  }
0x255: {  	_ =	shalt  }

</sc_bundles>
